<compile_context>
chip_gen: v7x
topology: tpu7x:2x2x1
jax: 0.10.2.dev20260603
libtpu: 0.0.44.dev20260713+nightly
codegen_flags: <defaults>
</compile_context>

<pallas_src>
import jax
import jax.numpy as jnp
from jax import lax
from jax.experimental import pallas as pl
from jax.experimental.pallas import tpu as pltpu
from jax.experimental.pallas import tpu_sc as plsc

_B, _T, _W = 16, 2048, 1024
_CHUNK = 128
_NCHUNK = _T // _CHUNK
_LANES = 16

_OFFSET = 1.0
_SCALE_RULES = 0.3
_LP, _LW, _LS = 0.6, 0.3, 0.1
_VOICE = {94: 2.0, 122: 3.0, 100: 2.0, 92: 2.0, 43: 5.0, 27: 5.0}
_RATIO = [44, 28, 29, 27, 121, 43]


def _sc_segsum_body(dp_hbm, gt_hbm, idx_hbm, out_hbm,
                    vals_v, idx_v, zeros_v, bins_sh, sem_i, sem_v, sem_s):
    cid = lax.axis_index("c")
    sid = lax.axis_index("s")
    row = cid * (_B // 2) + sid // 2
    which = sid % 2
    base = sid * _W

    idx_cp = pltpu.make_async_copy(idx_hbm.at[row], idx_v, sem_i)
    idx_cp.start()

    @pl.when(which == 0)
    def _():
        pltpu.make_async_copy(dp_hbm.at[row], vals_v, sem_v).start()

    @pl.when(which == 1)
    def _():
        pltpu.make_async_copy(gt_hbm.at[row], vals_v, sem_v).start()

    zero = jnp.zeros((_LANES,), jnp.float32)
    for i in range(_W // _LANES):
        zeros_v[pl.ds(i * _LANES, _LANES)] = zero
    pltpu.sync_copy(zeros_v, bins_sh.at[pl.ds(base, _W)])

    idx_cp.wait()
    pltpu.make_async_copy(dp_hbm.at[row], vals_v, sem_v).wait()

    for j in range(_NCHUNK):
        @pl.when(which == 0)
        def _(j=j):
            for k in range(_CHUNK // _LANES):
                s = pl.ds(k * _LANES, _LANES)
                vals_v[j, s] = jnp.maximum(vals_v[j, s], 0.0)

        for k in range(_CHUNK // _LANES):
            s = pl.ds(k * _LANES, _LANES)
            idx_v[j, s] = idx_v[j, s] + base
        pltpu.async_copy(vals_v.at[j], bins_sh.at[idx_v.at[j]], sem_s, add=True)

    for j in range(_NCHUNK):
        pltpu.make_async_copy(vals_v.at[j], bins_sh.at[idx_v.at[j]], sem_s).wait()

    pltpu.sync_copy(bins_sh.at[pl.ds(base, _W)], out_hbm.at[which * _B + row])


def _segsum(dp3, gt3, idx3):
    seg = pl.kernel(
        _sc_segsum_body,
        out_type=jax.ShapeDtypeStruct((2 * _B, _W), jnp.float32),
        mesh=plsc.VectorSubcoreMesh(core_axis_name="c", subcore_axis_name="s"),
        scratch_types=(
            pltpu.VMEM((_NCHUNK, _CHUNK), jnp.float32),
            pltpu.VMEM((_NCHUNK, _CHUNK), jnp.int32),
            pltpu.VMEM((_W,), jnp.float32),
            pltpu.VMEM_SHARED((_LANES * _W,), jnp.float32),
            pltpu.SemaphoreType.DMA,
            pltpu.SemaphoreType.DMA,
            pltpu.SemaphoreType.DMA,
        ),
    )
    return seg(dp3, gt3, idx3)


def _tc_partial_body(dp_ref, gt_ref, tok_ref, p2w_ref, out_ref):
    p = dp_ref[...]
    g = gt_ref[...]
    tok = tok_ref[...]

    def l2(x):
        return jnp.log(x + _OFFSET)

    exp = jnp.zeros_like(p)
    vmask = jnp.zeros(tok.shape, dtype=jnp.bool_)
    for t, e in _VOICE.items():
        m = tok == t
        exp = jnp.where(m, jnp.float32(e), exp)
        vmask = vmask | m
    voice_applied = vmask & ((p - exp) > 0)
    gv = jnp.where(voice_applied, p - exp, 0.0)

    rmask = jnp.zeros(tok.shape, dtype=jnp.bool_)
    for t in _RATIO:
        rmask = rmask | (tok == t)
    zcol = jnp.zeros((_B, 1), p.dtype)
    p_next = jnp.concatenate([p[:, 1:], zcol], axis=1)
    col = lax.broadcasted_iota(jnp.int32, p.shape, 1)
    ratio_applied = rmask & (col < (_T - 1)) & ((3.0 * p) > p_next)
    gr = jnp.where(ratio_applied, p - p_next / 3.0, 0.0)

    rules_base = jnp.where(ratio_applied, p - gr,
                           jnp.where(voice_applied, p - gv, p))
    add_from_next = jnp.concatenate([(gv + gr)[:, 1:], zcol], axis=1)
    dur_rules = rules_base + add_from_next
    rules_loss = _SCALE_RULES * jnp.mean((l2(p) - l2(dur_rules)) ** 2)

    pdur_loss = _LP * jnp.mean((l2(p) - l2(g)) ** 2)

    dpc = jnp.maximum(p, 0.0)
    sp = jnp.sum(dpc, axis=1, keepdims=True)
    sg = jnp.sum(g, axis=1, keepdims=True)
    sdur_loss = _LS * jnp.mean((l2(sp) - l2(sg)) ** 2)

    out_ref[0, 0] = pdur_loss + sdur_loss + rules_loss
    out_ref[0, 1] = jnp.max(p2w_ref[...]).astype(jnp.float32)


def _tc_partial(dp, g, tok, p2w, interpret=False):
    return pl.pallas_call(
        _tc_partial_body,
        out_shape=jax.ShapeDtypeStruct((1, 2), jnp.float32),
        out_specs=pl.BlockSpec(memory_space=pltpu.SMEM),
        interpret=interpret,
    )(dp, g, tok, p2w)


def _tc_word_body(part_ref, wpg_ref, out_ref):
    def l2(x):
        return jnp.log(x + _OFFSET)

    wpg = wpg_ref[...]
    wp = wpg[:_B]
    wg = wpg[_B:]
    wcol = lax.broadcasted_iota(jnp.int32, wp.shape, 1)
    wd2 = jnp.where(wcol >= 1, (l2(wp) - l2(wg)) ** 2, 0.0)
    wcount = _B * part_ref[0, 1]
    out_ref[0, 0] = part_ref[0, 0] + _LW * (jnp.sum(wd2) / wcount)


def _tc_word(part, wpg, interpret=False):
    return pl.pallas_call(
        _tc_word_body,
        out_shape=jax.ShapeDtypeStruct((1, 1), jnp.float32),
        in_specs=[pl.BlockSpec(memory_space=pltpu.SMEM),
                  pl.BlockSpec(memory_space=pltpu.VMEM)],
        out_specs=pl.BlockSpec(memory_space=pltpu.SMEM),
        interpret=interpret,
    )(part, wpg)


def kernel(dur_pred, dur_gt, ph2word, txt_tokens):
    g = dur_gt.astype(dur_pred.dtype)
    p2w = ph2word.astype(jnp.int32)
    tok = txt_tokens.astype(jnp.int32)
    wpg = _segsum(
        dur_pred.reshape(_B, _NCHUNK, _CHUNK),
        g.reshape(_B, _NCHUNK, _CHUNK),
        p2w.reshape(_B, _NCHUNK, _CHUNK),
    )
    part = _tc_partial(dur_pred, g, tok, p2w)
    return _tc_word(part, wpg)[0, 0]

# --- scband reference (transcript-rebuilt; emitter-appended) ---
"""Pipeline reference for scband-duration-loss-46961172414631 (READ-ONLY COPY).

The authoritative reference and input builder live on the scoring server;
editing this copy changes nothing except your own understanding.
"""

import jax, jax.numpy as jnp
import numpy as np

OFFSET = 1.0
SCALE_RULES = 0.3
LP, LW, LS = 0.6, 0.3, 0.1
VOICE = {94: 2.0, 122: 3.0, 100: 2.0, 92: 2.0, 43: 5.0, 27: 5.0}
RATIO = [44, 28, 29, 27, 121, 43]


def setup_inputs(seed: int = 0) -> dict:
    key = jax.random.key(seed)
    k1, k2, k3, k4 = jax.random.split(key, 4)
    dur_pred = jax.random.uniform(k1, (16, 2048), dtype=jnp.float32)
    dur_gt = jax.random.uniform(k2, (16, 2048), dtype=jnp.float32)
    ph2word = jnp.sort(jax.random.randint(k3, (16, 2048), 0, 1024, dtype=jnp.int64), axis=-1)
    txt_tokens = jax.random.randint(k4, (16, 2048), 0, 128, dtype=jnp.int64)
    return {"dur_pred": dur_pred, "dur_gt": dur_gt, "ph2word": ph2word, "txt_tokens": txt_tokens}


def _linear2log(x):
    return jnp.log(x + OFFSET)


def _mse(a, b):
    return jnp.mean((a - b) ** 2)


def _get_dur_rules(p, tokens):
    # Vectorized, semantically-equal rewrite of the sequential python loops.
    # Sequential analysis: at iteration i, dur_rules[b,i] is reset to p[i],
    # so writes to index i+1 from iteration i are always overwritten; the only
    # surviving effects are: base[i] = p - gr (if ratio applies at i) else
    # p - gv (if voice applies at i) else p; plus additions gv[i+1] + gr[i+1].
    B, T = p.shape
    exp = jnp.zeros_like(p)
    vmask = jnp.zeros(tokens.shape, dtype=bool)
    for t, e in VOICE.items():
        m = tokens == t
        exp = jnp.where(m, jnp.asarray(e, p.dtype), exp)
        vmask = vmask | m
    voice_applied = vmask & ((p - exp) > 0)
    gv = jnp.where(voice_applied, p - exp, 0.0)

    rmask = jnp.zeros(tokens.shape, dtype=bool)
    for t in RATIO:
        rmask = rmask | (tokens == t)
    p_next = jnp.concatenate([p[:, 1:], jnp.zeros((B, 1), p.dtype)], axis=1)
    has_next = (jnp.arange(T) < (T - 1))[None, :]
    ratio_applied = rmask & has_next & ((3.0 * p) > p_next)
    gr = jnp.where(ratio_applied, p - p_next / 3.0, 0.0)

    base = jnp.where(ratio_applied, p - gr, jnp.where(voice_applied, p - gv, p))
    add_from_next = jnp.concatenate([(gv + gr)[:, 1:], jnp.zeros((B, 1), p.dtype)], axis=1)
    return base + add_from_next


def reference(dur_pred, dur_gt, ph2word, txt_tokens):
    dur_gt = dur_gt.astype(dur_pred.dtype)
    # rules loss
    dur_rules = _get_dur_rules(dur_pred, txt_tokens)
    rules_loss = SCALE_RULES * _mse(_linear2log(dur_pred), _linear2log(dur_rules))
    # phone duration loss
    pdur_loss = LP * _mse(_linear2log(dur_pred), _linear2log(dur_gt))
    # word duration loss via per-row scatter-add
    dp = jnp.clip(dur_pred, 0.0, None)
    WMAX = 1024
    W = jnp.max(ph2word) + 1

    def seg(d, idx):
        return jnp.zeros((WMAX,), d.dtype).at[idx].add(d)

    wdur_pred = jax.vmap(seg)(dp, ph2word)[:, 1:]
    wdur_gt = jax.vmap(seg)(dur_gt, ph2word)[:, 1:]
    wdur_diff2 = (_linear2log(wdur_pred) - _linear2log(wdur_gt)) ** 2
    wdur_count = (dp.shape[0] * (W - 1)).astype(dur_pred.dtype)
    wdur_loss = LW * (jnp.sum(wdur_diff2) / wdur_count)
    # sentence duration loss
    sdur_pred = dp.sum(axis=1)
    sdur_gt = dur_gt.sum(axis=1)
    sdur_loss = LS * _mse(_linear2log(sdur_pred), _linear2log(sdur_gt))
    return pdur_loss + wdur_loss + sdur_loss + rules_loss

if __name__ == "__main__":
    import jax
    _d = setup_inputs()
    print(jax.jit(kernel)(*tuple(_d.values())))

</pallas_src>

<mosaic_0001>
#map = affine_map<(d0, d1) -> (0, 0, 0)>
#map1 = affine_map<(d0, d1) -> (0, 0)>
module attributes {stable_mosaic.version = 14 : i64} {
  func.func @_sc_segsum_body(%arg0: i32, %arg1: i32, %arg2: memref<16x16x128xf32, #tpu.memory_space<hbm>>, %arg3: memref<16x16x128xf32, #tpu.memory_space<hbm>>, %arg4: memref<16x16x128xi32, #tpu.memory_space<hbm>>, %arg5: memref<32x1024xf32, #tpu.memory_space<hbm>>, %arg6: memref<16x128xf32, #tpu.memory_space<vmem>>, %arg7: memref<16x128xi32, #tpu.memory_space<vmem>>, %arg8: memref<1024xf32, #tpu.memory_space<vmem>>, %arg9: memref<16384xf32, #tpu.memory_space<vmem_shared>>, %arg10: memref<!tpu.dma_semaphore, #tpu.memory_space<semaphore_mem>>, %arg11: memref<!tpu.dma_semaphore, #tpu.memory_space<semaphore_mem>>, %arg12: memref<!tpu.dma_semaphore, #tpu.memory_space<semaphore_mem>>) attributes {dimension_semantics = [#tpu.dimension_semantics<core_parallel>, #tpu.dimension_semantics<subcore_parallel>], iteration_bounds = array<i64: 2, 16>, scalar_prefetch = 0 : i64, scratch_operands = 7 : i64, tpu.core_type = #tpu.core_type<sc_vector_subcore>, window_params = [{transform_indices = #map}, {transform_indices = #map}, {transform_indices = #map}, {transform_indices = #map1}]} {
    %mul3A = arith.constant 8 : i32
    %mul3A_0 = arith.muli %arg0, %mul3A : i32
    %jit3A = arith.constant 2 : i32
    %div3A = arith.divsi %arg1, %jit3A : i32
    %sign3A = arith.constant 0 : i32
    %sign3A_1 = arith.cmpi sgt, %arg1, %sign3A : i32
    %sign3A_2 = arith.extui %sign3A_1 : i1 to i32
    %sign3A_3 = arith.constant 0 : i32
    %sign3A_4 = arith.cmpi slt, %arg1, %sign3A_3 : i32
    %sign3A_5 = arith.extui %sign3A_4 : i1 to i32
    %sign3A_6 = arith.subi %sign3A_2, %sign3A_5 : i32
    %sign3A_7 = arith.constant 0 : i32
    %sign3A_8 = arith.cmpi sgt, %jit3A, %sign3A_7 : i32
    %sign3A_9 = arith.extui %sign3A_8 : i1 to i32
    %sign3A_10 = arith.constant 0 : i32
    %sign3A_11 = arith.cmpi slt, %jit3A, %sign3A_10 : i32
    %sign3A_12 = arith.extui %sign3A_11 : i1 to i32
    %sign3A_13 = arith.subi %sign3A_9, %sign3A_12 : i32
    %ne3A = arith.cmpi ne, %sign3A_6, %sign3A_13 : i32
    %rem3A = arith.remsi %arg1, %jit3A : i32
    %ne3A_14 = arith.constant 0 : i32
    %ne3A_15 = arith.cmpi ne, %rem3A, %ne3A_14 : i32
    %and3A = arith.andi %ne3A, %ne3A_15 : i1
    %sub3A = arith.constant 1 : i32
    %sub3A_16 = arith.subi %div3A, %sub3A : i32
    %select_n3A = arith.select %and3A, %sub3A_16, %div3A : i32
    %add3A = arith.addi %mul3A_0, %select_n3A : i32
    %jit3A_17 = arith.constant 2 : i32
    %eq3A = arith.constant 0 : i32
    %eq3A_18 = arith.cmpi eq, %jit3A_17, %eq3A : i32
    %jit3A_19 = arith.constant 1 : i32
    %select_n3A_20 = arith.select %eq3A_18, %jit3A_19, %jit3A_17 : i32
    %rem3A_21 = arith.remsi %arg1, %select_n3A_20 : i32
    %ne3A_22 = arith.constant 0 : i32
    %ne3A_23 = arith.cmpi ne, %rem3A_21, %ne3A_22 : i32
    %lt3A = arith.constant 0 : i32
    %lt3A_24 = arith.cmpi slt, %rem3A_21, %lt3A : i32
    %lt3A_25 = arith.constant 0 : i32
    %lt3A_26 = arith.cmpi slt, %select_n3A_20, %lt3A_25 : i32
    %ne3A_27 = arith.xori %lt3A_24, %lt3A_26 : i1
    %and3A_28 = arith.andi %ne3A_27, %ne3A_23 : i1
    %add3A_29 = arith.addi %rem3A_21, %select_n3A_20 : i32
    %select_n3A_30 = arith.select %and3A_28, %add3A_29, %rem3A_21 : i32
    %mul3A_31 = arith.constant 1024 : i32
    %mul3A_32 = arith.muli %arg1, %mul3A_31 : i32
    %dma_start3A = arith.constant 0 : i32
    %dma_start3A_33 = arith.constant 0 : i32
    %dma_start3A_34 = tpu.memref_slice %arg4[%add3A, %dma_start3A, %dma_start3A_33] : memref<16x16x128xi32, #tpu.memory_space<hbm>> -> memref<1x16x128xi32, #tpu.memory_space<hbm>>
    %dma_start3A_35 = tpu.memref_squeeze %dma_start3A_34 : memref<1x16x128xi32, #tpu.memory_space<hbm>> -> memref<16x128xi32, #tpu.memory_space<hbm>>
    %dma_start3A_36 = arith.constant 0 : i32
    %dma_start3A_37 = arith.constant 0 : i32
    %dma_start3A_38 = tpu.memref_slice %arg4[%add3A, %dma_start3A_36, %dma_start3A_37] : memref<16x16x128xi32, #tpu.memory_space<hbm>> -> memref<1x16x128xi32, #tpu.memory_space<hbm>>
    %dma_start3A_39 = tpu.memref_squeeze %dma_start3A_38 : memref<1x16x128xi32, #tpu.memory_space<hbm>> -> memref<16x128xi32, #tpu.memory_space<hbm>>
    tpu.enqueue_dma source(%dma_start3A_39 : memref<16x128xi32, #tpu.memory_space<hbm>>) target(%arg7 : memref<16x128xi32, #tpu.memory_space<vmem>>) target_semaphore(%arg10 : memref<!tpu.dma_semaphore, #tpu.memory_space<semaphore_mem>>)
    %eq3A_40 = arith.constant 0 : i32
    %eq3A_41 = arith.cmpi eq, %select_n3A_30, %eq3A_40 : i32
    %convert_element_type3A = arith.extui %eq3A_41 : i1 to i32
    %cond3A = arith.constant 0 : i32
    %cond3A_42 = arith.cmpi ne, %convert_element_type3A, %cond3A : i32
    scf.if %cond3A_42 {
      %dma_start3A_2385 = arith.constant 0 : i32
      %dma_start3A_2386 = arith.constant 0 : i32
      %dma_start3A_2387 = tpu.memref_slice %arg2[%add3A, %dma_start3A_2385, %dma_start3A_2386] : memref<16x16x128xf32, #tpu.memory_space<hbm>> -> memref<1x16x128xf32, #tpu.memory_space<hbm>>
      %dma_start3A_2388 = tpu.memref_squeeze %dma_start3A_2387 : memref<1x16x128xf32, #tpu.memory_space<hbm>> -> memref<16x128xf32, #tpu.memory_space<hbm>>
      %dma_start3A_2389 = arith.constant 0 : i32
      %dma_start3A_2390 = arith.constant 0 : i32
      %dma_start3A_2391 = tpu.memref_slice %arg2[%add3A, %dma_start3A_2389, %dma_start3A_2390] : memref<16x16x128xf32, #tpu.memory_space<hbm>> -> memref<1x16x128xf32, #tpu.memory_space<hbm>>
      %dma_start3A_2392 = tpu.memref_squeeze %dma_start3A_2391 : memref<1x16x128xf32, #tpu.memory_space<hbm>> -> memref<16x128xf32, #tpu.memory_space<hbm>>
      tpu.enqueue_dma source(%dma_start3A_2392 : memref<16x128xf32, #tpu.memory_space<hbm>>) target(%arg6 : memref<16x128xf32, #tpu.memory_space<vmem>>) target_semaphore(%arg11 : memref<!tpu.dma_semaphore, #tpu.memory_space<semaphore_mem>>)
    } else {
    }
    %eq3A_43 = arith.constant 1 : i32
    %eq3A_44 = arith.cmpi eq, %select_n3A_30, %eq3A_43 : i32
    %convert_element_type3A_45 = arith.extui %eq3A_44 : i1 to i32
    %cond3A_46 = arith.constant 0 : i32
    %cond3A_47 = arith.cmpi ne, %convert_element_type3A_45, %cond3A_46 : i32
    scf.if %cond3A_47 {
      %dma_start3A_2385 = arith.constant 0 : i32
      %dma_start3A_2386 = arith.constant 0 : i32
      %dma_start3A_2387 = tpu.memref_slice %arg3[%add3A, %dma_start3A_2385, %dma_start3A_2386] : memref<16x16x128xf32, #tpu.memory_space<hbm>> -> memref<1x16x128xf32, #tpu.memory_space<hbm>>
      %dma_start3A_2388 = tpu.memref_squeeze %dma_start3A_2387 : memref<1x16x128xf32, #tpu.memory_space<hbm>> -> memref<16x128xf32, #tpu.memory_space<hbm>>
      %dma_start3A_2389 = arith.constant 0 : i32
      %dma_start3A_2390 = arith.constant 0 : i32
      %dma_start3A_2391 = tpu.memref_slice %arg3[%add3A, %dma_start3A_2389, %dma_start3A_2390] : memref<16x16x128xf32, #tpu.memory_space<hbm>> -> memref<1x16x128xf32, #tpu.memory_space<hbm>>
      %dma_start3A_2392 = tpu.memref_squeeze %dma_start3A_2391 : memref<1x16x128xf32, #tpu.memory_space<hbm>> -> memref<16x128xf32, #tpu.memory_space<hbm>>
      tpu.enqueue_dma source(%dma_start3A_2392 : memref<16x128xf32, #tpu.memory_space<hbm>>) target(%arg6 : memref<16x128xf32, #tpu.memory_space<vmem>>) target_semaphore(%arg11 : memref<!tpu.dma_semaphore, #tpu.memory_space<semaphore_mem>>)
    } else {
    }
    %broadcast_in_dim3A = arith.constant 0.000000e+00 : f32
    %broadcast_in_dim3A_48 = vector.broadcast %broadcast_in_dim3A : f32 to vector<16xf32>
    %swap3A = arith.constant 0 : index
    %swap3A_49 = tpu.vector_load %arg8[%swap3A] {strides = array<i32>} : memref<1024xf32, #tpu.memory_space<vmem>>, vector<16xf32>,
    %swap3A_50 = vector.shape_cast %swap3A_49 : vector<16xf32> to vector<16xf32>
    %swap3A_51 = vector.shape_cast %broadcast_in_dim3A_48 : vector<16xf32> to vector<16xf32>
    tpu.vector_store %arg8[%swap3A], %swap3A_51 {strides = array<i32>} : memref<1024xf32, #tpu.memory_space<vmem>>, vector<16xf32>,
    %swap3A_52 = arith.constant 16 : index
    %swap3A_53 = tpu.vector_load %arg8[%swap3A_52] {strides = array<i32>} : memref<1024xf32, #tpu.memory_space<vmem>>, vector<16xf32>,
    %swap3A_54 = vector.shape_cast %swap3A_53 : vector<16xf32> to vector<16xf32>
    %swap3A_55 = vector.shape_cast %broadcast_in_dim3A_48 : vector<16xf32> to vector<16xf32>
    tpu.vector_store %arg8[%swap3A_52], %swap3A_55 {strides = array<i32>} : memref<1024xf32, #tpu.memory_space<vmem>>, vector<16xf32>,
    %swap3A_56 = arith.constant 32 : index
    %swap3A_57 = tpu.vector_load %arg8[%swap3A_56] {strides = array<i32>} : memref<1024xf32, #tpu.memory_space<vmem>>, vector<16xf32>,
    %swap3A_58 = vector.shape_cast %swap3A_57 : vector<16xf32> to vector<16xf32>
    %swap3A_59 = vector.shape_cast %broadcast_in_dim3A_48 : vector<16xf32> to vector<16xf32>
    tpu.vector_store %arg8[%swap3A_56], %swap3A_59 {strides = array<i32>} : memref<1024xf32, #tpu.memory_space<vmem>>, vector<16xf32>,
    %swap3A_60 = arith.constant 48 : index
    %swap3A_61 = tpu.vector_load %arg8[%swap3A_60] {strides = array<i32>} : memref<1024xf32, #tpu.memory_space<vmem>>, vector<16xf32>,
    %swap3A_62 = vector.shape_cast %swap3A_61 : vector<16xf32> to vector<16xf32>
    %swap3A_63 = vector.shape_cast %broadcast_in_dim3A_48 : vector<16xf32> to vector<16xf32>
    tpu.vector_store %arg8[%swap3A_60], %swap3A_63 {strides = array<i32>} : memref<1024xf32, #tpu.memory_space<vmem>>, vector<16xf32>,
    %swap3A_64 = arith.constant 64 : index
    %swap3A_65 = tpu.vector_load %arg8[%swap3A_64] {strides = array<i32>} : memref<1024xf32, #tpu.memory_space<vmem>>, vector<16xf32>,
    %swap3A_66 = vector.shape_cast %swap3A_65 : vector<16xf32> to vector<16xf32>
    %swap3A_67 = vector.shape_cast %broadcast_in_dim3A_48 : vector<16xf32> to vector<16xf32>
    tpu.vector_store %arg8[%swap3A_64], %swap3A_67 {strides = array<i32>} : memref<1024xf32, #tpu.memory_space<vmem>>, vector<16xf32>,
    %swap3A_68 = arith.constant 80 : index
    %swap3A_69 = tpu.vector_load %arg8[%swap3A_68] {strides = array<i32>} : memref<1024xf32, #tpu.memory_space<vmem>>, vector<16xf32>,
    %swap3A_70 = vector.shape_cast %swap3A_69 : vector<16xf32> to vector<16xf32>
    %swap3A_71 = vector.shape_cast %broadcast_in_dim3A_48 : vector<16xf32> to vector<16xf32>
    tpu.vector_store %arg8[%swap3A_68], %swap3A_71 {strides = array<i32>} : memref<1024xf32, #tpu.memory_space<vmem>>, vector<16xf32>,
    %swap3A_72 = arith.constant 96 : index
    %swap3A_73 = tpu.vector_load %arg8[%swap3A_72] {strides = array<i32>} : memref<1024xf32, #tpu.memory_space<vmem>>, vector<16xf32>,
    %swap3A_74 = vector.shape_cast %swap3A_73 : vector<16xf32> to vector<16xf32>
    %swap3A_75 = vector.shape_cast %broadcast_in_dim3A_48 : vector<16xf32> to vector<16xf32>
    tpu.vector_store %arg8[%swap3A_72], %swap3A_75 {strides = array<i32>} : memref<1024xf32, #tpu.memory_space<vmem>>, vector<16xf32>,
    %swap3A_76 = arith.constant 112 : index
    %swap3A_77 = tpu.vector_load %arg8[%swap3A_76] {strides = array<i32>} : memref<1024xf32, #tpu.memory_space<vmem>>, vector<16xf32>,
    %swap3A_78 = vector.shape_cast %swap3A_77 : vector<16xf32> to vector<16xf32>
    %swap3A_79 = vector.shape_cast %broadcast_in_dim3A_48 : vector<16xf32> to vector<16xf32>
    tpu.vector_store %arg8[%swap3A_76], %swap3A_79 {strides = array<i32>} : memref<1024xf32, #tpu.memory_space<vmem>>, vector<16xf32>,
    %swap3A_80 = arith.constant 128 : index
    %swap3A_81 = tpu.vector_load %arg8[%swap3A_80] {strides = array<i32>} : memref<1024xf32, #tpu.memory_space<vmem>>, vector<16xf32>,
    %swap3A_82 = vector.shape_cast %swap3A_81 : vector<16xf32> to vector<16xf32>
    %swap3A_83 = vector.shape_cast %broadcast_in_dim3A_48 : vector<16xf32> to vector<16xf32>
    tpu.vector_store %arg8[%swap3A_80], %swap3A_83 {strides = array<i32>} : memref<1024xf32, #tpu.memory_space<vmem>>, vector<16xf32>,
    %swap3A_84 = arith.constant 144 : index
    %swap3A_85 = tpu.vector_load %arg8[%swap3A_84] {strides = array<i32>} : memref<1024xf32, #tpu.memory_space<vmem>>, vector<16xf32>,
    %swap3A_86 = vector.shape_cast %swap3A_85 : vector<16xf32> to vector<16xf32>
    %swap3A_87 = vector.shape_cast %broadcast_in_dim3A_48 : vector<16xf32> to vector<16xf32>
    tpu.vector_store %arg8[%swap3A_84], %swap3A_87 {strides = array<i32>} : memref<1024xf32, #tpu.memory_space<vmem>>, vector<16xf32>,
    %swap3A_88 = arith.constant 160 : index
    %swap3A_89 = tpu.vector_load %arg8[%swap3A_88] {strides = array<i32>} : memref<1024xf32, #tpu.memory_space<vmem>>, vector<16xf32>,
    %swap3A_90 = vector.shape_cast %swap3A_89 : vector<16xf32> to vector<16xf32>
    %swap3A_91 = vector.shape_cast %broadcast_in_dim3A_48 : vector<16xf32> to vector<16xf32>
    tpu.vector_store %arg8[%swap3A_88], %swap3A_91 {strides = array<i32>} : memref<1024xf32, #tpu.memory_space<vmem>>, vector<16xf32>,
    %swap3A_92 = arith.constant 176 : index
    %swap3A_93 = tpu.vector_load %arg8[%swap3A_92] {strides = array<i32>} : memref<1024xf32, #tpu.memory_space<vmem>>, vector<16xf32>,
    %swap3A_94 = vector.shape_cast %swap3A_93 : vector<16xf32> to vector<16xf32>
    %swap3A_95 = vector.shape_cast %broadcast_in_dim3A_48 : vector<16xf32> to vector<16xf32>
    tpu.vector_store %arg8[%swap3A_92], %swap3A_95 {strides = array<i32>} : memref<1024xf32, #tpu.memory_space<vmem>>, vector<16xf32>,
    %swap3A_96 = arith.constant 192 : index
    %swap3A_97 = tpu.vector_load %arg8[%swap3A_96] {strides = array<i32>} : memref<1024xf32, #tpu.memory_space<vmem>>, vector<16xf32>,
    %swap3A_98 = vector.shape_cast %swap3A_97 : vector<16xf32> to vector<16xf32>
    %swap3A_99 = vector.shape_cast %broadcast_in_dim3A_48 : vector<16xf32> to vector<16xf32>
    tpu.vector_store %arg8[%swap3A_96], %swap3A_99 {strides = array<i32>} : memref<1024xf32, #tpu.memory_space<vmem>>, vector<16xf32>,
    %swap3A_100 = arith.constant 208 : index
    %swap3A_101 = tpu.vector_load %arg8[%swap3A_100] {strides = array<i32>} : memref<1024xf32, #tpu.memory_space<vmem>>, vector<16xf32>,
    %swap3A_102 = vector.shape_cast %swap3A_101 : vector<16xf32> to vector<16xf32>
    %swap3A_103 = vector.shape_cast %broadcast_in_dim3A_48 : vector<16xf32> to vector<16xf32>
    tpu.vector_store %arg8[%swap3A_100], %swap3A_103 {strides = array<i32>} : memref<1024xf32, #tpu.memory_space<vmem>>, vector<16xf32>,
    %swap3A_104 = arith.constant 224 : index
    %swap3A_105 = tpu.vector_load %arg8[%swap3A_104] {strides = array<i32>} : memref<1024xf32, #tpu.memory_space<vmem>>, vector<16xf32>,
    %swap3A_106 = vector.shape_cast %swap3A_105 : vector<16xf32> to vector<16xf32>
    %swap3A_107 = vector.shape_cast %broadcast_in_dim3A_48 : vector<16xf32> to vector<16xf32>
    tpu.vector_store %arg8[%swap3A_104], %swap3A_107 {strides = array<i32>} : memref<1024xf32, #tpu.memory_space<vmem>>, vector<16xf32>,
    %swap3A_108 = arith.constant 240 : index
    %swap3A_109 = tpu.vector_load %arg8[%swap3A_108] {strides = array<i32>} : memref<1024xf32, #tpu.memory_space<vmem>>, vector<16xf32>,
    %swap3A_110 = vector.shape_cast %swap3A_109 : vector<16xf32> to vector<16xf32>
    %swap3A_111 = vector.shape_cast %broadcast_in_dim3A_48 : vector<16xf32> to vector<16xf32>
    tpu.vector_store %arg8[%swap3A_108], %swap3A_111 {strides = array<i32>} : memref<1024xf32, #tpu.memory_space<vmem>>, vector<16xf32>,
    %swap3A_112 = arith.constant 256 : index
    %swap3A_113 = tpu.vector_load %arg8[%swap3A_112] {strides = array<i32>} : memref<1024xf32, #tpu.memory_space<vmem>>, vector<16xf32>,
    %swap3A_114 = vector.shape_cast %swap3A_113 : vector<16xf32> to vector<16xf32>
    %swap3A_115 = vector.shape_cast %broadcast_in_dim3A_48 : vector<16xf32> to vector<16xf32>
    tpu.vector_store %arg8[%swap3A_112], %swap3A_115 {strides = array<i32>} : memref<1024xf32, #tpu.memory_space<vmem>>, vector<16xf32>,
    %swap3A_116 = arith.constant 272 : index
    %swap3A_117 = tpu.vector_load %arg8[%swap3A_116] {strides = array<i32>} : memref<1024xf32, #tpu.memory_space<vmem>>, vector<16xf32>,
    %swap3A_118 = vector.shape_cast %swap3A_117 : vector<16xf32> to vector<16xf32>
    %swap3A_119 = vector.shape_cast %broadcast_in_dim3A_48 : vector<16xf32> to vector<16xf32>
    tpu.vector_store %arg8[%swap3A_116], %swap3A_119 {strides = array<i32>} : memref<1024xf32, #tpu.memory_space<vmem>>, vector<16xf32>,
    %swap3A_120 = arith.constant 288 : index
    %swap3A_121 = tpu.vector_load %arg8[%swap3A_120] {strides = array<i32>} : memref<1024xf32, #tpu.memory_space<vmem>>, vector<16xf32>,
    %swap3A_122 = vector.shape_cast %swap3A_121 : vector<16xf32> to vector<16xf32>
    %swap3A_123 = vector.shape_cast %broadcast_in_dim3A_48 : vector<16xf32> to vector<16xf32>
    tpu.vector_store %arg8[%swap3A_120], %swap3A_123 {strides = array<i32>} : memref<1024xf32, #tpu.memory_space<vmem>>, vector<16xf32>,
    %swap3A_124 = arith.constant 304 : index
    %swap3A_125 = tpu.vector_load %arg8[%swap3A_124] {strides = array<i32>} : memref<1024xf32, #tpu.memory_space<vmem>>, vector<16xf32>,
    %swap3A_126 = vector.shape_cast %swap3A_125 : vector<16xf32> to vector<16xf32>
    %swap3A_127 = vector.shape_cast %broadcast_in_dim3A_48 : vector<16xf32> to vector<16xf32>
    tpu.vector_store %arg8[%swap3A_124], %swap3A_127 {strides = array<i32>} : memref<1024xf32, #tpu.memory_space<vmem>>, vector<16xf32>,
    %swap3A_128 = arith.constant 320 : index
    %swap3A_129 = tpu.vector_load %arg8[%swap3A_128] {strides = array<i32>} : memref<1024xf32, #tpu.memory_space<vmem>>, vector<16xf32>,
    %swap3A_130 = vector.shape_cast %swap3A_129 : vector<16xf32> to vector<16xf32>
    %swap3A_131 = vector.shape_cast %broadcast_in_dim3A_48 : vector<16xf32> to vector<16xf32>
    tpu.vector_store %arg8[%swap3A_128], %swap3A_131 {strides = array<i32>} : memref<1024xf32, #tpu.memory_space<vmem>>, vector<16xf32>,
    %swap3A_132 = arith.constant 336 : index
    %swap3A_133 = tpu.vector_load %arg8[%swap3A_132] {strides = array<i32>} : memref<1024xf32, #tpu.memory_space<vmem>>, vector<16xf32>,
    %swap3A_134 = vector.shape_cast %swap3A_133 : vector<16xf32> to vector<16xf32>
    %swap3A_135 = vector.shape_cast %broadcast_in_dim3A_48 : vector<16xf32> to vector<16xf32>
    tpu.vector_store %arg8[%swap3A_132], %swap3A_135 {strides = array<i32>} : memref<1024xf32, #tpu.memory_space<vmem>>, vector<16xf32>,
    %swap3A_136 = arith.constant 352 : index
    %swap3A_137 = tpu.vector_load %arg8[%swap3A_136] {strides = array<i32>} : memref<1024xf32, #tpu.memory_space<vmem>>, vector<16xf32>,
    %swap3A_138 = vector.shape_cast %swap3A_137 : vector<16xf32> to vector<16xf32>
    %swap3A_139 = vector.shape_cast %broadcast_in_dim3A_48 : vector<16xf32> to vector<16xf32>
    tpu.vector_store %arg8[%swap3A_136], %swap3A_139 {strides = array<i32>} : memref<1024xf32, #tpu.memory_space<vmem>>, vector<16xf32>,
    %swap3A_140 = arith.constant 368 : index
    %swap3A_141 = tpu.vector_load %arg8[%swap3A_140] {strides = array<i32>} : memref<1024xf32, #tpu.memory_space<vmem>>, vector<16xf32>,
    %swap3A_142 = vector.shape_cast %swap3A_141 : vector<16xf32> to vector<16xf32>
    %swap3A_143 = vector.shape_cast %broadcast_in_dim3A_48 : vector<16xf32> to vector<16xf32>
    tpu.vector_store %arg8[%swap3A_140], %swap3A_143 {strides = array<i32>} : memref<1024xf32, #tpu.memory_space<vmem>>, vector<16xf32>,
    %swap3A_144 = arith.constant 384 : index
    %swap3A_145 = tpu.vector_load %arg8[%swap3A_144] {strides = array<i32>} : memref<1024xf32, #tpu.memory_space<vmem>>, vector<16xf32>,
    %swap3A_146 = vector.shape_cast %swap3A_145 : vector<16xf32> to vector<16xf32>
    %swap3A_147 = vector.shape_cast %broadcast_in_dim3A_48 : vector<16xf32> to vector<16xf32>
    tpu.vector_store %arg8[%swap3A_144], %swap3A_147 {strides = array<i32>} : memref<1024xf32, #tpu.memory_space<vmem>>, vector<16xf32>,
    %swap3A_148 = arith.constant 400 : index
    %swap3A_149 = tpu.vector_load %arg8[%swap3A_148] {strides = array<i32>} : memref<1024xf32, #tpu.memory_space<vmem>>, vector<16xf32>,
    %swap3A_150 = vector.shape_cast %swap3A_149 : vector<16xf32> to vector<16xf32>
    %swap3A_151 = vector.shape_cast %broadcast_in_dim3A_48 : vector<16xf32> to vector<16xf32>
    tpu.vector_store %arg8[%swap3A_148], %swap3A_151 {strides = array<i32>} : memref<1024xf32, #tpu.memory_space<vmem>>, vector<16xf32>,
    %swap3A_152 = arith.constant 416 : index
    %swap3A_153 = tpu.vector_load %arg8[%swap3A_152] {strides = array<i32>} : memref<1024xf32, #tpu.memory_space<vmem>>, vector<16xf32>,
    %swap3A_154 = vector.shape_cast %swap3A_153 : vector<16xf32> to vector<16xf32>
    %swap3A_155 = vector.shape_cast %broadcast_in_dim3A_48 : vector<16xf32> to vector<16xf32>
    tpu.vector_store %arg8[%swap3A_152], %swap3A_155 {strides = array<i32>} : memref<1024xf32, #tpu.memory_space<vmem>>, vector<16xf32>,
    %swap3A_156 = arith.constant 432 : index
    %swap3A_157 = tpu.vector_load %arg8[%swap3A_156] {strides = array<i32>} : memref<1024xf32, #tpu.memory_space<vmem>>, vector<16xf32>,
    %swap3A_158 = vector.shape_cast %swap3A_157 : vector<16xf32> to vector<16xf32>
    %swap3A_159 = vector.shape_cast %broadcast_in_dim3A_48 : vector<16xf32> to vector<16xf32>
    tpu.vector_store %arg8[%swap3A_156], %swap3A_159 {strides = array<i32>} : memref<1024xf32, #tpu.memory_space<vmem>>, vector<16xf32>,
    %swap3A_160 = arith.constant 448 : index
    %swap3A_161 = tpu.vector_load %arg8[%swap3A_160] {strides = array<i32>} : memref<1024xf32, #tpu.memory_space<vmem>>, vector<16xf32>,
    %swap3A_162 = vector.shape_cast %swap3A_161 : vector<16xf32> to vector<16xf32>
    %swap3A_163 = vector.shape_cast %broadcast_in_dim3A_48 : vector<16xf32> to vector<16xf32>
    tpu.vector_store %arg8[%swap3A_160], %swap3A_163 {strides = array<i32>} : memref<1024xf32, #tpu.memory_space<vmem>>, vector<16xf32>,
    %swap3A_164 = arith.constant 464 : index
    %swap3A_165 = tpu.vector_load %arg8[%swap3A_164] {strides = array<i32>} : memref<1024xf32, #tpu.memory_space<vmem>>, vector<16xf32>,
    %swap3A_166 = vector.shape_cast %swap3A_165 : vector<16xf32> to vector<16xf32>
    %swap3A_167 = vector.shape_cast %broadcast_in_dim3A_48 : vector<16xf32> to vector<16xf32>
    tpu.vector_store %arg8[%swap3A_164], %swap3A_167 {strides = array<i32>} : memref<1024xf32, #tpu.memory_space<vmem>>, vector<16xf32>,
    %swap3A_168 = arith.constant 480 : index
    %swap3A_169 = tpu.vector_load %arg8[%swap3A_168] {strides = array<i32>} : memref<1024xf32, #tpu.memory_space<vmem>>, vector<16xf32>,
    %swap3A_170 = vector.shape_cast %swap3A_169 : vector<16xf32> to vector<16xf32>
    %swap3A_171 = vector.shape_cast %broadcast_in_dim3A_48 : vector<16xf32> to vector<16xf32>
    tpu.vector_store %arg8[%swap3A_168], %swap3A_171 {strides = array<i32>} : memref<1024xf32, #tpu.memory_space<vmem>>, vector<16xf32>,
    %swap3A_172 = arith.constant 496 : index
    %swap3A_173 = tpu.vector_load %arg8[%swap3A_172] {strides = array<i32>} : memref<1024xf32, #tpu.memory_space<vmem>>, vector<16xf32>,
    %swap3A_174 = vector.shape_cast %swap3A_173 : vector<16xf32> to vector<16xf32>
    %swap3A_175 = vector.shape_cast %broadcast_in_dim3A_48 : vector<16xf32> to vector<16xf32>
    tpu.vector_store %arg8[%swap3A_172], %swap3A_175 {strides = array<i32>} : memref<1024xf32, #tpu.memory_space<vmem>>, vector<16xf32>,
    %swap3A_176 = arith.constant 512 : index
    %swap3A_177 = tpu.vector_load %arg8[%swap3A_176] {strides = array<i32>} : memref<1024xf32, #tpu.memory_space<vmem>>, vector<16xf32>,
    %swap3A_178 = vector.shape_cast %swap3A_177 : vector<16xf32> to vector<16xf32>
    %swap3A_179 = vector.shape_cast %broadcast_in_dim3A_48 : vector<16xf32> to vector<16xf32>
    tpu.vector_store %arg8[%swap3A_176], %swap3A_179 {strides = array<i32>} : memref<1024xf32, #tpu.memory_space<vmem>>, vector<16xf32>,
    %swap3A_180 = arith.constant 528 : index
    %swap3A_181 = tpu.vector_load %arg8[%swap3A_180] {strides = array<i32>} : memref<1024xf32, #tpu.memory_space<vmem>>, vector<16xf32>,
    %swap3A_182 = vector.shape_cast %swap3A_181 : vector<16xf32> to vector<16xf32>
    %swap3A_183 = vector.shape_cast %broadcast_in_dim3A_48 : vector<16xf32> to vector<16xf32>
    tpu.vector_store %arg8[%swap3A_180], %swap3A_183 {strides = array<i32>} : memref<1024xf32, #tpu.memory_space<vmem>>, vector<16xf32>,
    %swap3A_184 = arith.constant 544 : index
    %swap3A_185 = tpu.vector_load %arg8[%swap3A_184] {strides = array<i32>} : memref<1024xf32, #tpu.memory_space<vmem>>, vector<16xf32>,
    %swap3A_186 = vector.shape_cast %swap3A_185 : vector<16xf32> to vector<16xf32>
    %swap3A_187 = vector.shape_cast %broadcast_in_dim3A_48 : vector<16xf32> to vector<16xf32>
    tpu.vector_store %arg8[%swap3A_184], %swap3A_187 {strides = array<i32>} : memref<1024xf32, #tpu.memory_space<vmem>>, vector<16xf32>,
    %swap3A_188 = arith.constant 560 : index
    %swap3A_189 = tpu.vector_load %arg8[%swap3A_188] {strides = array<i32>} : memref<1024xf32, #tpu.memory_space<vmem>>, vector<16xf32>,
    %swap3A_190 = vector.shape_cast %swap3A_189 : vector<16xf32> to vector<16xf32>
    %swap3A_191 = vector.shape_cast %broadcast_in_dim3A_48 : vector<16xf32> to vector<16xf32>
    tpu.vector_store %arg8[%swap3A_188], %swap3A_191 {strides = array<i32>} : memref<1024xf32, #tpu.memory_space<vmem>>, vector<16xf32>,
    %swap3A_192 = arith.constant 576 : index
    %swap3A_193 = tpu.vector_load %arg8[%swap3A_192] {strides = array<i32>} : memref<1024xf32, #tpu.memory_space<vmem>>, vector<16xf32>,
    %swap3A_194 = vector.shape_cast %swap3A_193 : vector<16xf32> to vector<16xf32>
    %swap3A_195 = vector.shape_cast %broadcast_in_dim3A_48 : vector<16xf32> to vector<16xf32>
    tpu.vector_store %arg8[%swap3A_192], %swap3A_195 {strides = array<i32>} : memref<1024xf32, #tpu.memory_space<vmem>>, vector<16xf32>,
    %swap3A_196 = arith.constant 592 : index
    %swap3A_197 = tpu.vector_load %arg8[%swap3A_196] {strides = array<i32>} : memref<1024xf32, #tpu.memory_space<vmem>>, vector<16xf32>,
    %swap3A_198 = vector.shape_cast %swap3A_197 : vector<16xf32> to vector<16xf32>
    %swap3A_199 = vector.shape_cast %broadcast_in_dim3A_48 : vector<16xf32> to vector<16xf32>
    tpu.vector_store %arg8[%swap3A_196], %swap3A_199 {strides = array<i32>} : memref<1024xf32, #tpu.memory_space<vmem>>, vector<16xf32>,
    %swap3A_200 = arith.constant 608 : index
    %swap3A_201 = tpu.vector_load %arg8[%swap3A_200] {strides = array<i32>} : memref<1024xf32, #tpu.memory_space<vmem>>, vector<16xf32>,
    %swap3A_202 = vector.shape_cast %swap3A_201 : vector<16xf32> to vector<16xf32>
    %swap3A_203 = vector.shape_cast %broadcast_in_dim3A_48 : vector<16xf32> to vector<16xf32>
    tpu.vector_store %arg8[%swap3A_200], %swap3A_203 {strides = array<i32>} : memref<1024xf32, #tpu.memory_space<vmem>>, vector<16xf32>,
    %swap3A_204 = arith.constant 624 : index
    %swap3A_205 = tpu.vector_load %arg8[%swap3A_204] {strides = array<i32>} : memref<1024xf32, #tpu.memory_space<vmem>>, vector<16xf32>,
    %swap3A_206 = vector.shape_cast %swap3A_205 : vector<16xf32> to vector<16xf32>
    %swap3A_207 = vector.shape_cast %broadcast_in_dim3A_48 : vector<16xf32> to vector<16xf32>
    tpu.vector_store %arg8[%swap3A_204], %swap3A_207 {strides = array<i32>} : memref<1024xf32, #tpu.memory_space<vmem>>, vector<16xf32>,
    %swap3A_208 = arith.constant 640 : index
    %swap3A_209 = tpu.vector_load %arg8[%swap3A_208] {strides = array<i32>} : memref<1024xf32, #tpu.memory_space<vmem>>, vector<16xf32>,
    %swap3A_210 = vector.shape_cast %swap3A_209 : vector<16xf32> to vector<16xf32>
    %swap3A_211 = vector.shape_cast %broadcast_in_dim3A_48 : vector<16xf32> to vector<16xf32>
    tpu.vector_store %arg8[%swap3A_208], %swap3A_211 {strides = array<i32>} : memref<1024xf32, #tpu.memory_space<vmem>>, vector<16xf32>,
    %swap3A_212 = arith.constant 656 : index
    %swap3A_213 = tpu.vector_load %arg8[%swap3A_212] {strides = array<i32>} : memref<1024xf32, #tpu.memory_space<vmem>>, vector<16xf32>,
    %swap3A_214 = vector.shape_cast %swap3A_213 : vector<16xf32> to vector<16xf32>
    %swap3A_215 = vector.shape_cast %broadcast_in_dim3A_48 : vector<16xf32> to vector<16xf32>
    tpu.vector_store %arg8[%swap3A_212], %swap3A_215 {strides = array<i32>} : memref<1024xf32, #tpu.memory_space<vmem>>, vector<16xf32>,
    %swap3A_216 = arith.constant 672 : index
    %swap3A_217 = tpu.vector_load %arg8[%swap3A_216] {strides = array<i32>} : memref<1024xf32, #tpu.memory_space<vmem>>, vector<16xf32>,
    %swap3A_218 = vector.shape_cast %swap3A_217 : vector<16xf32> to vector<16xf32>
    %swap3A_219 = vector.shape_cast %broadcast_in_dim3A_48 : vector<16xf32> to vector<16xf32>
    tpu.vector_store %arg8[%swap3A_216], %swap3A_219 {strides = array<i32>} : memref<1024xf32, #tpu.memory_space<vmem>>, vector<16xf32>,
    %swap3A_220 = arith.constant 688 : index
    %swap3A_221 = tpu.vector_load %arg8[%swap3A_220] {strides = array<i32>} : memref<1024xf32, #tpu.memory_space<vmem>>, vector<16xf32>,
    %swap3A_222 = vector.shape_cast %swap3A_221 : vector<16xf32> to vector<16xf32>
    %swap3A_223 = vector.shape_cast %broadcast_in_dim3A_48 : vector<16xf32> to vector<16xf32>
    tpu.vector_store %arg8[%swap3A_220], %swap3A_223 {strides = array<i32>} : memref<1024xf32, #tpu.memory_space<vmem>>, vector<16xf32>,
    %swap3A_224 = arith.constant 704 : index
    %swap3A_225 = tpu.vector_load %arg8[%swap3A_224] {strides = array<i32>} : memref<1024xf32, #tpu.memory_space<vmem>>, vector<16xf32>,
    %swap3A_226 = vector.shape_cast %swap3A_225 : vector<16xf32> to vector<16xf32>
    %swap3A_227 = vector.shape_cast %broadcast_in_dim3A_48 : vector<16xf32> to vector<16xf32>
    tpu.vector_store %arg8[%swap3A_224], %swap3A_227 {strides = array<i32>} : memref<1024xf32, #tpu.memory_space<vmem>>, vector<16xf32>,
    %swap3A_228 = arith.constant 720 : index
    %swap3A_229 = tpu.vector_load %arg8[%swap3A_228] {strides = array<i32>} : memref<1024xf32, #tpu.memory_space<vmem>>, vector<16xf32>,
    %swap3A_230 = vector.shape_cast %swap3A_229 : vector<16xf32> to vector<16xf32>
    %swap3A_231 = vector.shape_cast %broadcast_in_dim3A_48 : vector<16xf32> to vector<16xf32>
    tpu.vector_store %arg8[%swap3A_228], %swap3A_231 {strides = array<i32>} : memref<1024xf32, #tpu.memory_space<vmem>>, vector<16xf32>,
    %swap3A_232 = arith.constant 736 : index
    %swap3A_233 = tpu.vector_load %arg8[%swap3A_232] {strides = array<i32>} : memref<1024xf32, #tpu.memory_space<vmem>>, vector<16xf32>,
    %swap3A_234 = vector.shape_cast %swap3A_233 : vector<16xf32> to vector<16xf32>
    %swap3A_235 = vector.shape_cast %broadcast_in_dim3A_48 : vector<16xf32> to vector<16xf32>
    tpu.vector_store %arg8[%swap3A_232], %swap3A_235 {strides = array<i32>} : memref<1024xf32, #tpu.memory_space<vmem>>, vector<16xf32>,
    %swap3A_236 = arith.constant 752 : index
    %swap3A_237 = tpu.vector_load %arg8[%swap3A_236] {strides = array<i32>} : memref<1024xf32, #tpu.memory_space<vmem>>, vector<16xf32>,
    %swap3A_238 = vector.shape_cast %swap3A_237 : vector<16xf32> to vector<16xf32>
    %swap3A_239 = vector.shape_cast %broadcast_in_dim3A_48 : vector<16xf32> to vector<16xf32>
    tpu.vector_store %arg8[%swap3A_236], %swap3A_239 {strides = array<i32>} : memref<1024xf32, #tpu.memory_space<vmem>>, vector<16xf32>,
    %swap3A_240 = arith.constant 768 : index
    %swap3A_241 = tpu.vector_load %arg8[%swap3A_240] {strides = array<i32>} : memref<1024xf32, #tpu.memory_space<vmem>>, vector<16xf32>,
    %swap3A_242 = vector.shape_cast %swap3A_241 : vector<16xf32> to vector<16xf32>
    %swap3A_243 = vector.shape_cast %broadcast_in_dim3A_48 : vector<16xf32> to vector<16xf32>
    tpu.vector_store %arg8[%swap3A_240], %swap3A_243 {strides = array<i32>} : memref<1024xf32, #tpu.memory_space<vmem>>, vector<16xf32>,
    %swap3A_244 = arith.constant 784 : index
    %swap3A_245 = tpu.vector_load %arg8[%swap3A_244] {strides = array<i32>} : memref<1024xf32, #tpu.memory_space<vmem>>, vector<16xf32>,
    %swap3A_246 = vector.shape_cast %swap3A_245 : vector<16xf32> to vector<16xf32>
    %swap3A_247 = vector.shape_cast %broadcast_in_dim3A_48 : vector<16xf32> to vector<16xf32>
    tpu.vector_store %arg8[%swap3A_244], %swap3A_247 {strides = array<i32>} : memref<1024xf32, #tpu.memory_space<vmem>>, vector<16xf32>,
    %swap3A_248 = arith.constant 800 : index
    %swap3A_249 = tpu.vector_load %arg8[%swap3A_248] {strides = array<i32>} : memref<1024xf32, #tpu.memory_space<vmem>>, vector<16xf32>,
    %swap3A_250 = vector.shape_cast %swap3A_249 : vector<16xf32> to vector<16xf32>
    %swap3A_251 = vector.shape_cast %broadcast_in_dim3A_48 : vector<16xf32> to vector<16xf32>
    tpu.vector_store %arg8[%swap3A_248], %swap3A_251 {strides = array<i32>} : memref<1024xf32, #tpu.memory_space<vmem>>, vector<16xf32>,
    %swap3A_252 = arith.constant 816 : index
    %swap3A_253 = tpu.vector_load %arg8[%swap3A_252] {strides = array<i32>} : memref<1024xf32, #tpu.memory_space<vmem>>, vector<16xf32>,
    %swap3A_254 = vector.shape_cast %swap3A_253 : vector<16xf32> to vector<16xf32>
    %swap3A_255 = vector.shape_cast %broadcast_in_dim3A_48 : vector<16xf32> to vector<16xf32>
    tpu.vector_store %arg8[%swap3A_252], %swap3A_255 {strides = array<i32>} : memref<1024xf32, #tpu.memory_space<vmem>>, vector<16xf32>,
    %swap3A_256 = arith.constant 832 : index
    %swap3A_257 = tpu.vector_load %arg8[%swap3A_256] {strides = array<i32>} : memref<1024xf32, #tpu.memory_space<vmem>>, vector<16xf32>,
    %swap3A_258 = vector.shape_cast %swap3A_257 : vector<16xf32> to vector<16xf32>
    %swap3A_259 = vector.shape_cast %broadcast_in_dim3A_48 : vector<16xf32> to vector<16xf32>
    tpu.vector_store %arg8[%swap3A_256], %swap3A_259 {strides = array<i32>} : memref<1024xf32, #tpu.memory_space<vmem>>, vector<16xf32>,
    %swap3A_260 = arith.constant 848 : index
    %swap3A_261 = tpu.vector_load %arg8[%swap3A_260] {strides = array<i32>} : memref<1024xf32, #tpu.memory_space<vmem>>, vector<16xf32>,
    %swap3A_262 = vector.shape_cast %swap3A_261 : vector<16xf32> to vector<16xf32>
    %swap3A_263 = vector.shape_cast %broadcast_in_dim3A_48 : vector<16xf32> to vector<16xf32>
    tpu.vector_store %arg8[%swap3A_260], %swap3A_263 {strides = array<i32>} : memref<1024xf32, #tpu.memory_space<vmem>>, vector<16xf32>,
    %swap3A_264 = arith.constant 864 : index
    %swap3A_265 = tpu.vector_load %arg8[%swap3A_264] {strides = array<i32>} : memref<1024xf32, #tpu.memory_space<vmem>>, vector<16xf32>,
    %swap3A_266 = vector.shape_cast %swap3A_265 : vector<16xf32> to vector<16xf32>
    %swap3A_267 = vector.shape_cast %broadcast_in_dim3A_48 : vector<16xf32> to vector<16xf32>
    tpu.vector_store %arg8[%swap3A_264], %swap3A_267 {strides = array<i32>} : memref<1024xf32, #tpu.memory_space<vmem>>, vector<16xf32>,
    %swap3A_268 = arith.constant 880 : index
    %swap3A_269 = tpu.vector_load %arg8[%swap3A_268] {strides = array<i32>} : memref<1024xf32, #tpu.memory_space<vmem>>, vector<16xf32>,
    %swap3A_270 = vector.shape_cast %swap3A_269 : vector<16xf32> to vector<16xf32>
    %swap3A_271 = vector.shape_cast %broadcast_in_dim3A_48 : vector<16xf32> to vector<16xf32>
    tpu.vector_store %arg8[%swap3A_268], %swap3A_271 {strides = array<i32>} : memref<1024xf32, #tpu.memory_space<vmem>>, vector<16xf32>,
    %swap3A_272 = arith.constant 896 : index
    %swap3A_273 = tpu.vector_load %arg8[%swap3A_272] {strides = array<i32>} : memref<1024xf32, #tpu.memory_space<vmem>>, vector<16xf32>,
    %swap3A_274 = vector.shape_cast %swap3A_273 : vector<16xf32> to vector<16xf32>
    %swap3A_275 = vector.shape_cast %broadcast_in_dim3A_48 : vector<16xf32> to vector<16xf32>
    tpu.vector_store %arg8[%swap3A_272], %swap3A_275 {strides = array<i32>} : memref<1024xf32, #tpu.memory_space<vmem>>, vector<16xf32>,
    %swap3A_276 = arith.constant 912 : index
    %swap3A_277 = tpu.vector_load %arg8[%swap3A_276] {strides = array<i32>} : memref<1024xf32, #tpu.memory_space<vmem>>, vector<16xf32>,
    %swap3A_278 = vector.shape_cast %swap3A_277 : vector<16xf32> to vector<16xf32>
    %swap3A_279 = vector.shape_cast %broadcast_in_dim3A_48 : vector<16xf32> to vector<16xf32>
    tpu.vector_store %arg8[%swap3A_276], %swap3A_279 {strides = array<i32>} : memref<1024xf32, #tpu.memory_space<vmem>>, vector<16xf32>,
    %swap3A_280 = arith.constant 928 : index
    %swap3A_281 = tpu.vector_load %arg8[%swap3A_280] {strides = array<i32>} : memref<1024xf32, #tpu.memory_space<vmem>>, vector<16xf32>,
    %swap3A_282 = vector.shape_cast %swap3A_281 : vector<16xf32> to vector<16xf32>
    %swap3A_283 = vector.shape_cast %broadcast_in_dim3A_48 : vector<16xf32> to vector<16xf32>
    tpu.vector_store %arg8[%swap3A_280], %swap3A_283 {strides = array<i32>} : memref<1024xf32, #tpu.memory_space<vmem>>, vector<16xf32>,
    %swap3A_284 = arith.constant 944 : index
    %swap3A_285 = tpu.vector_load %arg8[%swap3A_284] {strides = array<i32>} : memref<1024xf32, #tpu.memory_space<vmem>>, vector<16xf32>,
    %swap3A_286 = vector.shape_cast %swap3A_285 : vector<16xf32> to vector<16xf32>
    %swap3A_287 = vector.shape_cast %broadcast_in_dim3A_48 : vector<16xf32> to vector<16xf32>
    tpu.vector_store %arg8[%swap3A_284], %swap3A_287 {strides = array<i32>} : memref<1024xf32, #tpu.memory_space<vmem>>, vector<16xf32>,
    %swap3A_288 = arith.constant 960 : index
    %swap3A_289 = tpu.vector_load %arg8[%swap3A_288] {strides = array<i32>} : memref<1024xf32, #tpu.memory_space<vmem>>, vector<16xf32>,
    %swap3A_290 = vector.shape_cast %swap3A_289 : vector<16xf32> to vector<16xf32>
    %swap3A_291 = vector.shape_cast %broadcast_in_dim3A_48 : vector<16xf32> to vector<16xf32>
    tpu.vector_store %arg8[%swap3A_288], %swap3A_291 {strides = array<i32>} : memref<1024xf32, #tpu.memory_space<vmem>>, vector<16xf32>,
    %swap3A_292 = arith.constant 976 : index
    %swap3A_293 = tpu.vector_load %arg8[%swap3A_292] {strides = array<i32>} : memref<1024xf32, #tpu.memory_space<vmem>>, vector<16xf32>,
    %swap3A_294 = vector.shape_cast %swap3A_293 : vector<16xf32> to vector<16xf32>
    %swap3A_295 = vector.shape_cast %broadcast_in_dim3A_48 : vector<16xf32> to vector<16xf32>
    tpu.vector_store %arg8[%swap3A_292], %swap3A_295 {strides = array<i32>} : memref<1024xf32, #tpu.memory_space<vmem>>, vector<16xf32>,
    %swap3A_296 = arith.constant 992 : index
    %swap3A_297 = tpu.vector_load %arg8[%swap3A_296] {strides = array<i32>} : memref<1024xf32, #tpu.memory_space<vmem>>, vector<16xf32>,
    %swap3A_298 = vector.shape_cast %swap3A_297 : vector<16xf32> to vector<16xf32>
    %swap3A_299 = vector.shape_cast %broadcast_in_dim3A_48 : vector<16xf32> to vector<16xf32>
    tpu.vector_store %arg8[%swap3A_296], %swap3A_299 {strides = array<i32>} : memref<1024xf32, #tpu.memory_space<vmem>>, vector<16xf32>,
    %swap3A_300 = arith.constant 1008 : index
    %swap3A_301 = tpu.vector_load %arg8[%swap3A_300] {strides = array<i32>} : memref<1024xf32, #tpu.memory_space<vmem>>, vector<16xf32>,
    %swap3A_302 = vector.shape_cast %swap3A_301 : vector<16xf32> to vector<16xf32>
    %swap3A_303 = vector.shape_cast %broadcast_in_dim3A_48 : vector<16xf32> to vector<16xf32>
    tpu.vector_store %arg8[%swap3A_300], %swap3A_303 {strides = array<i32>} : memref<1024xf32, #tpu.memory_space<vmem>>, vector<16xf32>,
    "tpu.region"() ({
      %run_scoped3A = tpu.sem_alloc : memref<!tpu.dma_semaphore, #tpu.memory_space<semaphore_mem>>
      %dma_start3A_2385 = tpu.memref_slice %arg9[%mul3A_32] : memref<16384xf32, #tpu.memory_space<vmem_shared>> -> memref<1024xf32, #tpu.memory_space<vmem_shared>>
      %dma_start3A_2386 = tpu.memref_slice %arg9[%mul3A_32] : memref<16384xf32, #tpu.memory_space<vmem_shared>> -> memref<1024xf32, #tpu.memory_space<vmem_shared>>
      tpu.enqueue_dma source(%arg8 : memref<1024xf32, #tpu.memory_space<vmem>>) target(%dma_start3A_2386 : memref<1024xf32, #tpu.memory_space<vmem_shared>>) target_semaphore(%run_scoped3A : memref<!tpu.dma_semaphore, #tpu.memory_space<semaphore_mem>>)
      %dma_wait3A_2387 = tpu.memref_slice %arg9[%mul3A_32] : memref<16384xf32, #tpu.memory_space<vmem_shared>> -> memref<1024xf32, #tpu.memory_space<vmem_shared>>
      %dma_wait3A_2388 = tpu.memref_slice %arg9[%mul3A_32] : memref<16384xf32, #tpu.memory_space<vmem_shared>> -> memref<1024xf32, #tpu.memory_space<vmem_shared>>
      tpu.wait_dma2 semaphore(%run_scoped3A : memref<!tpu.dma_semaphore, #tpu.memory_space<semaphore_mem>>) src(%arg8 : memref<1024xf32, #tpu.memory_space<vmem>>) dst(%dma_wait3A_2388 : memref<1024xf32, #tpu.memory_space<vmem_shared>>)
      tpu.yield
    }) : () -> ()
    %dma_wait3A = arith.constant 0 : i32
    %dma_wait3A_304 = arith.constant 0 : i32
    %dma_wait3A_305 = tpu.memref_slice %arg4[%add3A, %dma_wait3A, %dma_wait3A_304] : memref<16x16x128xi32, #tpu.memory_space<hbm>> -> memref<1x16x128xi32, #tpu.memory_space<hbm>>
    %dma_wait3A_306 = tpu.memref_squeeze %dma_wait3A_305 : memref<1x16x128xi32, #tpu.memory_space<hbm>> -> memref<16x128xi32, #tpu.memory_space<hbm>>
    %dma_wait3A_307 = arith.constant 0 : i32
    %dma_wait3A_308 = arith.constant 0 : i32
    %dma_wait3A_309 = tpu.memref_slice %arg4[%add3A, %dma_wait3A_307, %dma_wait3A_308] : memref<16x16x128xi32, #tpu.memory_space<hbm>> -> memref<1x16x128xi32, #tpu.memory_space<hbm>>
    %dma_wait3A_310 = tpu.memref_squeeze %dma_wait3A_309 : memref<1x16x128xi32, #tpu.memory_space<hbm>> -> memref<16x128xi32, #tpu.memory_space<hbm>>
    tpu.wait_dma2 semaphore(%arg10 : memref<!tpu.dma_semaphore, #tpu.memory_space<semaphore_mem>>) src(%dma_wait3A_310 : memref<16x128xi32, #tpu.memory_space<hbm>>) dst(%arg7 : memref<16x128xi32, #tpu.memory_space<vmem>>)
    %dma_wait3A_311 = arith.constant 0 : i32
    %dma_wait3A_312 = arith.constant 0 : i32
    %dma_wait3A_313 = tpu.memref_slice %arg2[%add3A, %dma_wait3A_311, %dma_wait3A_312] : memref<16x16x128xf32, #tpu.memory_space<hbm>> -> memref<1x16x128xf32, #tpu.memory_space<hbm>>
    %dma_wait3A_314 = tpu.memref_squeeze %dma_wait3A_313 : memref<1x16x128xf32, #tpu.memory_space<hbm>> -> memref<16x128xf32, #tpu.memory_space<hbm>>
    %dma_wait3A_315 = arith.constant 0 : i32
    %dma_wait3A_316 = arith.constant 0 : i32
    %dma_wait3A_317 = tpu.memref_slice %arg2[%add3A, %dma_wait3A_315, %dma_wait3A_316] : memref<16x16x128xf32, #tpu.memory_space<hbm>> -> memref<1x16x128xf32, #tpu.memory_space<hbm>>
    %dma_wait3A_318 = tpu.memref_squeeze %dma_wait3A_317 : memref<1x16x128xf32, #tpu.memory_space<hbm>> -> memref<16x128xf32, #tpu.memory_space<hbm>>
    tpu.wait_dma2 semaphore(%arg11 : memref<!tpu.dma_semaphore, #tpu.memory_space<semaphore_mem>>) src(%dma_wait3A_318 : memref<16x128xf32, #tpu.memory_space<hbm>>) dst(%arg6 : memref<16x128xf32, #tpu.memory_space<vmem>>)
    %eq3A_319 = arith.constant 0 : i32
    %eq3A_320 = arith.cmpi eq, %select_n3A_30, %eq3A_319 : i32
    %convert_element_type3A_321 = arith.extui %eq3A_320 : i1 to i32
    %cond3A_322 = arith.constant 0 : i32
    %cond3A_323 = arith.cmpi ne, %convert_element_type3A_321, %cond3A_322 : i32
    scf.if %cond3A_323 {
      %get3A_2385 = arith.constant 0 : i32
      %get3A_2386 = arith.index_cast %get3A_2385 : i32 to index
      %get3A_2387 = arith.constant 0 : index
      %get3A_2388 = tpu.vector_load %arg6[%get3A_2386, %get3A_2387] {strides = array<i32>} : memref<16x128xf32, #tpu.memory_space<vmem>>, vector<1x16xf32>,
      %get3A_2389 = vector.shape_cast %get3A_2388 : vector<1x16xf32> to vector<16xf32>
      %max3A = arith.constant 0.000000e+00 : f32
      %max3A_2390 = vector.broadcast %max3A : f32 to vector<16xf32>
      %max3A_2391 = arith.maximumf %get3A_2389, %max3A_2390 : vector<16xf32>
      %swap3A_2392 = arith.constant 0 : i32
      %swap3A_2393 = arith.index_cast %swap3A_2392 : i32 to index
      %swap3A_2394 = arith.constant 0 : index
      %swap3A_2395 = tpu.vector_load %arg6[%swap3A_2393, %swap3A_2394] {strides = array<i32>} : memref<16x128xf32, #tpu.memory_space<vmem>>, vector<1x16xf32>,
      %swap3A_2396 = vector.shape_cast %swap3A_2395 : vector<1x16xf32> to vector<16xf32>
      %swap3A_2397 = vector.shape_cast %max3A_2391 : vector<16xf32> to vector<1x16xf32>
      tpu.vector_store %arg6[%swap3A_2393, %swap3A_2394], %swap3A_2397 {strides = array<i32>} : memref<16x128xf32, #tpu.memory_space<vmem>>, vector<1x16xf32>,
      %get3A_2398 = arith.constant 0 : i32
      %get3A_2399 = arith.index_cast %get3A_2398 : i32 to index
      %get3A_2400 = arith.constant 16 : index
      %get3A_2401 = tpu.vector_load %arg6[%get3A_2399, %get3A_2400] {strides = array<i32>} : memref<16x128xf32, #tpu.memory_space<vmem>>, vector<1x16xf32>,
      %get3A_2402 = vector.shape_cast %get3A_2401 : vector<1x16xf32> to vector<16xf32>
      %max3A_2403 = arith.constant 0.000000e+00 : f32
      %max3A_2404 = vector.broadcast %max3A_2403 : f32 to vector<16xf32>
      %max3A_2405 = arith.maximumf %get3A_2402, %max3A_2404 : vector<16xf32>
      %swap3A_2406 = arith.constant 0 : i32
      %swap3A_2407 = arith.index_cast %swap3A_2406 : i32 to index
      %swap3A_2408 = arith.constant 16 : index
      %swap3A_2409 = tpu.vector_load %arg6[%swap3A_2407, %swap3A_2408] {strides = array<i32>} : memref<16x128xf32, #tpu.memory_space<vmem>>, vector<1x16xf32>,
      %swap3A_2410 = vector.shape_cast %swap3A_2409 : vector<1x16xf32> to vector<16xf32>
      %swap3A_2411 = vector.shape_cast %max3A_2405 : vector<16xf32> to vector<1x16xf32>
      tpu.vector_store %arg6[%swap3A_2407, %swap3A_2408], %swap3A_2411 {strides = array<i32>} : memref<16x128xf32, #tpu.memory_space<vmem>>, vector<1x16xf32>,
      %get3A_2412 = arith.constant 0 : i32
      %get3A_2413 = arith.index_cast %get3A_2412 : i32 to index
      %get3A_2414 = arith.constant 32 : index
      %get3A_2415 = tpu.vector_load %arg6[%get3A_2413, %get3A_2414] {strides = array<i32>} : memref<16x128xf32, #tpu.memory_space<vmem>>, vector<1x16xf32>,
      %get3A_2416 = vector.shape_cast %get3A_2415 : vector<1x16xf32> to vector<16xf32>
      %max3A_2417 = arith.constant 0.000000e+00 : f32
      %max3A_2418 = vector.broadcast %max3A_2417 : f32 to vector<16xf32>
      %max3A_2419 = arith.maximumf %get3A_2416, %max3A_2418 : vector<16xf32>
      %swap3A_2420 = arith.constant 0 : i32
      %swap3A_2421 = arith.index_cast %swap3A_2420 : i32 to index
      %swap3A_2422 = arith.constant 32 : index
      %swap3A_2423 = tpu.vector_load %arg6[%swap3A_2421, %swap3A_2422] {strides = array<i32>} : memref<16x128xf32, #tpu.memory_space<vmem>>, vector<1x16xf32>,
      %swap3A_2424 = vector.shape_cast %swap3A_2423 : vector<1x16xf32> to vector<16xf32>
      %swap3A_2425 = vector.shape_cast %max3A_2419 : vector<16xf32> to vector<1x16xf32>
      tpu.vector_store %arg6[%swap3A_2421, %swap3A_2422], %swap3A_2425 {strides = array<i32>} : memref<16x128xf32, #tpu.memory_space<vmem>>, vector<1x16xf32>,
      %get3A_2426 = arith.constant 0 : i32
      %get3A_2427 = arith.index_cast %get3A_2426 : i32 to index
      %get3A_2428 = arith.constant 48 : index
      %get3A_2429 = tpu.vector_load %arg6[%get3A_2427, %get3A_2428] {strides = array<i32>} : memref<16x128xf32, #tpu.memory_space<vmem>>, vector<1x16xf32>,
      %get3A_2430 = vector.shape_cast %get3A_2429 : vector<1x16xf32> to vector<16xf32>
      %max3A_2431 = arith.constant 0.000000e+00 : f32
      %max3A_2432 = vector.broadcast %max3A_2431 : f32 to vector<16xf32>
      %max3A_2433 = arith.maximumf %get3A_2430, %max3A_2432 : vector<16xf32>
      %swap3A_2434 = arith.constant 0 : i32
      %swap3A_2435 = arith.index_cast %swap3A_2434 : i32 to index
      %swap3A_2436 = arith.constant 48 : index
      %swap3A_2437 = tpu.vector_load %arg6[%swap3A_2435, %swap3A_2436] {strides = array<i32>} : memref<16x128xf32, #tpu.memory_space<vmem>>, vector<1x16xf32>,
      %swap3A_2438 = vector.shape_cast %swap3A_2437 : vector<1x16xf32> to vector<16xf32>
      %swap3A_2439 = vector.shape_cast %max3A_2433 : vector<16xf32> to vector<1x16xf32>
      tpu.vector_store %arg6[%swap3A_2435, %swap3A_2436], %swap3A_2439 {strides = array<i32>} : memref<16x128xf32, #tpu.memory_space<vmem>>, vector<1x16xf32>,
      %get3A_2440 = arith.constant 0 : i32
      %get3A_2441 = arith.index_cast %get3A_2440 : i32 to index
      %get3A_2442 = arith.constant 64 : index
      %get3A_2443 = tpu.vector_load %arg6[%get3A_2441, %get3A_2442] {strides = array<i32>} : memref<16x128xf32, #tpu.memory_space<vmem>>, vector<1x16xf32>,
      %get3A_2444 = vector.shape_cast %get3A_2443 : vector<1x16xf32> to vector<16xf32>
      %max3A_2445 = arith.constant 0.000000e+00 : f32
      %max3A_2446 = vector.broadcast %max3A_2445 : f32 to vector<16xf32>
      %max3A_2447 = arith.maximumf %get3A_2444, %max3A_2446 : vector<16xf32>
      %swap3A_2448 = arith.constant 0 : i32
      %swap3A_2449 = arith.index_cast %swap3A_2448 : i32 to index
      %swap3A_2450 = arith.constant 64 : index
      %swap3A_2451 = tpu.vector_load %arg6[%swap3A_2449, %swap3A_2450] {strides = array<i32>} : memref<16x128xf32, #tpu.memory_space<vmem>>, vector<1x16xf32>,
      %swap3A_2452 = vector.shape_cast %swap3A_2451 : vector<1x16xf32> to vector<16xf32>
      %swap3A_2453 = vector.shape_cast %max3A_2447 : vector<16xf32> to vector<1x16xf32>
      tpu.vector_store %arg6[%swap3A_2449, %swap3A_2450], %swap3A_2453 {strides = array<i32>} : memref<16x128xf32, #tpu.memory_space<vmem>>, vector<1x16xf32>,
      %get3A_2454 = arith.constant 0 : i32
      %get3A_2455 = arith.index_cast %get3A_2454 : i32 to index
      %get3A_2456 = arith.constant 80 : index
      %get3A_2457 = tpu.vector_load %arg6[%get3A_2455, %get3A_2456] {strides = array<i32>} : memref<16x128xf32, #tpu.memory_space<vmem>>, vector<1x16xf32>,
      %get3A_2458 = vector.shape_cast %get3A_2457 : vector<1x16xf32> to vector<16xf32>
      %max3A_2459 = arith.constant 0.000000e+00 : f32
      %max3A_2460 = vector.broadcast %max3A_2459 : f32 to vector<16xf32>
      %max3A_2461 = arith.maximumf %get3A_2458, %max3A_2460 : vector<16xf32>
      %swap3A_2462 = arith.constant 0 : i32
      %swap3A_2463 = arith.index_cast %swap3A_2462 : i32 to index
      %swap3A_2464 = arith.constant 80 : index
      %swap3A_2465 = tpu.vector_load %arg6[%swap3A_2463, %swap3A_2464] {strides = array<i32>} : memref<16x128xf32, #tpu.memory_space<vmem>>, vector<1x16xf32>,
      %swap3A_2466 = vector.shape_cast %swap3A_2465 : vector<1x16xf32> to vector<16xf32>
      %swap3A_2467 = vector.shape_cast %max3A_2461 : vector<16xf32> to vector<1x16xf32>
      tpu.vector_store %arg6[%swap3A_2463, %swap3A_2464], %swap3A_2467 {strides = array<i32>} : memref<16x128xf32, #tpu.memory_space<vmem>>, vector<1x16xf32>,
      %get3A_2468 = arith.constant 0 : i32
      %get3A_2469 = arith.index_cast %get3A_2468 : i32 to index
      %get3A_2470 = arith.constant 96 : index
      %get3A_2471 = tpu.vector_load %arg6[%get3A_2469, %get3A_2470] {strides = array<i32>} : memref<16x128xf32, #tpu.memory_space<vmem>>, vector<1x16xf32>,
      %get3A_2472 = vector.shape_cast %get3A_2471 : vector<1x16xf32> to vector<16xf32>
      %max3A_2473 = arith.constant 0.000000e+00 : f32
      %max3A_2474 = vector.broadcast %max3A_2473 : f32 to vector<16xf32>
      %max3A_2475 = arith.maximumf %get3A_2472, %max3A_2474 : vector<16xf32>
      %swap3A_2476 = arith.constant 0 : i32
      %swap3A_2477 = arith.index_cast %swap3A_2476 : i32 to index
      %swap3A_2478 = arith.constant 96 : index
      %swap3A_2479 = tpu.vector_load %arg6[%swap3A_2477, %swap3A_2478] {strides = array<i32>} : memref<16x128xf32, #tpu.memory_space<vmem>>, vector<1x16xf32>,
      %swap3A_2480 = vector.shape_cast %swap3A_2479 : vector<1x16xf32> to vector<16xf32>
      %swap3A_2481 = vector.shape_cast %max3A_2475 : vector<16xf32> to vector<1x16xf32>
      tpu.vector_store %arg6[%swap3A_2477, %swap3A_2478], %swap3A_2481 {strides = array<i32>} : memref<16x128xf32, #tpu.memory_space<vmem>>, vector<1x16xf32>,
      %get3A_2482 = arith.constant 0 : i32
      %get3A_2483 = arith.index_cast %get3A_2482 : i32 to index
      %get3A_2484 = arith.constant 112 : index
      %get3A_2485 = tpu.vector_load %arg6[%get3A_2483, %get3A_2484] {strides = array<i32>} : memref<16x128xf32, #tpu.memory_space<vmem>>, vector<1x16xf32>,
      %get3A_2486 = vector.shape_cast %get3A_2485 : vector<1x16xf32> to vector<16xf32>
      %max3A_2487 = arith.constant 0.000000e+00 : f32
      %max3A_2488 = vector.broadcast %max3A_2487 : f32 to vector<16xf32>
      %max3A_2489 = arith.maximumf %get3A_2486, %max3A_2488 : vector<16xf32>
      %swap3A_2490 = arith.constant 0 : i32
      %swap3A_2491 = arith.index_cast %swap3A_2490 : i32 to index
      %swap3A_2492 = arith.constant 112 : index
      %swap3A_2493 = tpu.vector_load %arg6[%swap3A_2491, %swap3A_2492] {strides = array<i32>} : memref<16x128xf32, #tpu.memory_space<vmem>>, vector<1x16xf32>,
      %swap3A_2494 = vector.shape_cast %swap3A_2493 : vector<1x16xf32> to vector<16xf32>
      %swap3A_2495 = vector.shape_cast %max3A_2489 : vector<16xf32> to vector<1x16xf32>
      tpu.vector_store %arg6[%swap3A_2491, %swap3A_2492], %swap3A_2495 {strides = array<i32>} : memref<16x128xf32, #tpu.memory_space<vmem>>, vector<1x16xf32>,
    } else {
    }
    %get3A = arith.constant 0 : i32
    %get3A_324 = arith.index_cast %get3A : i32 to index
    %get3A_325 = arith.constant 0 : index
    %get3A_326 = tpu.vector_load %arg7[%get3A_324, %get3A_325] {strides = array<i32>} : memref<16x128xi32, #tpu.memory_space<vmem>>, vector<1x16xi32>,
    %get3A_327 = vector.shape_cast %get3A_326 : vector<1x16xi32> to vector<16xi32>
    %add3A_328 = vector.broadcast %mul3A_32 : i32 to vector<16xi32>
    %add3A_329 = arith.addi %get3A_327, %add3A_328 : vector<16xi32>
    %swap3A_330 = arith.constant 0 : i32
    %swap3A_331 = arith.index_cast %swap3A_330 : i32 to index
    %swap3A_332 = arith.constant 0 : index
    %swap3A_333 = tpu.vector_load %arg7[%swap3A_331, %swap3A_332] {strides = array<i32>} : memref<16x128xi32, #tpu.memory_space<vmem>>, vector<1x16xi32>,
    %swap3A_334 = vector.shape_cast %swap3A_333 : vector<1x16xi32> to vector<16xi32>
    %swap3A_335 = vector.shape_cast %add3A_329 : vector<16xi32> to vector<1x16xi32>
    tpu.vector_store %arg7[%swap3A_331, %swap3A_332], %swap3A_335 {strides = array<i32>} : memref<16x128xi32, #tpu.memory_space<vmem>>, vector<1x16xi32>,
    %get3A_336 = arith.constant 0 : i32
    %get3A_337 = arith.index_cast %get3A_336 : i32 to index
    %get3A_338 = arith.constant 16 : index
    %get3A_339 = tpu.vector_load %arg7[%get3A_337, %get3A_338] {strides = array<i32>} : memref<16x128xi32, #tpu.memory_space<vmem>>, vector<1x16xi32>,
    %get3A_340 = vector.shape_cast %get3A_339 : vector<1x16xi32> to vector<16xi32>
    %add3A_341 = vector.broadcast %mul3A_32 : i32 to vector<16xi32>
    %add3A_342 = arith.addi %get3A_340, %add3A_341 : vector<16xi32>
    %swap3A_343 = arith.constant 0 : i32
    %swap3A_344 = arith.index_cast %swap3A_343 : i32 to index
    %swap3A_345 = arith.constant 16 : index
    %swap3A_346 = tpu.vector_load %arg7[%swap3A_344, %swap3A_345] {strides = array<i32>} : memref<16x128xi32, #tpu.memory_space<vmem>>, vector<1x16xi32>,
    %swap3A_347 = vector.shape_cast %swap3A_346 : vector<1x16xi32> to vector<16xi32>
    %swap3A_348 = vector.shape_cast %add3A_342 : vector<16xi32> to vector<1x16xi32>
    tpu.vector_store %arg7[%swap3A_344, %swap3A_345], %swap3A_348 {strides = array<i32>} : memref<16x128xi32, #tpu.memory_space<vmem>>, vector<1x16xi32>,
    %get3A_349 = arith.constant 0 : i32
    %get3A_350 = arith.index_cast %get3A_349 : i32 to index
    %get3A_351 = arith.constant 32 : index
    %get3A_352 = tpu.vector_load %arg7[%get3A_350, %get3A_351] {strides = array<i32>} : memref<16x128xi32, #tpu.memory_space<vmem>>, vector<1x16xi32>,
    %get3A_353 = vector.shape_cast %get3A_352 : vector<1x16xi32> to vector<16xi32>
    %add3A_354 = vector.broadcast %mul3A_32 : i32 to vector<16xi32>
    %add3A_355 = arith.addi %get3A_353, %add3A_354 : vector<16xi32>
    %swap3A_356 = arith.constant 0 : i32
    %swap3A_357 = arith.index_cast %swap3A_356 : i32 to index
    %swap3A_358 = arith.constant 32 : index
    %swap3A_359 = tpu.vector_load %arg7[%swap3A_357, %swap3A_358] {strides = array<i32>} : memref<16x128xi32, #tpu.memory_space<vmem>>, vector<1x16xi32>,
    %swap3A_360 = vector.shape_cast %swap3A_359 : vector<1x16xi32> to vector<16xi32>
    %swap3A_361 = vector.shape_cast %add3A_355 : vector<16xi32> to vector<1x16xi32>
    tpu.vector_store %arg7[%swap3A_357, %swap3A_358], %swap3A_361 {strides = array<i32>} : memref<16x128xi32, #tpu.memory_space<vmem>>, vector<1x16xi32>,
    %get3A_362 = arith.constant 0 : i32
    %get3A_363 = arith.index_cast %get3A_362 : i32 to index
    %get3A_364 = arith.constant 48 : index
    %get3A_365 = tpu.vector_load %arg7[%get3A_363, %get3A_364] {strides = array<i32>} : memref<16x128xi32, #tpu.memory_space<vmem>>, vector<1x16xi32>,
    %get3A_366 = vector.shape_cast %get3A_365 : vector<1x16xi32> to vector<16xi32>
    %add3A_367 = vector.broadcast %mul3A_32 : i32 to vector<16xi32>
    %add3A_368 = arith.addi %get3A_366, %add3A_367 : vector<16xi32>
    %swap3A_369 = arith.constant 0 : i32
    %swap3A_370 = arith.index_cast %swap3A_369 : i32 to index
    %swap3A_371 = arith.constant 48 : index
    %swap3A_372 = tpu.vector_load %arg7[%swap3A_370, %swap3A_371] {strides = array<i32>} : memref<16x128xi32, #tpu.memory_space<vmem>>, vector<1x16xi32>,
    %swap3A_373 = vector.shape_cast %swap3A_372 : vector<1x16xi32> to vector<16xi32>
    %swap3A_374 = vector.shape_cast %add3A_368 : vector<16xi32> to vector<1x16xi32>
    tpu.vector_store %arg7[%swap3A_370, %swap3A_371], %swap3A_374 {strides = array<i32>} : memref<16x128xi32, #tpu.memory_space<vmem>>, vector<1x16xi32>,
    %get3A_375 = arith.constant 0 : i32
    %get3A_376 = arith.index_cast %get3A_375 : i32 to index
    %get3A_377 = arith.constant 64 : index
    %get3A_378 = tpu.vector_load %arg7[%get3A_376, %get3A_377] {strides = array<i32>} : memref<16x128xi32, #tpu.memory_space<vmem>>, vector<1x16xi32>,
    %get3A_379 = vector.shape_cast %get3A_378 : vector<1x16xi32> to vector<16xi32>
    %add3A_380 = vector.broadcast %mul3A_32 : i32 to vector<16xi32>
    %add3A_381 = arith.addi %get3A_379, %add3A_380 : vector<16xi32>
    %swap3A_382 = arith.constant 0 : i32
    %swap3A_383 = arith.index_cast %swap3A_382 : i32 to index
    %swap3A_384 = arith.constant 64 : index
    %swap3A_385 = tpu.vector_load %arg7[%swap3A_383, %swap3A_384] {strides = array<i32>} : memref<16x128xi32, #tpu.memory_space<vmem>>, vector<1x16xi32>,
    %swap3A_386 = vector.shape_cast %swap3A_385 : vector<1x16xi32> to vector<16xi32>
    %swap3A_387 = vector.shape_cast %add3A_381 : vector<16xi32> to vector<1x16xi32>
    tpu.vector_store %arg7[%swap3A_383, %swap3A_384], %swap3A_387 {strides = array<i32>} : memref<16x128xi32, #tpu.memory_space<vmem>>, vector<1x16xi32>,
    %get3A_388 = arith.constant 0 : i32
    %get3A_389 = arith.index_cast %get3A_388 : i32 to index
    %get3A_390 = arith.constant 80 : index
    %get3A_391 = tpu.vector_load %arg7[%get3A_389, %get3A_390] {strides = array<i32>} : memref<16x128xi32, #tpu.memory_space<vmem>>, vector<1x16xi32>,
    %get3A_392 = vector.shape_cast %get3A_391 : vector<1x16xi32> to vector<16xi32>
    %add3A_393 = vector.broadcast %mul3A_32 : i32 to vector<16xi32>
    %add3A_394 = arith.addi %get3A_392, %add3A_393 : vector<16xi32>
    %swap3A_395 = arith.constant 0 : i32
    %swap3A_396 = arith.index_cast %swap3A_395 : i32 to index
    %swap3A_397 = arith.constant 80 : index
    %swap3A_398 = tpu.vector_load %arg7[%swap3A_396, %swap3A_397] {strides = array<i32>} : memref<16x128xi32, #tpu.memory_space<vmem>>, vector<1x16xi32>,
    %swap3A_399 = vector.shape_cast %swap3A_398 : vector<1x16xi32> to vector<16xi32>
    %swap3A_400 = vector.shape_cast %add3A_394 : vector<16xi32> to vector<1x16xi32>
    tpu.vector_store %arg7[%swap3A_396, %swap3A_397], %swap3A_400 {strides = array<i32>} : memref<16x128xi32, #tpu.memory_space<vmem>>, vector<1x16xi32>,
    %get3A_401 = arith.constant 0 : i32
    %get3A_402 = arith.index_cast %get3A_401 : i32 to index
    %get3A_403 = arith.constant 96 : index
    %get3A_404 = tpu.vector_load %arg7[%get3A_402, %get3A_403] {strides = array<i32>} : memref<16x128xi32, #tpu.memory_space<vmem>>, vector<1x16xi32>,
    %get3A_405 = vector.shape_cast %get3A_404 : vector<1x16xi32> to vector<16xi32>
    %add3A_406 = vector.broadcast %mul3A_32 : i32 to vector<16xi32>
    %add3A_407 = arith.addi %get3A_405, %add3A_406 : vector<16xi32>
    %swap3A_408 = arith.constant 0 : i32
    %swap3A_409 = arith.index_cast %swap3A_408 : i32 to index
    %swap3A_410 = arith.constant 96 : index
    %swap3A_411 = tpu.vector_load %arg7[%swap3A_409, %swap3A_410] {strides = array<i32>} : memref<16x128xi32, #tpu.memory_space<vmem>>, vector<1x16xi32>,
    %swap3A_412 = vector.shape_cast %swap3A_411 : vector<1x16xi32> to vector<16xi32>
    %swap3A_413 = vector.shape_cast %add3A_407 : vector<16xi32> to vector<1x16xi32>
    tpu.vector_store %arg7[%swap3A_409, %swap3A_410], %swap3A_413 {strides = array<i32>} : memref<16x128xi32, #tpu.memory_space<vmem>>, vector<1x16xi32>,
    %get3A_414 = arith.constant 0 : i32
    %get3A_415 = arith.index_cast %get3A_414 : i32 to index
    %get3A_416 = arith.constant 112 : index
    %get3A_417 = tpu.vector_load %arg7[%get3A_415, %get3A_416] {strides = array<i32>} : memref<16x128xi32, #tpu.memory_space<vmem>>, vector<1x16xi32>,
    %get3A_418 = vector.shape_cast %get3A_417 : vector<1x16xi32> to vector<16xi32>
    %add3A_419 = vector.broadcast %mul3A_32 : i32 to vector<16xi32>
    %add3A_420 = arith.addi %get3A_418, %add3A_419 : vector<16xi32>
    %swap3A_421 = arith.constant 0 : i32
    %swap3A_422 = arith.index_cast %swap3A_421 : i32 to index
    %swap3A_423 = arith.constant 112 : index
    %swap3A_424 = tpu.vector_load %arg7[%swap3A_422, %swap3A_423] {strides = array<i32>} : memref<16x128xi32, #tpu.memory_space<vmem>>, vector<1x16xi32>,
    %swap3A_425 = vector.shape_cast %swap3A_424 : vector<1x16xi32> to vector<16xi32>
    %swap3A_426 = vector.shape_cast %add3A_420 : vector<16xi32> to vector<1x16xi32>
    tpu.vector_store %arg7[%swap3A_422, %swap3A_423], %swap3A_426 {strides = array<i32>} : memref<16x128xi32, #tpu.memory_space<vmem>>, vector<1x16xi32>,
    %dma_start3A_427 = arith.constant 0 : i32
    %dma_start3A_428 = arith.constant 0 : i32
    %dma_start3A_429 = arith.constant 0 : i32
    %dma_start3A_430 = tpu.memref_slice %arg6[%dma_start3A_427, %dma_start3A_429] : memref<16x128xf32, #tpu.memory_space<vmem>> -> memref<1x128xf32, #tpu.memory_space<vmem>>
    %dma_start3A_431 = tpu.memref_squeeze %dma_start3A_430 : memref<1x128xf32, #tpu.memory_space<vmem>> -> memref<128xf32, #tpu.memory_space<vmem>>
    %dma_start3A_432 = arith.constant 0 : i32
    %dma_start3A_433 = tpu.memref_slice %arg7[%dma_start3A_428, %dma_start3A_432] : memref<16x128xi32, #tpu.memory_space<vmem>> -> memref<1x128xi32, #tpu.memory_space<vmem>>
    %dma_start3A_434 = tpu.memref_squeeze %dma_start3A_433 : memref<1x128xi32, #tpu.memory_space<vmem>> -> memref<128xi32, #tpu.memory_space<vmem>>
    %dma_start3A_435 = arith.constant 0 : i32
    %dma_start3A_436 = tpu.memref_slice %arg9[%dma_start3A_435] : memref<16384xf32, #tpu.memory_space<vmem_shared>> -> memref<16384xf32, #tpu.memory_space<vmem_shared>>
    tpu.enqueue_indirect_dma source(%dma_start3A_431 : memref<128xf32, #tpu.memory_space<vmem>>) target(%dma_start3A_436 : memref<16384xf32, #tpu.memory_space<vmem_shared>>) offsets(%dma_start3A_434 : memref<128xi32, #tpu.memory_space<vmem>>) semaphore(%arg12 : memref<!tpu.dma_semaphore, #tpu.memory_space<semaphore_mem>>) {add = true}
    %eq3A_437 = arith.constant 0 : i32
    %eq3A_438 = arith.cmpi eq, %select_n3A_30, %eq3A_437 : i32
    %convert_element_type3A_439 = arith.extui %eq3A_438 : i1 to i32
    %cond3A_440 = arith.constant 0 : i32
    %cond3A_441 = arith.cmpi ne, %convert_element_type3A_439, %cond3A_440 : i32
    scf.if %cond3A_441 {
      %get3A_2385 = arith.constant 1 : i32
      %get3A_2386 = arith.index_cast %get3A_2385 : i32 to index
      %get3A_2387 = arith.constant 0 : index
      %get3A_2388 = tpu.vector_load %arg6[%get3A_2386, %get3A_2387] {strides = array<i32>} : memref<16x128xf32, #tpu.memory_space<vmem>>, vector<1x16xf32>,
      %get3A_2389 = vector.shape_cast %get3A_2388 : vector<1x16xf32> to vector<16xf32>
      %max3A = arith.constant 0.000000e+00 : f32
      %max3A_2390 = vector.broadcast %max3A : f32 to vector<16xf32>
      %max3A_2391 = arith.maximumf %get3A_2389, %max3A_2390 : vector<16xf32>
      %swap3A_2392 = arith.constant 1 : i32
      %swap3A_2393 = arith.index_cast %swap3A_2392 : i32 to index
      %swap3A_2394 = arith.constant 0 : index
      %swap3A_2395 = tpu.vector_load %arg6[%swap3A_2393, %swap3A_2394] {strides = array<i32>} : memref<16x128xf32, #tpu.memory_space<vmem>>, vector<1x16xf32>,
      %swap3A_2396 = vector.shape_cast %swap3A_2395 : vector<1x16xf32> to vector<16xf32>
      %swap3A_2397 = vector.shape_cast %max3A_2391 : vector<16xf32> to vector<1x16xf32>
      tpu.vector_store %arg6[%swap3A_2393, %swap3A_2394], %swap3A_2397 {strides = array<i32>} : memref<16x128xf32, #tpu.memory_space<vmem>>, vector<1x16xf32>,
      %get3A_2398 = arith.constant 1 : i32
      %get3A_2399 = arith.index_cast %get3A_2398 : i32 to index
      %get3A_2400 = arith.constant 16 : index
      %get3A_2401 = tpu.vector_load %arg6[%get3A_2399, %get3A_2400] {strides = array<i32>} : memref<16x128xf32, #tpu.memory_space<vmem>>, vector<1x16xf32>,
      %get3A_2402 = vector.shape_cast %get3A_2401 : vector<1x16xf32> to vector<16xf32>
      %max3A_2403 = arith.constant 0.000000e+00 : f32
      %max3A_2404 = vector.broadcast %max3A_2403 : f32 to vector<16xf32>
      %max3A_2405 = arith.maximumf %get3A_2402, %max3A_2404 : vector<16xf32>
      %swap3A_2406 = arith.constant 1 : i32
      %swap3A_2407 = arith.index_cast %swap3A_2406 : i32 to index
      %swap3A_2408 = arith.constant 16 : index
      %swap3A_2409 = tpu.vector_load %arg6[%swap3A_2407, %swap3A_2408] {strides = array<i32>} : memref<16x128xf32, #tpu.memory_space<vmem>>, vector<1x16xf32>,
      %swap3A_2410 = vector.shape_cast %swap3A_2409 : vector<1x16xf32> to vector<16xf32>
      %swap3A_2411 = vector.shape_cast %max3A_2405 : vector<16xf32> to vector<1x16xf32>
      tpu.vector_store %arg6[%swap3A_2407, %swap3A_2408], %swap3A_2411 {strides = array<i32>} : memref<16x128xf32, #tpu.memory_space<vmem>>, vector<1x16xf32>,
      %get3A_2412 = arith.constant 1 : i32
      %get3A_2413 = arith.index_cast %get3A_2412 : i32 to index
      %get3A_2414 = arith.constant 32 : index
      %get3A_2415 = tpu.vector_load %arg6[%get3A_2413, %get3A_2414] {strides = array<i32>} : memref<16x128xf32, #tpu.memory_space<vmem>>, vector<1x16xf32>,
      %get3A_2416 = vector.shape_cast %get3A_2415 : vector<1x16xf32> to vector<16xf32>
      %max3A_2417 = arith.constant 0.000000e+00 : f32
      %max3A_2418 = vector.broadcast %max3A_2417 : f32 to vector<16xf32>
      %max3A_2419 = arith.maximumf %get3A_2416, %max3A_2418 : vector<16xf32>
      %swap3A_2420 = arith.constant 1 : i32
      %swap3A_2421 = arith.index_cast %swap3A_2420 : i32 to index
      %swap3A_2422 = arith.constant 32 : index
      %swap3A_2423 = tpu.vector_load %arg6[%swap3A_2421, %swap3A_2422] {strides = array<i32>} : memref<16x128xf32, #tpu.memory_space<vmem>>, vector<1x16xf32>,
      %swap3A_2424 = vector.shape_cast %swap3A_2423 : vector<1x16xf32> to vector<16xf32>
      %swap3A_2425 = vector.shape_cast %max3A_2419 : vector<16xf32> to vector<1x16xf32>
      tpu.vector_store %arg6[%swap3A_2421, %swap3A_2422], %swap3A_2425 {strides = array<i32>} : memref<16x128xf32, #tpu.memory_space<vmem>>, vector<1x16xf32>,
      %get3A_2426 = arith.constant 1 : i32
      %get3A_2427 = arith.index_cast %get3A_2426 : i32 to index
      %get3A_2428 = arith.constant 48 : index
      %get3A_2429 = tpu.vector_load %arg6[%get3A_2427, %get3A_2428] {strides = array<i32>} : memref<16x128xf32, #tpu.memory_space<vmem>>, vector<1x16xf32>,
      %get3A_2430 = vector.shape_cast %get3A_2429 : vector<1x16xf32> to vector<16xf32>
      %max3A_2431 = arith.constant 0.000000e+00 : f32
      %max3A_2432 = vector.broadcast %max3A_2431 : f32 to vector<16xf32>
      %max3A_2433 = arith.maximumf %get3A_2430, %max3A_2432 : vector<16xf32>
      %swap3A_2434 = arith.constant 1 : i32
      %swap3A_2435 = arith.index_cast %swap3A_2434 : i32 to index
      %swap3A_2436 = arith.constant 48 : index
      %swap3A_2437 = tpu.vector_load %arg6[%swap3A_2435, %swap3A_2436] {strides = array<i32>} : memref<16x128xf32, #tpu.memory_space<vmem>>, vector<1x16xf32>,
      %swap3A_2438 = vector.shape_cast %swap3A_2437 : vector<1x16xf32> to vector<16xf32>
      %swap3A_2439 = vector.shape_cast %max3A_2433 : vector<16xf32> to vector<1x16xf32>
      tpu.vector_store %arg6[%swap3A_2435, %swap3A_2436], %swap3A_2439 {strides = array<i32>} : memref<16x128xf32, #tpu.memory_space<vmem>>, vector<1x16xf32>,
      %get3A_2440 = arith.constant 1 : i32
      %get3A_2441 = arith.index_cast %get3A_2440 : i32 to index
      %get3A_2442 = arith.constant 64 : index
      %get3A_2443 = tpu.vector_load %arg6[%get3A_2441, %get3A_2442] {strides = array<i32>} : memref<16x128xf32, #tpu.memory_space<vmem>>, vector<1x16xf32>,
      %get3A_2444 = vector.shape_cast %get3A_2443 : vector<1x16xf32> to vector<16xf32>
      %max3A_2445 = arith.constant 0.000000e+00 : f32
      %max3A_2446 = vector.broadcast %max3A_2445 : f32 to vector<16xf32>
      %max3A_2447 = arith.maximumf %get3A_2444, %max3A_2446 : vector<16xf32>
      %swap3A_2448 = arith.constant 1 : i32
      %swap3A_2449 = arith.index_cast %swap3A_2448 : i32 to index
      %swap3A_2450 = arith.constant 64 : index
      %swap3A_2451 = tpu.vector_load %arg6[%swap3A_2449, %swap3A_2450] {strides = array<i32>} : memref<16x128xf32, #tpu.memory_space<vmem>>, vector<1x16xf32>,
      %swap3A_2452 = vector.shape_cast %swap3A_2451 : vector<1x16xf32> to vector<16xf32>
      %swap3A_2453 = vector.shape_cast %max3A_2447 : vector<16xf32> to vector<1x16xf32>
      tpu.vector_store %arg6[%swap3A_2449, %swap3A_2450], %swap3A_2453 {strides = array<i32>} : memref<16x128xf32, #tpu.memory_space<vmem>>, vector<1x16xf32>,
      %get3A_2454 = arith.constant 1 : i32
      %get3A_2455 = arith.index_cast %get3A_2454 : i32 to index
      %get3A_2456 = arith.constant 80 : index
      %get3A_2457 = tpu.vector_load %arg6[%get3A_2455, %get3A_2456] {strides = array<i32>} : memref<16x128xf32, #tpu.memory_space<vmem>>, vector<1x16xf32>,
      %get3A_2458 = vector.shape_cast %get3A_2457 : vector<1x16xf32> to vector<16xf32>
      %max3A_2459 = arith.constant 0.000000e+00 : f32
      %max3A_2460 = vector.broadcast %max3A_2459 : f32 to vector<16xf32>
      %max3A_2461 = arith.maximumf %get3A_2458, %max3A_2460 : vector<16xf32>
      %swap3A_2462 = arith.constant 1 : i32
      %swap3A_2463 = arith.index_cast %swap3A_2462 : i32 to index
      %swap3A_2464 = arith.constant 80 : index
      %swap3A_2465 = tpu.vector_load %arg6[%swap3A_2463, %swap3A_2464] {strides = array<i32>} : memref<16x128xf32, #tpu.memory_space<vmem>>, vector<1x16xf32>,
      %swap3A_2466 = vector.shape_cast %swap3A_2465 : vector<1x16xf32> to vector<16xf32>
      %swap3A_2467 = vector.shape_cast %max3A_2461 : vector<16xf32> to vector<1x16xf32>
      tpu.vector_store %arg6[%swap3A_2463, %swap3A_2464], %swap3A_2467 {strides = array<i32>} : memref<16x128xf32, #tpu.memory_space<vmem>>, vector<1x16xf32>,
      %get3A_2468 = arith.constant 1 : i32
      %get3A_2469 = arith.index_cast %get3A_2468 : i32 to index
      %get3A_2470 = arith.constant 96 : index
      %get3A_2471 = tpu.vector_load %arg6[%get3A_2469, %get3A_2470] {strides = array<i32>} : memref<16x128xf32, #tpu.memory_space<vmem>>, vector<1x16xf32>,
      %get3A_2472 = vector.shape_cast %get3A_2471 : vector<1x16xf32> to vector<16xf32>
      %max3A_2473 = arith.constant 0.000000e+00 : f32
      %max3A_2474 = vector.broadcast %max3A_2473 : f32 to vector<16xf32>
      %max3A_2475 = arith.maximumf %get3A_2472, %max3A_2474 : vector<16xf32>
      %swap3A_2476 = arith.constant 1 : i32
      %swap3A_2477 = arith.index_cast %swap3A_2476 : i32 to index
      %swap3A_2478 = arith.constant 96 : index
      %swap3A_2479 = tpu.vector_load %arg6[%swap3A_2477, %swap3A_2478] {strides = array<i32>} : memref<16x128xf32, #tpu.memory_space<vmem>>, vector<1x16xf32>,
      %swap3A_2480 = vector.shape_cast %swap3A_2479 : vector<1x16xf32> to vector<16xf32>
      %swap3A_2481 = vector.shape_cast %max3A_2475 : vector<16xf32> to vector<1x16xf32>
      tpu.vector_store %arg6[%swap3A_2477, %swap3A_2478], %swap3A_2481 {strides = array<i32>} : memref<16x128xf32, #tpu.memory_space<vmem>>, vector<1x16xf32>,
      %get3A_2482 = arith.constant 1 : i32
      %get3A_2483 = arith.index_cast %get3A_2482 : i32 to index
      %get3A_2484 = arith.constant 112 : index
      %get3A_2485 = tpu.vector_load %arg6[%get3A_2483, %get3A_2484] {strides = array<i32>} : memref<16x128xf32, #tpu.memory_space<vmem>>, vector<1x16xf32>,
      %get3A_2486 = vector.shape_cast %get3A_2485 : vector<1x16xf32> to vector<16xf32>
      %max3A_2487 = arith.constant 0.000000e+00 : f32
      %max3A_2488 = vector.broadcast %max3A_2487 : f32 to vector<16xf32>
      %max3A_2489 = arith.maximumf %get3A_2486, %max3A_2488 : vector<16xf32>
      %swap3A_2490 = arith.constant 1 : i32
      %swap3A_2491 = arith.index_cast %swap3A_2490 : i32 to index
      %swap3A_2492 = arith.constant 112 : index
      %swap3A_2493 = tpu.vector_load %arg6[%swap3A_2491, %swap3A_2492] {strides = array<i32>} : memref<16x128xf32, #tpu.memory_space<vmem>>, vector<1x16xf32>,
      %swap3A_2494 = vector.shape_cast %swap3A_2493 : vector<1x16xf32> to vector<16xf32>
      %swap3A_2495 = vector.shape_cast %max3A_2489 : vector<16xf32> to vector<1x16xf32>
      tpu.vector_store %arg6[%swap3A_2491, %swap3A_2492], %swap3A_2495 {strides = array<i32>} : memref<16x128xf32, #tpu.memory_space<vmem>>, vector<1x16xf32>,
    } else {
    }
    %get3A_442 = arith.constant 1 : i32
    %get3A_443 = arith.index_cast %get3A_442 : i32 to index
    %get3A_444 = arith.constant 0 : index
    %get3A_445 = tpu.vector_load %arg7[%get3A_443, %get3A_444] {strides = array<i32>} : memref<16x128xi32, #tpu.memory_space<vmem>>, vector<1x16xi32>,
    %get3A_446 = vector.shape_cast %get3A_445 : vector<1x16xi32> to vector<16xi32>
    %add3A_447 = vector.broadcast %mul3A_32 : i32 to vector<16xi32>
    %add3A_448 = arith.addi %get3A_446, %add3A_447 : vector<16xi32>
    %swap3A_449 = arith.constant 1 : i32
    %swap3A_450 = arith.index_cast %swap3A_449 : i32 to index
    %swap3A_451 = arith.constant 0 : index
    %swap3A_452 = tpu.vector_load %arg7[%swap3A_450, %swap3A_451] {strides = array<i32>} : memref<16x128xi32, #tpu.memory_space<vmem>>, vector<1x16xi32>,
    %swap3A_453 = vector.shape_cast %swap3A_452 : vector<1x16xi32> to vector<16xi32>
    %swap3A_454 = vector.shape_cast %add3A_448 : vector<16xi32> to vector<1x16xi32>
    tpu.vector_store %arg7[%swap3A_450, %swap3A_451], %swap3A_454 {strides = array<i32>} : memref<16x128xi32, #tpu.memory_space<vmem>>, vector<1x16xi32>,
    %get3A_455 = arith.constant 1 : i32
    %get3A_456 = arith.index_cast %get3A_455 : i32 to index
    %get3A_457 = arith.constant 16 : index
    %get3A_458 = tpu.vector_load %arg7[%get3A_456, %get3A_457] {strides = array<i32>} : memref<16x128xi32, #tpu.memory_space<vmem>>, vector<1x16xi32>,
    %get3A_459 = vector.shape_cast %get3A_458 : vector<1x16xi32> to vector<16xi32>
    %add3A_460 = vector.broadcast %mul3A_32 : i32 to vector<16xi32>
    %add3A_461 = arith.addi %get3A_459, %add3A_460 : vector<16xi32>
    %swap3A_462 = arith.constant 1 : i32
    %swap3A_463 = arith.index_cast %swap3A_462 : i32 to index
    %swap3A_464 = arith.constant 16 : index
    %swap3A_465 = tpu.vector_load %arg7[%swap3A_463, %swap3A_464] {strides = array<i32>} : memref<16x128xi32, #tpu.memory_space<vmem>>, vector<1x16xi32>,
    %swap3A_466 = vector.shape_cast %swap3A_465 : vector<1x16xi32> to vector<16xi32>
    %swap3A_467 = vector.shape_cast %add3A_461 : vector<16xi32> to vector<1x16xi32>
    tpu.vector_store %arg7[%swap3A_463, %swap3A_464], %swap3A_467 {strides = array<i32>} : memref<16x128xi32, #tpu.memory_space<vmem>>, vector<1x16xi32>,
    %get3A_468 = arith.constant 1 : i32
    %get3A_469 = arith.index_cast %get3A_468 : i32 to index
    %get3A_470 = arith.constant 32 : index
    %get3A_471 = tpu.vector_load %arg7[%get3A_469, %get3A_470] {strides = array<i32>} : memref<16x128xi32, #tpu.memory_space<vmem>>, vector<1x16xi32>,
    %get3A_472 = vector.shape_cast %get3A_471 : vector<1x16xi32> to vector<16xi32>
    %add3A_473 = vector.broadcast %mul3A_32 : i32 to vector<16xi32>
    %add3A_474 = arith.addi %get3A_472, %add3A_473 : vector<16xi32>
    %swap3A_475 = arith.constant 1 : i32
    %swap3A_476 = arith.index_cast %swap3A_475 : i32 to index
    %swap3A_477 = arith.constant 32 : index
    %swap3A_478 = tpu.vector_load %arg7[%swap3A_476, %swap3A_477] {strides = array<i32>} : memref<16x128xi32, #tpu.memory_space<vmem>>, vector<1x16xi32>,
    %swap3A_479 = vector.shape_cast %swap3A_478 : vector<1x16xi32> to vector<16xi32>
    %swap3A_480 = vector.shape_cast %add3A_474 : vector<16xi32> to vector<1x16xi32>
    tpu.vector_store %arg7[%swap3A_476, %swap3A_477], %swap3A_480 {strides = array<i32>} : memref<16x128xi32, #tpu.memory_space<vmem>>, vector<1x16xi32>,
    %get3A_481 = arith.constant 1 : i32
    %get3A_482 = arith.index_cast %get3A_481 : i32 to index
    %get3A_483 = arith.constant 48 : index
    %get3A_484 = tpu.vector_load %arg7[%get3A_482, %get3A_483] {strides = array<i32>} : memref<16x128xi32, #tpu.memory_space<vmem>>, vector<1x16xi32>,
    %get3A_485 = vector.shape_cast %get3A_484 : vector<1x16xi32> to vector<16xi32>
    %add3A_486 = vector.broadcast %mul3A_32 : i32 to vector<16xi32>
    %add3A_487 = arith.addi %get3A_485, %add3A_486 : vector<16xi32>
    %swap3A_488 = arith.constant 1 : i32
    %swap3A_489 = arith.index_cast %swap3A_488 : i32 to index
    %swap3A_490 = arith.constant 48 : index
    %swap3A_491 = tpu.vector_load %arg7[%swap3A_489, %swap3A_490] {strides = array<i32>} : memref<16x128xi32, #tpu.memory_space<vmem>>, vector<1x16xi32>,
    %swap3A_492 = vector.shape_cast %swap3A_491 : vector<1x16xi32> to vector<16xi32>
    %swap3A_493 = vector.shape_cast %add3A_487 : vector<16xi32> to vector<1x16xi32>
    tpu.vector_store %arg7[%swap3A_489, %swap3A_490], %swap3A_493 {strides = array<i32>} : memref<16x128xi32, #tpu.memory_space<vmem>>, vector<1x16xi32>,
    %get3A_494 = arith.constant 1 : i32
    %get3A_495 = arith.index_cast %get3A_494 : i32 to index
    %get3A_496 = arith.constant 64 : index
    %get3A_497 = tpu.vector_load %arg7[%get3A_495, %get3A_496] {strides = array<i32>} : memref<16x128xi32, #tpu.memory_space<vmem>>, vector<1x16xi32>,
    %get3A_498 = vector.shape_cast %get3A_497 : vector<1x16xi32> to vector<16xi32>
    %add3A_499 = vector.broadcast %mul3A_32 : i32 to vector<16xi32>
    %add3A_500 = arith.addi %get3A_498, %add3A_499 : vector<16xi32>
    %swap3A_501 = arith.constant 1 : i32
    %swap3A_502 = arith.index_cast %swap3A_501 : i32 to index
    %swap3A_503 = arith.constant 64 : index
    %swap3A_504 = tpu.vector_load %arg7[%swap3A_502, %swap3A_503] {strides = array<i32>} : memref<16x128xi32, #tpu.memory_space<vmem>>, vector<1x16xi32>,
    %swap3A_505 = vector.shape_cast %swap3A_504 : vector<1x16xi32> to vector<16xi32>
    %swap3A_506 = vector.shape_cast %add3A_500 : vector<16xi32> to vector<1x16xi32>
    tpu.vector_store %arg7[%swap3A_502, %swap3A_503], %swap3A_506 {strides = array<i32>} : memref<16x128xi32, #tpu.memory_space<vmem>>, vector<1x16xi32>,
    %get3A_507 = arith.constant 1 : i32
    %get3A_508 = arith.index_cast %get3A_507 : i32 to index
    %get3A_509 = arith.constant 80 : index
    %get3A_510 = tpu.vector_load %arg7[%get3A_508, %get3A_509] {strides = array<i32>} : memref<16x128xi32, #tpu.memory_space<vmem>>, vector<1x16xi32>,
    %get3A_511 = vector.shape_cast %get3A_510 : vector<1x16xi32> to vector<16xi32>
    %add3A_512 = vector.broadcast %mul3A_32 : i32 to vector<16xi32>
    %add3A_513 = arith.addi %get3A_511, %add3A_512 : vector<16xi32>
    %swap3A_514 = arith.constant 1 : i32
    %swap3A_515 = arith.index_cast %swap3A_514 : i32 to index
    %swap3A_516 = arith.constant 80 : index
    %swap3A_517 = tpu.vector_load %arg7[%swap3A_515, %swap3A_516] {strides = array<i32>} : memref<16x128xi32, #tpu.memory_space<vmem>>, vector<1x16xi32>,
    %swap3A_518 = vector.shape_cast %swap3A_517 : vector<1x16xi32> to vector<16xi32>
    %swap3A_519 = vector.shape_cast %add3A_513 : vector<16xi32> to vector<1x16xi32>
    tpu.vector_store %arg7[%swap3A_515, %swap3A_516], %swap3A_519 {strides = array<i32>} : memref<16x128xi32, #tpu.memory_space<vmem>>, vector<1x16xi32>,
    %get3A_520 = arith.constant 1 : i32
    %get3A_521 = arith.index_cast %get3A_520 : i32 to index
    %get3A_522 = arith.constant 96 : index
    %get3A_523 = tpu.vector_load %arg7[%get3A_521, %get3A_522] {strides = array<i32>} : memref<16x128xi32, #tpu.memory_space<vmem>>, vector<1x16xi32>,
    %get3A_524 = vector.shape_cast %get3A_523 : vector<1x16xi32> to vector<16xi32>
    %add3A_525 = vector.broadcast %mul3A_32 : i32 to vector<16xi32>
    %add3A_526 = arith.addi %get3A_524, %add3A_525 : vector<16xi32>
    %swap3A_527 = arith.constant 1 : i32
    %swap3A_528 = arith.index_cast %swap3A_527 : i32 to index
    %swap3A_529 = arith.constant 96 : index
    %swap3A_530 = tpu.vector_load %arg7[%swap3A_528, %swap3A_529] {strides = array<i32>} : memref<16x128xi32, #tpu.memory_space<vmem>>, vector<1x16xi32>,
    %swap3A_531 = vector.shape_cast %swap3A_530 : vector<1x16xi32> to vector<16xi32>
    %swap3A_532 = vector.shape_cast %add3A_526 : vector<16xi32> to vector<1x16xi32>
    tpu.vector_store %arg7[%swap3A_528, %swap3A_529], %swap3A_532 {strides = array<i32>} : memref<16x128xi32, #tpu.memory_space<vmem>>, vector<1x16xi32>,
    %get3A_533 = arith.constant 1 : i32
    %get3A_534 = arith.index_cast %get3A_533 : i32 to index
    %get3A_535 = arith.constant 112 : index
    %get3A_536 = tpu.vector_load %arg7[%get3A_534, %get3A_535] {strides = array<i32>} : memref<16x128xi32, #tpu.memory_space<vmem>>, vector<1x16xi32>,
    %get3A_537 = vector.shape_cast %get3A_536 : vector<1x16xi32> to vector<16xi32>
    %add3A_538 = vector.broadcast %mul3A_32 : i32 to vector<16xi32>
    %add3A_539 = arith.addi %get3A_537, %add3A_538 : vector<16xi32>
    %swap3A_540 = arith.constant 1 : i32
    %swap3A_541 = arith.index_cast %swap3A_540 : i32 to index
    %swap3A_542 = arith.constant 112 : index
    %swap3A_543 = tpu.vector_load %arg7[%swap3A_541, %swap3A_542] {strides = array<i32>} : memref<16x128xi32, #tpu.memory_space<vmem>>, vector<1x16xi32>,
    %swap3A_544 = vector.shape_cast %swap3A_543 : vector<1x16xi32> to vector<16xi32>
    %swap3A_545 = vector.shape_cast %add3A_539 : vector<16xi32> to vector<1x16xi32>
    tpu.vector_store %arg7[%swap3A_541, %swap3A_542], %swap3A_545 {strides = array<i32>} : memref<16x128xi32, #tpu.memory_space<vmem>>, vector<1x16xi32>,
    %dma_start3A_546 = arith.constant 1 : i32
    %dma_start3A_547 = arith.constant 1 : i32
    %dma_start3A_548 = arith.constant 0 : i32
    %dma_start3A_549 = tpu.memref_slice %arg6[%dma_start3A_546, %dma_start3A_548] : memref<16x128xf32, #tpu.memory_space<vmem>> -> memref<1x128xf32, #tpu.memory_space<vmem>>
    %dma_start3A_550 = tpu.memref_squeeze %dma_start3A_549 : memref<1x128xf32, #tpu.memory_space<vmem>> -> memref<128xf32, #tpu.memory_space<vmem>>
    %dma_start3A_551 = arith.constant 0 : i32
    %dma_start3A_552 = tpu.memref_slice %arg7[%dma_start3A_547, %dma_start3A_551] : memref<16x128xi32, #tpu.memory_space<vmem>> -> memref<1x128xi32, #tpu.memory_space<vmem>>
    %dma_start3A_553 = tpu.memref_squeeze %dma_start3A_552 : memref<1x128xi32, #tpu.memory_space<vmem>> -> memref<128xi32, #tpu.memory_space<vmem>>
    %dma_start3A_554 = arith.constant 0 : i32
    %dma_start3A_555 = tpu.memref_slice %arg9[%dma_start3A_554] : memref<16384xf32, #tpu.memory_space<vmem_shared>> -> memref<16384xf32, #tpu.memory_space<vmem_shared>>
    tpu.enqueue_indirect_dma source(%dma_start3A_550 : memref<128xf32, #tpu.memory_space<vmem>>) target(%dma_start3A_555 : memref<16384xf32, #tpu.memory_space<vmem_shared>>) offsets(%dma_start3A_553 : memref<128xi32, #tpu.memory_space<vmem>>) semaphore(%arg12 : memref<!tpu.dma_semaphore, #tpu.memory_space<semaphore_mem>>) {add = true}
    %eq3A_556 = arith.constant 0 : i32
    %eq3A_557 = arith.cmpi eq, %select_n3A_30, %eq3A_556 : i32
    %convert_element_type3A_558 = arith.extui %eq3A_557 : i1 to i32
    %cond3A_559 = arith.constant 0 : i32
    %cond3A_560 = arith.cmpi ne, %convert_element_type3A_558, %cond3A_559 : i32
    scf.if %cond3A_560 {
      %get3A_2385 = arith.constant 2 : i32
      %get3A_2386 = arith.index_cast %get3A_2385 : i32 to index
      %get3A_2387 = arith.constant 0 : index
      %get3A_2388 = tpu.vector_load %arg6[%get3A_2386, %get3A_2387] {strides = array<i32>} : memref<16x128xf32, #tpu.memory_space<vmem>>, vector<1x16xf32>,
      %get3A_2389 = vector.shape_cast %get3A_2388 : vector<1x16xf32> to vector<16xf32>
      %max3A = arith.constant 0.000000e+00 : f32
      %max3A_2390 = vector.broadcast %max3A : f32 to vector<16xf32>
      %max3A_2391 = arith.maximumf %get3A_2389, %max3A_2390 : vector<16xf32>
      %swap3A_2392 = arith.constant 2 : i32
      %swap3A_2393 = arith.index_cast %swap3A_2392 : i32 to index
      %swap3A_2394 = arith.constant 0 : index
      %swap3A_2395 = tpu.vector_load %arg6[%swap3A_2393, %swap3A_2394] {strides = array<i32>} : memref<16x128xf32, #tpu.memory_space<vmem>>, vector<1x16xf32>,
      %swap3A_2396 = vector.shape_cast %swap3A_2395 : vector<1x16xf32> to vector<16xf32>
      %swap3A_2397 = vector.shape_cast %max3A_2391 : vector<16xf32> to vector<1x16xf32>
      tpu.vector_store %arg6[%swap3A_2393, %swap3A_2394], %swap3A_2397 {strides = array<i32>} : memref<16x128xf32, #tpu.memory_space<vmem>>, vector<1x16xf32>,
      %get3A_2398 = arith.constant 2 : i32
      %get3A_2399 = arith.index_cast %get3A_2398 : i32 to index
      %get3A_2400 = arith.constant 16 : index
      %get3A_2401 = tpu.vector_load %arg6[%get3A_2399, %get3A_2400] {strides = array<i32>} : memref<16x128xf32, #tpu.memory_space<vmem>>, vector<1x16xf32>,
      %get3A_2402 = vector.shape_cast %get3A_2401 : vector<1x16xf32> to vector<16xf32>
      %max3A_2403 = arith.constant 0.000000e+00 : f32
      %max3A_2404 = vector.broadcast %max3A_2403 : f32 to vector<16xf32>
      %max3A_2405 = arith.maximumf %get3A_2402, %max3A_2404 : vector<16xf32>
      %swap3A_2406 = arith.constant 2 : i32
      %swap3A_2407 = arith.index_cast %swap3A_2406 : i32 to index
      %swap3A_2408 = arith.constant 16 : index
      %swap3A_2409 = tpu.vector_load %arg6[%swap3A_2407, %swap3A_2408] {strides = array<i32>} : memref<16x128xf32, #tpu.memory_space<vmem>>, vector<1x16xf32>,
      %swap3A_2410 = vector.shape_cast %swap3A_2409 : vector<1x16xf32> to vector<16xf32>
      %swap3A_2411 = vector.shape_cast %max3A_2405 : vector<16xf32> to vector<1x16xf32>
      tpu.vector_store %arg6[%swap3A_2407, %swap3A_2408], %swap3A_2411 {strides = array<i32>} : memref<16x128xf32, #tpu.memory_space<vmem>>, vector<1x16xf32>,
      %get3A_2412 = arith.constant 2 : i32
      %get3A_2413 = arith.index_cast %get3A_2412 : i32 to index
      %get3A_2414 = arith.constant 32 : index
      %get3A_2415 = tpu.vector_load %arg6[%get3A_2413, %get3A_2414] {strides = array<i32>} : memref<16x128xf32, #tpu.memory_space<vmem>>, vector<1x16xf32>,
      %get3A_2416 = vector.shape_cast %get3A_2415 : vector<1x16xf32> to vector<16xf32>
      %max3A_2417 = arith.constant 0.000000e+00 : f32
      %max3A_2418 = vector.broadcast %max3A_2417 : f32 to vector<16xf32>
      %max3A_2419 = arith.maximumf %get3A_2416, %max3A_2418 : vector<16xf32>
      %swap3A_2420 = arith.constant 2 : i32
      %swap3A_2421 = arith.index_cast %swap3A_2420 : i32 to index
      %swap3A_2422 = arith.constant 32 : index
      %swap3A_2423 = tpu.vector_load %arg6[%swap3A_2421, %swap3A_2422] {strides = array<i32>} : memref<16x128xf32, #tpu.memory_space<vmem>>, vector<1x16xf32>,
      %swap3A_2424 = vector.shape_cast %swap3A_2423 : vector<1x16xf32> to vector<16xf32>
      %swap3A_2425 = vector.shape_cast %max3A_2419 : vector<16xf32> to vector<1x16xf32>
      tpu.vector_store %arg6[%swap3A_2421, %swap3A_2422], %swap3A_2425 {strides = array<i32>} : memref<16x128xf32, #tpu.memory_space<vmem>>, vector<1x16xf32>,
      %get3A_2426 = arith.constant 2 : i32
      %get3A_2427 = arith.index_cast %get3A_2426 : i32 to index
      %get3A_2428 = arith.constant 48 : index
      %get3A_2429 = tpu.vector_load %arg6[%get3A_2427, %get3A_2428] {strides = array<i32>} : memref<16x128xf32, #tpu.memory_space<vmem>>, vector<1x16xf32>,
      %get3A_2430 = vector.shape_cast %get3A_2429 : vector<1x16xf32> to vector<16xf32>
      %max3A_2431 = arith.constant 0.000000e+00 : f32
      %max3A_2432 = vector.broadcast %max3A_2431 : f32 to vector<16xf32>
      %max3A_2433 = arith.maximumf %get3A_2430, %max3A_2432 : vector<16xf32>
      %swap3A_2434 = arith.constant 2 : i32
      %swap3A_2435 = arith.index_cast %swap3A_2434 : i32 to index
      %swap3A_2436 = arith.constant 48 : index
      %swap3A_2437 = tpu.vector_load %arg6[%swap3A_2435, %swap3A_2436] {strides = array<i32>} : memref<16x128xf32, #tpu.memory_space<vmem>>, vector<1x16xf32>,
      %swap3A_2438 = vector.shape_cast %swap3A_2437 : vector<1x16xf32> to vector<16xf32>
      %swap3A_2439 = vector.shape_cast %max3A_2433 : vector<16xf32> to vector<1x16xf32>
      tpu.vector_store %arg6[%swap3A_2435, %swap3A_2436], %swap3A_2439 {strides = array<i32>} : memref<16x128xf32, #tpu.memory_space<vmem>>, vector<1x16xf32>,
      %get3A_2440 = arith.constant 2 : i32
      %get3A_2441 = arith.index_cast %get3A_2440 : i32 to index
      %get3A_2442 = arith.constant 64 : index
      %get3A_2443 = tpu.vector_load %arg6[%get3A_2441, %get3A_2442] {strides = array<i32>} : memref<16x128xf32, #tpu.memory_space<vmem>>, vector<1x16xf32>,
      %get3A_2444 = vector.shape_cast %get3A_2443 : vector<1x16xf32> to vector<16xf32>
      %max3A_2445 = arith.constant 0.000000e+00 : f32
      %max3A_2446 = vector.broadcast %max3A_2445 : f32 to vector<16xf32>
      %max3A_2447 = arith.maximumf %get3A_2444, %max3A_2446 : vector<16xf32>
      %swap3A_2448 = arith.constant 2 : i32
      %swap3A_2449 = arith.index_cast %swap3A_2448 : i32 to index
      %swap3A_2450 = arith.constant 64 : index
      %swap3A_2451 = tpu.vector_load %arg6[%swap3A_2449, %swap3A_2450] {strides = array<i32>} : memref<16x128xf32, #tpu.memory_space<vmem>>, vector<1x16xf32>,
      %swap3A_2452 = vector.shape_cast %swap3A_2451 : vector<1x16xf32> to vector<16xf32>
      %swap3A_2453 = vector.shape_cast %max3A_2447 : vector<16xf32> to vector<1x16xf32>
      tpu.vector_store %arg6[%swap3A_2449, %swap3A_2450], %swap3A_2453 {strides = array<i32>} : memref<16x128xf32, #tpu.memory_space<vmem>>, vector<1x16xf32>,
      %get3A_2454 = arith.constant 2 : i32
      %get3A_2455 = arith.index_cast %get3A_2454 : i32 to index
      %get3A_2456 = arith.constant 80 : index
      %get3A_2457 = tpu.vector_load %arg6[%get3A_2455, %get3A_2456] {strides = array<i32>} : memref<16x128xf32, #tpu.memory_space<vmem>>, vector<1x16xf32>,
      %get3A_2458 = vector.shape_cast %get3A_2457 : vector<1x16xf32> to vector<16xf32>
      %max3A_2459 = arith.constant 0.000000e+00 : f32
      %max3A_2460 = vector.broadcast %max3A_2459 : f32 to vector<16xf32>
      %max3A_2461 = arith.maximumf %get3A_2458, %max3A_2460 : vector<16xf32>
      %swap3A_2462 = arith.constant 2 : i32
      %swap3A_2463 = arith.index_cast %swap3A_2462 : i32 to index
      %swap3A_2464 = arith.constant 80 : index
      %swap3A_2465 = tpu.vector_load %arg6[%swap3A_2463, %swap3A_2464] {strides = array<i32>} : memref<16x128xf32, #tpu.memory_space<vmem>>, vector<1x16xf32>,
      %swap3A_2466 = vector.shape_cast %swap3A_2465 : vector<1x16xf32> to vector<16xf32>
      %swap3A_2467 = vector.shape_cast %max3A_2461 : vector<16xf32> to vector<1x16xf32>
      tpu.vector_store %arg6[%swap3A_2463, %swap3A_2464], %swap3A_2467 {strides = array<i32>} : memref<16x128xf32, #tpu.memory_space<vmem>>, vector<1x16xf32>,
      %get3A_2468 = arith.constant 2 : i32
      %get3A_2469 = arith.index_cast %get3A_2468 : i32 to index
      %get3A_2470 = arith.constant 96 : index
      %get3A_2471 = tpu.vector_load %arg6[%get3A_2469, %get3A_2470] {strides = array<i32>} : memref<16x128xf32, #tpu.memory_space<vmem>>, vector<1x16xf32>,
      %get3A_2472 = vector.shape_cast %get3A_2471 : vector<1x16xf32> to vector<16xf32>
      %max3A_2473 = arith.constant 0.000000e+00 : f32
      %max3A_2474 = vector.broadcast %max3A_2473 : f32 to vector<16xf32>
      %max3A_2475 = arith.maximumf %get3A_2472, %max3A_2474 : vector<16xf32>
      %swap3A_2476 = arith.constant 2 : i32
      %swap3A_2477 = arith.index_cast %swap3A_2476 : i32 to index
      %swap3A_2478 = arith.constant 96 : index
      %swap3A_2479 = tpu.vector_load %arg6[%swap3A_2477, %swap3A_2478] {strides = array<i32>} : memref<16x128xf32, #tpu.memory_space<vmem>>, vector<1x16xf32>,
      %swap3A_2480 = vector.shape_cast %swap3A_2479 : vector<1x16xf32> to vector<16xf32>
      %swap3A_2481 = vector.shape_cast %max3A_2475 : vector<16xf32> to vector<1x16xf32>
      tpu.vector_store %arg6[%swap3A_2477, %swap3A_2478], %swap3A_2481 {strides = array<i32>} : memref<16x128xf32, #tpu.memory_space<vmem>>, vector<1x16xf32>,
      %get3A_2482 = arith.constant 2 : i32
      %get3A_2483 = arith.index_cast %get3A_2482 : i32 to index
      %get3A_2484 = arith.constant 112 : index
      %get3A_2485 = tpu.vector_load %arg6[%get3A_2483, %get3A_2484] {strides = array<i32>} : memref<16x128xf32, #tpu.memory_space<vmem>>, vector<1x16xf32>,
      %get3A_2486 = vector.shape_cast %get3A_2485 : vector<1x16xf32> to vector<16xf32>
      %max3A_2487 = arith.constant 0.000000e+00 : f32
      %max3A_2488 = vector.broadcast %max3A_2487 : f32 to vector<16xf32>
      %max3A_2489 = arith.maximumf %get3A_2486, %max3A_2488 : vector<16xf32>
      %swap3A_2490 = arith.constant 2 : i32
      %swap3A_2491 = arith.index_cast %swap3A_2490 : i32 to index
      %swap3A_2492 = arith.constant 112 : index
      %swap3A_2493 = tpu.vector_load %arg6[%swap3A_2491, %swap3A_2492] {strides = array<i32>} : memref<16x128xf32, #tpu.memory_space<vmem>>, vector<1x16xf32>,
      %swap3A_2494 = vector.shape_cast %swap3A_2493 : vector<1x16xf32> to vector<16xf32>
      %swap3A_2495 = vector.shape_cast %max3A_2489 : vector<16xf32> to vector<1x16xf32>
      tpu.vector_store %arg6[%swap3A_2491, %swap3A_2492], %swap3A_2495 {strides = array<i32>} : memref<16x128xf32, #tpu.memory_space<vmem>>, vector<1x16xf32>,
    } else {
    }
    %get3A_561 = arith.constant 2 : i32
    %get3A_562 = arith.index_cast %get3A_561 : i32 to index
    %get3A_563 = arith.constant 0 : index
    %get3A_564 = tpu.vector_load %arg7[%get3A_562, %get3A_563] {strides = array<i32>} : memref<16x128xi32, #tpu.memory_space<vmem>>, vector<1x16xi32>,
    %get3A_565 = vector.shape_cast %get3A_564 : vector<1x16xi32> to vector<16xi32>
    %add3A_566 = vector.broadcast %mul3A_32 : i32 to vector<16xi32>
    %add3A_567 = arith.addi %get3A_565, %add3A_566 : vector<16xi32>
    %swap3A_568 = arith.constant 2 : i32
    %swap3A_569 = arith.index_cast %swap3A_568 : i32 to index
    %swap3A_570 = arith.constant 0 : index
    %swap3A_571 = tpu.vector_load %arg7[%swap3A_569, %swap3A_570] {strides = array<i32>} : memref<16x128xi32, #tpu.memory_space<vmem>>, vector<1x16xi32>,
    %swap3A_572 = vector.shape_cast %swap3A_571 : vector<1x16xi32> to vector<16xi32>
    %swap3A_573 = vector.shape_cast %add3A_567 : vector<16xi32> to vector<1x16xi32>
    tpu.vector_store %arg7[%swap3A_569, %swap3A_570], %swap3A_573 {strides = array<i32>} : memref<16x128xi32, #tpu.memory_space<vmem>>, vector<1x16xi32>,
    %get3A_574 = arith.constant 2 : i32
    %get3A_575 = arith.index_cast %get3A_574 : i32 to index
    %get3A_576 = arith.constant 16 : index
    %get3A_577 = tpu.vector_load %arg7[%get3A_575, %get3A_576] {strides = array<i32>} : memref<16x128xi32, #tpu.memory_space<vmem>>, vector<1x16xi32>,
    %get3A_578 = vector.shape_cast %get3A_577 : vector<1x16xi32> to vector<16xi32>
    %add3A_579 = vector.broadcast %mul3A_32 : i32 to vector<16xi32>
    %add3A_580 = arith.addi %get3A_578, %add3A_579 : vector<16xi32>
    %swap3A_581 = arith.constant 2 : i32
    %swap3A_582 = arith.index_cast %swap3A_581 : i32 to index
    %swap3A_583 = arith.constant 16 : index
    %swap3A_584 = tpu.vector_load %arg7[%swap3A_582, %swap3A_583] {strides = array<i32>} : memref<16x128xi32, #tpu.memory_space<vmem>>, vector<1x16xi32>,
    %swap3A_585 = vector.shape_cast %swap3A_584 : vector<1x16xi32> to vector<16xi32>
    %swap3A_586 = vector.shape_cast %add3A_580 : vector<16xi32> to vector<1x16xi32>
    tpu.vector_store %arg7[%swap3A_582, %swap3A_583], %swap3A_586 {strides = array<i32>} : memref<16x128xi32, #tpu.memory_space<vmem>>, vector<1x16xi32>,
    %get3A_587 = arith.constant 2 : i32
    %get3A_588 = arith.index_cast %get3A_587 : i32 to index
    %get3A_589 = arith.constant 32 : index
    %get3A_590 = tpu.vector_load %arg7[%get3A_588, %get3A_589] {strides = array<i32>} : memref<16x128xi32, #tpu.memory_space<vmem>>, vector<1x16xi32>,
    %get3A_591 = vector.shape_cast %get3A_590 : vector<1x16xi32> to vector<16xi32>
    %add3A_592 = vector.broadcast %mul3A_32 : i32 to vector<16xi32>
    %add3A_593 = arith.addi %get3A_591, %add3A_592 : vector<16xi32>
    %swap3A_594 = arith.constant 2 : i32
    %swap3A_595 = arith.index_cast %swap3A_594 : i32 to index
    %swap3A_596 = arith.constant 32 : index
    %swap3A_597 = tpu.vector_load %arg7[%swap3A_595, %swap3A_596] {strides = array<i32>} : memref<16x128xi32, #tpu.memory_space<vmem>>, vector<1x16xi32>,
    %swap3A_598 = vector.shape_cast %swap3A_597 : vector<1x16xi32> to vector<16xi32>
    %swap3A_599 = vector.shape_cast %add3A_593 : vector<16xi32> to vector<1x16xi32>
    tpu.vector_store %arg7[%swap3A_595, %swap3A_596], %swap3A_599 {strides = array<i32>} : memref<16x128xi32, #tpu.memory_space<vmem>>, vector<1x16xi32>,
    %get3A_600 = arith.constant 2 : i32
    %get3A_601 = arith.index_cast %get3A_600 : i32 to index
    %get3A_602 = arith.constant 48 : index
    %get3A_603 = tpu.vector_load %arg7[%get3A_601, %get3A_602] {strides = array<i32>} : memref<16x128xi32, #tpu.memory_space<vmem>>, vector<1x16xi32>,
    %get3A_604 = vector.shape_cast %get3A_603 : vector<1x16xi32> to vector<16xi32>
    %add3A_605 = vector.broadcast %mul3A_32 : i32 to vector<16xi32>
    %add3A_606 = arith.addi %get3A_604, %add3A_605 : vector<16xi32>
    %swap3A_607 = arith.constant 2 : i32
    %swap3A_608 = arith.index_cast %swap3A_607 : i32 to index
    %swap3A_609 = arith.constant 48 : index
    %swap3A_610 = tpu.vector_load %arg7[%swap3A_608, %swap3A_609] {strides = array<i32>} : memref<16x128xi32, #tpu.memory_space<vmem>>, vector<1x16xi32>,
    %swap3A_611 = vector.shape_cast %swap3A_610 : vector<1x16xi32> to vector<16xi32>
    %swap3A_612 = vector.shape_cast %add3A_606 : vector<16xi32> to vector<1x16xi32>
    tpu.vector_store %arg7[%swap3A_608, %swap3A_609], %swap3A_612 {strides = array<i32>} : memref<16x128xi32, #tpu.memory_space<vmem>>, vector<1x16xi32>,
    %get3A_613 = arith.constant 2 : i32
    %get3A_614 = arith.index_cast %get3A_613 : i32 to index
    %get3A_615 = arith.constant 64 : index
    %get3A_616 = tpu.vector_load %arg7[%get3A_614, %get3A_615] {strides = array<i32>} : memref<16x128xi32, #tpu.memory_space<vmem>>, vector<1x16xi32>,
    %get3A_617 = vector.shape_cast %get3A_616 : vector<1x16xi32> to vector<16xi32>
    %add3A_618 = vector.broadcast %mul3A_32 : i32 to vector<16xi32>
    %add3A_619 = arith.addi %get3A_617, %add3A_618 : vector<16xi32>
    %swap3A_620 = arith.constant 2 : i32
    %swap3A_621 = arith.index_cast %swap3A_620 : i32 to index
    %swap3A_622 = arith.constant 64 : index
    %swap3A_623 = tpu.vector_load %arg7[%swap3A_621, %swap3A_622] {strides = array<i32>} : memref<16x128xi32, #tpu.memory_space<vmem>>, vector<1x16xi32>,
    %swap3A_624 = vector.shape_cast %swap3A_623 : vector<1x16xi32> to vector<16xi32>
    %swap3A_625 = vector.shape_cast %add3A_619 : vector<16xi32> to vector<1x16xi32>
    tpu.vector_store %arg7[%swap3A_621, %swap3A_622], %swap3A_625 {strides = array<i32>} : memref<16x128xi32, #tpu.memory_space<vmem>>, vector<1x16xi32>,
    %get3A_626 = arith.constant 2 : i32
    %get3A_627 = arith.index_cast %get3A_626 : i32 to index
    %get3A_628 = arith.constant 80 : index
    %get3A_629 = tpu.vector_load %arg7[%get3A_627, %get3A_628] {strides = array<i32>} : memref<16x128xi32, #tpu.memory_space<vmem>>, vector<1x16xi32>,
    %get3A_630 = vector.shape_cast %get3A_629 : vector<1x16xi32> to vector<16xi32>
    %add3A_631 = vector.broadcast %mul3A_32 : i32 to vector<16xi32>
    %add3A_632 = arith.addi %get3A_630, %add3A_631 : vector<16xi32>
    %swap3A_633 = arith.constant 2 : i32
    %swap3A_634 = arith.index_cast %swap3A_633 : i32 to index
    %swap3A_635 = arith.constant 80 : index
    %swap3A_636 = tpu.vector_load %arg7[%swap3A_634, %swap3A_635] {strides = array<i32>} : memref<16x128xi32, #tpu.memory_space<vmem>>, vector<1x16xi32>,
    %swap3A_637 = vector.shape_cast %swap3A_636 : vector<1x16xi32> to vector<16xi32>
    %swap3A_638 = vector.shape_cast %add3A_632 : vector<16xi32> to vector<1x16xi32>
    tpu.vector_store %arg7[%swap3A_634, %swap3A_635], %swap3A_638 {strides = array<i32>} : memref<16x128xi32, #tpu.memory_space<vmem>>, vector<1x16xi32>,
    %get3A_639 = arith.constant 2 : i32
    %get3A_640 = arith.index_cast %get3A_639 : i32 to index
    %get3A_641 = arith.constant 96 : index
    %get3A_642 = tpu.vector_load %arg7[%get3A_640, %get3A_641] {strides = array<i32>} : memref<16x128xi32, #tpu.memory_space<vmem>>, vector<1x16xi32>,
    %get3A_643 = vector.shape_cast %get3A_642 : vector<1x16xi32> to vector<16xi32>
    %add3A_644 = vector.broadcast %mul3A_32 : i32 to vector<16xi32>
    %add3A_645 = arith.addi %get3A_643, %add3A_644 : vector<16xi32>
    %swap3A_646 = arith.constant 2 : i32
    %swap3A_647 = arith.index_cast %swap3A_646 : i32 to index
    %swap3A_648 = arith.constant 96 : index
    %swap3A_649 = tpu.vector_load %arg7[%swap3A_647, %swap3A_648] {strides = array<i32>} : memref<16x128xi32, #tpu.memory_space<vmem>>, vector<1x16xi32>,
    %swap3A_650 = vector.shape_cast %swap3A_649 : vector<1x16xi32> to vector<16xi32>
    %swap3A_651 = vector.shape_cast %add3A_645 : vector<16xi32> to vector<1x16xi32>
    tpu.vector_store %arg7[%swap3A_647, %swap3A_648], %swap3A_651 {strides = array<i32>} : memref<16x128xi32, #tpu.memory_space<vmem>>, vector<1x16xi32>,
    %get3A_652 = arith.constant 2 : i32
    %get3A_653 = arith.index_cast %get3A_652 : i32 to index
    %get3A_654 = arith.constant 112 : index
    %get3A_655 = tpu.vector_load %arg7[%get3A_653, %get3A_654] {strides = array<i32>} : memref<16x128xi32, #tpu.memory_space<vmem>>, vector<1x16xi32>,
    %get3A_656 = vector.shape_cast %get3A_655 : vector<1x16xi32> to vector<16xi32>
    %add3A_657 = vector.broadcast %mul3A_32 : i32 to vector<16xi32>
    %add3A_658 = arith.addi %get3A_656, %add3A_657 : vector<16xi32>
    %swap3A_659 = arith.constant 2 : i32
    %swap3A_660 = arith.index_cast %swap3A_659 : i32 to index
    %swap3A_661 = arith.constant 112 : index
    %swap3A_662 = tpu.vector_load %arg7[%swap3A_660, %swap3A_661] {strides = array<i32>} : memref<16x128xi32, #tpu.memory_space<vmem>>, vector<1x16xi32>,
    %swap3A_663 = vector.shape_cast %swap3A_662 : vector<1x16xi32> to vector<16xi32>
    %swap3A_664 = vector.shape_cast %add3A_658 : vector<16xi32> to vector<1x16xi32>
    tpu.vector_store %arg7[%swap3A_660, %swap3A_661], %swap3A_664 {strides = array<i32>} : memref<16x128xi32, #tpu.memory_space<vmem>>, vector<1x16xi32>,
    %dma_start3A_665 = arith.constant 2 : i32
    %dma_start3A_666 = arith.constant 2 : i32
    %dma_start3A_667 = arith.constant 0 : i32
    %dma_start3A_668 = tpu.memref_slice %arg6[%dma_start3A_665, %dma_start3A_667] : memref<16x128xf32, #tpu.memory_space<vmem>> -> memref<1x128xf32, #tpu.memory_space<vmem>>
    %dma_start3A_669 = tpu.memref_squeeze %dma_start3A_668 : memref<1x128xf32, #tpu.memory_space<vmem>> -> memref<128xf32, #tpu.memory_space<vmem>>
    %dma_start3A_670 = arith.constant 0 : i32
    %dma_start3A_671 = tpu.memref_slice %arg7[%dma_start3A_666, %dma_start3A_670] : memref<16x128xi32, #tpu.memory_space<vmem>> -> memref<1x128xi32, #tpu.memory_space<vmem>>
    %dma_start3A_672 = tpu.memref_squeeze %dma_start3A_671 : memref<1x128xi32, #tpu.memory_space<vmem>> -> memref<128xi32, #tpu.memory_space<vmem>>
    %dma_start3A_673 = arith.constant 0 : i32
    %dma_start3A_674 = tpu.memref_slice %arg9[%dma_start3A_673] : memref<16384xf32, #tpu.memory_space<vmem_shared>> -> memref<16384xf32, #tpu.memory_space<vmem_shared>>
    tpu.enqueue_indirect_dma source(%dma_start3A_669 : memref<128xf32, #tpu.memory_space<vmem>>) target(%dma_start3A_674 : memref<16384xf32, #tpu.memory_space<vmem_shared>>) offsets(%dma_start3A_672 : memref<128xi32, #tpu.memory_space<vmem>>) semaphore(%arg12 : memref<!tpu.dma_semaphore, #tpu.memory_space<semaphore_mem>>) {add = true}
    %eq3A_675 = arith.constant 0 : i32
    %eq3A_676 = arith.cmpi eq, %select_n3A_30, %eq3A_675 : i32
    %convert_element_type3A_677 = arith.extui %eq3A_676 : i1 to i32
    %cond3A_678 = arith.constant 0 : i32
    %cond3A_679 = arith.cmpi ne, %convert_element_type3A_677, %cond3A_678 : i32
    scf.if %cond3A_679 {
      %get3A_2385 = arith.constant 3 : i32
      %get3A_2386 = arith.index_cast %get3A_2385 : i32 to index
      %get3A_2387 = arith.constant 0 : index
      %get3A_2388 = tpu.vector_load %arg6[%get3A_2386, %get3A_2387] {strides = array<i32>} : memref<16x128xf32, #tpu.memory_space<vmem>>, vector<1x16xf32>,
      %get3A_2389 = vector.shape_cast %get3A_2388 : vector<1x16xf32> to vector<16xf32>
      %max3A = arith.constant 0.000000e+00 : f32
      %max3A_2390 = vector.broadcast %max3A : f32 to vector<16xf32>
      %max3A_2391 = arith.maximumf %get3A_2389, %max3A_2390 : vector<16xf32>
      %swap3A_2392 = arith.constant 3 : i32
      %swap3A_2393 = arith.index_cast %swap3A_2392 : i32 to index
      %swap3A_2394 = arith.constant 0 : index
      %swap3A_2395 = tpu.vector_load %arg6[%swap3A_2393, %swap3A_2394] {strides = array<i32>} : memref<16x128xf32, #tpu.memory_space<vmem>>, vector<1x16xf32>,
      %swap3A_2396 = vector.shape_cast %swap3A_2395 : vector<1x16xf32> to vector<16xf32>
      %swap3A_2397 = vector.shape_cast %max3A_2391 : vector<16xf32> to vector<1x16xf32>
      tpu.vector_store %arg6[%swap3A_2393, %swap3A_2394], %swap3A_2397 {strides = array<i32>} : memref<16x128xf32, #tpu.memory_space<vmem>>, vector<1x16xf32>,
      %get3A_2398 = arith.constant 3 : i32
      %get3A_2399 = arith.index_cast %get3A_2398 : i32 to index
      %get3A_2400 = arith.constant 16 : index
      %get3A_2401 = tpu.vector_load %arg6[%get3A_2399, %get3A_2400] {strides = array<i32>} : memref<16x128xf32, #tpu.memory_space<vmem>>, vector<1x16xf32>,
      %get3A_2402 = vector.shape_cast %get3A_2401 : vector<1x16xf32> to vector<16xf32>
      %max3A_2403 = arith.constant 0.000000e+00 : f32
      %max3A_2404 = vector.broadcast %max3A_2403 : f32 to vector<16xf32>
      %max3A_2405 = arith.maximumf %get3A_2402, %max3A_2404 : vector<16xf32>
      %swap3A_2406 = arith.constant 3 : i32
      %swap3A_2407 = arith.index_cast %swap3A_2406 : i32 to index
      %swap3A_2408 = arith.constant 16 : index
      %swap3A_2409 = tpu.vector_load %arg6[%swap3A_2407, %swap3A_2408] {strides = array<i32>} : memref<16x128xf32, #tpu.memory_space<vmem>>, vector<1x16xf32>,
      %swap3A_2410 = vector.shape_cast %swap3A_2409 : vector<1x16xf32> to vector<16xf32>
      %swap3A_2411 = vector.shape_cast %max3A_2405 : vector<16xf32> to vector<1x16xf32>
      tpu.vector_store %arg6[%swap3A_2407, %swap3A_2408], %swap3A_2411 {strides = array<i32>} : memref<16x128xf32, #tpu.memory_space<vmem>>, vector<1x16xf32>,
      %get3A_2412 = arith.constant 3 : i32
      %get3A_2413 = arith.index_cast %get3A_2412 : i32 to index
      %get3A_2414 = arith.constant 32 : index
      %get3A_2415 = tpu.vector_load %arg6[%get3A_2413, %get3A_2414] {strides = array<i32>} : memref<16x128xf32, #tpu.memory_space<vmem>>, vector<1x16xf32>,
      %get3A_2416 = vector.shape_cast %get3A_2415 : vector<1x16xf32> to vector<16xf32>
      %max3A_2417 = arith.constant 0.000000e+00 : f32
      %max3A_2418 = vector.broadcast %max3A_2417 : f32 to vector<16xf32>
      %max3A_2419 = arith.maximumf %get3A_2416, %max3A_2418 : vector<16xf32>
      %swap3A_2420 = arith.constant 3 : i32
      %swap3A_2421 = arith.index_cast %swap3A_2420 : i32 to index
      %swap3A_2422 = arith.constant 32 : index
      %swap3A_2423 = tpu.vector_load %arg6[%swap3A_2421, %swap3A_2422] {strides = array<i32>} : memref<16x128xf32, #tpu.memory_space<vmem>>, vector<1x16xf32>,
      %swap3A_2424 = vector.shape_cast %swap3A_2423 : vector<1x16xf32> to vector<16xf32>
      %swap3A_2425 = vector.shape_cast %max3A_2419 : vector<16xf32> to vector<1x16xf32>
      tpu.vector_store %arg6[%swap3A_2421, %swap3A_2422], %swap3A_2425 {strides = array<i32>} : memref<16x128xf32, #tpu.memory_space<vmem>>, vector<1x16xf32>,
      %get3A_2426 = arith.constant 3 : i32
      %get3A_2427 = arith.index_cast %get3A_2426 : i32 to index
      %get3A_2428 = arith.constant 48 : index
      %get3A_2429 = tpu.vector_load %arg6[%get3A_2427, %get3A_2428] {strides = array<i32>} : memref<16x128xf32, #tpu.memory_space<vmem>>, vector<1x16xf32>,
      %get3A_2430 = vector.shape_cast %get3A_2429 : vector<1x16xf32> to vector<16xf32>
      %max3A_2431 = arith.constant 0.000000e+00 : f32
      %max3A_2432 = vector.broadcast %max3A_2431 : f32 to vector<16xf32>
      %max3A_2433 = arith.maximumf %get3A_2430, %max3A_2432 : vector<16xf32>
      %swap3A_2434 = arith.constant 3 : i32
      %swap3A_2435 = arith.index_cast %swap3A_2434 : i32 to index
      %swap3A_2436 = arith.constant 48 : index
      %swap3A_2437 = tpu.vector_load %arg6[%swap3A_2435, %swap3A_2436] {strides = array<i32>} : memref<16x128xf32, #tpu.memory_space<vmem>>, vector<1x16xf32>,
      %swap3A_2438 = vector.shape_cast %swap3A_2437 : vector<1x16xf32> to vector<16xf32>
      %swap3A_2439 = vector.shape_cast %max3A_2433 : vector<16xf32> to vector<1x16xf32>
      tpu.vector_store %arg6[%swap3A_2435, %swap3A_2436], %swap3A_2439 {strides = array<i32>} : memref<16x128xf32, #tpu.memory_space<vmem>>, vector<1x16xf32>,
      %get3A_2440 = arith.constant 3 : i32
      %get3A_2441 = arith.index_cast %get3A_2440 : i32 to index
      %get3A_2442 = arith.constant 64 : index
      %get3A_2443 = tpu.vector_load %arg6[%get3A_2441, %get3A_2442] {strides = array<i32>} : memref<16x128xf32, #tpu.memory_space<vmem>>, vector<1x16xf32>,
      %get3A_2444 = vector.shape_cast %get3A_2443 : vector<1x16xf32> to vector<16xf32>
      %max3A_2445 = arith.constant 0.000000e+00 : f32
      %max3A_2446 = vector.broadcast %max3A_2445 : f32 to vector<16xf32>
      %max3A_2447 = arith.maximumf %get3A_2444, %max3A_2446 : vector<16xf32>
      %swap3A_2448 = arith.constant 3 : i32
      %swap3A_2449 = arith.index_cast %swap3A_2448 : i32 to index
      %swap3A_2450 = arith.constant 64 : index
      %swap3A_2451 = tpu.vector_load %arg6[%swap3A_2449, %swap3A_2450] {strides = array<i32>} : memref<16x128xf32, #tpu.memory_space<vmem>>, vector<1x16xf32>,
      %swap3A_2452 = vector.shape_cast %swap3A_2451 : vector<1x16xf32> to vector<16xf32>
      %swap3A_2453 = vector.shape_cast %max3A_2447 : vector<16xf32> to vector<1x16xf32>
      tpu.vector_store %arg6[%swap3A_2449, %swap3A_2450], %swap3A_2453 {strides = array<i32>} : memref<16x128xf32, #tpu.memory_space<vmem>>, vector<1x16xf32>,
      %get3A_2454 = arith.constant 3 : i32
      %get3A_2455 = arith.index_cast %get3A_2454 : i32 to index
      %get3A_2456 = arith.constant 80 : index
      %get3A_2457 = tpu.vector_load %arg6[%get3A_2455, %get3A_2456] {strides = array<i32>} : memref<16x128xf32, #tpu.memory_space<vmem>>, vector<1x16xf32>,
      %get3A_2458 = vector.shape_cast %get3A_2457 : vector<1x16xf32> to vector<16xf32>
      %max3A_2459 = arith.constant 0.000000e+00 : f32
      %max3A_2460 = vector.broadcast %max3A_2459 : f32 to vector<16xf32>
      %max3A_2461 = arith.maximumf %get3A_2458, %max3A_2460 : vector<16xf32>
      %swap3A_2462 = arith.constant 3 : i32
      %swap3A_2463 = arith.index_cast %swap3A_2462 : i32 to index
      %swap3A_2464 = arith.constant 80 : index
      %swap3A_2465 = tpu.vector_load %arg6[%swap3A_2463, %swap3A_2464] {strides = array<i32>} : memref<16x128xf32, #tpu.memory_space<vmem>>, vector<1x16xf32>,
      %swap3A_2466 = vector.shape_cast %swap3A_2465 : vector<1x16xf32> to vector<16xf32>
      %swap3A_2467 = vector.shape_cast %max3A_2461 : vector<16xf32> to vector<1x16xf32>
      tpu.vector_store %arg6[%swap3A_2463, %swap3A_2464], %swap3A_2467 {strides = array<i32>} : memref<16x128xf32, #tpu.memory_space<vmem>>, vector<1x16xf32>,
      %get3A_2468 = arith.constant 3 : i32
      %get3A_2469 = arith.index_cast %get3A_2468 : i32 to index
      %get3A_2470 = arith.constant 96 : index
      %get3A_2471 = tpu.vector_load %arg6[%get3A_2469, %get3A_2470] {strides = array<i32>} : memref<16x128xf32, #tpu.memory_space<vmem>>, vector<1x16xf32>,
      %get3A_2472 = vector.shape_cast %get3A_2471 : vector<1x16xf32> to vector<16xf32>
      %max3A_2473 = arith.constant 0.000000e+00 : f32
      %max3A_2474 = vector.broadcast %max3A_2473 : f32 to vector<16xf32>
      %max3A_2475 = arith.maximumf %get3A_2472, %max3A_2474 : vector<16xf32>
      %swap3A_2476 = arith.constant 3 : i32
      %swap3A_2477 = arith.index_cast %swap3A_2476 : i32 to index
      %swap3A_2478 = arith.constant 96 : index
      %swap3A_2479 = tpu.vector_load %arg6[%swap3A_2477, %swap3A_2478] {strides = array<i32>} : memref<16x128xf32, #tpu.memory_space<vmem>>, vector<1x16xf32>,
      %swap3A_2480 = vector.shape_cast %swap3A_2479 : vector<1x16xf32> to vector<16xf32>
      %swap3A_2481 = vector.shape_cast %max3A_2475 : vector<16xf32> to vector<1x16xf32>
      tpu.vector_store %arg6[%swap3A_2477, %swap3A_2478], %swap3A_2481 {strides = array<i32>} : memref<16x128xf32, #tpu.memory_space<vmem>>, vector<1x16xf32>,
      %get3A_2482 = arith.constant 3 : i32
      %get3A_2483 = arith.index_cast %get3A_2482 : i32 to index
      %get3A_2484 = arith.constant 112 : index
      %get3A_2485 = tpu.vector_load %arg6[%get3A_2483, %get3A_2484] {strides = array<i32>} : memref<16x128xf32, #tpu.memory_space<vmem>>, vector<1x16xf32>,
      %get3A_2486 = vector.shape_cast %get3A_2485 : vector<1x16xf32> to vector<16xf32>
      %max3A_2487 = arith.constant 0.000000e+00 : f32
      %max3A_2488 = vector.broadcast %max3A_2487 : f32 to vector<16xf32>
      %max3A_2489 = arith.maximumf %get3A_2486, %max3A_2488 : vector<16xf32>
      %swap3A_2490 = arith.constant 3 : i32
      %swap3A_2491 = arith.index_cast %swap3A_2490 : i32 to index
      %swap3A_2492 = arith.constant 112 : index
      %swap3A_2493 = tpu.vector_load %arg6[%swap3A_2491, %swap3A_2492] {strides = array<i32>} : memref<16x128xf32, #tpu.memory_space<vmem>>, vector<1x16xf32>,
      %swap3A_2494 = vector.shape_cast %swap3A_2493 : vector<1x16xf32> to vector<16xf32>
      %swap3A_2495 = vector.shape_cast %max3A_2489 : vector<16xf32> to vector<1x16xf32>
      tpu.vector_store %arg6[%swap3A_2491, %swap3A_2492], %swap3A_2495 {strides = array<i32>} : memref<16x128xf32, #tpu.memory_space<vmem>>, vector<1x16xf32>,
    } else {
    }
    %get3A_680 = arith.constant 3 : i32
    %get3A_681 = arith.index_cast %get3A_680 : i32 to index
    %get3A_682 = arith.constant 0 : index
    %get3A_683 = tpu.vector_load %arg7[%get3A_681, %get3A_682] {strides = array<i32>} : memref<16x128xi32, #tpu.memory_space<vmem>>, vector<1x16xi32>,
    %get3A_684 = vector.shape_cast %get3A_683 : vector<1x16xi32> to vector<16xi32>
    %add3A_685 = vector.broadcast %mul3A_32 : i32 to vector<16xi32>
    %add3A_686 = arith.addi %get3A_684, %add3A_685 : vector<16xi32>
    %swap3A_687 = arith.constant 3 : i32
    %swap3A_688 = arith.index_cast %swap3A_687 : i32 to index
    %swap3A_689 = arith.constant 0 : index
    %swap3A_690 = tpu.vector_load %arg7[%swap3A_688, %swap3A_689] {strides = array<i32>} : memref<16x128xi32, #tpu.memory_space<vmem>>, vector<1x16xi32>,
    %swap3A_691 = vector.shape_cast %swap3A_690 : vector<1x16xi32> to vector<16xi32>
    %swap3A_692 = vector.shape_cast %add3A_686 : vector<16xi32> to vector<1x16xi32>
    tpu.vector_store %arg7[%swap3A_688, %swap3A_689], %swap3A_692 {strides = array<i32>} : memref<16x128xi32, #tpu.memory_space<vmem>>, vector<1x16xi32>,
    %get3A_693 = arith.constant 3 : i32
    %get3A_694 = arith.index_cast %get3A_693 : i32 to index
    %get3A_695 = arith.constant 16 : index
    %get3A_696 = tpu.vector_load %arg7[%get3A_694, %get3A_695] {strides = array<i32>} : memref<16x128xi32, #tpu.memory_space<vmem>>, vector<1x16xi32>,
    %get3A_697 = vector.shape_cast %get3A_696 : vector<1x16xi32> to vector<16xi32>
    %add3A_698 = vector.broadcast %mul3A_32 : i32 to vector<16xi32>
    %add3A_699 = arith.addi %get3A_697, %add3A_698 : vector<16xi32>
    %swap3A_700 = arith.constant 3 : i32
    %swap3A_701 = arith.index_cast %swap3A_700 : i32 to index
    %swap3A_702 = arith.constant 16 : index
    %swap3A_703 = tpu.vector_load %arg7[%swap3A_701, %swap3A_702] {strides = array<i32>} : memref<16x128xi32, #tpu.memory_space<vmem>>, vector<1x16xi32>,
    %swap3A_704 = vector.shape_cast %swap3A_703 : vector<1x16xi32> to vector<16xi32>
    %swap3A_705 = vector.shape_cast %add3A_699 : vector<16xi32> to vector<1x16xi32>
    tpu.vector_store %arg7[%swap3A_701, %swap3A_702], %swap3A_705 {strides = array<i32>} : memref<16x128xi32, #tpu.memory_space<vmem>>, vector<1x16xi32>,
    %get3A_706 = arith.constant 3 : i32
    %get3A_707 = arith.index_cast %get3A_706 : i32 to index
    %get3A_708 = arith.constant 32 : index
    %get3A_709 = tpu.vector_load %arg7[%get3A_707, %get3A_708] {strides = array<i32>} : memref<16x128xi32, #tpu.memory_space<vmem>>, vector<1x16xi32>,
    %get3A_710 = vector.shape_cast %get3A_709 : vector<1x16xi32> to vector<16xi32>
    %add3A_711 = vector.broadcast %mul3A_32 : i32 to vector<16xi32>
    %add3A_712 = arith.addi %get3A_710, %add3A_711 : vector<16xi32>
    %swap3A_713 = arith.constant 3 : i32
    %swap3A_714 = arith.index_cast %swap3A_713 : i32 to index
    %swap3A_715 = arith.constant 32 : index
    %swap3A_716 = tpu.vector_load %arg7[%swap3A_714, %swap3A_715] {strides = array<i32>} : memref<16x128xi32, #tpu.memory_space<vmem>>, vector<1x16xi32>,
    %swap3A_717 = vector.shape_cast %swap3A_716 : vector<1x16xi32> to vector<16xi32>
    %swap3A_718 = vector.shape_cast %add3A_712 : vector<16xi32> to vector<1x16xi32>
    tpu.vector_store %arg7[%swap3A_714, %swap3A_715], %swap3A_718 {strides = array<i32>} : memref<16x128xi32, #tpu.memory_space<vmem>>, vector<1x16xi32>,
    %get3A_719 = arith.constant 3 : i32
    %get3A_720 = arith.index_cast %get3A_719 : i32 to index
    %get3A_721 = arith.constant 48 : index
    %get3A_722 = tpu.vector_load %arg7[%get3A_720, %get3A_721] {strides = array<i32>} : memref<16x128xi32, #tpu.memory_space<vmem>>, vector<1x16xi32>,
    %get3A_723 = vector.shape_cast %get3A_722 : vector<1x16xi32> to vector<16xi32>
    %add3A_724 = vector.broadcast %mul3A_32 : i32 to vector<16xi32>
    %add3A_725 = arith.addi %get3A_723, %add3A_724 : vector<16xi32>
    %swap3A_726 = arith.constant 3 : i32
    %swap3A_727 = arith.index_cast %swap3A_726 : i32 to index
    %swap3A_728 = arith.constant 48 : index
    %swap3A_729 = tpu.vector_load %arg7[%swap3A_727, %swap3A_728] {strides = array<i32>} : memref<16x128xi32, #tpu.memory_space<vmem>>, vector<1x16xi32>,
    %swap3A_730 = vector.shape_cast %swap3A_729 : vector<1x16xi32> to vector<16xi32>
    %swap3A_731 = vector.shape_cast %add3A_725 : vector<16xi32> to vector<1x16xi32>
    tpu.vector_store %arg7[%swap3A_727, %swap3A_728], %swap3A_731 {strides = array<i32>} : memref<16x128xi32, #tpu.memory_space<vmem>>, vector<1x16xi32>,
    %get3A_732 = arith.constant 3 : i32
    %get3A_733 = arith.index_cast %get3A_732 : i32 to index
    %get3A_734 = arith.constant 64 : index
    %get3A_735 = tpu.vector_load %arg7[%get3A_733, %get3A_734] {strides = array<i32>} : memref<16x128xi32, #tpu.memory_space<vmem>>, vector<1x16xi32>,
    %get3A_736 = vector.shape_cast %get3A_735 : vector<1x16xi32> to vector<16xi32>
    %add3A_737 = vector.broadcast %mul3A_32 : i32 to vector<16xi32>
    %add3A_738 = arith.addi %get3A_736, %add3A_737 : vector<16xi32>
    %swap3A_739 = arith.constant 3 : i32
    %swap3A_740 = arith.index_cast %swap3A_739 : i32 to index
    %swap3A_741 = arith.constant 64 : index
    %swap3A_742 = tpu.vector_load %arg7[%swap3A_740, %swap3A_741] {strides = array<i32>} : memref<16x128xi32, #tpu.memory_space<vmem>>, vector<1x16xi32>,
    %swap3A_743 = vector.shape_cast %swap3A_742 : vector<1x16xi32> to vector<16xi32>
    %swap3A_744 = vector.shape_cast %add3A_738 : vector<16xi32> to vector<1x16xi32>
    tpu.vector_store %arg7[%swap3A_740, %swap3A_741], %swap3A_744 {strides = array<i32>} : memref<16x128xi32, #tpu.memory_space<vmem>>, vector<1x16xi32>,
    %get3A_745 = arith.constant 3 : i32
    %get3A_746 = arith.index_cast %get3A_745 : i32 to index
    %get3A_747 = arith.constant 80 : index
    %get3A_748 = tpu.vector_load %arg7[%get3A_746, %get3A_747] {strides = array<i32>} : memref<16x128xi32, #tpu.memory_space<vmem>>, vector<1x16xi32>,
    %get3A_749 = vector.shape_cast %get3A_748 : vector<1x16xi32> to vector<16xi32>
    %add3A_750 = vector.broadcast %mul3A_32 : i32 to vector<16xi32>
    %add3A_751 = arith.addi %get3A_749, %add3A_750 : vector<16xi32>
    %swap3A_752 = arith.constant 3 : i32
    %swap3A_753 = arith.index_cast %swap3A_752 : i32 to index
    %swap3A_754 = arith.constant 80 : index
    %swap3A_755 = tpu.vector_load %arg7[%swap3A_753, %swap3A_754] {strides = array<i32>} : memref<16x128xi32, #tpu.memory_space<vmem>>, vector<1x16xi32>,
    %swap3A_756 = vector.shape_cast %swap3A_755 : vector<1x16xi32> to vector<16xi32>
    %swap3A_757 = vector.shape_cast %add3A_751 : vector<16xi32> to vector<1x16xi32>
    tpu.vector_store %arg7[%swap3A_753, %swap3A_754], %swap3A_757 {strides = array<i32>} : memref<16x128xi32, #tpu.memory_space<vmem>>, vector<1x16xi32>,
    %get3A_758 = arith.constant 3 : i32
    %get3A_759 = arith.index_cast %get3A_758 : i32 to index
    %get3A_760 = arith.constant 96 : index
    %get3A_761 = tpu.vector_load %arg7[%get3A_759, %get3A_760] {strides = array<i32>} : memref<16x128xi32, #tpu.memory_space<vmem>>, vector<1x16xi32>,
    %get3A_762 = vector.shape_cast %get3A_761 : vector<1x16xi32> to vector<16xi32>
    %add3A_763 = vector.broadcast %mul3A_32 : i32 to vector<16xi32>
    %add3A_764 = arith.addi %get3A_762, %add3A_763 : vector<16xi32>
    %swap3A_765 = arith.constant 3 : i32
    %swap3A_766 = arith.index_cast %swap3A_765 : i32 to index
    %swap3A_767 = arith.constant 96 : index
    %swap3A_768 = tpu.vector_load %arg7[%swap3A_766, %swap3A_767] {strides = array<i32>} : memref<16x128xi32, #tpu.memory_space<vmem>>, vector<1x16xi32>,
    %swap3A_769 = vector.shape_cast %swap3A_768 : vector<1x16xi32> to vector<16xi32>
    %swap3A_770 = vector.shape_cast %add3A_764 : vector<16xi32> to vector<1x16xi32>
    tpu.vector_store %arg7[%swap3A_766, %swap3A_767], %swap3A_770 {strides = array<i32>} : memref<16x128xi32, #tpu.memory_space<vmem>>, vector<1x16xi32>,
    %get3A_771 = arith.constant 3 : i32
    %get3A_772 = arith.index_cast %get3A_771 : i32 to index
    %get3A_773 = arith.constant 112 : index
    %get3A_774 = tpu.vector_load %arg7[%get3A_772, %get3A_773] {strides = array<i32>} : memref<16x128xi32, #tpu.memory_space<vmem>>, vector<1x16xi32>,
    %get3A_775 = vector.shape_cast %get3A_774 : vector<1x16xi32> to vector<16xi32>
    %add3A_776 = vector.broadcast %mul3A_32 : i32 to vector<16xi32>
    %add3A_777 = arith.addi %get3A_775, %add3A_776 : vector<16xi32>
    %swap3A_778 = arith.constant 3 : i32
    %swap3A_779 = arith.index_cast %swap3A_778 : i32 to index
    %swap3A_780 = arith.constant 112 : index
    %swap3A_781 = tpu.vector_load %arg7[%swap3A_779, %swap3A_780] {strides = array<i32>} : memref<16x128xi32, #tpu.memory_space<vmem>>, vector<1x16xi32>,
    %swap3A_782 = vector.shape_cast %swap3A_781 : vector<1x16xi32> to vector<16xi32>
    %swap3A_783 = vector.shape_cast %add3A_777 : vector<16xi32> to vector<1x16xi32>
    tpu.vector_store %arg7[%swap3A_779, %swap3A_780], %swap3A_783 {strides = array<i32>} : memref<16x128xi32, #tpu.memory_space<vmem>>, vector<1x16xi32>,
    %dma_start3A_784 = arith.constant 3 : i32
    %dma_start3A_785 = arith.constant 3 : i32
    %dma_start3A_786 = arith.constant 0 : i32
    %dma_start3A_787 = tpu.memref_slice %arg6[%dma_start3A_784, %dma_start3A_786] : memref<16x128xf32, #tpu.memory_space<vmem>> -> memref<1x128xf32, #tpu.memory_space<vmem>>
    %dma_start3A_788 = tpu.memref_squeeze %dma_start3A_787 : memref<1x128xf32, #tpu.memory_space<vmem>> -> memref<128xf32, #tpu.memory_space<vmem>>
    %dma_start3A_789 = arith.constant 0 : i32
    %dma_start3A_790 = tpu.memref_slice %arg7[%dma_start3A_785, %dma_start3A_789] : memref<16x128xi32, #tpu.memory_space<vmem>> -> memref<1x128xi32, #tpu.memory_space<vmem>>
    %dma_start3A_791 = tpu.memref_squeeze %dma_start3A_790 : memref<1x128xi32, #tpu.memory_space<vmem>> -> memref<128xi32, #tpu.memory_space<vmem>>
    %dma_start3A_792 = arith.constant 0 : i32
    %dma_start3A_793 = tpu.memref_slice %arg9[%dma_start3A_792] : memref<16384xf32, #tpu.memory_space<vmem_shared>> -> memref<16384xf32, #tpu.memory_space<vmem_shared>>
    tpu.enqueue_indirect_dma source(%dma_start3A_788 : memref<128xf32, #tpu.memory_space<vmem>>) target(%dma_start3A_793 : memref<16384xf32, #tpu.memory_space<vmem_shared>>) offsets(%dma_start3A_791 : memref<128xi32, #tpu.memory_space<vmem>>) semaphore(%arg12 : memref<!tpu.dma_semaphore, #tpu.memory_space<semaphore_mem>>) {add = true}
    %eq3A_794 = arith.constant 0 : i32
    %eq3A_795 = arith.cmpi eq, %select_n3A_30, %eq3A_794 : i32
    %convert_element_type3A_796 = arith.extui %eq3A_795 : i1 to i32
    %cond3A_797 = arith.constant 0 : i32
    %cond3A_798 = arith.cmpi ne, %convert_element_type3A_796, %cond3A_797 : i32
    scf.if %cond3A_798 {
      %get3A_2385 = arith.constant 4 : i32
      %get3A_2386 = arith.index_cast %get3A_2385 : i32 to index
      %get3A_2387 = arith.constant 0 : index
      %get3A_2388 = tpu.vector_load %arg6[%get3A_2386, %get3A_2387] {strides = array<i32>} : memref<16x128xf32, #tpu.memory_space<vmem>>, vector<1x16xf32>,
      %get3A_2389 = vector.shape_cast %get3A_2388 : vector<1x16xf32> to vector<16xf32>
      %max3A = arith.constant 0.000000e+00 : f32
      %max3A_2390 = vector.broadcast %max3A : f32 to vector<16xf32>
      %max3A_2391 = arith.maximumf %get3A_2389, %max3A_2390 : vector<16xf32>
      %swap3A_2392 = arith.constant 4 : i32
      %swap3A_2393 = arith.index_cast %swap3A_2392 : i32 to index
      %swap3A_2394 = arith.constant 0 : index
      %swap3A_2395 = tpu.vector_load %arg6[%swap3A_2393, %swap3A_2394] {strides = array<i32>} : memref<16x128xf32, #tpu.memory_space<vmem>>, vector<1x16xf32>,
      %swap3A_2396 = vector.shape_cast %swap3A_2395 : vector<1x16xf32> to vector<16xf32>
      %swap3A_2397 = vector.shape_cast %max3A_2391 : vector<16xf32> to vector<1x16xf32>
      tpu.vector_store %arg6[%swap3A_2393, %swap3A_2394], %swap3A_2397 {strides = array<i32>} : memref<16x128xf32, #tpu.memory_space<vmem>>, vector<1x16xf32>,
      %get3A_2398 = arith.constant 4 : i32
      %get3A_2399 = arith.index_cast %get3A_2398 : i32 to index
      %get3A_2400 = arith.constant 16 : index
      %get3A_2401 = tpu.vector_load %arg6[%get3A_2399, %get3A_2400] {strides = array<i32>} : memref<16x128xf32, #tpu.memory_space<vmem>>, vector<1x16xf32>,
      %get3A_2402 = vector.shape_cast %get3A_2401 : vector<1x16xf32> to vector<16xf32>
      %max3A_2403 = arith.constant 0.000000e+00 : f32
      %max3A_2404 = vector.broadcast %max3A_2403 : f32 to vector<16xf32>
      %max3A_2405 = arith.maximumf %get3A_2402, %max3A_2404 : vector<16xf32>
      %swap3A_2406 = arith.constant 4 : i32
      %swap3A_2407 = arith.index_cast %swap3A_2406 : i32 to index
      %swap3A_2408 = arith.constant 16 : index
      %swap3A_2409 = tpu.vector_load %arg6[%swap3A_2407, %swap3A_2408] {strides = array<i32>} : memref<16x128xf32, #tpu.memory_space<vmem>>, vector<1x16xf32>,
      %swap3A_2410 = vector.shape_cast %swap3A_2409 : vector<1x16xf32> to vector<16xf32>
      %swap3A_2411 = vector.shape_cast %max3A_2405 : vector<16xf32> to vector<1x16xf32>
      tpu.vector_store %arg6[%swap3A_2407, %swap3A_2408], %swap3A_2411 {strides = array<i32>} : memref<16x128xf32, #tpu.memory_space<vmem>>, vector<1x16xf32>,
      %get3A_2412 = arith.constant 4 : i32
      %get3A_2413 = arith.index_cast %get3A_2412 : i32 to index
      %get3A_2414 = arith.constant 32 : index
      %get3A_2415 = tpu.vector_load %arg6[%get3A_2413, %get3A_2414] {strides = array<i32>} : memref<16x128xf32, #tpu.memory_space<vmem>>, vector<1x16xf32>,
      %get3A_2416 = vector.shape_cast %get3A_2415 : vector<1x16xf32> to vector<16xf32>
      %max3A_2417 = arith.constant 0.000000e+00 : f32
      %max3A_2418 = vector.broadcast %max3A_2417 : f32 to vector<16xf32>
      %max3A_2419 = arith.maximumf %get3A_2416, %max3A_2418 : vector<16xf32>
      %swap3A_2420 = arith.constant 4 : i32
      %swap3A_2421 = arith.index_cast %swap3A_2420 : i32 to index
      %swap3A_2422 = arith.constant 32 : index
      %swap3A_2423 = tpu.vector_load %arg6[%swap3A_2421, %swap3A_2422] {strides = array<i32>} : memref<16x128xf32, #tpu.memory_space<vmem>>, vector<1x16xf32>,
      %swap3A_2424 = vector.shape_cast %swap3A_2423 : vector<1x16xf32> to vector<16xf32>
      %swap3A_2425 = vector.shape_cast %max3A_2419 : vector<16xf32> to vector<1x16xf32>
      tpu.vector_store %arg6[%swap3A_2421, %swap3A_2422], %swap3A_2425 {strides = array<i32>} : memref<16x128xf32, #tpu.memory_space<vmem>>, vector<1x16xf32>,
      %get3A_2426 = arith.constant 4 : i32
      %get3A_2427 = arith.index_cast %get3A_2426 : i32 to index
      %get3A_2428 = arith.constant 48 : index
      %get3A_2429 = tpu.vector_load %arg6[%get3A_2427, %get3A_2428] {strides = array<i32>} : memref<16x128xf32, #tpu.memory_space<vmem>>, vector<1x16xf32>,
      %get3A_2430 = vector.shape_cast %get3A_2429 : vector<1x16xf32> to vector<16xf32>
      %max3A_2431 = arith.constant 0.000000e+00 : f32
      %max3A_2432 = vector.broadcast %max3A_2431 : f32 to vector<16xf32>
      %max3A_2433 = arith.maximumf %get3A_2430, %max3A_2432 : vector<16xf32>
      %swap3A_2434 = arith.constant 4 : i32
      %swap3A_2435 = arith.index_cast %swap3A_2434 : i32 to index
      %swap3A_2436 = arith.constant 48 : index
      %swap3A_2437 = tpu.vector_load %arg6[%swap3A_2435, %swap3A_2436] {strides = array<i32>} : memref<16x128xf32, #tpu.memory_space<vmem>>, vector<1x16xf32>,
      %swap3A_2438 = vector.shape_cast %swap3A_2437 : vector<1x16xf32> to vector<16xf32>
      %swap3A_2439 = vector.shape_cast %max3A_2433 : vector<16xf32> to vector<1x16xf32>
      tpu.vector_store %arg6[%swap3A_2435, %swap3A_2436], %swap3A_2439 {strides = array<i32>} : memref<16x128xf32, #tpu.memory_space<vmem>>, vector<1x16xf32>,
      %get3A_2440 = arith.constant 4 : i32
      %get3A_2441 = arith.index_cast %get3A_2440 : i32 to index
      %get3A_2442 = arith.constant 64 : index
      %get3A_2443 = tpu.vector_load %arg6[%get3A_2441, %get3A_2442] {strides = array<i32>} : memref<16x128xf32, #tpu.memory_space<vmem>>, vector<1x16xf32>,
      %get3A_2444 = vector.shape_cast %get3A_2443 : vector<1x16xf32> to vector<16xf32>
      %max3A_2445 = arith.constant 0.000000e+00 : f32
      %max3A_2446 = vector.broadcast %max3A_2445 : f32 to vector<16xf32>
      %max3A_2447 = arith.maximumf %get3A_2444, %max3A_2446 : vector<16xf32>
      %swap3A_2448 = arith.constant 4 : i32
      %swap3A_2449 = arith.index_cast %swap3A_2448 : i32 to index
      %swap3A_2450 = arith.constant 64 : index
      %swap3A_2451 = tpu.vector_load %arg6[%swap3A_2449, %swap3A_2450] {strides = array<i32>} : memref<16x128xf32, #tpu.memory_space<vmem>>, vector<1x16xf32>,
      %swap3A_2452 = vector.shape_cast %swap3A_2451 : vector<1x16xf32> to vector<16xf32>
      %swap3A_2453 = vector.shape_cast %max3A_2447 : vector<16xf32> to vector<1x16xf32>
      tpu.vector_store %arg6[%swap3A_2449, %swap3A_2450], %swap3A_2453 {strides = array<i32>} : memref<16x128xf32, #tpu.memory_space<vmem>>, vector<1x16xf32>,
      %get3A_2454 = arith.constant 4 : i32
      %get3A_2455 = arith.index_cast %get3A_2454 : i32 to index
      %get3A_2456 = arith.constant 80 : index
      %get3A_2457 = tpu.vector_load %arg6[%get3A_2455, %get3A_2456] {strides = array<i32>} : memref<16x128xf32, #tpu.memory_space<vmem>>, vector<1x16xf32>,
      %get3A_2458 = vector.shape_cast %get3A_2457 : vector<1x16xf32> to vector<16xf32>
      %max3A_2459 = arith.constant 0.000000e+00 : f32
      %max3A_2460 = vector.broadcast %max3A_2459 : f32 to vector<16xf32>
      %max3A_2461 = arith.maximumf %get3A_2458, %max3A_2460 : vector<16xf32>
      %swap3A_2462 = arith.constant 4 : i32
      %swap3A_2463 = arith.index_cast %swap3A_2462 : i32 to index
      %swap3A_2464 = arith.constant 80 : index
      %swap3A_2465 = tpu.vector_load %arg6[%swap3A_2463, %swap3A_2464] {strides = array<i32>} : memref<16x128xf32, #tpu.memory_space<vmem>>, vector<1x16xf32>,
      %swap3A_2466 = vector.shape_cast %swap3A_2465 : vector<1x16xf32> to vector<16xf32>
      %swap3A_2467 = vector.shape_cast %max3A_2461 : vector<16xf32> to vector<1x16xf32>
      tpu.vector_store %arg6[%swap3A_2463, %swap3A_2464], %swap3A_2467 {strides = array<i32>} : memref<16x128xf32, #tpu.memory_space<vmem>>, vector<1x16xf32>,
      %get3A_2468 = arith.constant 4 : i32
      %get3A_2469 = arith.index_cast %get3A_2468 : i32 to index
      %get3A_2470 = arith.constant 96 : index
      %get3A_2471 = tpu.vector_load %arg6[%get3A_2469, %get3A_2470] {strides = array<i32>} : memref<16x128xf32, #tpu.memory_space<vmem>>, vector<1x16xf32>,
      %get3A_2472 = vector.shape_cast %get3A_2471 : vector<1x16xf32> to vector<16xf32>
      %max3A_2473 = arith.constant 0.000000e+00 : f32
      %max3A_2474 = vector.broadcast %max3A_2473 : f32 to vector<16xf32>
      %max3A_2475 = arith.maximumf %get3A_2472, %max3A_2474 : vector<16xf32>
      %swap3A_2476 = arith.constant 4 : i32
      %swap3A_2477 = arith.index_cast %swap3A_2476 : i32 to index
      %swap3A_2478 = arith.constant 96 : index
      %swap3A_2479 = tpu.vector_load %arg6[%swap3A_2477, %swap3A_2478] {strides = array<i32>} : memref<16x128xf32, #tpu.memory_space<vmem>>, vector<1x16xf32>,
      %swap3A_2480 = vector.shape_cast %swap3A_2479 : vector<1x16xf32> to vector<16xf32>
      %swap3A_2481 = vector.shape_cast %max3A_2475 : vector<16xf32> to vector<1x16xf32>
      tpu.vector_store %arg6[%swap3A_2477, %swap3A_2478], %swap3A_2481 {strides = array<i32>} : memref<16x128xf32, #tpu.memory_space<vmem>>, vector<1x16xf32>,
      %get3A_2482 = arith.constant 4 : i32
      %get3A_2483 = arith.index_cast %get3A_2482 : i32 to index
      %get3A_2484 = arith.constant 112 : index
      %get3A_2485 = tpu.vector_load %arg6[%get3A_2483, %get3A_2484] {strides = array<i32>} : memref<16x128xf32, #tpu.memory_space<vmem>>, vector<1x16xf32>,
      %get3A_2486 = vector.shape_cast %get3A_2485 : vector<1x16xf32> to vector<16xf32>
      %max3A_2487 = arith.constant 0.000000e+00 : f32
      %max3A_2488 = vector.broadcast %max3A_2487 : f32 to vector<16xf32>
      %max3A_2489 = arith.maximumf %get3A_2486, %max3A_2488 : vector<16xf32>
      %swap3A_2490 = arith.constant 4 : i32
      %swap3A_2491 = arith.index_cast %swap3A_2490 : i32 to index
      %swap3A_2492 = arith.constant 112 : index
      %swap3A_2493 = tpu.vector_load %arg6[%swap3A_2491, %swap3A_2492] {strides = array<i32>} : memref<16x128xf32, #tpu.memory_space<vmem>>, vector<1x16xf32>,
      %swap3A_2494 = vector.shape_cast %swap3A_2493 : vector<1x16xf32> to vector<16xf32>
      %swap3A_2495 = vector.shape_cast %max3A_2489 : vector<16xf32> to vector<1x16xf32>
      tpu.vector_store %arg6[%swap3A_2491, %swap3A_2492], %swap3A_2495 {strides = array<i32>} : memref<16x128xf32, #tpu.memory_space<vmem>>, vector<1x16xf32>,
    } else {
    }
    %get3A_799 = arith.constant 4 : i32
    %get3A_800 = arith.index_cast %get3A_799 : i32 to index
    %get3A_801 = arith.constant 0 : index
    %get3A_802 = tpu.vector_load %arg7[%get3A_800, %get3A_801] {strides = array<i32>} : memref<16x128xi32, #tpu.memory_space<vmem>>, vector<1x16xi32>,
    %get3A_803 = vector.shape_cast %get3A_802 : vector<1x16xi32> to vector<16xi32>
    %add3A_804 = vector.broadcast %mul3A_32 : i32 to vector<16xi32>
    %add3A_805 = arith.addi %get3A_803, %add3A_804 : vector<16xi32>
    %swap3A_806 = arith.constant 4 : i32
    %swap3A_807 = arith.index_cast %swap3A_806 : i32 to index
    %swap3A_808 = arith.constant 0 : index
    %swap3A_809 = tpu.vector_load %arg7[%swap3A_807, %swap3A_808] {strides = array<i32>} : memref<16x128xi32, #tpu.memory_space<vmem>>, vector<1x16xi32>,
    %swap3A_810 = vector.shape_cast %swap3A_809 : vector<1x16xi32> to vector<16xi32>
    %swap3A_811 = vector.shape_cast %add3A_805 : vector<16xi32> to vector<1x16xi32>
    tpu.vector_store %arg7[%swap3A_807, %swap3A_808], %swap3A_811 {strides = array<i32>} : memref<16x128xi32, #tpu.memory_space<vmem>>, vector<1x16xi32>,
    %get3A_812 = arith.constant 4 : i32
    %get3A_813 = arith.index_cast %get3A_812 : i32 to index
    %get3A_814 = arith.constant 16 : index
    %get3A_815 = tpu.vector_load %arg7[%get3A_813, %get3A_814] {strides = array<i32>} : memref<16x128xi32, #tpu.memory_space<vmem>>, vector<1x16xi32>,
    %get3A_816 = vector.shape_cast %get3A_815 : vector<1x16xi32> to vector<16xi32>
    %add3A_817 = vector.broadcast %mul3A_32 : i32 to vector<16xi32>
    %add3A_818 = arith.addi %get3A_816, %add3A_817 : vector<16xi32>
    %swap3A_819 = arith.constant 4 : i32
    %swap3A_820 = arith.index_cast %swap3A_819 : i32 to index
    %swap3A_821 = arith.constant 16 : index
    %swap3A_822 = tpu.vector_load %arg7[%swap3A_820, %swap3A_821] {strides = array<i32>} : memref<16x128xi32, #tpu.memory_space<vmem>>, vector<1x16xi32>,
    %swap3A_823 = vector.shape_cast %swap3A_822 : vector<1x16xi32> to vector<16xi32>
    %swap3A_824 = vector.shape_cast %add3A_818 : vector<16xi32> to vector<1x16xi32>
    tpu.vector_store %arg7[%swap3A_820, %swap3A_821], %swap3A_824 {strides = array<i32>} : memref<16x128xi32, #tpu.memory_space<vmem>>, vector<1x16xi32>,
    %get3A_825 = arith.constant 4 : i32
    %get3A_826 = arith.index_cast %get3A_825 : i32 to index
    %get3A_827 = arith.constant 32 : index
    %get3A_828 = tpu.vector_load %arg7[%get3A_826, %get3A_827] {strides = array<i32>} : memref<16x128xi32, #tpu.memory_space<vmem>>, vector<1x16xi32>,
    %get3A_829 = vector.shape_cast %get3A_828 : vector<1x16xi32> to vector<16xi32>
    %add3A_830 = vector.broadcast %mul3A_32 : i32 to vector<16xi32>
    %add3A_831 = arith.addi %get3A_829, %add3A_830 : vector<16xi32>
    %swap3A_832 = arith.constant 4 : i32
    %swap3A_833 = arith.index_cast %swap3A_832 : i32 to index
    %swap3A_834 = arith.constant 32 : index
    %swap3A_835 = tpu.vector_load %arg7[%swap3A_833, %swap3A_834] {strides = array<i32>} : memref<16x128xi32, #tpu.memory_space<vmem>>, vector<1x16xi32>,
    %swap3A_836 = vector.shape_cast %swap3A_835 : vector<1x16xi32> to vector<16xi32>
    %swap3A_837 = vector.shape_cast %add3A_831 : vector<16xi32> to vector<1x16xi32>
    tpu.vector_store %arg7[%swap3A_833, %swap3A_834], %swap3A_837 {strides = array<i32>} : memref<16x128xi32, #tpu.memory_space<vmem>>, vector<1x16xi32>,
    %get3A_838 = arith.constant 4 : i32
    %get3A_839 = arith.index_cast %get3A_838 : i32 to index
    %get3A_840 = arith.constant 48 : index
    %get3A_841 = tpu.vector_load %arg7[%get3A_839, %get3A_840] {strides = array<i32>} : memref<16x128xi32, #tpu.memory_space<vmem>>, vector<1x16xi32>,
    %get3A_842 = vector.shape_cast %get3A_841 : vector<1x16xi32> to vector<16xi32>
    %add3A_843 = vector.broadcast %mul3A_32 : i32 to vector<16xi32>
    %add3A_844 = arith.addi %get3A_842, %add3A_843 : vector<16xi32>
    %swap3A_845 = arith.constant 4 : i32
    %swap3A_846 = arith.index_cast %swap3A_845 : i32 to index
    %swap3A_847 = arith.constant 48 : index
    %swap3A_848 = tpu.vector_load %arg7[%swap3A_846, %swap3A_847] {strides = array<i32>} : memref<16x128xi32, #tpu.memory_space<vmem>>, vector<1x16xi32>,
    %swap3A_849 = vector.shape_cast %swap3A_848 : vector<1x16xi32> to vector<16xi32>
    %swap3A_850 = vector.shape_cast %add3A_844 : vector<16xi32> to vector<1x16xi32>
    tpu.vector_store %arg7[%swap3A_846, %swap3A_847], %swap3A_850 {strides = array<i32>} : memref<16x128xi32, #tpu.memory_space<vmem>>, vector<1x16xi32>,
    %get3A_851 = arith.constant 4 : i32
    %get3A_852 = arith.index_cast %get3A_851 : i32 to index
    %get3A_853 = arith.constant 64 : index
    %get3A_854 = tpu.vector_load %arg7[%get3A_852, %get3A_853] {strides = array<i32>} : memref<16x128xi32, #tpu.memory_space<vmem>>, vector<1x16xi32>,
    %get3A_855 = vector.shape_cast %get3A_854 : vector<1x16xi32> to vector<16xi32>
    %add3A_856 = vector.broadcast %mul3A_32 : i32 to vector<16xi32>
    %add3A_857 = arith.addi %get3A_855, %add3A_856 : vector<16xi32>
    %swap3A_858 = arith.constant 4 : i32
    %swap3A_859 = arith.index_cast %swap3A_858 : i32 to index
    %swap3A_860 = arith.constant 64 : index
    %swap3A_861 = tpu.vector_load %arg7[%swap3A_859, %swap3A_860] {strides = array<i32>} : memref<16x128xi32, #tpu.memory_space<vmem>>, vector<1x16xi32>,
    %swap3A_862 = vector.shape_cast %swap3A_861 : vector<1x16xi32> to vector<16xi32>
    %swap3A_863 = vector.shape_cast %add3A_857 : vector<16xi32> to vector<1x16xi32>
    tpu.vector_store %arg7[%swap3A_859, %swap3A_860], %swap3A_863 {strides = array<i32>} : memref<16x128xi32, #tpu.memory_space<vmem>>, vector<1x16xi32>,
    %get3A_864 = arith.constant 4 : i32
    %get3A_865 = arith.index_cast %get3A_864 : i32 to index
    %get3A_866 = arith.constant 80 : index
    %get3A_867 = tpu.vector_load %arg7[%get3A_865, %get3A_866] {strides = array<i32>} : memref<16x128xi32, #tpu.memory_space<vmem>>, vector<1x16xi32>,
    %get3A_868 = vector.shape_cast %get3A_867 : vector<1x16xi32> to vector<16xi32>
    %add3A_869 = vector.broadcast %mul3A_32 : i32 to vector<16xi32>
    %add3A_870 = arith.addi %get3A_868, %add3A_869 : vector<16xi32>
    %swap3A_871 = arith.constant 4 : i32
    %swap3A_872 = arith.index_cast %swap3A_871 : i32 to index
    %swap3A_873 = arith.constant 80 : index
    %swap3A_874 = tpu.vector_load %arg7[%swap3A_872, %swap3A_873] {strides = array<i32>} : memref<16x128xi32, #tpu.memory_space<vmem>>, vector<1x16xi32>,
    %swap3A_875 = vector.shape_cast %swap3A_874 : vector<1x16xi32> to vector<16xi32>
    %swap3A_876 = vector.shape_cast %add3A_870 : vector<16xi32> to vector<1x16xi32>
    tpu.vector_store %arg7[%swap3A_872, %swap3A_873], %swap3A_876 {strides = array<i32>} : memref<16x128xi32, #tpu.memory_space<vmem>>, vector<1x16xi32>,
    %get3A_877 = arith.constant 4 : i32
    %get3A_878 = arith.index_cast %get3A_877 : i32 to index
    %get3A_879 = arith.constant 96 : index
    %get3A_880 = tpu.vector_load %arg7[%get3A_878, %get3A_879] {strides = array<i32>} : memref<16x128xi32, #tpu.memory_space<vmem>>, vector<1x16xi32>,
    %get3A_881 = vector.shape_cast %get3A_880 : vector<1x16xi32> to vector<16xi32>
    %add3A_882 = vector.broadcast %mul3A_32 : i32 to vector<16xi32>
    %add3A_883 = arith.addi %get3A_881, %add3A_882 : vector<16xi32>
    %swap3A_884 = arith.constant 4 : i32
    %swap3A_885 = arith.index_cast %swap3A_884 : i32 to index
    %swap3A_886 = arith.constant 96 : index
    %swap3A_887 = tpu.vector_load %arg7[%swap3A_885, %swap3A_886] {strides = array<i32>} : memref<16x128xi32, #tpu.memory_space<vmem>>, vector<1x16xi32>,
    %swap3A_888 = vector.shape_cast %swap3A_887 : vector<1x16xi32> to vector<16xi32>
    %swap3A_889 = vector.shape_cast %add3A_883 : vector<16xi32> to vector<1x16xi32>
    tpu.vector_store %arg7[%swap3A_885, %swap3A_886], %swap3A_889 {strides = array<i32>} : memref<16x128xi32, #tpu.memory_space<vmem>>, vector<1x16xi32>,
    %get3A_890 = arith.constant 4 : i32
    %get3A_891 = arith.index_cast %get3A_890 : i32 to index
    %get3A_892 = arith.constant 112 : index
    %get3A_893 = tpu.vector_load %arg7[%get3A_891, %get3A_892] {strides = array<i32>} : memref<16x128xi32, #tpu.memory_space<vmem>>, vector<1x16xi32>,
    %get3A_894 = vector.shape_cast %get3A_893 : vector<1x16xi32> to vector<16xi32>
    %add3A_895 = vector.broadcast %mul3A_32 : i32 to vector<16xi32>
    %add3A_896 = arith.addi %get3A_894, %add3A_895 : vector<16xi32>
    %swap3A_897 = arith.constant 4 : i32
    %swap3A_898 = arith.index_cast %swap3A_897 : i32 to index
    %swap3A_899 = arith.constant 112 : index
    %swap3A_900 = tpu.vector_load %arg7[%swap3A_898, %swap3A_899] {strides = array<i32>} : memref<16x128xi32, #tpu.memory_space<vmem>>, vector<1x16xi32>,
    %swap3A_901 = vector.shape_cast %swap3A_900 : vector<1x16xi32> to vector<16xi32>
    %swap3A_902 = vector.shape_cast %add3A_896 : vector<16xi32> to vector<1x16xi32>
    tpu.vector_store %arg7[%swap3A_898, %swap3A_899], %swap3A_902 {strides = array<i32>} : memref<16x128xi32, #tpu.memory_space<vmem>>, vector<1x16xi32>,
    %dma_start3A_903 = arith.constant 4 : i32
    %dma_start3A_904 = arith.constant 4 : i32
    %dma_start3A_905 = arith.constant 0 : i32
    %dma_start3A_906 = tpu.memref_slice %arg6[%dma_start3A_903, %dma_start3A_905] : memref<16x128xf32, #tpu.memory_space<vmem>> -> memref<1x128xf32, #tpu.memory_space<vmem>>
    %dma_start3A_907 = tpu.memref_squeeze %dma_start3A_906 : memref<1x128xf32, #tpu.memory_space<vmem>> -> memref<128xf32, #tpu.memory_space<vmem>>
    %dma_start3A_908 = arith.constant 0 : i32
    %dma_start3A_909 = tpu.memref_slice %arg7[%dma_start3A_904, %dma_start3A_908] : memref<16x128xi32, #tpu.memory_space<vmem>> -> memref<1x128xi32, #tpu.memory_space<vmem>>
    %dma_start3A_910 = tpu.memref_squeeze %dma_start3A_909 : memref<1x128xi32, #tpu.memory_space<vmem>> -> memref<128xi32, #tpu.memory_space<vmem>>
    %dma_start3A_911 = arith.constant 0 : i32
    %dma_start3A_912 = tpu.memref_slice %arg9[%dma_start3A_911] : memref<16384xf32, #tpu.memory_space<vmem_shared>> -> memref<16384xf32, #tpu.memory_space<vmem_shared>>
    tpu.enqueue_indirect_dma source(%dma_start3A_907 : memref<128xf32, #tpu.memory_space<vmem>>) target(%dma_start3A_912 : memref<16384xf32, #tpu.memory_space<vmem_shared>>) offsets(%dma_start3A_910 : memref<128xi32, #tpu.memory_space<vmem>>) semaphore(%arg12 : memref<!tpu.dma_semaphore, #tpu.memory_space<semaphore_mem>>) {add = true}
    %eq3A_913 = arith.constant 0 : i32
    %eq3A_914 = arith.cmpi eq, %select_n3A_30, %eq3A_913 : i32
    %convert_element_type3A_915 = arith.extui %eq3A_914 : i1 to i32
    %cond3A_916 = arith.constant 0 : i32
    %cond3A_917 = arith.cmpi ne, %convert_element_type3A_915, %cond3A_916 : i32
    scf.if %cond3A_917 {
      %get3A_2385 = arith.constant 5 : i32
      %get3A_2386 = arith.index_cast %get3A_2385 : i32 to index
      %get3A_2387 = arith.constant 0 : index
      %get3A_2388 = tpu.vector_load %arg6[%get3A_2386, %get3A_2387] {strides = array<i32>} : memref<16x128xf32, #tpu.memory_space<vmem>>, vector<1x16xf32>,
      %get3A_2389 = vector.shape_cast %get3A_2388 : vector<1x16xf32> to vector<16xf32>
      %max3A = arith.constant 0.000000e+00 : f32
      %max3A_2390 = vector.broadcast %max3A : f32 to vector<16xf32>
      %max3A_2391 = arith.maximumf %get3A_2389, %max3A_2390 : vector<16xf32>
      %swap3A_2392 = arith.constant 5 : i32
      %swap3A_2393 = arith.index_cast %swap3A_2392 : i32 to index
      %swap3A_2394 = arith.constant 0 : index
      %swap3A_2395 = tpu.vector_load %arg6[%swap3A_2393, %swap3A_2394] {strides = array<i32>} : memref<16x128xf32, #tpu.memory_space<vmem>>, vector<1x16xf32>,
      %swap3A_2396 = vector.shape_cast %swap3A_2395 : vector<1x16xf32> to vector<16xf32>
      %swap3A_2397 = vector.shape_cast %max3A_2391 : vector<16xf32> to vector<1x16xf32>
      tpu.vector_store %arg6[%swap3A_2393, %swap3A_2394], %swap3A_2397 {strides = array<i32>} : memref<16x128xf32, #tpu.memory_space<vmem>>, vector<1x16xf32>,
      %get3A_2398 = arith.constant 5 : i32
      %get3A_2399 = arith.index_cast %get3A_2398 : i32 to index
      %get3A_2400 = arith.constant 16 : index
      %get3A_2401 = tpu.vector_load %arg6[%get3A_2399, %get3A_2400] {strides = array<i32>} : memref<16x128xf32, #tpu.memory_space<vmem>>, vector<1x16xf32>,
      %get3A_2402 = vector.shape_cast %get3A_2401 : vector<1x16xf32> to vector<16xf32>
      %max3A_2403 = arith.constant 0.000000e+00 : f32
      %max3A_2404 = vector.broadcast %max3A_2403 : f32 to vector<16xf32>
      %max3A_2405 = arith.maximumf %get3A_2402, %max3A_2404 : vector<16xf32>
      %swap3A_2406 = arith.constant 5 : i32
      %swap3A_2407 = arith.index_cast %swap3A_2406 : i32 to index
      %swap3A_2408 = arith.constant 16 : index
      %swap3A_2409 = tpu.vector_load %arg6[%swap3A_2407, %swap3A_2408] {strides = array<i32>} : memref<16x128xf32, #tpu.memory_space<vmem>>, vector<1x16xf32>,
      %swap3A_2410 = vector.shape_cast %swap3A_2409 : vector<1x16xf32> to vector<16xf32>
      %swap3A_2411 = vector.shape_cast %max3A_2405 : vector<16xf32> to vector<1x16xf32>
      tpu.vector_store %arg6[%swap3A_2407, %swap3A_2408], %swap3A_2411 {strides = array<i32>} : memref<16x128xf32, #tpu.memory_space<vmem>>, vector<1x16xf32>,
      %get3A_2412 = arith.constant 5 : i32
      %get3A_2413 = arith.index_cast %get3A_2412 : i32 to index
      %get3A_2414 = arith.constant 32 : index
      %get3A_2415 = tpu.vector_load %arg6[%get3A_2413, %get3A_2414] {strides = array<i32>} : memref<16x128xf32, #tpu.memory_space<vmem>>, vector<1x16xf32>,
      %get3A_2416 = vector.shape_cast %get3A_2415 : vector<1x16xf32> to vector<16xf32>
      %max3A_2417 = arith.constant 0.000000e+00 : f32
      %max3A_2418 = vector.broadcast %max3A_2417 : f32 to vector<16xf32>
      %max3A_2419 = arith.maximumf %get3A_2416, %max3A_2418 : vector<16xf32>
      %swap3A_2420 = arith.constant 5 : i32
      %swap3A_2421 = arith.index_cast %swap3A_2420 : i32 to index
      %swap3A_2422 = arith.constant 32 : index
      %swap3A_2423 = tpu.vector_load %arg6[%swap3A_2421, %swap3A_2422] {strides = array<i32>} : memref<16x128xf32, #tpu.memory_space<vmem>>, vector<1x16xf32>,
      %swap3A_2424 = vector.shape_cast %swap3A_2423 : vector<1x16xf32> to vector<16xf32>
      %swap3A_2425 = vector.shape_cast %max3A_2419 : vector<16xf32> to vector<1x16xf32>
      tpu.vector_store %arg6[%swap3A_2421, %swap3A_2422], %swap3A_2425 {strides = array<i32>} : memref<16x128xf32, #tpu.memory_space<vmem>>, vector<1x16xf32>,
      %get3A_2426 = arith.constant 5 : i32
      %get3A_2427 = arith.index_cast %get3A_2426 : i32 to index
      %get3A_2428 = arith.constant 48 : index
      %get3A_2429 = tpu.vector_load %arg6[%get3A_2427, %get3A_2428] {strides = array<i32>} : memref<16x128xf32, #tpu.memory_space<vmem>>, vector<1x16xf32>,
      %get3A_2430 = vector.shape_cast %get3A_2429 : vector<1x16xf32> to vector<16xf32>
      %max3A_2431 = arith.constant 0.000000e+00 : f32
      %max3A_2432 = vector.broadcast %max3A_2431 : f32 to vector<16xf32>
      %max3A_2433 = arith.maximumf %get3A_2430, %max3A_2432 : vector<16xf32>
      %swap3A_2434 = arith.constant 5 : i32
      %swap3A_2435 = arith.index_cast %swap3A_2434 : i32 to index
      %swap3A_2436 = arith.constant 48 : index
      %swap3A_2437 = tpu.vector_load %arg6[%swap3A_2435, %swap3A_2436] {strides = array<i32>} : memref<16x128xf32, #tpu.memory_space<vmem>>, vector<1x16xf32>,
      %swap3A_2438 = vector.shape_cast %swap3A_2437 : vector<1x16xf32> to vector<16xf32>
      %swap3A_2439 = vector.shape_cast %max3A_2433 : vector<16xf32> to vector<1x16xf32>
      tpu.vector_store %arg6[%swap3A_2435, %swap3A_2436], %swap3A_2439 {strides = array<i32>} : memref<16x128xf32, #tpu.memory_space<vmem>>, vector<1x16xf32>,
      %get3A_2440 = arith.constant 5 : i32
      %get3A_2441 = arith.index_cast %get3A_2440 : i32 to index
      %get3A_2442 = arith.constant 64 : index
      %get3A_2443 = tpu.vector_load %arg6[%get3A_2441, %get3A_2442] {strides = array<i32>} : memref<16x128xf32, #tpu.memory_space<vmem>>, vector<1x16xf32>,
      %get3A_2444 = vector.shape_cast %get3A_2443 : vector<1x16xf32> to vector<16xf32>
      %max3A_2445 = arith.constant 0.000000e+00 : f32
      %max3A_2446 = vector.broadcast %max3A_2445 : f32 to vector<16xf32>
      %max3A_2447 = arith.maximumf %get3A_2444, %max3A_2446 : vector<16xf32>
      %swap3A_2448 = arith.constant 5 : i32
      %swap3A_2449 = arith.index_cast %swap3A_2448 : i32 to index
      %swap3A_2450 = arith.constant 64 : index
      %swap3A_2451 = tpu.vector_load %arg6[%swap3A_2449, %swap3A_2450] {strides = array<i32>} : memref<16x128xf32, #tpu.memory_space<vmem>>, vector<1x16xf32>,
      %swap3A_2452 = vector.shape_cast %swap3A_2451 : vector<1x16xf32> to vector<16xf32>
      %swap3A_2453 = vector.shape_cast %max3A_2447 : vector<16xf32> to vector<1x16xf32>
      tpu.vector_store %arg6[%swap3A_2449, %swap3A_2450], %swap3A_2453 {strides = array<i32>} : memref<16x128xf32, #tpu.memory_space<vmem>>, vector<1x16xf32>,
      %get3A_2454 = arith.constant 5 : i32
      %get3A_2455 = arith.index_cast %get3A_2454 : i32 to index
      %get3A_2456 = arith.constant 80 : index
      %get3A_2457 = tpu.vector_load %arg6[%get3A_2455, %get3A_2456] {strides = array<i32>} : memref<16x128xf32, #tpu.memory_space<vmem>>, vector<1x16xf32>,
      %get3A_2458 = vector.shape_cast %get3A_2457 : vector<1x16xf32> to vector<16xf32>
      %max3A_2459 = arith.constant 0.000000e+00 : f32
      %max3A_2460 = vector.broadcast %max3A_2459 : f32 to vector<16xf32>
      %max3A_2461 = arith.maximumf %get3A_2458, %max3A_2460 : vector<16xf32>
      %swap3A_2462 = arith.constant 5 : i32
      %swap3A_2463 = arith.index_cast %swap3A_2462 : i32 to index
      %swap3A_2464 = arith.constant 80 : index
      %swap3A_2465 = tpu.vector_load %arg6[%swap3A_2463, %swap3A_2464] {strides = array<i32>} : memref<16x128xf32, #tpu.memory_space<vmem>>, vector<1x16xf32>,
      %swap3A_2466 = vector.shape_cast %swap3A_2465 : vector<1x16xf32> to vector<16xf32>
      %swap3A_2467 = vector.shape_cast %max3A_2461 : vector<16xf32> to vector<1x16xf32>
      tpu.vector_store %arg6[%swap3A_2463, %swap3A_2464], %swap3A_2467 {strides = array<i32>} : memref<16x128xf32, #tpu.memory_space<vmem>>, vector<1x16xf32>,
      %get3A_2468 = arith.constant 5 : i32
      %get3A_2469 = arith.index_cast %get3A_2468 : i32 to index
      %get3A_2470 = arith.constant 96 : index
      %get3A_2471 = tpu.vector_load %arg6[%get3A_2469, %get3A_2470] {strides = array<i32>} : memref<16x128xf32, #tpu.memory_space<vmem>>, vector<1x16xf32>,
      %get3A_2472 = vector.shape_cast %get3A_2471 : vector<1x16xf32> to vector<16xf32>
      %max3A_2473 = arith.constant 0.000000e+00 : f32
      %max3A_2474 = vector.broadcast %max3A_2473 : f32 to vector<16xf32>
      %max3A_2475 = arith.maximumf %get3A_2472, %max3A_2474 : vector<16xf32>
      %swap3A_2476 = arith.constant 5 : i32
      %swap3A_2477 = arith.index_cast %swap3A_2476 : i32 to index
      %swap3A_2478 = arith.constant 96 : index
      %swap3A_2479 = tpu.vector_load %arg6[%swap3A_2477, %swap3A_2478] {strides = array<i32>} : memref<16x128xf32, #tpu.memory_space<vmem>>, vector<1x16xf32>,
      %swap3A_2480 = vector.shape_cast %swap3A_2479 : vector<1x16xf32> to vector<16xf32>
      %swap3A_2481 = vector.shape_cast %max3A_2475 : vector<16xf32> to vector<1x16xf32>
      tpu.vector_store %arg6[%swap3A_2477, %swap3A_2478], %swap3A_2481 {strides = array<i32>} : memref<16x128xf32, #tpu.memory_space<vmem>>, vector<1x16xf32>,
      %get3A_2482 = arith.constant 5 : i32
      %get3A_2483 = arith.index_cast %get3A_2482 : i32 to index
      %get3A_2484 = arith.constant 112 : index
      %get3A_2485 = tpu.vector_load %arg6[%get3A_2483, %get3A_2484] {strides = array<i32>} : memref<16x128xf32, #tpu.memory_space<vmem>>, vector<1x16xf32>,
      %get3A_2486 = vector.shape_cast %get3A_2485 : vector<1x16xf32> to vector<16xf32>
      %max3A_2487 = arith.constant 0.000000e+00 : f32
      %max3A_2488 = vector.broadcast %max3A_2487 : f32 to vector<16xf32>
      %max3A_2489 = arith.maximumf %get3A_2486, %max3A_2488 : vector<16xf32>
      %swap3A_2490 = arith.constant 5 : i32
      %swap3A_2491 = arith.index_cast %swap3A_2490 : i32 to index
      %swap3A_2492 = arith.constant 112 : index
      %swap3A_2493 = tpu.vector_load %arg6[%swap3A_2491, %swap3A_2492] {strides = array<i32>} : memref<16x128xf32, #tpu.memory_space<vmem>>, vector<1x16xf32>,
      %swap3A_2494 = vector.shape_cast %swap3A_2493 : vector<1x16xf32> to vector<16xf32>
      %swap3A_2495 = vector.shape_cast %max3A_2489 : vector<16xf32> to vector<1x16xf32>
      tpu.vector_store %arg6[%swap3A_2491, %swap3A_2492], %swap3A_2495 {strides = array<i32>} : memref<16x128xf32, #tpu.memory_space<vmem>>, vector<1x16xf32>,
    } else {
    }
    %get3A_918 = arith.constant 5 : i32
    %get3A_919 = arith.index_cast %get3A_918 : i32 to index
    %get3A_920 = arith.constant 0 : index
    %get3A_921 = tpu.vector_load %arg7[%get3A_919, %get3A_920] {strides = array<i32>} : memref<16x128xi32, #tpu.memory_space<vmem>>, vector<1x16xi32>,
    %get3A_922 = vector.shape_cast %get3A_921 : vector<1x16xi32> to vector<16xi32>
    %add3A_923 = vector.broadcast %mul3A_32 : i32 to vector<16xi32>
    %add3A_924 = arith.addi %get3A_922, %add3A_923 : vector<16xi32>
    %swap3A_925 = arith.constant 5 : i32
    %swap3A_926 = arith.index_cast %swap3A_925 : i32 to index
    %swap3A_927 = arith.constant 0 : index
    %swap3A_928 = tpu.vector_load %arg7[%swap3A_926, %swap3A_927] {strides = array<i32>} : memref<16x128xi32, #tpu.memory_space<vmem>>, vector<1x16xi32>,
    %swap3A_929 = vector.shape_cast %swap3A_928 : vector<1x16xi32> to vector<16xi32>
    %swap3A_930 = vector.shape_cast %add3A_924 : vector<16xi32> to vector<1x16xi32>
    tpu.vector_store %arg7[%swap3A_926, %swap3A_927], %swap3A_930 {strides = array<i32>} : memref<16x128xi32, #tpu.memory_space<vmem>>, vector<1x16xi32>,
    %get3A_931 = arith.constant 5 : i32
    %get3A_932 = arith.index_cast %get3A_931 : i32 to index
    %get3A_933 = arith.constant 16 : index
    %get3A_934 = tpu.vector_load %arg7[%get3A_932, %get3A_933] {strides = array<i32>} : memref<16x128xi32, #tpu.memory_space<vmem>>, vector<1x16xi32>,
    %get3A_935 = vector.shape_cast %get3A_934 : vector<1x16xi32> to vector<16xi32>
    %add3A_936 = vector.broadcast %mul3A_32 : i32 to vector<16xi32>
    %add3A_937 = arith.addi %get3A_935, %add3A_936 : vector<16xi32>
    %swap3A_938 = arith.constant 5 : i32
    %swap3A_939 = arith.index_cast %swap3A_938 : i32 to index
    %swap3A_940 = arith.constant 16 : index
    %swap3A_941 = tpu.vector_load %arg7[%swap3A_939, %swap3A_940] {strides = array<i32>} : memref<16x128xi32, #tpu.memory_space<vmem>>, vector<1x16xi32>,
    %swap3A_942 = vector.shape_cast %swap3A_941 : vector<1x16xi32> to vector<16xi32>
    %swap3A_943 = vector.shape_cast %add3A_937 : vector<16xi32> to vector<1x16xi32>
    tpu.vector_store %arg7[%swap3A_939, %swap3A_940], %swap3A_943 {strides = array<i32>} : memref<16x128xi32, #tpu.memory_space<vmem>>, vector<1x16xi32>,
    %get3A_944 = arith.constant 5 : i32
    %get3A_945 = arith.index_cast %get3A_944 : i32 to index
    %get3A_946 = arith.constant 32 : index
    %get3A_947 = tpu.vector_load %arg7[%get3A_945, %get3A_946] {strides = array<i32>} : memref<16x128xi32, #tpu.memory_space<vmem>>, vector<1x16xi32>,
    %get3A_948 = vector.shape_cast %get3A_947 : vector<1x16xi32> to vector<16xi32>
    %add3A_949 = vector.broadcast %mul3A_32 : i32 to vector<16xi32>
    %add3A_950 = arith.addi %get3A_948, %add3A_949 : vector<16xi32>
    %swap3A_951 = arith.constant 5 : i32
    %swap3A_952 = arith.index_cast %swap3A_951 : i32 to index
    %swap3A_953 = arith.constant 32 : index
    %swap3A_954 = tpu.vector_load %arg7[%swap3A_952, %swap3A_953] {strides = array<i32>} : memref<16x128xi32, #tpu.memory_space<vmem>>, vector<1x16xi32>,
    %swap3A_955 = vector.shape_cast %swap3A_954 : vector<1x16xi32> to vector<16xi32>
    %swap3A_956 = vector.shape_cast %add3A_950 : vector<16xi32> to vector<1x16xi32>
    tpu.vector_store %arg7[%swap3A_952, %swap3A_953], %swap3A_956 {strides = array<i32>} : memref<16x128xi32, #tpu.memory_space<vmem>>, vector<1x16xi32>,
    %get3A_957 = arith.constant 5 : i32
    %get3A_958 = arith.index_cast %get3A_957 : i32 to index
    %get3A_959 = arith.constant 48 : index
    %get3A_960 = tpu.vector_load %arg7[%get3A_958, %get3A_959] {strides = array<i32>} : memref<16x128xi32, #tpu.memory_space<vmem>>, vector<1x16xi32>,
    %get3A_961 = vector.shape_cast %get3A_960 : vector<1x16xi32> to vector<16xi32>
    %add3A_962 = vector.broadcast %mul3A_32 : i32 to vector<16xi32>
    %add3A_963 = arith.addi %get3A_961, %add3A_962 : vector<16xi32>
    %swap3A_964 = arith.constant 5 : i32
    %swap3A_965 = arith.index_cast %swap3A_964 : i32 to index
    %swap3A_966 = arith.constant 48 : index
    %swap3A_967 = tpu.vector_load %arg7[%swap3A_965, %swap3A_966] {strides = array<i32>} : memref<16x128xi32, #tpu.memory_space<vmem>>, vector<1x16xi32>,
    %swap3A_968 = vector.shape_cast %swap3A_967 : vector<1x16xi32> to vector<16xi32>
    %swap3A_969 = vector.shape_cast %add3A_963 : vector<16xi32> to vector<1x16xi32>
    tpu.vector_store %arg7[%swap3A_965, %swap3A_966], %swap3A_969 {strides = array<i32>} : memref<16x128xi32, #tpu.memory_space<vmem>>, vector<1x16xi32>,
    %get3A_970 = arith.constant 5 : i32
    %get3A_971 = arith.index_cast %get3A_970 : i32 to index
    %get3A_972 = arith.constant 64 : index
    %get3A_973 = tpu.vector_load %arg7[%get3A_971, %get3A_972] {strides = array<i32>} : memref<16x128xi32, #tpu.memory_space<vmem>>, vector<1x16xi32>,
    %get3A_974 = vector.shape_cast %get3A_973 : vector<1x16xi32> to vector<16xi32>
    %add3A_975 = vector.broadcast %mul3A_32 : i32 to vector<16xi32>
    %add3A_976 = arith.addi %get3A_974, %add3A_975 : vector<16xi32>
    %swap3A_977 = arith.constant 5 : i32
    %swap3A_978 = arith.index_cast %swap3A_977 : i32 to index
    %swap3A_979 = arith.constant 64 : index
    %swap3A_980 = tpu.vector_load %arg7[%swap3A_978, %swap3A_979] {strides = array<i32>} : memref<16x128xi32, #tpu.memory_space<vmem>>, vector<1x16xi32>,
    %swap3A_981 = vector.shape_cast %swap3A_980 : vector<1x16xi32> to vector<16xi32>
    %swap3A_982 = vector.shape_cast %add3A_976 : vector<16xi32> to vector<1x16xi32>
    tpu.vector_store %arg7[%swap3A_978, %swap3A_979], %swap3A_982 {strides = array<i32>} : memref<16x128xi32, #tpu.memory_space<vmem>>, vector<1x16xi32>,
    %get3A_983 = arith.constant 5 : i32
    %get3A_984 = arith.index_cast %get3A_983 : i32 to index
    %get3A_985 = arith.constant 80 : index
    %get3A_986 = tpu.vector_load %arg7[%get3A_984, %get3A_985] {strides = array<i32>} : memref<16x128xi32, #tpu.memory_space<vmem>>, vector<1x16xi32>,
    %get3A_987 = vector.shape_cast %get3A_986 : vector<1x16xi32> to vector<16xi32>
    %add3A_988 = vector.broadcast %mul3A_32 : i32 to vector<16xi32>
    %add3A_989 = arith.addi %get3A_987, %add3A_988 : vector<16xi32>
    %swap3A_990 = arith.constant 5 : i32
    %swap3A_991 = arith.index_cast %swap3A_990 : i32 to index
    %swap3A_992 = arith.constant 80 : index
    %swap3A_993 = tpu.vector_load %arg7[%swap3A_991, %swap3A_992] {strides = array<i32>} : memref<16x128xi32, #tpu.memory_space<vmem>>, vector<1x16xi32>,
    %swap3A_994 = vector.shape_cast %swap3A_993 : vector<1x16xi32> to vector<16xi32>
    %swap3A_995 = vector.shape_cast %add3A_989 : vector<16xi32> to vector<1x16xi32>
    tpu.vector_store %arg7[%swap3A_991, %swap3A_992], %swap3A_995 {strides = array<i32>} : memref<16x128xi32, #tpu.memory_space<vmem>>, vector<1x16xi32>,
    %get3A_996 = arith.constant 5 : i32
    %get3A_997 = arith.index_cast %get3A_996 : i32 to index
    %get3A_998 = arith.constant 96 : index
    %get3A_999 = tpu.vector_load %arg7[%get3A_997, %get3A_998] {strides = array<i32>} : memref<16x128xi32, #tpu.memory_space<vmem>>, vector<1x16xi32>,
    %get3A_1000 = vector.shape_cast %get3A_999 : vector<1x16xi32> to vector<16xi32>
    %add3A_1001 = vector.broadcast %mul3A_32 : i32 to vector<16xi32>
    %add3A_1002 = arith.addi %get3A_1000, %add3A_1001 : vector<16xi32>
    %swap3A_1003 = arith.constant 5 : i32
    %swap3A_1004 = arith.index_cast %swap3A_1003 : i32 to index
    %swap3A_1005 = arith.constant 96 : index
    %swap3A_1006 = tpu.vector_load %arg7[%swap3A_1004, %swap3A_1005] {strides = array<i32>} : memref<16x128xi32, #tpu.memory_space<vmem>>, vector<1x16xi32>,
    %swap3A_1007 = vector.shape_cast %swap3A_1006 : vector<1x16xi32> to vector<16xi32>
    %swap3A_1008 = vector.shape_cast %add3A_1002 : vector<16xi32> to vector<1x16xi32>
    tpu.vector_store %arg7[%swap3A_1004, %swap3A_1005], %swap3A_1008 {strides = array<i32>} : memref<16x128xi32, #tpu.memory_space<vmem>>, vector<1x16xi32>,
    %get3A_1009 = arith.constant 5 : i32
    %get3A_1010 = arith.index_cast %get3A_1009 : i32 to index
    %get3A_1011 = arith.constant 112 : index
    %get3A_1012 = tpu.vector_load %arg7[%get3A_1010, %get3A_1011] {strides = array<i32>} : memref<16x128xi32, #tpu.memory_space<vmem>>, vector<1x16xi32>,
    %get3A_1013 = vector.shape_cast %get3A_1012 : vector<1x16xi32> to vector<16xi32>
    %add3A_1014 = vector.broadcast %mul3A_32 : i32 to vector<16xi32>
    %add3A_1015 = arith.addi %get3A_1013, %add3A_1014 : vector<16xi32>
    %swap3A_1016 = arith.constant 5 : i32
    %swap3A_1017 = arith.index_cast %swap3A_1016 : i32 to index
    %swap3A_1018 = arith.constant 112 : index
    %swap3A_1019 = tpu.vector_load %arg7[%swap3A_1017, %swap3A_1018] {strides = array<i32>} : memref<16x128xi32, #tpu.memory_space<vmem>>, vector<1x16xi32>,
    %swap3A_1020 = vector.shape_cast %swap3A_1019 : vector<1x16xi32> to vector<16xi32>
    %swap3A_1021 = vector.shape_cast %add3A_1015 : vector<16xi32> to vector<1x16xi32>
    tpu.vector_store %arg7[%swap3A_1017, %swap3A_1018], %swap3A_1021 {strides = array<i32>} : memref<16x128xi32, #tpu.memory_space<vmem>>, vector<1x16xi32>,
    %dma_start3A_1022 = arith.constant 5 : i32
    %dma_start3A_1023 = arith.constant 5 : i32
    %dma_start3A_1024 = arith.constant 0 : i32
    %dma_start3A_1025 = tpu.memref_slice %arg6[%dma_start3A_1022, %dma_start3A_1024] : memref<16x128xf32, #tpu.memory_space<vmem>> -> memref<1x128xf32, #tpu.memory_space<vmem>>
    %dma_start3A_1026 = tpu.memref_squeeze %dma_start3A_1025 : memref<1x128xf32, #tpu.memory_space<vmem>> -> memref<128xf32, #tpu.memory_space<vmem>>
    %dma_start3A_1027 = arith.constant 0 : i32
    %dma_start3A_1028 = tpu.memref_slice %arg7[%dma_start3A_1023, %dma_start3A_1027] : memref<16x128xi32, #tpu.memory_space<vmem>> -> memref<1x128xi32, #tpu.memory_space<vmem>>
    %dma_start3A_1029 = tpu.memref_squeeze %dma_start3A_1028 : memref<1x128xi32, #tpu.memory_space<vmem>> -> memref<128xi32, #tpu.memory_space<vmem>>
    %dma_start3A_1030 = arith.constant 0 : i32
    %dma_start3A_1031 = tpu.memref_slice %arg9[%dma_start3A_1030] : memref<16384xf32, #tpu.memory_space<vmem_shared>> -> memref<16384xf32, #tpu.memory_space<vmem_shared>>
    tpu.enqueue_indirect_dma source(%dma_start3A_1026 : memref<128xf32, #tpu.memory_space<vmem>>) target(%dma_start3A_1031 : memref<16384xf32, #tpu.memory_space<vmem_shared>>) offsets(%dma_start3A_1029 : memref<128xi32, #tpu.memory_space<vmem>>) semaphore(%arg12 : memref<!tpu.dma_semaphore, #tpu.memory_space<semaphore_mem>>) {add = true}
    %eq3A_1032 = arith.constant 0 : i32
    %eq3A_1033 = arith.cmpi eq, %select_n3A_30, %eq3A_1032 : i32
    %convert_element_type3A_1034 = arith.extui %eq3A_1033 : i1 to i32
    %cond3A_1035 = arith.constant 0 : i32
    %cond3A_1036 = arith.cmpi ne, %convert_element_type3A_1034, %cond3A_1035 : i32
    scf.if %cond3A_1036 {
      %get3A_2385 = arith.constant 6 : i32
      %get3A_2386 = arith.index_cast %get3A_2385 : i32 to index
      %get3A_2387 = arith.constant 0 : index
      %get3A_2388 = tpu.vector_load %arg6[%get3A_2386, %get3A_2387] {strides = array<i32>} : memref<16x128xf32, #tpu.memory_space<vmem>>, vector<1x16xf32>,
      %get3A_2389 = vector.shape_cast %get3A_2388 : vector<1x16xf32> to vector<16xf32>
      %max3A = arith.constant 0.000000e+00 : f32
      %max3A_2390 = vector.broadcast %max3A : f32 to vector<16xf32>
      %max3A_2391 = arith.maximumf %get3A_2389, %max3A_2390 : vector<16xf32>
      %swap3A_2392 = arith.constant 6 : i32
      %swap3A_2393 = arith.index_cast %swap3A_2392 : i32 to index
      %swap3A_2394 = arith.constant 0 : index
      %swap3A_2395 = tpu.vector_load %arg6[%swap3A_2393, %swap3A_2394] {strides = array<i32>} : memref<16x128xf32, #tpu.memory_space<vmem>>, vector<1x16xf32>,
      %swap3A_2396 = vector.shape_cast %swap3A_2395 : vector<1x16xf32> to vector<16xf32>
      %swap3A_2397 = vector.shape_cast %max3A_2391 : vector<16xf32> to vector<1x16xf32>
      tpu.vector_store %arg6[%swap3A_2393, %swap3A_2394], %swap3A_2397 {strides = array<i32>} : memref<16x128xf32, #tpu.memory_space<vmem>>, vector<1x16xf32>,
      %get3A_2398 = arith.constant 6 : i32
      %get3A_2399 = arith.index_cast %get3A_2398 : i32 to index
      %get3A_2400 = arith.constant 16 : index
      %get3A_2401 = tpu.vector_load %arg6[%get3A_2399, %get3A_2400] {strides = array<i32>} : memref<16x128xf32, #tpu.memory_space<vmem>>, vector<1x16xf32>,
      %get3A_2402 = vector.shape_cast %get3A_2401 : vector<1x16xf32> to vector<16xf32>
      %max3A_2403 = arith.constant 0.000000e+00 : f32
      %max3A_2404 = vector.broadcast %max3A_2403 : f32 to vector<16xf32>
      %max3A_2405 = arith.maximumf %get3A_2402, %max3A_2404 : vector<16xf32>
      %swap3A_2406 = arith.constant 6 : i32
      %swap3A_2407 = arith.index_cast %swap3A_2406 : i32 to index
      %swap3A_2408 = arith.constant 16 : index
      %swap3A_2409 = tpu.vector_load %arg6[%swap3A_2407, %swap3A_2408] {strides = array<i32>} : memref<16x128xf32, #tpu.memory_space<vmem>>, vector<1x16xf32>,
      %swap3A_2410 = vector.shape_cast %swap3A_2409 : vector<1x16xf32> to vector<16xf32>
      %swap3A_2411 = vector.shape_cast %max3A_2405 : vector<16xf32> to vector<1x16xf32>
      tpu.vector_store %arg6[%swap3A_2407, %swap3A_2408], %swap3A_2411 {strides = array<i32>} : memref<16x128xf32, #tpu.memory_space<vmem>>, vector<1x16xf32>,
      %get3A_2412 = arith.constant 6 : i32
      %get3A_2413 = arith.index_cast %get3A_2412 : i32 to index
      %get3A_2414 = arith.constant 32 : index
      %get3A_2415 = tpu.vector_load %arg6[%get3A_2413, %get3A_2414] {strides = array<i32>} : memref<16x128xf32, #tpu.memory_space<vmem>>, vector<1x16xf32>,
      %get3A_2416 = vector.shape_cast %get3A_2415 : vector<1x16xf32> to vector<16xf32>
      %max3A_2417 = arith.constant 0.000000e+00 : f32
      %max3A_2418 = vector.broadcast %max3A_2417 : f32 to vector<16xf32>
      %max3A_2419 = arith.maximumf %get3A_2416, %max3A_2418 : vector<16xf32>
      %swap3A_2420 = arith.constant 6 : i32
      %swap3A_2421 = arith.index_cast %swap3A_2420 : i32 to index
      %swap3A_2422 = arith.constant 32 : index
      %swap3A_2423 = tpu.vector_load %arg6[%swap3A_2421, %swap3A_2422] {strides = array<i32>} : memref<16x128xf32, #tpu.memory_space<vmem>>, vector<1x16xf32>,
      %swap3A_2424 = vector.shape_cast %swap3A_2423 : vector<1x16xf32> to vector<16xf32>
      %swap3A_2425 = vector.shape_cast %max3A_2419 : vector<16xf32> to vector<1x16xf32>
      tpu.vector_store %arg6[%swap3A_2421, %swap3A_2422], %swap3A_2425 {strides = array<i32>} : memref<16x128xf32, #tpu.memory_space<vmem>>, vector<1x16xf32>,
      %get3A_2426 = arith.constant 6 : i32
      %get3A_2427 = arith.index_cast %get3A_2426 : i32 to index
      %get3A_2428 = arith.constant 48 : index
      %get3A_2429 = tpu.vector_load %arg6[%get3A_2427, %get3A_2428] {strides = array<i32>} : memref<16x128xf32, #tpu.memory_space<vmem>>, vector<1x16xf32>,
      %get3A_2430 = vector.shape_cast %get3A_2429 : vector<1x16xf32> to vector<16xf32>
      %max3A_2431 = arith.constant 0.000000e+00 : f32
      %max3A_2432 = vector.broadcast %max3A_2431 : f32 to vector<16xf32>
      %max3A_2433 = arith.maximumf %get3A_2430, %max3A_2432 : vector<16xf32>
      %swap3A_2434 = arith.constant 6 : i32
      %swap3A_2435 = arith.index_cast %swap3A_2434 : i32 to index
      %swap3A_2436 = arith.constant 48 : index
      %swap3A_2437 = tpu.vector_load %arg6[%swap3A_2435, %swap3A_2436] {strides = array<i32>} : memref<16x128xf32, #tpu.memory_space<vmem>>, vector<1x16xf32>,
      %swap3A_2438 = vector.shape_cast %swap3A_2437 : vector<1x16xf32> to vector<16xf32>
      %swap3A_2439 = vector.shape_cast %max3A_2433 : vector<16xf32> to vector<1x16xf32>
      tpu.vector_store %arg6[%swap3A_2435, %swap3A_2436], %swap3A_2439 {strides = array<i32>} : memref<16x128xf32, #tpu.memory_space<vmem>>, vector<1x16xf32>,
      %get3A_2440 = arith.constant 6 : i32
      %get3A_2441 = arith.index_cast %get3A_2440 : i32 to index
      %get3A_2442 = arith.constant 64 : index
      %get3A_2443 = tpu.vector_load %arg6[%get3A_2441, %get3A_2442] {strides = array<i32>} : memref<16x128xf32, #tpu.memory_space<vmem>>, vector<1x16xf32>,
      %get3A_2444 = vector.shape_cast %get3A_2443 : vector<1x16xf32> to vector<16xf32>
      %max3A_2445 = arith.constant 0.000000e+00 : f32
      %max3A_2446 = vector.broadcast %max3A_2445 : f32 to vector<16xf32>
      %max3A_2447 = arith.maximumf %get3A_2444, %max3A_2446 : vector<16xf32>
      %swap3A_2448 = arith.constant 6 : i32
      %swap3A_2449 = arith.index_cast %swap3A_2448 : i32 to index
      %swap3A_2450 = arith.constant 64 : index
      %swap3A_2451 = tpu.vector_load %arg6[%swap3A_2449, %swap3A_2450] {strides = array<i32>} : memref<16x128xf32, #tpu.memory_space<vmem>>, vector<1x16xf32>,
      %swap3A_2452 = vector.shape_cast %swap3A_2451 : vector<1x16xf32> to vector<16xf32>
      %swap3A_2453 = vector.shape_cast %max3A_2447 : vector<16xf32> to vector<1x16xf32>
      tpu.vector_store %arg6[%swap3A_2449, %swap3A_2450], %swap3A_2453 {strides = array<i32>} : memref<16x128xf32, #tpu.memory_space<vmem>>, vector<1x16xf32>,
      %get3A_2454 = arith.constant 6 : i32
      %get3A_2455 = arith.index_cast %get3A_2454 : i32 to index
      %get3A_2456 = arith.constant 80 : index
      %get3A_2457 = tpu.vector_load %arg6[%get3A_2455, %get3A_2456] {strides = array<i32>} : memref<16x128xf32, #tpu.memory_space<vmem>>, vector<1x16xf32>,
      %get3A_2458 = vector.shape_cast %get3A_2457 : vector<1x16xf32> to vector<16xf32>
      %max3A_2459 = arith.constant 0.000000e+00 : f32
      %max3A_2460 = vector.broadcast %max3A_2459 : f32 to vector<16xf32>
      %max3A_2461 = arith.maximumf %get3A_2458, %max3A_2460 : vector<16xf32>
      %swap3A_2462 = arith.constant 6 : i32
      %swap3A_2463 = arith.index_cast %swap3A_2462 : i32 to index
      %swap3A_2464 = arith.constant 80 : index
      %swap3A_2465 = tpu.vector_load %arg6[%swap3A_2463, %swap3A_2464] {strides = array<i32>} : memref<16x128xf32, #tpu.memory_space<vmem>>, vector<1x16xf32>,
      %swap3A_2466 = vector.shape_cast %swap3A_2465 : vector<1x16xf32> to vector<16xf32>
      %swap3A_2467 = vector.shape_cast %max3A_2461 : vector<16xf32> to vector<1x16xf32>
      tpu.vector_store %arg6[%swap3A_2463, %swap3A_2464], %swap3A_2467 {strides = array<i32>} : memref<16x128xf32, #tpu.memory_space<vmem>>, vector<1x16xf32>,
      %get3A_2468 = arith.constant 6 : i32
      %get3A_2469 = arith.index_cast %get3A_2468 : i32 to index
      %get3A_2470 = arith.constant 96 : index
      %get3A_2471 = tpu.vector_load %arg6[%get3A_2469, %get3A_2470] {strides = array<i32>} : memref<16x128xf32, #tpu.memory_space<vmem>>, vector<1x16xf32>,
      %get3A_2472 = vector.shape_cast %get3A_2471 : vector<1x16xf32> to vector<16xf32>
      %max3A_2473 = arith.constant 0.000000e+00 : f32
      %max3A_2474 = vector.broadcast %max3A_2473 : f32 to vector<16xf32>
      %max3A_2475 = arith.maximumf %get3A_2472, %max3A_2474 : vector<16xf32>
      %swap3A_2476 = arith.constant 6 : i32
      %swap3A_2477 = arith.index_cast %swap3A_2476 : i32 to index
      %swap3A_2478 = arith.constant 96 : index
      %swap3A_2479 = tpu.vector_load %arg6[%swap3A_2477, %swap3A_2478] {strides = array<i32>} : memref<16x128xf32, #tpu.memory_space<vmem>>, vector<1x16xf32>,
      %swap3A_2480 = vector.shape_cast %swap3A_2479 : vector<1x16xf32> to vector<16xf32>
      %swap3A_2481 = vector.shape_cast %max3A_2475 : vector<16xf32> to vector<1x16xf32>
      tpu.vector_store %arg6[%swap3A_2477, %swap3A_2478], %swap3A_2481 {strides = array<i32>} : memref<16x128xf32, #tpu.memory_space<vmem>>, vector<1x16xf32>,
      %get3A_2482 = arith.constant 6 : i32
      %get3A_2483 = arith.index_cast %get3A_2482 : i32 to index
      %get3A_2484 = arith.constant 112 : index
      %get3A_2485 = tpu.vector_load %arg6[%get3A_2483, %get3A_2484] {strides = array<i32>} : memref<16x128xf32, #tpu.memory_space<vmem>>, vector<1x16xf32>,
      %get3A_2486 = vector.shape_cast %get3A_2485 : vector<1x16xf32> to vector<16xf32>
      %max3A_2487 = arith.constant 0.000000e+00 : f32
      %max3A_2488 = vector.broadcast %max3A_2487 : f32 to vector<16xf32>
      %max3A_2489 = arith.maximumf %get3A_2486, %max3A_2488 : vector<16xf32>
      %swap3A_2490 = arith.constant 6 : i32
      %swap3A_2491 = arith.index_cast %swap3A_2490 : i32 to index
      %swap3A_2492 = arith.constant 112 : index
      %swap3A_2493 = tpu.vector_load %arg6[%swap3A_2491, %swap3A_2492] {strides = array<i32>} : memref<16x128xf32, #tpu.memory_space<vmem>>, vector<1x16xf32>,
      %swap3A_2494 = vector.shape_cast %swap3A_2493 : vector<1x16xf32> to vector<16xf32>
      %swap3A_2495 = vector.shape_cast %max3A_2489 : vector<16xf32> to vector<1x16xf32>
      tpu.vector_store %arg6[%swap3A_2491, %swap3A_2492], %swap3A_2495 {strides = array<i32>} : memref<16x128xf32, #tpu.memory_space<vmem>>, vector<1x16xf32>,
    } else {
    }
    %get3A_1037 = arith.constant 6 : i32
    %get3A_1038 = arith.index_cast %get3A_1037 : i32 to index
    %get3A_1039 = arith.constant 0 : index
    %get3A_1040 = tpu.vector_load %arg7[%get3A_1038, %get3A_1039] {strides = array<i32>} : memref<16x128xi32, #tpu.memory_space<vmem>>, vector<1x16xi32>,
    %get3A_1041 = vector.shape_cast %get3A_1040 : vector<1x16xi32> to vector<16xi32>
    %add3A_1042 = vector.broadcast %mul3A_32 : i32 to vector<16xi32>
    %add3A_1043 = arith.addi %get3A_1041, %add3A_1042 : vector<16xi32>
    %swap3A_1044 = arith.constant 6 : i32
    %swap3A_1045 = arith.index_cast %swap3A_1044 : i32 to index
    %swap3A_1046 = arith.constant 0 : index
    %swap3A_1047 = tpu.vector_load %arg7[%swap3A_1045, %swap3A_1046] {strides = array<i32>} : memref<16x128xi32, #tpu.memory_space<vmem>>, vector<1x16xi32>,
    %swap3A_1048 = vector.shape_cast %swap3A_1047 : vector<1x16xi32> to vector<16xi32>
    %swap3A_1049 = vector.shape_cast %add3A_1043 : vector<16xi32> to vector<1x16xi32>
    tpu.vector_store %arg7[%swap3A_1045, %swap3A_1046], %swap3A_1049 {strides = array<i32>} : memref<16x128xi32, #tpu.memory_space<vmem>>, vector<1x16xi32>,
    %get3A_1050 = arith.constant 6 : i32
    %get3A_1051 = arith.index_cast %get3A_1050 : i32 to index
    %get3A_1052 = arith.constant 16 : index
    %get3A_1053 = tpu.vector_load %arg7[%get3A_1051, %get3A_1052] {strides = array<i32>} : memref<16x128xi32, #tpu.memory_space<vmem>>, vector<1x16xi32>,
    %get3A_1054 = vector.shape_cast %get3A_1053 : vector<1x16xi32> to vector<16xi32>
    %add3A_1055 = vector.broadcast %mul3A_32 : i32 to vector<16xi32>
    %add3A_1056 = arith.addi %get3A_1054, %add3A_1055 : vector<16xi32>
    %swap3A_1057 = arith.constant 6 : i32
    %swap3A_1058 = arith.index_cast %swap3A_1057 : i32 to index
    %swap3A_1059 = arith.constant 16 : index
    %swap3A_1060 = tpu.vector_load %arg7[%swap3A_1058, %swap3A_1059] {strides = array<i32>} : memref<16x128xi32, #tpu.memory_space<vmem>>, vector<1x16xi32>,
    %swap3A_1061 = vector.shape_cast %swap3A_1060 : vector<1x16xi32> to vector<16xi32>
    %swap3A_1062 = vector.shape_cast %add3A_1056 : vector<16xi32> to vector<1x16xi32>
    tpu.vector_store %arg7[%swap3A_1058, %swap3A_1059], %swap3A_1062 {strides = array<i32>} : memref<16x128xi32, #tpu.memory_space<vmem>>, vector<1x16xi32>,
    %get3A_1063 = arith.constant 6 : i32
    %get3A_1064 = arith.index_cast %get3A_1063 : i32 to index
    %get3A_1065 = arith.constant 32 : index
    %get3A_1066 = tpu.vector_load %arg7[%get3A_1064, %get3A_1065] {strides = array<i32>} : memref<16x128xi32, #tpu.memory_space<vmem>>, vector<1x16xi32>,
    %get3A_1067 = vector.shape_cast %get3A_1066 : vector<1x16xi32> to vector<16xi32>
    %add3A_1068 = vector.broadcast %mul3A_32 : i32 to vector<16xi32>
    %add3A_1069 = arith.addi %get3A_1067, %add3A_1068 : vector<16xi32>
    %swap3A_1070 = arith.constant 6 : i32
    %swap3A_1071 = arith.index_cast %swap3A_1070 : i32 to index
    %swap3A_1072 = arith.constant 32 : index
    %swap3A_1073 = tpu.vector_load %arg7[%swap3A_1071, %swap3A_1072] {strides = array<i32>} : memref<16x128xi32, #tpu.memory_space<vmem>>, vector<1x16xi32>,
    %swap3A_1074 = vector.shape_cast %swap3A_1073 : vector<1x16xi32> to vector<16xi32>
    %swap3A_1075 = vector.shape_cast %add3A_1069 : vector<16xi32> to vector<1x16xi32>
    tpu.vector_store %arg7[%swap3A_1071, %swap3A_1072], %swap3A_1075 {strides = array<i32>} : memref<16x128xi32, #tpu.memory_space<vmem>>, vector<1x16xi32>,
    %get3A_1076 = arith.constant 6 : i32
    %get3A_1077 = arith.index_cast %get3A_1076 : i32 to index
    %get3A_1078 = arith.constant 48 : index
    %get3A_1079 = tpu.vector_load %arg7[%get3A_1077, %get3A_1078] {strides = array<i32>} : memref<16x128xi32, #tpu.memory_space<vmem>>, vector<1x16xi32>,
    %get3A_1080 = vector.shape_cast %get3A_1079 : vector<1x16xi32> to vector<16xi32>
    %add3A_1081 = vector.broadcast %mul3A_32 : i32 to vector<16xi32>
    %add3A_1082 = arith.addi %get3A_1080, %add3A_1081 : vector<16xi32>
    %swap3A_1083 = arith.constant 6 : i32
    %swap3A_1084 = arith.index_cast %swap3A_1083 : i32 to index
    %swap3A_1085 = arith.constant 48 : index
    %swap3A_1086 = tpu.vector_load %arg7[%swap3A_1084, %swap3A_1085] {strides = array<i32>} : memref<16x128xi32, #tpu.memory_space<vmem>>, vector<1x16xi32>,
    %swap3A_1087 = vector.shape_cast %swap3A_1086 : vector<1x16xi32> to vector<16xi32>
    %swap3A_1088 = vector.shape_cast %add3A_1082 : vector<16xi32> to vector<1x16xi32>
    tpu.vector_store %arg7[%swap3A_1084, %swap3A_1085], %swap3A_1088 {strides = array<i32>} : memref<16x128xi32, #tpu.memory_space<vmem>>, vector<1x16xi32>,
    %get3A_1089 = arith.constant 6 : i32
    %get3A_1090 = arith.index_cast %get3A_1089 : i32 to index
    %get3A_1091 = arith.constant 64 : index
    %get3A_1092 = tpu.vector_load %arg7[%get3A_1090, %get3A_1091] {strides = array<i32>} : memref<16x128xi32, #tpu.memory_space<vmem>>, vector<1x16xi32>,
    %get3A_1093 = vector.shape_cast %get3A_1092 : vector<1x16xi32> to vector<16xi32>
    %add3A_1094 = vector.broadcast %mul3A_32 : i32 to vector<16xi32>
    %add3A_1095 = arith.addi %get3A_1093, %add3A_1094 : vector<16xi32>
    %swap3A_1096 = arith.constant 6 : i32
    %swap3A_1097 = arith.index_cast %swap3A_1096 : i32 to index
    %swap3A_1098 = arith.constant 64 : index
    %swap3A_1099 = tpu.vector_load %arg7[%swap3A_1097, %swap3A_1098] {strides = array<i32>} : memref<16x128xi32, #tpu.memory_space<vmem>>, vector<1x16xi32>,
    %swap3A_1100 = vector.shape_cast %swap3A_1099 : vector<1x16xi32> to vector<16xi32>
    %swap3A_1101 = vector.shape_cast %add3A_1095 : vector<16xi32> to vector<1x16xi32>
    tpu.vector_store %arg7[%swap3A_1097, %swap3A_1098], %swap3A_1101 {strides = array<i32>} : memref<16x128xi32, #tpu.memory_space<vmem>>, vector<1x16xi32>,
    %get3A_1102 = arith.constant 6 : i32
    %get3A_1103 = arith.index_cast %get3A_1102 : i32 to index
    %get3A_1104 = arith.constant 80 : index
    %get3A_1105 = tpu.vector_load %arg7[%get3A_1103, %get3A_1104] {strides = array<i32>} : memref<16x128xi32, #tpu.memory_space<vmem>>, vector<1x16xi32>,
    %get3A_1106 = vector.shape_cast %get3A_1105 : vector<1x16xi32> to vector<16xi32>
    %add3A_1107 = vector.broadcast %mul3A_32 : i32 to vector<16xi32>
    %add3A_1108 = arith.addi %get3A_1106, %add3A_1107 : vector<16xi32>
    %swap3A_1109 = arith.constant 6 : i32
    %swap3A_1110 = arith.index_cast %swap3A_1109 : i32 to index
    %swap3A_1111 = arith.constant 80 : index
    %swap3A_1112 = tpu.vector_load %arg7[%swap3A_1110, %swap3A_1111] {strides = array<i32>} : memref<16x128xi32, #tpu.memory_space<vmem>>, vector<1x16xi32>,
    %swap3A_1113 = vector.shape_cast %swap3A_1112 : vector<1x16xi32> to vector<16xi32>
    %swap3A_1114 = vector.shape_cast %add3A_1108 : vector<16xi32> to vector<1x16xi32>
    tpu.vector_store %arg7[%swap3A_1110, %swap3A_1111], %swap3A_1114 {strides = array<i32>} : memref<16x128xi32, #tpu.memory_space<vmem>>, vector<1x16xi32>,
    %get3A_1115 = arith.constant 6 : i32
    %get3A_1116 = arith.index_cast %get3A_1115 : i32 to index
    %get3A_1117 = arith.constant 96 : index
    %get3A_1118 = tpu.vector_load %arg7[%get3A_1116, %get3A_1117] {strides = array<i32>} : memref<16x128xi32, #tpu.memory_space<vmem>>, vector<1x16xi32>,
    %get3A_1119 = vector.shape_cast %get3A_1118 : vector<1x16xi32> to vector<16xi32>
    %add3A_1120 = vector.broadcast %mul3A_32 : i32 to vector<16xi32>
    %add3A_1121 = arith.addi %get3A_1119, %add3A_1120 : vector<16xi32>
    %swap3A_1122 = arith.constant 6 : i32
    %swap3A_1123 = arith.index_cast %swap3A_1122 : i32 to index
    %swap3A_1124 = arith.constant 96 : index
    %swap3A_1125 = tpu.vector_load %arg7[%swap3A_1123, %swap3A_1124] {strides = array<i32>} : memref<16x128xi32, #tpu.memory_space<vmem>>, vector<1x16xi32>,
    %swap3A_1126 = vector.shape_cast %swap3A_1125 : vector<1x16xi32> to vector<16xi32>
    %swap3A_1127 = vector.shape_cast %add3A_1121 : vector<16xi32> to vector<1x16xi32>
    tpu.vector_store %arg7[%swap3A_1123, %swap3A_1124], %swap3A_1127 {strides = array<i32>} : memref<16x128xi32, #tpu.memory_space<vmem>>, vector<1x16xi32>,
    %get3A_1128 = arith.constant 6 : i32
    %get3A_1129 = arith.index_cast %get3A_1128 : i32 to index
    %get3A_1130 = arith.constant 112 : index
    %get3A_1131 = tpu.vector_load %arg7[%get3A_1129, %get3A_1130] {strides = array<i32>} : memref<16x128xi32, #tpu.memory_space<vmem>>, vector<1x16xi32>,
    %get3A_1132 = vector.shape_cast %get3A_1131 : vector<1x16xi32> to vector<16xi32>
    %add3A_1133 = vector.broadcast %mul3A_32 : i32 to vector<16xi32>
    %add3A_1134 = arith.addi %get3A_1132, %add3A_1133 : vector<16xi32>
    %swap3A_1135 = arith.constant 6 : i32
    %swap3A_1136 = arith.index_cast %swap3A_1135 : i32 to index
    %swap3A_1137 = arith.constant 112 : index
    %swap3A_1138 = tpu.vector_load %arg7[%swap3A_1136, %swap3A_1137] {strides = array<i32>} : memref<16x128xi32, #tpu.memory_space<vmem>>, vector<1x16xi32>,
    %swap3A_1139 = vector.shape_cast %swap3A_1138 : vector<1x16xi32> to vector<16xi32>
    %swap3A_1140 = vector.shape_cast %add3A_1134 : vector<16xi32> to vector<1x16xi32>
    tpu.vector_store %arg7[%swap3A_1136, %swap3A_1137], %swap3A_1140 {strides = array<i32>} : memref<16x128xi32, #tpu.memory_space<vmem>>, vector<1x16xi32>,
    %dma_start3A_1141 = arith.constant 6 : i32
    %dma_start3A_1142 = arith.constant 6 : i32
    %dma_start3A_1143 = arith.constant 0 : i32
    %dma_start3A_1144 = tpu.memref_slice %arg6[%dma_start3A_1141, %dma_start3A_1143] : memref<16x128xf32, #tpu.memory_space<vmem>> -> memref<1x128xf32, #tpu.memory_space<vmem>>
    %dma_start3A_1145 = tpu.memref_squeeze %dma_start3A_1144 : memref<1x128xf32, #tpu.memory_space<vmem>> -> memref<128xf32, #tpu.memory_space<vmem>>
    %dma_start3A_1146 = arith.constant 0 : i32
    %dma_start3A_1147 = tpu.memref_slice %arg7[%dma_start3A_1142, %dma_start3A_1146] : memref<16x128xi32, #tpu.memory_space<vmem>> -> memref<1x128xi32, #tpu.memory_space<vmem>>
    %dma_start3A_1148 = tpu.memref_squeeze %dma_start3A_1147 : memref<1x128xi32, #tpu.memory_space<vmem>> -> memref<128xi32, #tpu.memory_space<vmem>>
    %dma_start3A_1149 = arith.constant 0 : i32
    %dma_start3A_1150 = tpu.memref_slice %arg9[%dma_start3A_1149] : memref<16384xf32, #tpu.memory_space<vmem_shared>> -> memref<16384xf32, #tpu.memory_space<vmem_shared>>
    tpu.enqueue_indirect_dma source(%dma_start3A_1145 : memref<128xf32, #tpu.memory_space<vmem>>) target(%dma_start3A_1150 : memref<16384xf32, #tpu.memory_space<vmem_shared>>) offsets(%dma_start3A_1148 : memref<128xi32, #tpu.memory_space<vmem>>) semaphore(%arg12 : memref<!tpu.dma_semaphore, #tpu.memory_space<semaphore_mem>>) {add = true}
    %eq3A_1151 = arith.constant 0 : i32
    %eq3A_1152 = arith.cmpi eq, %select_n3A_30, %eq3A_1151 : i32
    %convert_element_type3A_1153 = arith.extui %eq3A_1152 : i1 to i32
    %cond3A_1154 = arith.constant 0 : i32
    %cond3A_1155 = arith.cmpi ne, %convert_element_type3A_1153, %cond3A_1154 : i32
    scf.if %cond3A_1155 {
      %get3A_2385 = arith.constant 7 : i32
      %get3A_2386 = arith.index_cast %get3A_2385 : i32 to index
      %get3A_2387 = arith.constant 0 : index
      %get3A_2388 = tpu.vector_load %arg6[%get3A_2386, %get3A_2387] {strides = array<i32>} : memref<16x128xf32, #tpu.memory_space<vmem>>, vector<1x16xf32>,
      %get3A_2389 = vector.shape_cast %get3A_2388 : vector<1x16xf32> to vector<16xf32>
      %max3A = arith.constant 0.000000e+00 : f32
      %max3A_2390 = vector.broadcast %max3A : f32 to vector<16xf32>
      %max3A_2391 = arith.maximumf %get3A_2389, %max3A_2390 : vector<16xf32>
      %swap3A_2392 = arith.constant 7 : i32
      %swap3A_2393 = arith.index_cast %swap3A_2392 : i32 to index
      %swap3A_2394 = arith.constant 0 : index
      %swap3A_2395 = tpu.vector_load %arg6[%swap3A_2393, %swap3A_2394] {strides = array<i32>} : memref<16x128xf32, #tpu.memory_space<vmem>>, vector<1x16xf32>,
      %swap3A_2396 = vector.shape_cast %swap3A_2395 : vector<1x16xf32> to vector<16xf32>
      %swap3A_2397 = vector.shape_cast %max3A_2391 : vector<16xf32> to vector<1x16xf32>
      tpu.vector_store %arg6[%swap3A_2393, %swap3A_2394], %swap3A_2397 {strides = array<i32>} : memref<16x128xf32, #tpu.memory_space<vmem>>, vector<1x16xf32>,
      %get3A_2398 = arith.constant 7 : i32
      %get3A_2399 = arith.index_cast %get3A_2398 : i32 to index
      %get3A_2400 = arith.constant 16 : index
      %get3A_2401 = tpu.vector_load %arg6[%get3A_2399, %get3A_2400] {strides = array<i32>} : memref<16x128xf32, #tpu.memory_space<vmem>>, vector<1x16xf32>,
      %get3A_2402 = vector.shape_cast %get3A_2401 : vector<1x16xf32> to vector<16xf32>
      %max3A_2403 = arith.constant 0.000000e+00 : f32
      %max3A_2404 = vector.broadcast %max3A_2403 : f32 to vector<16xf32>
      %max3A_2405 = arith.maximumf %get3A_2402, %max3A_2404 : vector<16xf32>
      %swap3A_2406 = arith.constant 7 : i32
      %swap3A_2407 = arith.index_cast %swap3A_2406 : i32 to index
      %swap3A_2408 = arith.constant 16 : index
      %swap3A_2409 = tpu.vector_load %arg6[%swap3A_2407, %swap3A_2408] {strides = array<i32>} : memref<16x128xf32, #tpu.memory_space<vmem>>, vector<1x16xf32>,
      %swap3A_2410 = vector.shape_cast %swap3A_2409 : vector<1x16xf32> to vector<16xf32>
      %swap3A_2411 = vector.shape_cast %max3A_2405 : vector<16xf32> to vector<1x16xf32>
      tpu.vector_store %arg6[%swap3A_2407, %swap3A_2408], %swap3A_2411 {strides = array<i32>} : memref<16x128xf32, #tpu.memory_space<vmem>>, vector<1x16xf32>,
      %get3A_2412 = arith.constant 7 : i32
      %get3A_2413 = arith.index_cast %get3A_2412 : i32 to index
      %get3A_2414 = arith.constant 32 : index
      %get3A_2415 = tpu.vector_load %arg6[%get3A_2413, %get3A_2414] {strides = array<i32>} : memref<16x128xf32, #tpu.memory_space<vmem>>, vector<1x16xf32>,
      %get3A_2416 = vector.shape_cast %get3A_2415 : vector<1x16xf32> to vector<16xf32>
      %max3A_2417 = arith.constant 0.000000e+00 : f32
      %max3A_2418 = vector.broadcast %max3A_2417 : f32 to vector<16xf32>
      %max3A_2419 = arith.maximumf %get3A_2416, %max3A_2418 : vector<16xf32>
      %swap3A_2420 = arith.constant 7 : i32
      %swap3A_2421 = arith.index_cast %swap3A_2420 : i32 to index
      %swap3A_2422 = arith.constant 32 : index
      %swap3A_2423 = tpu.vector_load %arg6[%swap3A_2421, %swap3A_2422] {strides = array<i32>} : memref<16x128xf32, #tpu.memory_space<vmem>>, vector<1x16xf32>,
      %swap3A_2424 = vector.shape_cast %swap3A_2423 : vector<1x16xf32> to vector<16xf32>
      %swap3A_2425 = vector.shape_cast %max3A_2419 : vector<16xf32> to vector<1x16xf32>
      tpu.vector_store %arg6[%swap3A_2421, %swap3A_2422], %swap3A_2425 {strides = array<i32>} : memref<16x128xf32, #tpu.memory_space<vmem>>, vector<1x16xf32>,
      %get3A_2426 = arith.constant 7 : i32
      %get3A_2427 = arith.index_cast %get3A_2426 : i32 to index
      %get3A_2428 = arith.constant 48 : index
      %get3A_2429 = tpu.vector_load %arg6[%get3A_2427, %get3A_2428] {strides = array<i32>} : memref<16x128xf32, #tpu.memory_space<vmem>>, vector<1x16xf32>,
      %get3A_2430 = vector.shape_cast %get3A_2429 : vector<1x16xf32> to vector<16xf32>
      %max3A_2431 = arith.constant 0.000000e+00 : f32
      %max3A_2432 = vector.broadcast %max3A_2431 : f32 to vector<16xf32>
      %max3A_2433 = arith.maximumf %get3A_2430, %max3A_2432 : vector<16xf32>
      %swap3A_2434 = arith.constant 7 : i32
      %swap3A_2435 = arith.index_cast %swap3A_2434 : i32 to index
      %swap3A_2436 = arith.constant 48 : index
      %swap3A_2437 = tpu.vector_load %arg6[%swap3A_2435, %swap3A_2436] {strides = array<i32>} : memref<16x128xf32, #tpu.memory_space<vmem>>, vector<1x16xf32>,
      %swap3A_2438 = vector.shape_cast %swap3A_2437 : vector<1x16xf32> to vector<16xf32>
      %swap3A_2439 = vector.shape_cast %max3A_2433 : vector<16xf32> to vector<1x16xf32>
      tpu.vector_store %arg6[%swap3A_2435, %swap3A_2436], %swap3A_2439 {strides = array<i32>} : memref<16x128xf32, #tpu.memory_space<vmem>>, vector<1x16xf32>,
      %get3A_2440 = arith.constant 7 : i32
      %get3A_2441 = arith.index_cast %get3A_2440 : i32 to index
      %get3A_2442 = arith.constant 64 : index
      %get3A_2443 = tpu.vector_load %arg6[%get3A_2441, %get3A_2442] {strides = array<i32>} : memref<16x128xf32, #tpu.memory_space<vmem>>, vector<1x16xf32>,
      %get3A_2444 = vector.shape_cast %get3A_2443 : vector<1x16xf32> to vector<16xf32>
      %max3A_2445 = arith.constant 0.000000e+00 : f32
      %max3A_2446 = vector.broadcast %max3A_2445 : f32 to vector<16xf32>
      %max3A_2447 = arith.maximumf %get3A_2444, %max3A_2446 : vector<16xf32>
      %swap3A_2448 = arith.constant 7 : i32
      %swap3A_2449 = arith.index_cast %swap3A_2448 : i32 to index
      %swap3A_2450 = arith.constant 64 : index
      %swap3A_2451 = tpu.vector_load %arg6[%swap3A_2449, %swap3A_2450] {strides = array<i32>} : memref<16x128xf32, #tpu.memory_space<vmem>>, vector<1x16xf32>,
      %swap3A_2452 = vector.shape_cast %swap3A_2451 : vector<1x16xf32> to vector<16xf32>
      %swap3A_2453 = vector.shape_cast %max3A_2447 : vector<16xf32> to vector<1x16xf32>
      tpu.vector_store %arg6[%swap3A_2449, %swap3A_2450], %swap3A_2453 {strides = array<i32>} : memref<16x128xf32, #tpu.memory_space<vmem>>, vector<1x16xf32>,
      %get3A_2454 = arith.constant 7 : i32
      %get3A_2455 = arith.index_cast %get3A_2454 : i32 to index
      %get3A_2456 = arith.constant 80 : index
      %get3A_2457 = tpu.vector_load %arg6[%get3A_2455, %get3A_2456] {strides = array<i32>} : memref<16x128xf32, #tpu.memory_space<vmem>>, vector<1x16xf32>,
      %get3A_2458 = vector.shape_cast %get3A_2457 : vector<1x16xf32> to vector<16xf32>
      %max3A_2459 = arith.constant 0.000000e+00 : f32
      %max3A_2460 = vector.broadcast %max3A_2459 : f32 to vector<16xf32>
      %max3A_2461 = arith.maximumf %get3A_2458, %max3A_2460 : vector<16xf32>
      %swap3A_2462 = arith.constant 7 : i32
      %swap3A_2463 = arith.index_cast %swap3A_2462 : i32 to index
      %swap3A_2464 = arith.constant 80 : index
      %swap3A_2465 = tpu.vector_load %arg6[%swap3A_2463, %swap3A_2464] {strides = array<i32>} : memref<16x128xf32, #tpu.memory_space<vmem>>, vector<1x16xf32>,
      %swap3A_2466 = vector.shape_cast %swap3A_2465 : vector<1x16xf32> to vector<16xf32>
      %swap3A_2467 = vector.shape_cast %max3A_2461 : vector<16xf32> to vector<1x16xf32>
      tpu.vector_store %arg6[%swap3A_2463, %swap3A_2464], %swap3A_2467 {strides = array<i32>} : memref<16x128xf32, #tpu.memory_space<vmem>>, vector<1x16xf32>,
      %get3A_2468 = arith.constant 7 : i32
      %get3A_2469 = arith.index_cast %get3A_2468 : i32 to index
      %get3A_2470 = arith.constant 96 : index
      %get3A_2471 = tpu.vector_load %arg6[%get3A_2469, %get3A_2470] {strides = array<i32>} : memref<16x128xf32, #tpu.memory_space<vmem>>, vector<1x16xf32>,
      %get3A_2472 = vector.shape_cast %get3A_2471 : vector<1x16xf32> to vector<16xf32>
      %max3A_2473 = arith.constant 0.000000e+00 : f32
      %max3A_2474 = vector.broadcast %max3A_2473 : f32 to vector<16xf32>
      %max3A_2475 = arith.maximumf %get3A_2472, %max3A_2474 : vector<16xf32>
      %swap3A_2476 = arith.constant 7 : i32
      %swap3A_2477 = arith.index_cast %swap3A_2476 : i32 to index
      %swap3A_2478 = arith.constant 96 : index
      %swap3A_2479 = tpu.vector_load %arg6[%swap3A_2477, %swap3A_2478] {strides = array<i32>} : memref<16x128xf32, #tpu.memory_space<vmem>>, vector<1x16xf32>,
      %swap3A_2480 = vector.shape_cast %swap3A_2479 : vector<1x16xf32> to vector<16xf32>
      %swap3A_2481 = vector.shape_cast %max3A_2475 : vector<16xf32> to vector<1x16xf32>
      tpu.vector_store %arg6[%swap3A_2477, %swap3A_2478], %swap3A_2481 {strides = array<i32>} : memref<16x128xf32, #tpu.memory_space<vmem>>, vector<1x16xf32>,
      %get3A_2482 = arith.constant 7 : i32
      %get3A_2483 = arith.index_cast %get3A_2482 : i32 to index
      %get3A_2484 = arith.constant 112 : index
      %get3A_2485 = tpu.vector_load %arg6[%get3A_2483, %get3A_2484] {strides = array<i32>} : memref<16x128xf32, #tpu.memory_space<vmem>>, vector<1x16xf32>,
      %get3A_2486 = vector.shape_cast %get3A_2485 : vector<1x16xf32> to vector<16xf32>
      %max3A_2487 = arith.constant 0.000000e+00 : f32
      %max3A_2488 = vector.broadcast %max3A_2487 : f32 to vector<16xf32>
      %max3A_2489 = arith.maximumf %get3A_2486, %max3A_2488 : vector<16xf32>
      %swap3A_2490 = arith.constant 7 : i32
      %swap3A_2491 = arith.index_cast %swap3A_2490 : i32 to index
      %swap3A_2492 = arith.constant 112 : index
      %swap3A_2493 = tpu.vector_load %arg6[%swap3A_2491, %swap3A_2492] {strides = array<i32>} : memref<16x128xf32, #tpu.memory_space<vmem>>, vector<1x16xf32>,
      %swap3A_2494 = vector.shape_cast %swap3A_2493 : vector<1x16xf32> to vector<16xf32>
      %swap3A_2495 = vector.shape_cast %max3A_2489 : vector<16xf32> to vector<1x16xf32>
      tpu.vector_store %arg6[%swap3A_2491, %swap3A_2492], %swap3A_2495 {strides = array<i32>} : memref<16x128xf32, #tpu.memory_space<vmem>>, vector<1x16xf32>,
    } else {
    }
    %get3A_1156 = arith.constant 7 : i32
    %get3A_1157 = arith.index_cast %get3A_1156 : i32 to index
    %get3A_1158 = arith.constant 0 : index
    %get3A_1159 = tpu.vector_load %arg7[%get3A_1157, %get3A_1158] {strides = array<i32>} : memref<16x128xi32, #tpu.memory_space<vmem>>, vector<1x16xi32>,
    %get3A_1160 = vector.shape_cast %get3A_1159 : vector<1x16xi32> to vector<16xi32>
    %add3A_1161 = vector.broadcast %mul3A_32 : i32 to vector<16xi32>
    %add3A_1162 = arith.addi %get3A_1160, %add3A_1161 : vector<16xi32>
    %swap3A_1163 = arith.constant 7 : i32
    %swap3A_1164 = arith.index_cast %swap3A_1163 : i32 to index
    %swap3A_1165 = arith.constant 0 : index
    %swap3A_1166 = tpu.vector_load %arg7[%swap3A_1164, %swap3A_1165] {strides = array<i32>} : memref<16x128xi32, #tpu.memory_space<vmem>>, vector<1x16xi32>,
    %swap3A_1167 = vector.shape_cast %swap3A_1166 : vector<1x16xi32> to vector<16xi32>
    %swap3A_1168 = vector.shape_cast %add3A_1162 : vector<16xi32> to vector<1x16xi32>
    tpu.vector_store %arg7[%swap3A_1164, %swap3A_1165], %swap3A_1168 {strides = array<i32>} : memref<16x128xi32, #tpu.memory_space<vmem>>, vector<1x16xi32>,
    %get3A_1169 = arith.constant 7 : i32
    %get3A_1170 = arith.index_cast %get3A_1169 : i32 to index
    %get3A_1171 = arith.constant 16 : index
    %get3A_1172 = tpu.vector_load %arg7[%get3A_1170, %get3A_1171] {strides = array<i32>} : memref<16x128xi32, #tpu.memory_space<vmem>>, vector<1x16xi32>,
    %get3A_1173 = vector.shape_cast %get3A_1172 : vector<1x16xi32> to vector<16xi32>
    %add3A_1174 = vector.broadcast %mul3A_32 : i32 to vector<16xi32>
    %add3A_1175 = arith.addi %get3A_1173, %add3A_1174 : vector<16xi32>
    %swap3A_1176 = arith.constant 7 : i32
    %swap3A_1177 = arith.index_cast %swap3A_1176 : i32 to index
    %swap3A_1178 = arith.constant 16 : index
    %swap3A_1179 = tpu.vector_load %arg7[%swap3A_1177, %swap3A_1178] {strides = array<i32>} : memref<16x128xi32, #tpu.memory_space<vmem>>, vector<1x16xi32>,
    %swap3A_1180 = vector.shape_cast %swap3A_1179 : vector<1x16xi32> to vector<16xi32>
    %swap3A_1181 = vector.shape_cast %add3A_1175 : vector<16xi32> to vector<1x16xi32>
    tpu.vector_store %arg7[%swap3A_1177, %swap3A_1178], %swap3A_1181 {strides = array<i32>} : memref<16x128xi32, #tpu.memory_space<vmem>>, vector<1x16xi32>,
    %get3A_1182 = arith.constant 7 : i32
    %get3A_1183 = arith.index_cast %get3A_1182 : i32 to index
    %get3A_1184 = arith.constant 32 : index
    %get3A_1185 = tpu.vector_load %arg7[%get3A_1183, %get3A_1184] {strides = array<i32>} : memref<16x128xi32, #tpu.memory_space<vmem>>, vector<1x16xi32>,
    %get3A_1186 = vector.shape_cast %get3A_1185 : vector<1x16xi32> to vector<16xi32>
    %add3A_1187 = vector.broadcast %mul3A_32 : i32 to vector<16xi32>
    %add3A_1188 = arith.addi %get3A_1186, %add3A_1187 : vector<16xi32>
    %swap3A_1189 = arith.constant 7 : i32
    %swap3A_1190 = arith.index_cast %swap3A_1189 : i32 to index
    %swap3A_1191 = arith.constant 32 : index
    %swap3A_1192 = tpu.vector_load %arg7[%swap3A_1190, %swap3A_1191] {strides = array<i32>} : memref<16x128xi32, #tpu.memory_space<vmem>>, vector<1x16xi32>,
    %swap3A_1193 = vector.shape_cast %swap3A_1192 : vector<1x16xi32> to vector<16xi32>
    %swap3A_1194 = vector.shape_cast %add3A_1188 : vector<16xi32> to vector<1x16xi32>
    tpu.vector_store %arg7[%swap3A_1190, %swap3A_1191], %swap3A_1194 {strides = array<i32>} : memref<16x128xi32, #tpu.memory_space<vmem>>, vector<1x16xi32>,
    %get3A_1195 = arith.constant 7 : i32
    %get3A_1196 = arith.index_cast %get3A_1195 : i32 to index
    %get3A_1197 = arith.constant 48 : index
    %get3A_1198 = tpu.vector_load %arg7[%get3A_1196, %get3A_1197] {strides = array<i32>} : memref<16x128xi32, #tpu.memory_space<vmem>>, vector<1x16xi32>,
    %get3A_1199 = vector.shape_cast %get3A_1198 : vector<1x16xi32> to vector<16xi32>
    %add3A_1200 = vector.broadcast %mul3A_32 : i32 to vector<16xi32>
    %add3A_1201 = arith.addi %get3A_1199, %add3A_1200 : vector<16xi32>
    %swap3A_1202 = arith.constant 7 : i32
    %swap3A_1203 = arith.index_cast %swap3A_1202 : i32 to index
    %swap3A_1204 = arith.constant 48 : index
    %swap3A_1205 = tpu.vector_load %arg7[%swap3A_1203, %swap3A_1204] {strides = array<i32>} : memref<16x128xi32, #tpu.memory_space<vmem>>, vector<1x16xi32>,
    %swap3A_1206 = vector.shape_cast %swap3A_1205 : vector<1x16xi32> to vector<16xi32>
    %swap3A_1207 = vector.shape_cast %add3A_1201 : vector<16xi32> to vector<1x16xi32>
    tpu.vector_store %arg7[%swap3A_1203, %swap3A_1204], %swap3A_1207 {strides = array<i32>} : memref<16x128xi32, #tpu.memory_space<vmem>>, vector<1x16xi32>,
    %get3A_1208 = arith.constant 7 : i32
    %get3A_1209 = arith.index_cast %get3A_1208 : i32 to index
    %get3A_1210 = arith.constant 64 : index
    %get3A_1211 = tpu.vector_load %arg7[%get3A_1209, %get3A_1210] {strides = array<i32>} : memref<16x128xi32, #tpu.memory_space<vmem>>, vector<1x16xi32>,
    %get3A_1212 = vector.shape_cast %get3A_1211 : vector<1x16xi32> to vector<16xi32>
    %add3A_1213 = vector.broadcast %mul3A_32 : i32 to vector<16xi32>
    %add3A_1214 = arith.addi %get3A_1212, %add3A_1213 : vector<16xi32>
    %swap3A_1215 = arith.constant 7 : i32
    %swap3A_1216 = arith.index_cast %swap3A_1215 : i32 to index
    %swap3A_1217 = arith.constant 64 : index
    %swap3A_1218 = tpu.vector_load %arg7[%swap3A_1216, %swap3A_1217] {strides = array<i32>} : memref<16x128xi32, #tpu.memory_space<vmem>>, vector<1x16xi32>,
    %swap3A_1219 = vector.shape_cast %swap3A_1218 : vector<1x16xi32> to vector<16xi32>
    %swap3A_1220 = vector.shape_cast %add3A_1214 : vector<16xi32> to vector<1x16xi32>
    tpu.vector_store %arg7[%swap3A_1216, %swap3A_1217], %swap3A_1220 {strides = array<i32>} : memref<16x128xi32, #tpu.memory_space<vmem>>, vector<1x16xi32>,
    %get3A_1221 = arith.constant 7 : i32
    %get3A_1222 = arith.index_cast %get3A_1221 : i32 to index
    %get3A_1223 = arith.constant 80 : index
    %get3A_1224 = tpu.vector_load %arg7[%get3A_1222, %get3A_1223] {strides = array<i32>} : memref<16x128xi32, #tpu.memory_space<vmem>>, vector<1x16xi32>,
    %get3A_1225 = vector.shape_cast %get3A_1224 : vector<1x16xi32> to vector<16xi32>
    %add3A_1226 = vector.broadcast %mul3A_32 : i32 to vector<16xi32>
    %add3A_1227 = arith.addi %get3A_1225, %add3A_1226 : vector<16xi32>
    %swap3A_1228 = arith.constant 7 : i32
    %swap3A_1229 = arith.index_cast %swap3A_1228 : i32 to index
    %swap3A_1230 = arith.constant 80 : index
    %swap3A_1231 = tpu.vector_load %arg7[%swap3A_1229, %swap3A_1230] {strides = array<i32>} : memref<16x128xi32, #tpu.memory_space<vmem>>, vector<1x16xi32>,
    %swap3A_1232 = vector.shape_cast %swap3A_1231 : vector<1x16xi32> to vector<16xi32>
    %swap3A_1233 = vector.shape_cast %add3A_1227 : vector<16xi32> to vector<1x16xi32>
    tpu.vector_store %arg7[%swap3A_1229, %swap3A_1230], %swap3A_1233 {strides = array<i32>} : memref<16x128xi32, #tpu.memory_space<vmem>>, vector<1x16xi32>,
    %get3A_1234 = arith.constant 7 : i32
    %get3A_1235 = arith.index_cast %get3A_1234 : i32 to index
    %get3A_1236 = arith.constant 96 : index
    %get3A_1237 = tpu.vector_load %arg7[%get3A_1235, %get3A_1236] {strides = array<i32>} : memref<16x128xi32, #tpu.memory_space<vmem>>, vector<1x16xi32>,
    %get3A_1238 = vector.shape_cast %get3A_1237 : vector<1x16xi32> to vector<16xi32>
    %add3A_1239 = vector.broadcast %mul3A_32 : i32 to vector<16xi32>
    %add3A_1240 = arith.addi %get3A_1238, %add3A_1239 : vector<16xi32>
    %swap3A_1241 = arith.constant 7 : i32
    %swap3A_1242 = arith.index_cast %swap3A_1241 : i32 to index
    %swap3A_1243 = arith.constant 96 : index
    %swap3A_1244 = tpu.vector_load %arg7[%swap3A_1242, %swap3A_1243] {strides = array<i32>} : memref<16x128xi32, #tpu.memory_space<vmem>>, vector<1x16xi32>,
    %swap3A_1245 = vector.shape_cast %swap3A_1244 : vector<1x16xi32> to vector<16xi32>
    %swap3A_1246 = vector.shape_cast %add3A_1240 : vector<16xi32> to vector<1x16xi32>
    tpu.vector_store %arg7[%swap3A_1242, %swap3A_1243], %swap3A_1246 {strides = array<i32>} : memref<16x128xi32, #tpu.memory_space<vmem>>, vector<1x16xi32>,
    %get3A_1247 = arith.constant 7 : i32
    %get3A_1248 = arith.index_cast %get3A_1247 : i32 to index
    %get3A_1249 = arith.constant 112 : index
    %get3A_1250 = tpu.vector_load %arg7[%get3A_1248, %get3A_1249] {strides = array<i32>} : memref<16x128xi32, #tpu.memory_space<vmem>>, vector<1x16xi32>,
    %get3A_1251 = vector.shape_cast %get3A_1250 : vector<1x16xi32> to vector<16xi32>
    %add3A_1252 = vector.broadcast %mul3A_32 : i32 to vector<16xi32>
    %add3A_1253 = arith.addi %get3A_1251, %add3A_1252 : vector<16xi32>
    %swap3A_1254 = arith.constant 7 : i32
    %swap3A_1255 = arith.index_cast %swap3A_1254 : i32 to index
    %swap3A_1256 = arith.constant 112 : index
    %swap3A_1257 = tpu.vector_load %arg7[%swap3A_1255, %swap3A_1256] {strides = array<i32>} : memref<16x128xi32, #tpu.memory_space<vmem>>, vector<1x16xi32>,
    %swap3A_1258 = vector.shape_cast %swap3A_1257 : vector<1x16xi32> to vector<16xi32>
    %swap3A_1259 = vector.shape_cast %add3A_1253 : vector<16xi32> to vector<1x16xi32>
    tpu.vector_store %arg7[%swap3A_1255, %swap3A_1256], %swap3A_1259 {strides = array<i32>} : memref<16x128xi32, #tpu.memory_space<vmem>>, vector<1x16xi32>,
    %dma_start3A_1260 = arith.constant 7 : i32
    %dma_start3A_1261 = arith.constant 7 : i32
    %dma_start3A_1262 = arith.constant 0 : i32
    %dma_start3A_1263 = tpu.memref_slice %arg6[%dma_start3A_1260, %dma_start3A_1262] : memref<16x128xf32, #tpu.memory_space<vmem>> -> memref<1x128xf32, #tpu.memory_space<vmem>>
    %dma_start3A_1264 = tpu.memref_squeeze %dma_start3A_1263 : memref<1x128xf32, #tpu.memory_space<vmem>> -> memref<128xf32, #tpu.memory_space<vmem>>
    %dma_start3A_1265 = arith.constant 0 : i32
    %dma_start3A_1266 = tpu.memref_slice %arg7[%dma_start3A_1261, %dma_start3A_1265] : memref<16x128xi32, #tpu.memory_space<vmem>> -> memref<1x128xi32, #tpu.memory_space<vmem>>
    %dma_start3A_1267 = tpu.memref_squeeze %dma_start3A_1266 : memref<1x128xi32, #tpu.memory_space<vmem>> -> memref<128xi32, #tpu.memory_space<vmem>>
    %dma_start3A_1268 = arith.constant 0 : i32
    %dma_start3A_1269 = tpu.memref_slice %arg9[%dma_start3A_1268] : memref<16384xf32, #tpu.memory_space<vmem_shared>> -> memref<16384xf32, #tpu.memory_space<vmem_shared>>
    tpu.enqueue_indirect_dma source(%dma_start3A_1264 : memref<128xf32, #tpu.memory_space<vmem>>) target(%dma_start3A_1269 : memref<16384xf32, #tpu.memory_space<vmem_shared>>) offsets(%dma_start3A_1267 : memref<128xi32, #tpu.memory_space<vmem>>) semaphore(%arg12 : memref<!tpu.dma_semaphore, #tpu.memory_space<semaphore_mem>>) {add = true}
    %eq3A_1270 = arith.constant 0 : i32
    %eq3A_1271 = arith.cmpi eq, %select_n3A_30, %eq3A_1270 : i32
    %convert_element_type3A_1272 = arith.extui %eq3A_1271 : i1 to i32
    %cond3A_1273 = arith.constant 0 : i32
    %cond3A_1274 = arith.cmpi ne, %convert_element_type3A_1272, %cond3A_1273 : i32
    scf.if %cond3A_1274 {
      %get3A_2385 = arith.constant 8 : i32
      %get3A_2386 = arith.index_cast %get3A_2385 : i32 to index
      %get3A_2387 = arith.constant 0 : index
      %get3A_2388 = tpu.vector_load %arg6[%get3A_2386, %get3A_2387] {strides = array<i32>} : memref<16x128xf32, #tpu.memory_space<vmem>>, vector<1x16xf32>,
      %get3A_2389 = vector.shape_cast %get3A_2388 : vector<1x16xf32> to vector<16xf32>
      %max3A = arith.constant 0.000000e+00 : f32
      %max3A_2390 = vector.broadcast %max3A : f32 to vector<16xf32>
      %max3A_2391 = arith.maximumf %get3A_2389, %max3A_2390 : vector<16xf32>
      %swap3A_2392 = arith.constant 8 : i32
      %swap3A_2393 = arith.index_cast %swap3A_2392 : i32 to index
      %swap3A_2394 = arith.constant 0 : index
      %swap3A_2395 = tpu.vector_load %arg6[%swap3A_2393, %swap3A_2394] {strides = array<i32>} : memref<16x128xf32, #tpu.memory_space<vmem>>, vector<1x16xf32>,
      %swap3A_2396 = vector.shape_cast %swap3A_2395 : vector<1x16xf32> to vector<16xf32>
      %swap3A_2397 = vector.shape_cast %max3A_2391 : vector<16xf32> to vector<1x16xf32>
      tpu.vector_store %arg6[%swap3A_2393, %swap3A_2394], %swap3A_2397 {strides = array<i32>} : memref<16x128xf32, #tpu.memory_space<vmem>>, vector<1x16xf32>,
      %get3A_2398 = arith.constant 8 : i32
      %get3A_2399 = arith.index_cast %get3A_2398 : i32 to index
      %get3A_2400 = arith.constant 16 : index
      %get3A_2401 = tpu.vector_load %arg6[%get3A_2399, %get3A_2400] {strides = array<i32>} : memref<16x128xf32, #tpu.memory_space<vmem>>, vector<1x16xf32>,
      %get3A_2402 = vector.shape_cast %get3A_2401 : vector<1x16xf32> to vector<16xf32>
      %max3A_2403 = arith.constant 0.000000e+00 : f32
      %max3A_2404 = vector.broadcast %max3A_2403 : f32 to vector<16xf32>
      %max3A_2405 = arith.maximumf %get3A_2402, %max3A_2404 : vector<16xf32>
      %swap3A_2406 = arith.constant 8 : i32
      %swap3A_2407 = arith.index_cast %swap3A_2406 : i32 to index
      %swap3A_2408 = arith.constant 16 : index
      %swap3A_2409 = tpu.vector_load %arg6[%swap3A_2407, %swap3A_2408] {strides = array<i32>} : memref<16x128xf32, #tpu.memory_space<vmem>>, vector<1x16xf32>,
      %swap3A_2410 = vector.shape_cast %swap3A_2409 : vector<1x16xf32> to vector<16xf32>
      %swap3A_2411 = vector.shape_cast %max3A_2405 : vector<16xf32> to vector<1x16xf32>
      tpu.vector_store %arg6[%swap3A_2407, %swap3A_2408], %swap3A_2411 {strides = array<i32>} : memref<16x128xf32, #tpu.memory_space<vmem>>, vector<1x16xf32>,
      %get3A_2412 = arith.constant 8 : i32
      %get3A_2413 = arith.index_cast %get3A_2412 : i32 to index
      %get3A_2414 = arith.constant 32 : index
      %get3A_2415 = tpu.vector_load %arg6[%get3A_2413, %get3A_2414] {strides = array<i32>} : memref<16x128xf32, #tpu.memory_space<vmem>>, vector<1x16xf32>,
      %get3A_2416 = vector.shape_cast %get3A_2415 : vector<1x16xf32> to vector<16xf32>
      %max3A_2417 = arith.constant 0.000000e+00 : f32
      %max3A_2418 = vector.broadcast %max3A_2417 : f32 to vector<16xf32>
      %max3A_2419 = arith.maximumf %get3A_2416, %max3A_2418 : vector<16xf32>
      %swap3A_2420 = arith.constant 8 : i32
      %swap3A_2421 = arith.index_cast %swap3A_2420 : i32 to index
      %swap3A_2422 = arith.constant 32 : index
      %swap3A_2423 = tpu.vector_load %arg6[%swap3A_2421, %swap3A_2422] {strides = array<i32>} : memref<16x128xf32, #tpu.memory_space<vmem>>, vector<1x16xf32>,
      %swap3A_2424 = vector.shape_cast %swap3A_2423 : vector<1x16xf32> to vector<16xf32>
      %swap3A_2425 = vector.shape_cast %max3A_2419 : vector<16xf32> to vector<1x16xf32>
      tpu.vector_store %arg6[%swap3A_2421, %swap3A_2422], %swap3A_2425 {strides = array<i32>} : memref<16x128xf32, #tpu.memory_space<vmem>>, vector<1x16xf32>,
      %get3A_2426 = arith.constant 8 : i32
      %get3A_2427 = arith.index_cast %get3A_2426 : i32 to index
      %get3A_2428 = arith.constant 48 : index
      %get3A_2429 = tpu.vector_load %arg6[%get3A_2427, %get3A_2428] {strides = array<i32>} : memref<16x128xf32, #tpu.memory_space<vmem>>, vector<1x16xf32>,
      %get3A_2430 = vector.shape_cast %get3A_2429 : vector<1x16xf32> to vector<16xf32>
      %max3A_2431 = arith.constant 0.000000e+00 : f32
      %max3A_2432 = vector.broadcast %max3A_2431 : f32 to vector<16xf32>
      %max3A_2433 = arith.maximumf %get3A_2430, %max3A_2432 : vector<16xf32>
      %swap3A_2434 = arith.constant 8 : i32
      %swap3A_2435 = arith.index_cast %swap3A_2434 : i32 to index
      %swap3A_2436 = arith.constant 48 : index
      %swap3A_2437 = tpu.vector_load %arg6[%swap3A_2435, %swap3A_2436] {strides = array<i32>} : memref<16x128xf32, #tpu.memory_space<vmem>>, vector<1x16xf32>,
      %swap3A_2438 = vector.shape_cast %swap3A_2437 : vector<1x16xf32> to vector<16xf32>
      %swap3A_2439 = vector.shape_cast %max3A_2433 : vector<16xf32> to vector<1x16xf32>
      tpu.vector_store %arg6[%swap3A_2435, %swap3A_2436], %swap3A_2439 {strides = array<i32>} : memref<16x128xf32, #tpu.memory_space<vmem>>, vector<1x16xf32>,
      %get3A_2440 = arith.constant 8 : i32
      %get3A_2441 = arith.index_cast %get3A_2440 : i32 to index
      %get3A_2442 = arith.constant 64 : index
      %get3A_2443 = tpu.vector_load %arg6[%get3A_2441, %get3A_2442] {strides = array<i32>} : memref<16x128xf32, #tpu.memory_space<vmem>>, vector<1x16xf32>,
      %get3A_2444 = vector.shape_cast %get3A_2443 : vector<1x16xf32> to vector<16xf32>
      %max3A_2445 = arith.constant 0.000000e+00 : f32
      %max3A_2446 = vector.broadcast %max3A_2445 : f32 to vector<16xf32>
      %max3A_2447 = arith.maximumf %get3A_2444, %max3A_2446 : vector<16xf32>
      %swap3A_2448 = arith.constant 8 : i32
      %swap3A_2449 = arith.index_cast %swap3A_2448 : i32 to index
      %swap3A_2450 = arith.constant 64 : index
      %swap3A_2451 = tpu.vector_load %arg6[%swap3A_2449, %swap3A_2450] {strides = array<i32>} : memref<16x128xf32, #tpu.memory_space<vmem>>, vector<1x16xf32>,
      %swap3A_2452 = vector.shape_cast %swap3A_2451 : vector<1x16xf32> to vector<16xf32>
      %swap3A_2453 = vector.shape_cast %max3A_2447 : vector<16xf32> to vector<1x16xf32>
      tpu.vector_store %arg6[%swap3A_2449, %swap3A_2450], %swap3A_2453 {strides = array<i32>} : memref<16x128xf32, #tpu.memory_space<vmem>>, vector<1x16xf32>,
      %get3A_2454 = arith.constant 8 : i32
      %get3A_2455 = arith.index_cast %get3A_2454 : i32 to index
      %get3A_2456 = arith.constant 80 : index
      %get3A_2457 = tpu.vector_load %arg6[%get3A_2455, %get3A_2456] {strides = array<i32>} : memref<16x128xf32, #tpu.memory_space<vmem>>, vector<1x16xf32>,
      %get3A_2458 = vector.shape_cast %get3A_2457 : vector<1x16xf32> to vector<16xf32>
      %max3A_2459 = arith.constant 0.000000e+00 : f32
      %max3A_2460 = vector.broadcast %max3A_2459 : f32 to vector<16xf32>
      %max3A_2461 = arith.maximumf %get3A_2458, %max3A_2460 : vector<16xf32>
      %swap3A_2462 = arith.constant 8 : i32
      %swap3A_2463 = arith.index_cast %swap3A_2462 : i32 to index
      %swap3A_2464 = arith.constant 80 : index
      %swap3A_2465 = tpu.vector_load %arg6[%swap3A_2463, %swap3A_2464] {strides = array<i32>} : memref<16x128xf32, #tpu.memory_space<vmem>>, vector<1x16xf32>,
      %swap3A_2466 = vector.shape_cast %swap3A_2465 : vector<1x16xf32> to vector<16xf32>
      %swap3A_2467 = vector.shape_cast %max3A_2461 : vector<16xf32> to vector<1x16xf32>
      tpu.vector_store %arg6[%swap3A_2463, %swap3A_2464], %swap3A_2467 {strides = array<i32>} : memref<16x128xf32, #tpu.memory_space<vmem>>, vector<1x16xf32>,
      %get3A_2468 = arith.constant 8 : i32
      %get3A_2469 = arith.index_cast %get3A_2468 : i32 to index
      %get3A_2470 = arith.constant 96 : index
      %get3A_2471 = tpu.vector_load %arg6[%get3A_2469, %get3A_2470] {strides = array<i32>} : memref<16x128xf32, #tpu.memory_space<vmem>>, vector<1x16xf32>,
      %get3A_2472 = vector.shape_cast %get3A_2471 : vector<1x16xf32> to vector<16xf32>
      %max3A_2473 = arith.constant 0.000000e+00 : f32
      %max3A_2474 = vector.broadcast %max3A_2473 : f32 to vector<16xf32>
      %max3A_2475 = arith.maximumf %get3A_2472, %max3A_2474 : vector<16xf32>
      %swap3A_2476 = arith.constant 8 : i32
      %swap3A_2477 = arith.index_cast %swap3A_2476 : i32 to index
      %swap3A_2478 = arith.constant 96 : index
      %swap3A_2479 = tpu.vector_load %arg6[%swap3A_2477, %swap3A_2478] {strides = array<i32>} : memref<16x128xf32, #tpu.memory_space<vmem>>, vector<1x16xf32>,
      %swap3A_2480 = vector.shape_cast %swap3A_2479 : vector<1x16xf32> to vector<16xf32>
      %swap3A_2481 = vector.shape_cast %max3A_2475 : vector<16xf32> to vector<1x16xf32>
      tpu.vector_store %arg6[%swap3A_2477, %swap3A_2478], %swap3A_2481 {strides = array<i32>} : memref<16x128xf32, #tpu.memory_space<vmem>>, vector<1x16xf32>,
      %get3A_2482 = arith.constant 8 : i32
      %get3A_2483 = arith.index_cast %get3A_2482 : i32 to index
      %get3A_2484 = arith.constant 112 : index
      %get3A_2485 = tpu.vector_load %arg6[%get3A_2483, %get3A_2484] {strides = array<i32>} : memref<16x128xf32, #tpu.memory_space<vmem>>, vector<1x16xf32>,
      %get3A_2486 = vector.shape_cast %get3A_2485 : vector<1x16xf32> to vector<16xf32>
      %max3A_2487 = arith.constant 0.000000e+00 : f32
      %max3A_2488 = vector.broadcast %max3A_2487 : f32 to vector<16xf32>
      %max3A_2489 = arith.maximumf %get3A_2486, %max3A_2488 : vector<16xf32>
      %swap3A_2490 = arith.constant 8 : i32
      %swap3A_2491 = arith.index_cast %swap3A_2490 : i32 to index
      %swap3A_2492 = arith.constant 112 : index
      %swap3A_2493 = tpu.vector_load %arg6[%swap3A_2491, %swap3A_2492] {strides = array<i32>} : memref<16x128xf32, #tpu.memory_space<vmem>>, vector<1x16xf32>,
      %swap3A_2494 = vector.shape_cast %swap3A_2493 : vector<1x16xf32> to vector<16xf32>
      %swap3A_2495 = vector.shape_cast %max3A_2489 : vector<16xf32> to vector<1x16xf32>
      tpu.vector_store %arg6[%swap3A_2491, %swap3A_2492], %swap3A_2495 {strides = array<i32>} : memref<16x128xf32, #tpu.memory_space<vmem>>, vector<1x16xf32>,
    } else {
    }
    %get3A_1275 = arith.constant 8 : i32
    %get3A_1276 = arith.index_cast %get3A_1275 : i32 to index
    %get3A_1277 = arith.constant 0 : index
    %get3A_1278 = tpu.vector_load %arg7[%get3A_1276, %get3A_1277] {strides = array<i32>} : memref<16x128xi32, #tpu.memory_space<vmem>>, vector<1x16xi32>,
    %get3A_1279 = vector.shape_cast %get3A_1278 : vector<1x16xi32> to vector<16xi32>
    %add3A_1280 = vector.broadcast %mul3A_32 : i32 to vector<16xi32>
    %add3A_1281 = arith.addi %get3A_1279, %add3A_1280 : vector<16xi32>
    %swap3A_1282 = arith.constant 8 : i32
    %swap3A_1283 = arith.index_cast %swap3A_1282 : i32 to index
    %swap3A_1284 = arith.constant 0 : index
    %swap3A_1285 = tpu.vector_load %arg7[%swap3A_1283, %swap3A_1284] {strides = array<i32>} : memref<16x128xi32, #tpu.memory_space<vmem>>, vector<1x16xi32>,
    %swap3A_1286 = vector.shape_cast %swap3A_1285 : vector<1x16xi32> to vector<16xi32>
    %swap3A_1287 = vector.shape_cast %add3A_1281 : vector<16xi32> to vector<1x16xi32>
    tpu.vector_store %arg7[%swap3A_1283, %swap3A_1284], %swap3A_1287 {strides = array<i32>} : memref<16x128xi32, #tpu.memory_space<vmem>>, vector<1x16xi32>,
    %get3A_1288 = arith.constant 8 : i32
    %get3A_1289 = arith.index_cast %get3A_1288 : i32 to index
    %get3A_1290 = arith.constant 16 : index
    %get3A_1291 = tpu.vector_load %arg7[%get3A_1289, %get3A_1290] {strides = array<i32>} : memref<16x128xi32, #tpu.memory_space<vmem>>, vector<1x16xi32>,
    %get3A_1292 = vector.shape_cast %get3A_1291 : vector<1x16xi32> to vector<16xi32>
    %add3A_1293 = vector.broadcast %mul3A_32 : i32 to vector<16xi32>
    %add3A_1294 = arith.addi %get3A_1292, %add3A_1293 : vector<16xi32>
    %swap3A_1295 = arith.constant 8 : i32
    %swap3A_1296 = arith.index_cast %swap3A_1295 : i32 to index
    %swap3A_1297 = arith.constant 16 : index
    %swap3A_1298 = tpu.vector_load %arg7[%swap3A_1296, %swap3A_1297] {strides = array<i32>} : memref<16x128xi32, #tpu.memory_space<vmem>>, vector<1x16xi32>,
    %swap3A_1299 = vector.shape_cast %swap3A_1298 : vector<1x16xi32> to vector<16xi32>
    %swap3A_1300 = vector.shape_cast %add3A_1294 : vector<16xi32> to vector<1x16xi32>
    tpu.vector_store %arg7[%swap3A_1296, %swap3A_1297], %swap3A_1300 {strides = array<i32>} : memref<16x128xi32, #tpu.memory_space<vmem>>, vector<1x16xi32>,
    %get3A_1301 = arith.constant 8 : i32
    %get3A_1302 = arith.index_cast %get3A_1301 : i32 to index
    %get3A_1303 = arith.constant 32 : index
    %get3A_1304 = tpu.vector_load %arg7[%get3A_1302, %get3A_1303] {strides = array<i32>} : memref<16x128xi32, #tpu.memory_space<vmem>>, vector<1x16xi32>,
    %get3A_1305 = vector.shape_cast %get3A_1304 : vector<1x16xi32> to vector<16xi32>
    %add3A_1306 = vector.broadcast %mul3A_32 : i32 to vector<16xi32>
    %add3A_1307 = arith.addi %get3A_1305, %add3A_1306 : vector<16xi32>
    %swap3A_1308 = arith.constant 8 : i32
    %swap3A_1309 = arith.index_cast %swap3A_1308 : i32 to index
    %swap3A_1310 = arith.constant 32 : index
    %swap3A_1311 = tpu.vector_load %arg7[%swap3A_1309, %swap3A_1310] {strides = array<i32>} : memref<16x128xi32, #tpu.memory_space<vmem>>, vector<1x16xi32>,
    %swap3A_1312 = vector.shape_cast %swap3A_1311 : vector<1x16xi32> to vector<16xi32>
    %swap3A_1313 = vector.shape_cast %add3A_1307 : vector<16xi32> to vector<1x16xi32>
    tpu.vector_store %arg7[%swap3A_1309, %swap3A_1310], %swap3A_1313 {strides = array<i32>} : memref<16x128xi32, #tpu.memory_space<vmem>>, vector<1x16xi32>,
    %get3A_1314 = arith.constant 8 : i32
    %get3A_1315 = arith.index_cast %get3A_1314 : i32 to index
    %get3A_1316 = arith.constant 48 : index
    %get3A_1317 = tpu.vector_load %arg7[%get3A_1315, %get3A_1316] {strides = array<i32>} : memref<16x128xi32, #tpu.memory_space<vmem>>, vector<1x16xi32>,
    %get3A_1318 = vector.shape_cast %get3A_1317 : vector<1x16xi32> to vector<16xi32>
    %add3A_1319 = vector.broadcast %mul3A_32 : i32 to vector<16xi32>
    %add3A_1320 = arith.addi %get3A_1318, %add3A_1319 : vector<16xi32>
    %swap3A_1321 = arith.constant 8 : i32
    %swap3A_1322 = arith.index_cast %swap3A_1321 : i32 to index
    %swap3A_1323 = arith.constant 48 : index
    %swap3A_1324 = tpu.vector_load %arg7[%swap3A_1322, %swap3A_1323] {strides = array<i32>} : memref<16x128xi32, #tpu.memory_space<vmem>>, vector<1x16xi32>,
    %swap3A_1325 = vector.shape_cast %swap3A_1324 : vector<1x16xi32> to vector<16xi32>
    %swap3A_1326 = vector.shape_cast %add3A_1320 : vector<16xi32> to vector<1x16xi32>
    tpu.vector_store %arg7[%swap3A_1322, %swap3A_1323], %swap3A_1326 {strides = array<i32>} : memref<16x128xi32, #tpu.memory_space<vmem>>, vector<1x16xi32>,
    %get3A_1327 = arith.constant 8 : i32
    %get3A_1328 = arith.index_cast %get3A_1327 : i32 to index
    %get3A_1329 = arith.constant 64 : index
    %get3A_1330 = tpu.vector_load %arg7[%get3A_1328, %get3A_1329] {strides = array<i32>} : memref<16x128xi32, #tpu.memory_space<vmem>>, vector<1x16xi32>,
    %get3A_1331 = vector.shape_cast %get3A_1330 : vector<1x16xi32> to vector<16xi32>
    %add3A_1332 = vector.broadcast %mul3A_32 : i32 to vector<16xi32>
    %add3A_1333 = arith.addi %get3A_1331, %add3A_1332 : vector<16xi32>
    %swap3A_1334 = arith.constant 8 : i32
    %swap3A_1335 = arith.index_cast %swap3A_1334 : i32 to index
    %swap3A_1336 = arith.constant 64 : index
    %swap3A_1337 = tpu.vector_load %arg7[%swap3A_1335, %swap3A_1336] {strides = array<i32>} : memref<16x128xi32, #tpu.memory_space<vmem>>, vector<1x16xi32>,
    %swap3A_1338 = vector.shape_cast %swap3A_1337 : vector<1x16xi32> to vector<16xi32>
    %swap3A_1339 = vector.shape_cast %add3A_1333 : vector<16xi32> to vector<1x16xi32>
    tpu.vector_store %arg7[%swap3A_1335, %swap3A_1336], %swap3A_1339 {strides = array<i32>} : memref<16x128xi32, #tpu.memory_space<vmem>>, vector<1x16xi32>,
    %get3A_1340 = arith.constant 8 : i32
    %get3A_1341 = arith.index_cast %get3A_1340 : i32 to index
    %get3A_1342 = arith.constant 80 : index
    %get3A_1343 = tpu.vector_load %arg7[%get3A_1341, %get3A_1342] {strides = array<i32>} : memref<16x128xi32, #tpu.memory_space<vmem>>, vector<1x16xi32>,
    %get3A_1344 = vector.shape_cast %get3A_1343 : vector<1x16xi32> to vector<16xi32>
    %add3A_1345 = vector.broadcast %mul3A_32 : i32 to vector<16xi32>
    %add3A_1346 = arith.addi %get3A_1344, %add3A_1345 : vector<16xi32>
    %swap3A_1347 = arith.constant 8 : i32
    %swap3A_1348 = arith.index_cast %swap3A_1347 : i32 to index
    %swap3A_1349 = arith.constant 80 : index
    %swap3A_1350 = tpu.vector_load %arg7[%swap3A_1348, %swap3A_1349] {strides = array<i32>} : memref<16x128xi32, #tpu.memory_space<vmem>>, vector<1x16xi32>,
    %swap3A_1351 = vector.shape_cast %swap3A_1350 : vector<1x16xi32> to vector<16xi32>
    %swap3A_1352 = vector.shape_cast %add3A_1346 : vector<16xi32> to vector<1x16xi32>
    tpu.vector_store %arg7[%swap3A_1348, %swap3A_1349], %swap3A_1352 {strides = array<i32>} : memref<16x128xi32, #tpu.memory_space<vmem>>, vector<1x16xi32>,
    %get3A_1353 = arith.constant 8 : i32
    %get3A_1354 = arith.index_cast %get3A_1353 : i32 to index
    %get3A_1355 = arith.constant 96 : index
    %get3A_1356 = tpu.vector_load %arg7[%get3A_1354, %get3A_1355] {strides = array<i32>} : memref<16x128xi32, #tpu.memory_space<vmem>>, vector<1x16xi32>,
    %get3A_1357 = vector.shape_cast %get3A_1356 : vector<1x16xi32> to vector<16xi32>
    %add3A_1358 = vector.broadcast %mul3A_32 : i32 to vector<16xi32>
    %add3A_1359 = arith.addi %get3A_1357, %add3A_1358 : vector<16xi32>
    %swap3A_1360 = arith.constant 8 : i32
    %swap3A_1361 = arith.index_cast %swap3A_1360 : i32 to index
    %swap3A_1362 = arith.constant 96 : index
    %swap3A_1363 = tpu.vector_load %arg7[%swap3A_1361, %swap3A_1362] {strides = array<i32>} : memref<16x128xi32, #tpu.memory_space<vmem>>, vector<1x16xi32>,
    %swap3A_1364 = vector.shape_cast %swap3A_1363 : vector<1x16xi32> to vector<16xi32>
    %swap3A_1365 = vector.shape_cast %add3A_1359 : vector<16xi32> to vector<1x16xi32>
    tpu.vector_store %arg7[%swap3A_1361, %swap3A_1362], %swap3A_1365 {strides = array<i32>} : memref<16x128xi32, #tpu.memory_space<vmem>>, vector<1x16xi32>,
    %get3A_1366 = arith.constant 8 : i32
    %get3A_1367 = arith.index_cast %get3A_1366 : i32 to index
    %get3A_1368 = arith.constant 112 : index
    %get3A_1369 = tpu.vector_load %arg7[%get3A_1367, %get3A_1368] {strides = array<i32>} : memref<16x128xi32, #tpu.memory_space<vmem>>, vector<1x16xi32>,
    %get3A_1370 = vector.shape_cast %get3A_1369 : vector<1x16xi32> to vector<16xi32>
    %add3A_1371 = vector.broadcast %mul3A_32 : i32 to vector<16xi32>
    %add3A_1372 = arith.addi %get3A_1370, %add3A_1371 : vector<16xi32>
    %swap3A_1373 = arith.constant 8 : i32
    %swap3A_1374 = arith.index_cast %swap3A_1373 : i32 to index
    %swap3A_1375 = arith.constant 112 : index
    %swap3A_1376 = tpu.vector_load %arg7[%swap3A_1374, %swap3A_1375] {strides = array<i32>} : memref<16x128xi32, #tpu.memory_space<vmem>>, vector<1x16xi32>,
    %swap3A_1377 = vector.shape_cast %swap3A_1376 : vector<1x16xi32> to vector<16xi32>
    %swap3A_1378 = vector.shape_cast %add3A_1372 : vector<16xi32> to vector<1x16xi32>
    tpu.vector_store %arg7[%swap3A_1374, %swap3A_1375], %swap3A_1378 {strides = array<i32>} : memref<16x128xi32, #tpu.memory_space<vmem>>, vector<1x16xi32>,
    %dma_start3A_1379 = arith.constant 8 : i32
    %dma_start3A_1380 = arith.constant 8 : i32
    %dma_start3A_1381 = arith.constant 0 : i32
    %dma_start3A_1382 = tpu.memref_slice %arg6[%dma_start3A_1379, %dma_start3A_1381] : memref<16x128xf32, #tpu.memory_space<vmem>> -> memref<1x128xf32, #tpu.memory_space<vmem>>
    %dma_start3A_1383 = tpu.memref_squeeze %dma_start3A_1382 : memref<1x128xf32, #tpu.memory_space<vmem>> -> memref<128xf32, #tpu.memory_space<vmem>>
    %dma_start3A_1384 = arith.constant 0 : i32
    %dma_start3A_1385 = tpu.memref_slice %arg7[%dma_start3A_1380, %dma_start3A_1384] : memref<16x128xi32, #tpu.memory_space<vmem>> -> memref<1x128xi32, #tpu.memory_space<vmem>>
    %dma_start3A_1386 = tpu.memref_squeeze %dma_start3A_1385 : memref<1x128xi32, #tpu.memory_space<vmem>> -> memref<128xi32, #tpu.memory_space<vmem>>
    %dma_start3A_1387 = arith.constant 0 : i32
    %dma_start3A_1388 = tpu.memref_slice %arg9[%dma_start3A_1387] : memref<16384xf32, #tpu.memory_space<vmem_shared>> -> memref<16384xf32, #tpu.memory_space<vmem_shared>>
    tpu.enqueue_indirect_dma source(%dma_start3A_1383 : memref<128xf32, #tpu.memory_space<vmem>>) target(%dma_start3A_1388 : memref<16384xf32, #tpu.memory_space<vmem_shared>>) offsets(%dma_start3A_1386 : memref<128xi32, #tpu.memory_space<vmem>>) semaphore(%arg12 : memref<!tpu.dma_semaphore, #tpu.memory_space<semaphore_mem>>) {add = true}
    %eq3A_1389 = arith.constant 0 : i32
    %eq3A_1390 = arith.cmpi eq, %select_n3A_30, %eq3A_1389 : i32
    %convert_element_type3A_1391 = arith.extui %eq3A_1390 : i1 to i32
    %cond3A_1392 = arith.constant 0 : i32
    %cond3A_1393 = arith.cmpi ne, %convert_element_type3A_1391, %cond3A_1392 : i32
    scf.if %cond3A_1393 {
      %get3A_2385 = arith.constant 9 : i32
      %get3A_2386 = arith.index_cast %get3A_2385 : i32 to index
      %get3A_2387 = arith.constant 0 : index
      %get3A_2388 = tpu.vector_load %arg6[%get3A_2386, %get3A_2387] {strides = array<i32>} : memref<16x128xf32, #tpu.memory_space<vmem>>, vector<1x16xf32>,
      %get3A_2389 = vector.shape_cast %get3A_2388 : vector<1x16xf32> to vector<16xf32>
      %max3A = arith.constant 0.000000e+00 : f32
      %max3A_2390 = vector.broadcast %max3A : f32 to vector<16xf32>
      %max3A_2391 = arith.maximumf %get3A_2389, %max3A_2390 : vector<16xf32>
      %swap3A_2392 = arith.constant 9 : i32
      %swap3A_2393 = arith.index_cast %swap3A_2392 : i32 to index
      %swap3A_2394 = arith.constant 0 : index
      %swap3A_2395 = tpu.vector_load %arg6[%swap3A_2393, %swap3A_2394] {strides = array<i32>} : memref<16x128xf32, #tpu.memory_space<vmem>>, vector<1x16xf32>,
      %swap3A_2396 = vector.shape_cast %swap3A_2395 : vector<1x16xf32> to vector<16xf32>
      %swap3A_2397 = vector.shape_cast %max3A_2391 : vector<16xf32> to vector<1x16xf32>
      tpu.vector_store %arg6[%swap3A_2393, %swap3A_2394], %swap3A_2397 {strides = array<i32>} : memref<16x128xf32, #tpu.memory_space<vmem>>, vector<1x16xf32>,
      %get3A_2398 = arith.constant 9 : i32
      %get3A_2399 = arith.index_cast %get3A_2398 : i32 to index
      %get3A_2400 = arith.constant 16 : index
      %get3A_2401 = tpu.vector_load %arg6[%get3A_2399, %get3A_2400] {strides = array<i32>} : memref<16x128xf32, #tpu.memory_space<vmem>>, vector<1x16xf32>,
      %get3A_2402 = vector.shape_cast %get3A_2401 : vector<1x16xf32> to vector<16xf32>
      %max3A_2403 = arith.constant 0.000000e+00 : f32
      %max3A_2404 = vector.broadcast %max3A_2403 : f32 to vector<16xf32>
      %max3A_2405 = arith.maximumf %get3A_2402, %max3A_2404 : vector<16xf32>
      %swap3A_2406 = arith.constant 9 : i32
      %swap3A_2407 = arith.index_cast %swap3A_2406 : i32 to index
      %swap3A_2408 = arith.constant 16 : index
      %swap3A_2409 = tpu.vector_load %arg6[%swap3A_2407, %swap3A_2408] {strides = array<i32>} : memref<16x128xf32, #tpu.memory_space<vmem>>, vector<1x16xf32>,
      %swap3A_2410 = vector.shape_cast %swap3A_2409 : vector<1x16xf32> to vector<16xf32>
      %swap3A_2411 = vector.shape_cast %max3A_2405 : vector<16xf32> to vector<1x16xf32>
      tpu.vector_store %arg6[%swap3A_2407, %swap3A_2408], %swap3A_2411 {strides = array<i32>} : memref<16x128xf32, #tpu.memory_space<vmem>>, vector<1x16xf32>,
      %get3A_2412 = arith.constant 9 : i32
      %get3A_2413 = arith.index_cast %get3A_2412 : i32 to index
      %get3A_2414 = arith.constant 32 : index
      %get3A_2415 = tpu.vector_load %arg6[%get3A_2413, %get3A_2414] {strides = array<i32>} : memref<16x128xf32, #tpu.memory_space<vmem>>, vector<1x16xf32>,
      %get3A_2416 = vector.shape_cast %get3A_2415 : vector<1x16xf32> to vector<16xf32>
      %max3A_2417 = arith.constant 0.000000e+00 : f32
      %max3A_2418 = vector.broadcast %max3A_2417 : f32 to vector<16xf32>
      %max3A_2419 = arith.maximumf %get3A_2416, %max3A_2418 : vector<16xf32>
      %swap3A_2420 = arith.constant 9 : i32
      %swap3A_2421 = arith.index_cast %swap3A_2420 : i32 to index
      %swap3A_2422 = arith.constant 32 : index
      %swap3A_2423 = tpu.vector_load %arg6[%swap3A_2421, %swap3A_2422] {strides = array<i32>} : memref<16x128xf32, #tpu.memory_space<vmem>>, vector<1x16xf32>,
      %swap3A_2424 = vector.shape_cast %swap3A_2423 : vector<1x16xf32> to vector<16xf32>
      %swap3A_2425 = vector.shape_cast %max3A_2419 : vector<16xf32> to vector<1x16xf32>
      tpu.vector_store %arg6[%swap3A_2421, %swap3A_2422], %swap3A_2425 {strides = array<i32>} : memref<16x128xf32, #tpu.memory_space<vmem>>, vector<1x16xf32>,
      %get3A_2426 = arith.constant 9 : i32
      %get3A_2427 = arith.index_cast %get3A_2426 : i32 to index
      %get3A_2428 = arith.constant 48 : index
      %get3A_2429 = tpu.vector_load %arg6[%get3A_2427, %get3A_2428] {strides = array<i32>} : memref<16x128xf32, #tpu.memory_space<vmem>>, vector<1x16xf32>,
      %get3A_2430 = vector.shape_cast %get3A_2429 : vector<1x16xf32> to vector<16xf32>
      %max3A_2431 = arith.constant 0.000000e+00 : f32
      %max3A_2432 = vector.broadcast %max3A_2431 : f32 to vector<16xf32>
      %max3A_2433 = arith.maximumf %get3A_2430, %max3A_2432 : vector<16xf32>
      %swap3A_2434 = arith.constant 9 : i32
      %swap3A_2435 = arith.index_cast %swap3A_2434 : i32 to index
      %swap3A_2436 = arith.constant 48 : index
      %swap3A_2437 = tpu.vector_load %arg6[%swap3A_2435, %swap3A_2436] {strides = array<i32>} : memref<16x128xf32, #tpu.memory_space<vmem>>, vector<1x16xf32>,
      %swap3A_2438 = vector.shape_cast %swap3A_2437 : vector<1x16xf32> to vector<16xf32>
      %swap3A_2439 = vector.shape_cast %max3A_2433 : vector<16xf32> to vector<1x16xf32>
      tpu.vector_store %arg6[%swap3A_2435, %swap3A_2436], %swap3A_2439 {strides = array<i32>} : memref<16x128xf32, #tpu.memory_space<vmem>>, vector<1x16xf32>,
      %get3A_2440 = arith.constant 9 : i32
      %get3A_2441 = arith.index_cast %get3A_2440 : i32 to index
      %get3A_2442 = arith.constant 64 : index
      %get3A_2443 = tpu.vector_load %arg6[%get3A_2441, %get3A_2442] {strides = array<i32>} : memref<16x128xf32, #tpu.memory_space<vmem>>, vector<1x16xf32>,
      %get3A_2444 = vector.shape_cast %get3A_2443 : vector<1x16xf32> to vector<16xf32>
      %max3A_2445 = arith.constant 0.000000e+00 : f32
      %max3A_2446 = vector.broadcast %max3A_2445 : f32 to vector<16xf32>
      %max3A_2447 = arith.maximumf %get3A_2444, %max3A_2446 : vector<16xf32>
      %swap3A_2448 = arith.constant 9 : i32
      %swap3A_2449 = arith.index_cast %swap3A_2448 : i32 to index
      %swap3A_2450 = arith.constant 64 : index
      %swap3A_2451 = tpu.vector_load %arg6[%swap3A_2449, %swap3A_2450] {strides = array<i32>} : memref<16x128xf32, #tpu.memory_space<vmem>>, vector<1x16xf32>,
      %swap3A_2452 = vector.shape_cast %swap3A_2451 : vector<1x16xf32> to vector<16xf32>
      %swap3A_2453 = vector.shape_cast %max3A_2447 : vector<16xf32> to vector<1x16xf32>
      tpu.vector_store %arg6[%swap3A_2449, %swap3A_2450], %swap3A_2453 {strides = array<i32>} : memref<16x128xf32, #tpu.memory_space<vmem>>, vector<1x16xf32>,
      %get3A_2454 = arith.constant 9 : i32
      %get3A_2455 = arith.index_cast %get3A_2454 : i32 to index
      %get3A_2456 = arith.constant 80 : index
      %get3A_2457 = tpu.vector_load %arg6[%get3A_2455, %get3A_2456] {strides = array<i32>} : memref<16x128xf32, #tpu.memory_space<vmem>>, vector<1x16xf32>,
      %get3A_2458 = vector.shape_cast %get3A_2457 : vector<1x16xf32> to vector<16xf32>
      %max3A_2459 = arith.constant 0.000000e+00 : f32
      %max3A_2460 = vector.broadcast %max3A_2459 : f32 to vector<16xf32>
      %max3A_2461 = arith.maximumf %get3A_2458, %max3A_2460 : vector<16xf32>
      %swap3A_2462 = arith.constant 9 : i32
      %swap3A_2463 = arith.index_cast %swap3A_2462 : i32 to index
      %swap3A_2464 = arith.constant 80 : index
      %swap3A_2465 = tpu.vector_load %arg6[%swap3A_2463, %swap3A_2464] {strides = array<i32>} : memref<16x128xf32, #tpu.memory_space<vmem>>, vector<1x16xf32>,
      %swap3A_2466 = vector.shape_cast %swap3A_2465 : vector<1x16xf32> to vector<16xf32>
      %swap3A_2467 = vector.shape_cast %max3A_2461 : vector<16xf32> to vector<1x16xf32>
      tpu.vector_store %arg6[%swap3A_2463, %swap3A_2464], %swap3A_2467 {strides = array<i32>} : memref<16x128xf32, #tpu.memory_space<vmem>>, vector<1x16xf32>,
      %get3A_2468 = arith.constant 9 : i32
      %get3A_2469 = arith.index_cast %get3A_2468 : i32 to index
      %get3A_2470 = arith.constant 96 : index
      %get3A_2471 = tpu.vector_load %arg6[%get3A_2469, %get3A_2470] {strides = array<i32>} : memref<16x128xf32, #tpu.memory_space<vmem>>, vector<1x16xf32>,
      %get3A_2472 = vector.shape_cast %get3A_2471 : vector<1x16xf32> to vector<16xf32>
      %max3A_2473 = arith.constant 0.000000e+00 : f32
      %max3A_2474 = vector.broadcast %max3A_2473 : f32 to vector<16xf32>
      %max3A_2475 = arith.maximumf %get3A_2472, %max3A_2474 : vector<16xf32>
      %swap3A_2476 = arith.constant 9 : i32
      %swap3A_2477 = arith.index_cast %swap3A_2476 : i32 to index
      %swap3A_2478 = arith.constant 96 : index
      %swap3A_2479 = tpu.vector_load %arg6[%swap3A_2477, %swap3A_2478] {strides = array<i32>} : memref<16x128xf32, #tpu.memory_space<vmem>>, vector<1x16xf32>,
      %swap3A_2480 = vector.shape_cast %swap3A_2479 : vector<1x16xf32> to vector<16xf32>
      %swap3A_2481 = vector.shape_cast %max3A_2475 : vector<16xf32> to vector<1x16xf32>
      tpu.vector_store %arg6[%swap3A_2477, %swap3A_2478], %swap3A_2481 {strides = array<i32>} : memref<16x128xf32, #tpu.memory_space<vmem>>, vector<1x16xf32>,
      %get3A_2482 = arith.constant 9 : i32
      %get3A_2483 = arith.index_cast %get3A_2482 : i32 to index
      %get3A_2484 = arith.constant 112 : index
      %get3A_2485 = tpu.vector_load %arg6[%get3A_2483, %get3A_2484] {strides = array<i32>} : memref<16x128xf32, #tpu.memory_space<vmem>>, vector<1x16xf32>,
      %get3A_2486 = vector.shape_cast %get3A_2485 : vector<1x16xf32> to vector<16xf32>
      %max3A_2487 = arith.constant 0.000000e+00 : f32
      %max3A_2488 = vector.broadcast %max3A_2487 : f32 to vector<16xf32>
      %max3A_2489 = arith.maximumf %get3A_2486, %max3A_2488 : vector<16xf32>
      %swap3A_2490 = arith.constant 9 : i32
      %swap3A_2491 = arith.index_cast %swap3A_2490 : i32 to index
      %swap3A_2492 = arith.constant 112 : index
      %swap3A_2493 = tpu.vector_load %arg6[%swap3A_2491, %swap3A_2492] {strides = array<i32>} : memref<16x128xf32, #tpu.memory_space<vmem>>, vector<1x16xf32>,
      %swap3A_2494 = vector.shape_cast %swap3A_2493 : vector<1x16xf32> to vector<16xf32>
      %swap3A_2495 = vector.shape_cast %max3A_2489 : vector<16xf32> to vector<1x16xf32>
      tpu.vector_store %arg6[%swap3A_2491, %swap3A_2492], %swap3A_2495 {strides = array<i32>} : memref<16x128xf32, #tpu.memory_space<vmem>>, vector<1x16xf32>,
    } else {
    }
    %get3A_1394 = arith.constant 9 : i32
    %get3A_1395 = arith.index_cast %get3A_1394 : i32 to index
    %get3A_1396 = arith.constant 0 : index
    %get3A_1397 = tpu.vector_load %arg7[%get3A_1395, %get3A_1396] {strides = array<i32>} : memref<16x128xi32, #tpu.memory_space<vmem>>, vector<1x16xi32>,
    %get3A_1398 = vector.shape_cast %get3A_1397 : vector<1x16xi32> to vector<16xi32>
    %add3A_1399 = vector.broadcast %mul3A_32 : i32 to vector<16xi32>
    %add3A_1400 = arith.addi %get3A_1398, %add3A_1399 : vector<16xi32>
    %swap3A_1401 = arith.constant 9 : i32
    %swap3A_1402 = arith.index_cast %swap3A_1401 : i32 to index
    %swap3A_1403 = arith.constant 0 : index
    %swap3A_1404 = tpu.vector_load %arg7[%swap3A_1402, %swap3A_1403] {strides = array<i32>} : memref<16x128xi32, #tpu.memory_space<vmem>>, vector<1x16xi32>,
    %swap3A_1405 = vector.shape_cast %swap3A_1404 : vector<1x16xi32> to vector<16xi32>
    %swap3A_1406 = vector.shape_cast %add3A_1400 : vector<16xi32> to vector<1x16xi32>
    tpu.vector_store %arg7[%swap3A_1402, %swap3A_1403], %swap3A_1406 {strides = array<i32>} : memref<16x128xi32, #tpu.memory_space<vmem>>, vector<1x16xi32>,
    %get3A_1407 = arith.constant 9 : i32
    %get3A_1408 = arith.index_cast %get3A_1407 : i32 to index
    %get3A_1409 = arith.constant 16 : index
    %get3A_1410 = tpu.vector_load %arg7[%get3A_1408, %get3A_1409] {strides = array<i32>} : memref<16x128xi32, #tpu.memory_space<vmem>>, vector<1x16xi32>,
    %get3A_1411 = vector.shape_cast %get3A_1410 : vector<1x16xi32> to vector<16xi32>
    %add3A_1412 = vector.broadcast %mul3A_32 : i32 to vector<16xi32>
    %add3A_1413 = arith.addi %get3A_1411, %add3A_1412 : vector<16xi32>
    %swap3A_1414 = arith.constant 9 : i32
    %swap3A_1415 = arith.index_cast %swap3A_1414 : i32 to index
    %swap3A_1416 = arith.constant 16 : index
    %swap3A_1417 = tpu.vector_load %arg7[%swap3A_1415, %swap3A_1416] {strides = array<i32>} : memref<16x128xi32, #tpu.memory_space<vmem>>, vector<1x16xi32>,
    %swap3A_1418 = vector.shape_cast %swap3A_1417 : vector<1x16xi32> to vector<16xi32>
    %swap3A_1419 = vector.shape_cast %add3A_1413 : vector<16xi32> to vector<1x16xi32>
    tpu.vector_store %arg7[%swap3A_1415, %swap3A_1416], %swap3A_1419 {strides = array<i32>} : memref<16x128xi32, #tpu.memory_space<vmem>>, vector<1x16xi32>,
    %get3A_1420 = arith.constant 9 : i32
    %get3A_1421 = arith.index_cast %get3A_1420 : i32 to index
    %get3A_1422 = arith.constant 32 : index
    %get3A_1423 = tpu.vector_load %arg7[%get3A_1421, %get3A_1422] {strides = array<i32>} : memref<16x128xi32, #tpu.memory_space<vmem>>, vector<1x16xi32>,
    %get3A_1424 = vector.shape_cast %get3A_1423 : vector<1x16xi32> to vector<16xi32>
    %add3A_1425 = vector.broadcast %mul3A_32 : i32 to vector<16xi32>
    %add3A_1426 = arith.addi %get3A_1424, %add3A_1425 : vector<16xi32>
    %swap3A_1427 = arith.constant 9 : i32
    %swap3A_1428 = arith.index_cast %swap3A_1427 : i32 to index
    %swap3A_1429 = arith.constant 32 : index
    %swap3A_1430 = tpu.vector_load %arg7[%swap3A_1428, %swap3A_1429] {strides = array<i32>} : memref<16x128xi32, #tpu.memory_space<vmem>>, vector<1x16xi32>,
    %swap3A_1431 = vector.shape_cast %swap3A_1430 : vector<1x16xi32> to vector<16xi32>
    %swap3A_1432 = vector.shape_cast %add3A_1426 : vector<16xi32> to vector<1x16xi32>
    tpu.vector_store %arg7[%swap3A_1428, %swap3A_1429], %swap3A_1432 {strides = array<i32>} : memref<16x128xi32, #tpu.memory_space<vmem>>, vector<1x16xi32>,
    %get3A_1433 = arith.constant 9 : i32
    %get3A_1434 = arith.index_cast %get3A_1433 : i32 to index
    %get3A_1435 = arith.constant 48 : index
    %get3A_1436 = tpu.vector_load %arg7[%get3A_1434, %get3A_1435] {strides = array<i32>} : memref<16x128xi32, #tpu.memory_space<vmem>>, vector<1x16xi32>,
    %get3A_1437 = vector.shape_cast %get3A_1436 : vector<1x16xi32> to vector<16xi32>
    %add3A_1438 = vector.broadcast %mul3A_32 : i32 to vector<16xi32>
    %add3A_1439 = arith.addi %get3A_1437, %add3A_1438 : vector<16xi32>
    %swap3A_1440 = arith.constant 9 : i32
    %swap3A_1441 = arith.index_cast %swap3A_1440 : i32 to index
    %swap3A_1442 = arith.constant 48 : index
    %swap3A_1443 = tpu.vector_load %arg7[%swap3A_1441, %swap3A_1442] {strides = array<i32>} : memref<16x128xi32, #tpu.memory_space<vmem>>, vector<1x16xi32>,
    %swap3A_1444 = vector.shape_cast %swap3A_1443 : vector<1x16xi32> to vector<16xi32>
    %swap3A_1445 = vector.shape_cast %add3A_1439 : vector<16xi32> to vector<1x16xi32>
    tpu.vector_store %arg7[%swap3A_1441, %swap3A_1442], %swap3A_1445 {strides = array<i32>} : memref<16x128xi32, #tpu.memory_space<vmem>>, vector<1x16xi32>,
    %get3A_1446 = arith.constant 9 : i32
    %get3A_1447 = arith.index_cast %get3A_1446 : i32 to index
    %get3A_1448 = arith.constant 64 : index
    %get3A_1449 = tpu.vector_load %arg7[%get3A_1447, %get3A_1448] {strides = array<i32>} : memref<16x128xi32, #tpu.memory_space<vmem>>, vector<1x16xi32>,
    %get3A_1450 = vector.shape_cast %get3A_1449 : vector<1x16xi32> to vector<16xi32>
    %add3A_1451 = vector.broadcast %mul3A_32 : i32 to vector<16xi32>
    %add3A_1452 = arith.addi %get3A_1450, %add3A_1451 : vector<16xi32>
    %swap3A_1453 = arith.constant 9 : i32
    %swap3A_1454 = arith.index_cast %swap3A_1453 : i32 to index
    %swap3A_1455 = arith.constant 64 : index
    %swap3A_1456 = tpu.vector_load %arg7[%swap3A_1454, %swap3A_1455] {strides = array<i32>} : memref<16x128xi32, #tpu.memory_space<vmem>>, vector<1x16xi32>,
    %swap3A_1457 = vector.shape_cast %swap3A_1456 : vector<1x16xi32> to vector<16xi32>
    %swap3A_1458 = vector.shape_cast %add3A_1452 : vector<16xi32> to vector<1x16xi32>
    tpu.vector_store %arg7[%swap3A_1454, %swap3A_1455], %swap3A_1458 {strides = array<i32>} : memref<16x128xi32, #tpu.memory_space<vmem>>, vector<1x16xi32>,
    %get3A_1459 = arith.constant 9 : i32
    %get3A_1460 = arith.index_cast %get3A_1459 : i32 to index
    %get3A_1461 = arith.constant 80 : index
    %get3A_1462 = tpu.vector_load %arg7[%get3A_1460, %get3A_1461] {strides = array<i32>} : memref<16x128xi32, #tpu.memory_space<vmem>>, vector<1x16xi32>,
    %get3A_1463 = vector.shape_cast %get3A_1462 : vector<1x16xi32> to vector<16xi32>
    %add3A_1464 = vector.broadcast %mul3A_32 : i32 to vector<16xi32>
    %add3A_1465 = arith.addi %get3A_1463, %add3A_1464 : vector<16xi32>
    %swap3A_1466 = arith.constant 9 : i32
    %swap3A_1467 = arith.index_cast %swap3A_1466 : i32 to index
    %swap3A_1468 = arith.constant 80 : index
    %swap3A_1469 = tpu.vector_load %arg7[%swap3A_1467, %swap3A_1468] {strides = array<i32>} : memref<16x128xi32, #tpu.memory_space<vmem>>, vector<1x16xi32>,
    %swap3A_1470 = vector.shape_cast %swap3A_1469 : vector<1x16xi32> to vector<16xi32>
    %swap3A_1471 = vector.shape_cast %add3A_1465 : vector<16xi32> to vector<1x16xi32>
    tpu.vector_store %arg7[%swap3A_1467, %swap3A_1468], %swap3A_1471 {strides = array<i32>} : memref<16x128xi32, #tpu.memory_space<vmem>>, vector<1x16xi32>,
    %get3A_1472 = arith.constant 9 : i32
    %get3A_1473 = arith.index_cast %get3A_1472 : i32 to index
    %get3A_1474 = arith.constant 96 : index
    %get3A_1475 = tpu.vector_load %arg7[%get3A_1473, %get3A_1474] {strides = array<i32>} : memref<16x128xi32, #tpu.memory_space<vmem>>, vector<1x16xi32>,
    %get3A_1476 = vector.shape_cast %get3A_1475 : vector<1x16xi32> to vector<16xi32>
    %add3A_1477 = vector.broadcast %mul3A_32 : i32 to vector<16xi32>
    %add3A_1478 = arith.addi %get3A_1476, %add3A_1477 : vector<16xi32>
    %swap3A_1479 = arith.constant 9 : i32
    %swap3A_1480 = arith.index_cast %swap3A_1479 : i32 to index
    %swap3A_1481 = arith.constant 96 : index
    %swap3A_1482 = tpu.vector_load %arg7[%swap3A_1480, %swap3A_1481] {strides = array<i32>} : memref<16x128xi32, #tpu.memory_space<vmem>>, vector<1x16xi32>,
    %swap3A_1483 = vector.shape_cast %swap3A_1482 : vector<1x16xi32> to vector<16xi32>
    %swap3A_1484 = vector.shape_cast %add3A_1478 : vector<16xi32> to vector<1x16xi32>
    tpu.vector_store %arg7[%swap3A_1480, %swap3A_1481], %swap3A_1484 {strides = array<i32>} : memref<16x128xi32, #tpu.memory_space<vmem>>, vector<1x16xi32>,
    %get3A_1485 = arith.constant 9 : i32
    %get3A_1486 = arith.index_cast %get3A_1485 : i32 to index
    %get3A_1487 = arith.constant 112 : index
    %get3A_1488 = tpu.vector_load %arg7[%get3A_1486, %get3A_1487] {strides = array<i32>} : memref<16x128xi32, #tpu.memory_space<vmem>>, vector<1x16xi32>,
    %get3A_1489 = vector.shape_cast %get3A_1488 : vector<1x16xi32> to vector<16xi32>
    %add3A_1490 = vector.broadcast %mul3A_32 : i32 to vector<16xi32>
    %add3A_1491 = arith.addi %get3A_1489, %add3A_1490 : vector<16xi32>
    %swap3A_1492 = arith.constant 9 : i32
    %swap3A_1493 = arith.index_cast %swap3A_1492 : i32 to index
    %swap3A_1494 = arith.constant 112 : index
    %swap3A_1495 = tpu.vector_load %arg7[%swap3A_1493, %swap3A_1494] {strides = array<i32>} : memref<16x128xi32, #tpu.memory_space<vmem>>, vector<1x16xi32>,
    %swap3A_1496 = vector.shape_cast %swap3A_1495 : vector<1x16xi32> to vector<16xi32>
    %swap3A_1497 = vector.shape_cast %add3A_1491 : vector<16xi32> to vector<1x16xi32>
    tpu.vector_store %arg7[%swap3A_1493, %swap3A_1494], %swap3A_1497 {strides = array<i32>} : memref<16x128xi32, #tpu.memory_space<vmem>>, vector<1x16xi32>,
    %dma_start3A_1498 = arith.constant 9 : i32
    %dma_start3A_1499 = arith.constant 9 : i32
    %dma_start3A_1500 = arith.constant 0 : i32
    %dma_start3A_1501 = tpu.memref_slice %arg6[%dma_start3A_1498, %dma_start3A_1500] : memref<16x128xf32, #tpu.memory_space<vmem>> -> memref<1x128xf32, #tpu.memory_space<vmem>>
    %dma_start3A_1502 = tpu.memref_squeeze %dma_start3A_1501 : memref<1x128xf32, #tpu.memory_space<vmem>> -> memref<128xf32, #tpu.memory_space<vmem>>
    %dma_start3A_1503 = arith.constant 0 : i32
    %dma_start3A_1504 = tpu.memref_slice %arg7[%dma_start3A_1499, %dma_start3A_1503] : memref<16x128xi32, #tpu.memory_space<vmem>> -> memref<1x128xi32, #tpu.memory_space<vmem>>
    %dma_start3A_1505 = tpu.memref_squeeze %dma_start3A_1504 : memref<1x128xi32, #tpu.memory_space<vmem>> -> memref<128xi32, #tpu.memory_space<vmem>>
    %dma_start3A_1506 = arith.constant 0 : i32
    %dma_start3A_1507 = tpu.memref_slice %arg9[%dma_start3A_1506] : memref<16384xf32, #tpu.memory_space<vmem_shared>> -> memref<16384xf32, #tpu.memory_space<vmem_shared>>
    tpu.enqueue_indirect_dma source(%dma_start3A_1502 : memref<128xf32, #tpu.memory_space<vmem>>) target(%dma_start3A_1507 : memref<16384xf32, #tpu.memory_space<vmem_shared>>) offsets(%dma_start3A_1505 : memref<128xi32, #tpu.memory_space<vmem>>) semaphore(%arg12 : memref<!tpu.dma_semaphore, #tpu.memory_space<semaphore_mem>>) {add = true}
    %eq3A_1508 = arith.constant 0 : i32
    %eq3A_1509 = arith.cmpi eq, %select_n3A_30, %eq3A_1508 : i32
    %convert_element_type3A_1510 = arith.extui %eq3A_1509 : i1 to i32
    %cond3A_1511 = arith.constant 0 : i32
    %cond3A_1512 = arith.cmpi ne, %convert_element_type3A_1510, %cond3A_1511 : i32
    scf.if %cond3A_1512 {
      %get3A_2385 = arith.constant 10 : i32
      %get3A_2386 = arith.index_cast %get3A_2385 : i32 to index
      %get3A_2387 = arith.constant 0 : index
      %get3A_2388 = tpu.vector_load %arg6[%get3A_2386, %get3A_2387] {strides = array<i32>} : memref<16x128xf32, #tpu.memory_space<vmem>>, vector<1x16xf32>,
      %get3A_2389 = vector.shape_cast %get3A_2388 : vector<1x16xf32> to vector<16xf32>
      %max3A = arith.constant 0.000000e+00 : f32
      %max3A_2390 = vector.broadcast %max3A : f32 to vector<16xf32>
      %max3A_2391 = arith.maximumf %get3A_2389, %max3A_2390 : vector<16xf32>
      %swap3A_2392 = arith.constant 10 : i32
      %swap3A_2393 = arith.index_cast %swap3A_2392 : i32 to index
      %swap3A_2394 = arith.constant 0 : index
      %swap3A_2395 = tpu.vector_load %arg6[%swap3A_2393, %swap3A_2394] {strides = array<i32>} : memref<16x128xf32, #tpu.memory_space<vmem>>, vector<1x16xf32>,
      %swap3A_2396 = vector.shape_cast %swap3A_2395 : vector<1x16xf32> to vector<16xf32>
      %swap3A_2397 = vector.shape_cast %max3A_2391 : vector<16xf32> to vector<1x16xf32>
      tpu.vector_store %arg6[%swap3A_2393, %swap3A_2394], %swap3A_2397 {strides = array<i32>} : memref<16x128xf32, #tpu.memory_space<vmem>>, vector<1x16xf32>,
      %get3A_2398 = arith.constant 10 : i32
      %get3A_2399 = arith.index_cast %get3A_2398 : i32 to index
      %get3A_2400 = arith.constant 16 : index
      %get3A_2401 = tpu.vector_load %arg6[%get3A_2399, %get3A_2400] {strides = array<i32>} : memref<16x128xf32, #tpu.memory_space<vmem>>, vector<1x16xf32>,
      %get3A_2402 = vector.shape_cast %get3A_2401 : vector<1x16xf32> to vector<16xf32>
      %max3A_2403 = arith.constant 0.000000e+00 : f32
      %max3A_2404 = vector.broadcast %max3A_2403 : f32 to vector<16xf32>
      %max3A_2405 = arith.maximumf %get3A_2402, %max3A_2404 : vector<16xf32>
      %swap3A_2406 = arith.constant 10 : i32
      %swap3A_2407 = arith.index_cast %swap3A_2406 : i32 to index
      %swap3A_2408 = arith.constant 16 : index
      %swap3A_2409 = tpu.vector_load %arg6[%swap3A_2407, %swap3A_2408] {strides = array<i32>} : memref<16x128xf32, #tpu.memory_space<vmem>>, vector<1x16xf32>,
      %swap3A_2410 = vector.shape_cast %swap3A_2409 : vector<1x16xf32> to vector<16xf32>
      %swap3A_2411 = vector.shape_cast %max3A_2405 : vector<16xf32> to vector<1x16xf32>
      tpu.vector_store %arg6[%swap3A_2407, %swap3A_2408], %swap3A_2411 {strides = array<i32>} : memref<16x128xf32, #tpu.memory_space<vmem>>, vector<1x16xf32>,
      %get3A_2412 = arith.constant 10 : i32
      %get3A_2413 = arith.index_cast %get3A_2412 : i32 to index
      %get3A_2414 = arith.constant 32 : index
      %get3A_2415 = tpu.vector_load %arg6[%get3A_2413, %get3A_2414] {strides = array<i32>} : memref<16x128xf32, #tpu.memory_space<vmem>>, vector<1x16xf32>,
      %get3A_2416 = vector.shape_cast %get3A_2415 : vector<1x16xf32> to vector<16xf32>
      %max3A_2417 = arith.constant 0.000000e+00 : f32
      %max3A_2418 = vector.broadcast %max3A_2417 : f32 to vector<16xf32>
      %max3A_2419 = arith.maximumf %get3A_2416, %max3A_2418 : vector<16xf32>
      %swap3A_2420 = arith.constant 10 : i32
      %swap3A_2421 = arith.index_cast %swap3A_2420 : i32 to index
      %swap3A_2422 = arith.constant 32 : index
      %swap3A_2423 = tpu.vector_load %arg6[%swap3A_2421, %swap3A_2422] {strides = array<i32>} : memref<16x128xf32, #tpu.memory_space<vmem>>, vector<1x16xf32>,
      %swap3A_2424 = vector.shape_cast %swap3A_2423 : vector<1x16xf32> to vector<16xf32>
      %swap3A_2425 = vector.shape_cast %max3A_2419 : vector<16xf32> to vector<1x16xf32>
      tpu.vector_store %arg6[%swap3A_2421, %swap3A_2422], %swap3A_2425 {strides = array<i32>} : memref<16x128xf32, #tpu.memory_space<vmem>>, vector<1x16xf32>,
      %get3A_2426 = arith.constant 10 : i32
      %get3A_2427 = arith.index_cast %get3A_2426 : i32 to index
      %get3A_2428 = arith.constant 48 : index
      %get3A_2429 = tpu.vector_load %arg6[%get3A_2427, %get3A_2428] {strides = array<i32>} : memref<16x128xf32, #tpu.memory_space<vmem>>, vector<1x16xf32>,
      %get3A_2430 = vector.shape_cast %get3A_2429 : vector<1x16xf32> to vector<16xf32>
      %max3A_2431 = arith.constant 0.000000e+00 : f32
      %max3A_2432 = vector.broadcast %max3A_2431 : f32 to vector<16xf32>
      %max3A_2433 = arith.maximumf %get3A_2430, %max3A_2432 : vector<16xf32>
      %swap3A_2434 = arith.constant 10 : i32
      %swap3A_2435 = arith.index_cast %swap3A_2434 : i32 to index
      %swap3A_2436 = arith.constant 48 : index
      %swap3A_2437 = tpu.vector_load %arg6[%swap3A_2435, %swap3A_2436] {strides = array<i32>} : memref<16x128xf32, #tpu.memory_space<vmem>>, vector<1x16xf32>,
      %swap3A_2438 = vector.shape_cast %swap3A_2437 : vector<1x16xf32> to vector<16xf32>
      %swap3A_2439 = vector.shape_cast %max3A_2433 : vector<16xf32> to vector<1x16xf32>
      tpu.vector_store %arg6[%swap3A_2435, %swap3A_2436], %swap3A_2439 {strides = array<i32>} : memref<16x128xf32, #tpu.memory_space<vmem>>, vector<1x16xf32>,
      %get3A_2440 = arith.constant 10 : i32
      %get3A_2441 = arith.index_cast %get3A_2440 : i32 to index
      %get3A_2442 = arith.constant 64 : index
      %get3A_2443 = tpu.vector_load %arg6[%get3A_2441, %get3A_2442] {strides = array<i32>} : memref<16x128xf32, #tpu.memory_space<vmem>>, vector<1x16xf32>,
      %get3A_2444 = vector.shape_cast %get3A_2443 : vector<1x16xf32> to vector<16xf32>
      %max3A_2445 = arith.constant 0.000000e+00 : f32
      %max3A_2446 = vector.broadcast %max3A_2445 : f32 to vector<16xf32>
      %max3A_2447 = arith.maximumf %get3A_2444, %max3A_2446 : vector<16xf32>
      %swap3A_2448 = arith.constant 10 : i32
      %swap3A_2449 = arith.index_cast %swap3A_2448 : i32 to index
      %swap3A_2450 = arith.constant 64 : index
      %swap3A_2451 = tpu.vector_load %arg6[%swap3A_2449, %swap3A_2450] {strides = array<i32>} : memref<16x128xf32, #tpu.memory_space<vmem>>, vector<1x16xf32>,
      %swap3A_2452 = vector.shape_cast %swap3A_2451 : vector<1x16xf32> to vector<16xf32>
      %swap3A_2453 = vector.shape_cast %max3A_2447 : vector<16xf32> to vector<1x16xf32>
      tpu.vector_store %arg6[%swap3A_2449, %swap3A_2450], %swap3A_2453 {strides = array<i32>} : memref<16x128xf32, #tpu.memory_space<vmem>>, vector<1x16xf32>,
      %get3A_2454 = arith.constant 10 : i32
      %get3A_2455 = arith.index_cast %get3A_2454 : i32 to index
      %get3A_2456 = arith.constant 80 : index
      %get3A_2457 = tpu.vector_load %arg6[%get3A_2455, %get3A_2456] {strides = array<i32>} : memref<16x128xf32, #tpu.memory_space<vmem>>, vector<1x16xf32>,
      %get3A_2458 = vector.shape_cast %get3A_2457 : vector<1x16xf32> to vector<16xf32>
      %max3A_2459 = arith.constant 0.000000e+00 : f32
      %max3A_2460 = vector.broadcast %max3A_2459 : f32 to vector<16xf32>
      %max3A_2461 = arith.maximumf %get3A_2458, %max3A_2460 : vector<16xf32>
      %swap3A_2462 = arith.constant 10 : i32
      %swap3A_2463 = arith.index_cast %swap3A_2462 : i32 to index
      %swap3A_2464 = arith.constant 80 : index
      %swap3A_2465 = tpu.vector_load %arg6[%swap3A_2463, %swap3A_2464] {strides = array<i32>} : memref<16x128xf32, #tpu.memory_space<vmem>>, vector<1x16xf32>,
      %swap3A_2466 = vector.shape_cast %swap3A_2465 : vector<1x16xf32> to vector<16xf32>
      %swap3A_2467 = vector.shape_cast %max3A_2461 : vector<16xf32> to vector<1x16xf32>
      tpu.vector_store %arg6[%swap3A_2463, %swap3A_2464], %swap3A_2467 {strides = array<i32>} : memref<16x128xf32, #tpu.memory_space<vmem>>, vector<1x16xf32>,
      %get3A_2468 = arith.constant 10 : i32
      %get3A_2469 = arith.index_cast %get3A_2468 : i32 to index
      %get3A_2470 = arith.constant 96 : index
      %get3A_2471 = tpu.vector_load %arg6[%get3A_2469, %get3A_2470] {strides = array<i32>} : memref<16x128xf32, #tpu.memory_space<vmem>>, vector<1x16xf32>,
      %get3A_2472 = vector.shape_cast %get3A_2471 : vector<1x16xf32> to vector<16xf32>
      %max3A_2473 = arith.constant 0.000000e+00 : f32
      %max3A_2474 = vector.broadcast %max3A_2473 : f32 to vector<16xf32>
      %max3A_2475 = arith.maximumf %get3A_2472, %max3A_2474 : vector<16xf32>
      %swap3A_2476 = arith.constant 10 : i32
      %swap3A_2477 = arith.index_cast %swap3A_2476 : i32 to index
      %swap3A_2478 = arith.constant 96 : index
      %swap3A_2479 = tpu.vector_load %arg6[%swap3A_2477, %swap3A_2478] {strides = array<i32>} : memref<16x128xf32, #tpu.memory_space<vmem>>, vector<1x16xf32>,
      %swap3A_2480 = vector.shape_cast %swap3A_2479 : vector<1x16xf32> to vector<16xf32>
      %swap3A_2481 = vector.shape_cast %max3A_2475 : vector<16xf32> to vector<1x16xf32>
      tpu.vector_store %arg6[%swap3A_2477, %swap3A_2478], %swap3A_2481 {strides = array<i32>} : memref<16x128xf32, #tpu.memory_space<vmem>>, vector<1x16xf32>,
      %get3A_2482 = arith.constant 10 : i32
      %get3A_2483 = arith.index_cast %get3A_2482 : i32 to index
      %get3A_2484 = arith.constant 112 : index
      %get3A_2485 = tpu.vector_load %arg6[%get3A_2483, %get3A_2484] {strides = array<i32>} : memref<16x128xf32, #tpu.memory_space<vmem>>, vector<1x16xf32>,
      %get3A_2486 = vector.shape_cast %get3A_2485 : vector<1x16xf32> to vector<16xf32>
      %max3A_2487 = arith.constant 0.000000e+00 : f32
      %max3A_2488 = vector.broadcast %max3A_2487 : f32 to vector<16xf32>
      %max3A_2489 = arith.maximumf %get3A_2486, %max3A_2488 : vector<16xf32>
      %swap3A_2490 = arith.constant 10 : i32
      %swap3A_2491 = arith.index_cast %swap3A_2490 : i32 to index
      %swap3A_2492 = arith.constant 112 : index
      %swap3A_2493 = tpu.vector_load %arg6[%swap3A_2491, %swap3A_2492] {strides = array<i32>} : memref<16x128xf32, #tpu.memory_space<vmem>>, vector<1x16xf32>,
      %swap3A_2494 = vector.shape_cast %swap3A_2493 : vector<1x16xf32> to vector<16xf32>
      %swap3A_2495 = vector.shape_cast %max3A_2489 : vector<16xf32> to vector<1x16xf32>
      tpu.vector_store %arg6[%swap3A_2491, %swap3A_2492], %swap3A_2495 {strides = array<i32>} : memref<16x128xf32, #tpu.memory_space<vmem>>, vector<1x16xf32>,
    } else {
    }
    %get3A_1513 = arith.constant 10 : i32
    %get3A_1514 = arith.index_cast %get3A_1513 : i32 to index
    %get3A_1515 = arith.constant 0 : index
    %get3A_1516 = tpu.vector_load %arg7[%get3A_1514, %get3A_1515] {strides = array<i32>} : memref<16x128xi32, #tpu.memory_space<vmem>>, vector<1x16xi32>,
    %get3A_1517 = vector.shape_cast %get3A_1516 : vector<1x16xi32> to vector<16xi32>
    %add3A_1518 = vector.broadcast %mul3A_32 : i32 to vector<16xi32>
    %add3A_1519 = arith.addi %get3A_1517, %add3A_1518 : vector<16xi32>
    %swap3A_1520 = arith.constant 10 : i32
    %swap3A_1521 = arith.index_cast %swap3A_1520 : i32 to index
    %swap3A_1522 = arith.constant 0 : index
    %swap3A_1523 = tpu.vector_load %arg7[%swap3A_1521, %swap3A_1522] {strides = array<i32>} : memref<16x128xi32, #tpu.memory_space<vmem>>, vector<1x16xi32>,
    %swap3A_1524 = vector.shape_cast %swap3A_1523 : vector<1x16xi32> to vector<16xi32>
    %swap3A_1525 = vector.shape_cast %add3A_1519 : vector<16xi32> to vector<1x16xi32>
    tpu.vector_store %arg7[%swap3A_1521, %swap3A_1522], %swap3A_1525 {strides = array<i32>} : memref<16x128xi32, #tpu.memory_space<vmem>>, vector<1x16xi32>,
    %get3A_1526 = arith.constant 10 : i32
    %get3A_1527 = arith.index_cast %get3A_1526 : i32 to index
    %get3A_1528 = arith.constant 16 : index
    %get3A_1529 = tpu.vector_load %arg7[%get3A_1527, %get3A_1528] {strides = array<i32>} : memref<16x128xi32, #tpu.memory_space<vmem>>, vector<1x16xi32>,
    %get3A_1530 = vector.shape_cast %get3A_1529 : vector<1x16xi32> to vector<16xi32>
    %add3A_1531 = vector.broadcast %mul3A_32 : i32 to vector<16xi32>
    %add3A_1532 = arith.addi %get3A_1530, %add3A_1531 : vector<16xi32>
    %swap3A_1533 = arith.constant 10 : i32
    %swap3A_1534 = arith.index_cast %swap3A_1533 : i32 to index
    %swap3A_1535 = arith.constant 16 : index
    %swap3A_1536 = tpu.vector_load %arg7[%swap3A_1534, %swap3A_1535] {strides = array<i32>} : memref<16x128xi32, #tpu.memory_space<vmem>>, vector<1x16xi32>,
    %swap3A_1537 = vector.shape_cast %swap3A_1536 : vector<1x16xi32> to vector<16xi32>
    %swap3A_1538 = vector.shape_cast %add3A_1532 : vector<16xi32> to vector<1x16xi32>
    tpu.vector_store %arg7[%swap3A_1534, %swap3A_1535], %swap3A_1538 {strides = array<i32>} : memref<16x128xi32, #tpu.memory_space<vmem>>, vector<1x16xi32>,
    %get3A_1539 = arith.constant 10 : i32
    %get3A_1540 = arith.index_cast %get3A_1539 : i32 to index
    %get3A_1541 = arith.constant 32 : index
    %get3A_1542 = tpu.vector_load %arg7[%get3A_1540, %get3A_1541] {strides = array<i32>} : memref<16x128xi32, #tpu.memory_space<vmem>>, vector<1x16xi32>,
    %get3A_1543 = vector.shape_cast %get3A_1542 : vector<1x16xi32> to vector<16xi32>
    %add3A_1544 = vector.broadcast %mul3A_32 : i32 to vector<16xi32>
    %add3A_1545 = arith.addi %get3A_1543, %add3A_1544 : vector<16xi32>
    %swap3A_1546 = arith.constant 10 : i32
    %swap3A_1547 = arith.index_cast %swap3A_1546 : i32 to index
    %swap3A_1548 = arith.constant 32 : index
    %swap3A_1549 = tpu.vector_load %arg7[%swap3A_1547, %swap3A_1548] {strides = array<i32>} : memref<16x128xi32, #tpu.memory_space<vmem>>, vector<1x16xi32>,
    %swap3A_1550 = vector.shape_cast %swap3A_1549 : vector<1x16xi32> to vector<16xi32>
    %swap3A_1551 = vector.shape_cast %add3A_1545 : vector<16xi32> to vector<1x16xi32>
    tpu.vector_store %arg7[%swap3A_1547, %swap3A_1548], %swap3A_1551 {strides = array<i32>} : memref<16x128xi32, #tpu.memory_space<vmem>>, vector<1x16xi32>,
    %get3A_1552 = arith.constant 10 : i32
    %get3A_1553 = arith.index_cast %get3A_1552 : i32 to index
    %get3A_1554 = arith.constant 48 : index
    %get3A_1555 = tpu.vector_load %arg7[%get3A_1553, %get3A_1554] {strides = array<i32>} : memref<16x128xi32, #tpu.memory_space<vmem>>, vector<1x16xi32>,
    %get3A_1556 = vector.shape_cast %get3A_1555 : vector<1x16xi32> to vector<16xi32>
    %add3A_1557 = vector.broadcast %mul3A_32 : i32 to vector<16xi32>
    %add3A_1558 = arith.addi %get3A_1556, %add3A_1557 : vector<16xi32>
    %swap3A_1559 = arith.constant 10 : i32
    %swap3A_1560 = arith.index_cast %swap3A_1559 : i32 to index
    %swap3A_1561 = arith.constant 48 : index
    %swap3A_1562 = tpu.vector_load %arg7[%swap3A_1560, %swap3A_1561] {strides = array<i32>} : memref<16x128xi32, #tpu.memory_space<vmem>>, vector<1x16xi32>,
    %swap3A_1563 = vector.shape_cast %swap3A_1562 : vector<1x16xi32> to vector<16xi32>
    %swap3A_1564 = vector.shape_cast %add3A_1558 : vector<16xi32> to vector<1x16xi32>
    tpu.vector_store %arg7[%swap3A_1560, %swap3A_1561], %swap3A_1564 {strides = array<i32>} : memref<16x128xi32, #tpu.memory_space<vmem>>, vector<1x16xi32>,
    %get3A_1565 = arith.constant 10 : i32
    %get3A_1566 = arith.index_cast %get3A_1565 : i32 to index
    %get3A_1567 = arith.constant 64 : index
    %get3A_1568 = tpu.vector_load %arg7[%get3A_1566, %get3A_1567] {strides = array<i32>} : memref<16x128xi32, #tpu.memory_space<vmem>>, vector<1x16xi32>,
    %get3A_1569 = vector.shape_cast %get3A_1568 : vector<1x16xi32> to vector<16xi32>
    %add3A_1570 = vector.broadcast %mul3A_32 : i32 to vector<16xi32>
    %add3A_1571 = arith.addi %get3A_1569, %add3A_1570 : vector<16xi32>
    %swap3A_1572 = arith.constant 10 : i32
    %swap3A_1573 = arith.index_cast %swap3A_1572 : i32 to index
    %swap3A_1574 = arith.constant 64 : index
    %swap3A_1575 = tpu.vector_load %arg7[%swap3A_1573, %swap3A_1574] {strides = array<i32>} : memref<16x128xi32, #tpu.memory_space<vmem>>, vector<1x16xi32>,
    %swap3A_1576 = vector.shape_cast %swap3A_1575 : vector<1x16xi32> to vector<16xi32>
    %swap3A_1577 = vector.shape_cast %add3A_1571 : vector<16xi32> to vector<1x16xi32>
    tpu.vector_store %arg7[%swap3A_1573, %swap3A_1574], %swap3A_1577 {strides = array<i32>} : memref<16x128xi32, #tpu.memory_space<vmem>>, vector<1x16xi32>,
    %get3A_1578 = arith.constant 10 : i32
    %get3A_1579 = arith.index_cast %get3A_1578 : i32 to index
    %get3A_1580 = arith.constant 80 : index
    %get3A_1581 = tpu.vector_load %arg7[%get3A_1579, %get3A_1580] {strides = array<i32>} : memref<16x128xi32, #tpu.memory_space<vmem>>, vector<1x16xi32>,
    %get3A_1582 = vector.shape_cast %get3A_1581 : vector<1x16xi32> to vector<16xi32>
    %add3A_1583 = vector.broadcast %mul3A_32 : i32 to vector<16xi32>
    %add3A_1584 = arith.addi %get3A_1582, %add3A_1583 : vector<16xi32>
    %swap3A_1585 = arith.constant 10 : i32
    %swap3A_1586 = arith.index_cast %swap3A_1585 : i32 to index
    %swap3A_1587 = arith.constant 80 : index
    %swap3A_1588 = tpu.vector_load %arg7[%swap3A_1586, %swap3A_1587] {strides = array<i32>} : memref<16x128xi32, #tpu.memory_space<vmem>>, vector<1x16xi32>,
    %swap3A_1589 = vector.shape_cast %swap3A_1588 : vector<1x16xi32> to vector<16xi32>
    %swap3A_1590 = vector.shape_cast %add3A_1584 : vector<16xi32> to vector<1x16xi32>
    tpu.vector_store %arg7[%swap3A_1586, %swap3A_1587], %swap3A_1590 {strides = array<i32>} : memref<16x128xi32, #tpu.memory_space<vmem>>, vector<1x16xi32>,
    %get3A_1591 = arith.constant 10 : i32
    %get3A_1592 = arith.index_cast %get3A_1591 : i32 to index
    %get3A_1593 = arith.constant 96 : index
    %get3A_1594 = tpu.vector_load %arg7[%get3A_1592, %get3A_1593] {strides = array<i32>} : memref<16x128xi32, #tpu.memory_space<vmem>>, vector<1x16xi32>,
    %get3A_1595 = vector.shape_cast %get3A_1594 : vector<1x16xi32> to vector<16xi32>
    %add3A_1596 = vector.broadcast %mul3A_32 : i32 to vector<16xi32>
    %add3A_1597 = arith.addi %get3A_1595, %add3A_1596 : vector<16xi32>
    %swap3A_1598 = arith.constant 10 : i32
    %swap3A_1599 = arith.index_cast %swap3A_1598 : i32 to index
    %swap3A_1600 = arith.constant 96 : index
    %swap3A_1601 = tpu.vector_load %arg7[%swap3A_1599, %swap3A_1600] {strides = array<i32>} : memref<16x128xi32, #tpu.memory_space<vmem>>, vector<1x16xi32>,
    %swap3A_1602 = vector.shape_cast %swap3A_1601 : vector<1x16xi32> to vector<16xi32>
    %swap3A_1603 = vector.shape_cast %add3A_1597 : vector<16xi32> to vector<1x16xi32>
    tpu.vector_store %arg7[%swap3A_1599, %swap3A_1600], %swap3A_1603 {strides = array<i32>} : memref<16x128xi32, #tpu.memory_space<vmem>>, vector<1x16xi32>,
    %get3A_1604 = arith.constant 10 : i32
    %get3A_1605 = arith.index_cast %get3A_1604 : i32 to index
    %get3A_1606 = arith.constant 112 : index
    %get3A_1607 = tpu.vector_load %arg7[%get3A_1605, %get3A_1606] {strides = array<i32>} : memref<16x128xi32, #tpu.memory_space<vmem>>, vector<1x16xi32>,
    %get3A_1608 = vector.shape_cast %get3A_1607 : vector<1x16xi32> to vector<16xi32>
    %add3A_1609 = vector.broadcast %mul3A_32 : i32 to vector<16xi32>
    %add3A_1610 = arith.addi %get3A_1608, %add3A_1609 : vector<16xi32>
    %swap3A_1611 = arith.constant 10 : i32
    %swap3A_1612 = arith.index_cast %swap3A_1611 : i32 to index
    %swap3A_1613 = arith.constant 112 : index
    %swap3A_1614 = tpu.vector_load %arg7[%swap3A_1612, %swap3A_1613] {strides = array<i32>} : memref<16x128xi32, #tpu.memory_space<vmem>>, vector<1x16xi32>,
    %swap3A_1615 = vector.shape_cast %swap3A_1614 : vector<1x16xi32> to vector<16xi32>
    %swap3A_1616 = vector.shape_cast %add3A_1610 : vector<16xi32> to vector<1x16xi32>
    tpu.vector_store %arg7[%swap3A_1612, %swap3A_1613], %swap3A_1616 {strides = array<i32>} : memref<16x128xi32, #tpu.memory_space<vmem>>, vector<1x16xi32>,
    %dma_start3A_1617 = arith.constant 10 : i32
    %dma_start3A_1618 = arith.constant 10 : i32
    %dma_start3A_1619 = arith.constant 0 : i32
    %dma_start3A_1620 = tpu.memref_slice %arg6[%dma_start3A_1617, %dma_start3A_1619] : memref<16x128xf32, #tpu.memory_space<vmem>> -> memref<1x128xf32, #tpu.memory_space<vmem>>
    %dma_start3A_1621 = tpu.memref_squeeze %dma_start3A_1620 : memref<1x128xf32, #tpu.memory_space<vmem>> -> memref<128xf32, #tpu.memory_space<vmem>>
    %dma_start3A_1622 = arith.constant 0 : i32
    %dma_start3A_1623 = tpu.memref_slice %arg7[%dma_start3A_1618, %dma_start3A_1622] : memref<16x128xi32, #tpu.memory_space<vmem>> -> memref<1x128xi32, #tpu.memory_space<vmem>>
    %dma_start3A_1624 = tpu.memref_squeeze %dma_start3A_1623 : memref<1x128xi32, #tpu.memory_space<vmem>> -> memref<128xi32, #tpu.memory_space<vmem>>
    %dma_start3A_1625 = arith.constant 0 : i32
    %dma_start3A_1626 = tpu.memref_slice %arg9[%dma_start3A_1625] : memref<16384xf32, #tpu.memory_space<vmem_shared>> -> memref<16384xf32, #tpu.memory_space<vmem_shared>>
    tpu.enqueue_indirect_dma source(%dma_start3A_1621 : memref<128xf32, #tpu.memory_space<vmem>>) target(%dma_start3A_1626 : memref<16384xf32, #tpu.memory_space<vmem_shared>>) offsets(%dma_start3A_1624 : memref<128xi32, #tpu.memory_space<vmem>>) semaphore(%arg12 : memref<!tpu.dma_semaphore, #tpu.memory_space<semaphore_mem>>) {add = true}
    %eq3A_1627 = arith.constant 0 : i32
    %eq3A_1628 = arith.cmpi eq, %select_n3A_30, %eq3A_1627 : i32
    %convert_element_type3A_1629 = arith.extui %eq3A_1628 : i1 to i32
    %cond3A_1630 = arith.constant 0 : i32
    %cond3A_1631 = arith.cmpi ne, %convert_element_type3A_1629, %cond3A_1630 : i32
    scf.if %cond3A_1631 {
      %get3A_2385 = arith.constant 11 : i32
      %get3A_2386 = arith.index_cast %get3A_2385 : i32 to index
      %get3A_2387 = arith.constant 0 : index
      %get3A_2388 = tpu.vector_load %arg6[%get3A_2386, %get3A_2387] {strides = array<i32>} : memref<16x128xf32, #tpu.memory_space<vmem>>, vector<1x16xf32>,
      %get3A_2389 = vector.shape_cast %get3A_2388 : vector<1x16xf32> to vector<16xf32>
      %max3A = arith.constant 0.000000e+00 : f32
      %max3A_2390 = vector.broadcast %max3A : f32 to vector<16xf32>
      %max3A_2391 = arith.maximumf %get3A_2389, %max3A_2390 : vector<16xf32>
      %swap3A_2392 = arith.constant 11 : i32
      %swap3A_2393 = arith.index_cast %swap3A_2392 : i32 to index
      %swap3A_2394 = arith.constant 0 : index
      %swap3A_2395 = tpu.vector_load %arg6[%swap3A_2393, %swap3A_2394] {strides = array<i32>} : memref<16x128xf32, #tpu.memory_space<vmem>>, vector<1x16xf32>,
      %swap3A_2396 = vector.shape_cast %swap3A_2395 : vector<1x16xf32> to vector<16xf32>
      %swap3A_2397 = vector.shape_cast %max3A_2391 : vector<16xf32> to vector<1x16xf32>
      tpu.vector_store %arg6[%swap3A_2393, %swap3A_2394], %swap3A_2397 {strides = array<i32>} : memref<16x128xf32, #tpu.memory_space<vmem>>, vector<1x16xf32>,
      %get3A_2398 = arith.constant 11 : i32
      %get3A_2399 = arith.index_cast %get3A_2398 : i32 to index
      %get3A_2400 = arith.constant 16 : index
      %get3A_2401 = tpu.vector_load %arg6[%get3A_2399, %get3A_2400] {strides = array<i32>} : memref<16x128xf32, #tpu.memory_space<vmem>>, vector<1x16xf32>,
      %get3A_2402 = vector.shape_cast %get3A_2401 : vector<1x16xf32> to vector<16xf32>
      %max3A_2403 = arith.constant 0.000000e+00 : f32
      %max3A_2404 = vector.broadcast %max3A_2403 : f32 to vector<16xf32>
      %max3A_2405 = arith.maximumf %get3A_2402, %max3A_2404 : vector<16xf32>
      %swap3A_2406 = arith.constant 11 : i32
      %swap3A_2407 = arith.index_cast %swap3A_2406 : i32 to index
      %swap3A_2408 = arith.constant 16 : index
      %swap3A_2409 = tpu.vector_load %arg6[%swap3A_2407, %swap3A_2408] {strides = array<i32>} : memref<16x128xf32, #tpu.memory_space<vmem>>, vector<1x16xf32>,
      %swap3A_2410 = vector.shape_cast %swap3A_2409 : vector<1x16xf32> to vector<16xf32>
      %swap3A_2411 = vector.shape_cast %max3A_2405 : vector<16xf32> to vector<1x16xf32>
      tpu.vector_store %arg6[%swap3A_2407, %swap3A_2408], %swap3A_2411 {strides = array<i32>} : memref<16x128xf32, #tpu.memory_space<vmem>>, vector<1x16xf32>,
      %get3A_2412 = arith.constant 11 : i32
      %get3A_2413 = arith.index_cast %get3A_2412 : i32 to index
      %get3A_2414 = arith.constant 32 : index
      %get3A_2415 = tpu.vector_load %arg6[%get3A_2413, %get3A_2414] {strides = array<i32>} : memref<16x128xf32, #tpu.memory_space<vmem>>, vector<1x16xf32>,
      %get3A_2416 = vector.shape_cast %get3A_2415 : vector<1x16xf32> to vector<16xf32>
      %max3A_2417 = arith.constant 0.000000e+00 : f32
      %max3A_2418 = vector.broadcast %max3A_2417 : f32 to vector<16xf32>
      %max3A_2419 = arith.maximumf %get3A_2416, %max3A_2418 : vector<16xf32>
      %swap3A_2420 = arith.constant 11 : i32
      %swap3A_2421 = arith.index_cast %swap3A_2420 : i32 to index
      %swap3A_2422 = arith.constant 32 : index
      %swap3A_2423 = tpu.vector_load %arg6[%swap3A_2421, %swap3A_2422] {strides = array<i32>} : memref<16x128xf32, #tpu.memory_space<vmem>>, vector<1x16xf32>,
      %swap3A_2424 = vector.shape_cast %swap3A_2423 : vector<1x16xf32> to vector<16xf32>
      %swap3A_2425 = vector.shape_cast %max3A_2419 : vector<16xf32> to vector<1x16xf32>
      tpu.vector_store %arg6[%swap3A_2421, %swap3A_2422], %swap3A_2425 {strides = array<i32>} : memref<16x128xf32, #tpu.memory_space<vmem>>, vector<1x16xf32>,
      %get3A_2426 = arith.constant 11 : i32
      %get3A_2427 = arith.index_cast %get3A_2426 : i32 to index
      %get3A_2428 = arith.constant 48 : index
      %get3A_2429 = tpu.vector_load %arg6[%get3A_2427, %get3A_2428] {strides = array<i32>} : memref<16x128xf32, #tpu.memory_space<vmem>>, vector<1x16xf32>,
      %get3A_2430 = vector.shape_cast %get3A_2429 : vector<1x16xf32> to vector<16xf32>
      %max3A_2431 = arith.constant 0.000000e+00 : f32
      %max3A_2432 = vector.broadcast %max3A_2431 : f32 to vector<16xf32>
      %max3A_2433 = arith.maximumf %get3A_2430, %max3A_2432 : vector<16xf32>
      %swap3A_2434 = arith.constant 11 : i32
      %swap3A_2435 = arith.index_cast %swap3A_2434 : i32 to index
      %swap3A_2436 = arith.constant 48 : index
      %swap3A_2437 = tpu.vector_load %arg6[%swap3A_2435, %swap3A_2436] {strides = array<i32>} : memref<16x128xf32, #tpu.memory_space<vmem>>, vector<1x16xf32>,
      %swap3A_2438 = vector.shape_cast %swap3A_2437 : vector<1x16xf32> to vector<16xf32>
      %swap3A_2439 = vector.shape_cast %max3A_2433 : vector<16xf32> to vector<1x16xf32>
      tpu.vector_store %arg6[%swap3A_2435, %swap3A_2436], %swap3A_2439 {strides = array<i32>} : memref<16x128xf32, #tpu.memory_space<vmem>>, vector<1x16xf32>,
      %get3A_2440 = arith.constant 11 : i32
      %get3A_2441 = arith.index_cast %get3A_2440 : i32 to index
      %get3A_2442 = arith.constant 64 : index
      %get3A_2443 = tpu.vector_load %arg6[%get3A_2441, %get3A_2442] {strides = array<i32>} : memref<16x128xf32, #tpu.memory_space<vmem>>, vector<1x16xf32>,
      %get3A_2444 = vector.shape_cast %get3A_2443 : vector<1x16xf32> to vector<16xf32>
      %max3A_2445 = arith.constant 0.000000e+00 : f32
      %max3A_2446 = vector.broadcast %max3A_2445 : f32 to vector<16xf32>
      %max3A_2447 = arith.maximumf %get3A_2444, %max3A_2446 : vector<16xf32>
      %swap3A_2448 = arith.constant 11 : i32
      %swap3A_2449 = arith.index_cast %swap3A_2448 : i32 to index
      %swap3A_2450 = arith.constant 64 : index
      %swap3A_2451 = tpu.vector_load %arg6[%swap3A_2449, %swap3A_2450] {strides = array<i32>} : memref<16x128xf32, #tpu.memory_space<vmem>>, vector<1x16xf32>,
      %swap3A_2452 = vector.shape_cast %swap3A_2451 : vector<1x16xf32> to vector<16xf32>
      %swap3A_2453 = vector.shape_cast %max3A_2447 : vector<16xf32> to vector<1x16xf32>
      tpu.vector_store %arg6[%swap3A_2449, %swap3A_2450], %swap3A_2453 {strides = array<i32>} : memref<16x128xf32, #tpu.memory_space<vmem>>, vector<1x16xf32>,
      %get3A_2454 = arith.constant 11 : i32
      %get3A_2455 = arith.index_cast %get3A_2454 : i32 to index
      %get3A_2456 = arith.constant 80 : index
      %get3A_2457 = tpu.vector_load %arg6[%get3A_2455, %get3A_2456] {strides = array<i32>} : memref<16x128xf32, #tpu.memory_space<vmem>>, vector<1x16xf32>,
      %get3A_2458 = vector.shape_cast %get3A_2457 : vector<1x16xf32> to vector<16xf32>
      %max3A_2459 = arith.constant 0.000000e+00 : f32
      %max3A_2460 = vector.broadcast %max3A_2459 : f32 to vector<16xf32>
      %max3A_2461 = arith.maximumf %get3A_2458, %max3A_2460 : vector<16xf32>
      %swap3A_2462 = arith.constant 11 : i32
      %swap3A_2463 = arith.index_cast %swap3A_2462 : i32 to index
      %swap3A_2464 = arith.constant 80 : index
      %swap3A_2465 = tpu.vector_load %arg6[%swap3A_2463, %swap3A_2464] {strides = array<i32>} : memref<16x128xf32, #tpu.memory_space<vmem>>, vector<1x16xf32>,
      %swap3A_2466 = vector.shape_cast %swap3A_2465 : vector<1x16xf32> to vector<16xf32>
      %swap3A_2467 = vector.shape_cast %max3A_2461 : vector<16xf32> to vector<1x16xf32>
      tpu.vector_store %arg6[%swap3A_2463, %swap3A_2464], %swap3A_2467 {strides = array<i32>} : memref<16x128xf32, #tpu.memory_space<vmem>>, vector<1x16xf32>,
      %get3A_2468 = arith.constant 11 : i32
      %get3A_2469 = arith.index_cast %get3A_2468 : i32 to index
      %get3A_2470 = arith.constant 96 : index
      %get3A_2471 = tpu.vector_load %arg6[%get3A_2469, %get3A_2470] {strides = array<i32>} : memref<16x128xf32, #tpu.memory_space<vmem>>, vector<1x16xf32>,
      %get3A_2472 = vector.shape_cast %get3A_2471 : vector<1x16xf32> to vector<16xf32>
      %max3A_2473 = arith.constant 0.000000e+00 : f32
      %max3A_2474 = vector.broadcast %max3A_2473 : f32 to vector<16xf32>
      %max3A_2475 = arith.maximumf %get3A_2472, %max3A_2474 : vector<16xf32>
      %swap3A_2476 = arith.constant 11 : i32
      %swap3A_2477 = arith.index_cast %swap3A_2476 : i32 to index
      %swap3A_2478 = arith.constant 96 : index
      %swap3A_2479 = tpu.vector_load %arg6[%swap3A_2477, %swap3A_2478] {strides = array<i32>} : memref<16x128xf32, #tpu.memory_space<vmem>>, vector<1x16xf32>,
      %swap3A_2480 = vector.shape_cast %swap3A_2479 : vector<1x16xf32> to vector<16xf32>
      %swap3A_2481 = vector.shape_cast %max3A_2475 : vector<16xf32> to vector<1x16xf32>
      tpu.vector_store %arg6[%swap3A_2477, %swap3A_2478], %swap3A_2481 {strides = array<i32>} : memref<16x128xf32, #tpu.memory_space<vmem>>, vector<1x16xf32>,
      %get3A_2482 = arith.constant 11 : i32
      %get3A_2483 = arith.index_cast %get3A_2482 : i32 to index
      %get3A_2484 = arith.constant 112 : index
      %get3A_2485 = tpu.vector_load %arg6[%get3A_2483, %get3A_2484] {strides = array<i32>} : memref<16x128xf32, #tpu.memory_space<vmem>>, vector<1x16xf32>,
      %get3A_2486 = vector.shape_cast %get3A_2485 : vector<1x16xf32> to vector<16xf32>
      %max3A_2487 = arith.constant 0.000000e+00 : f32
      %max3A_2488 = vector.broadcast %max3A_2487 : f32 to vector<16xf32>
      %max3A_2489 = arith.maximumf %get3A_2486, %max3A_2488 : vector<16xf32>
      %swap3A_2490 = arith.constant 11 : i32
      %swap3A_2491 = arith.index_cast %swap3A_2490 : i32 to index
      %swap3A_2492 = arith.constant 112 : index
      %swap3A_2493 = tpu.vector_load %arg6[%swap3A_2491, %swap3A_2492] {strides = array<i32>} : memref<16x128xf32, #tpu.memory_space<vmem>>, vector<1x16xf32>,
      %swap3A_2494 = vector.shape_cast %swap3A_2493 : vector<1x16xf32> to vector<16xf32>
      %swap3A_2495 = vector.shape_cast %max3A_2489 : vector<16xf32> to vector<1x16xf32>
      tpu.vector_store %arg6[%swap3A_2491, %swap3A_2492], %swap3A_2495 {strides = array<i32>} : memref<16x128xf32, #tpu.memory_space<vmem>>, vector<1x16xf32>,
    } else {
    }
    %get3A_1632 = arith.constant 11 : i32
    %get3A_1633 = arith.index_cast %get3A_1632 : i32 to index
    %get3A_1634 = arith.constant 0 : index
    %get3A_1635 = tpu.vector_load %arg7[%get3A_1633, %get3A_1634] {strides = array<i32>} : memref<16x128xi32, #tpu.memory_space<vmem>>, vector<1x16xi32>,
    %get3A_1636 = vector.shape_cast %get3A_1635 : vector<1x16xi32> to vector<16xi32>
    %add3A_1637 = vector.broadcast %mul3A_32 : i32 to vector<16xi32>
    %add3A_1638 = arith.addi %get3A_1636, %add3A_1637 : vector<16xi32>
    %swap3A_1639 = arith.constant 11 : i32
    %swap3A_1640 = arith.index_cast %swap3A_1639 : i32 to index
    %swap3A_1641 = arith.constant 0 : index
    %swap3A_1642 = tpu.vector_load %arg7[%swap3A_1640, %swap3A_1641] {strides = array<i32>} : memref<16x128xi32, #tpu.memory_space<vmem>>, vector<1x16xi32>,
    %swap3A_1643 = vector.shape_cast %swap3A_1642 : vector<1x16xi32> to vector<16xi32>
    %swap3A_1644 = vector.shape_cast %add3A_1638 : vector<16xi32> to vector<1x16xi32>
    tpu.vector_store %arg7[%swap3A_1640, %swap3A_1641], %swap3A_1644 {strides = array<i32>} : memref<16x128xi32, #tpu.memory_space<vmem>>, vector<1x16xi32>,
    %get3A_1645 = arith.constant 11 : i32
    %get3A_1646 = arith.index_cast %get3A_1645 : i32 to index
    %get3A_1647 = arith.constant 16 : index
    %get3A_1648 = tpu.vector_load %arg7[%get3A_1646, %get3A_1647] {strides = array<i32>} : memref<16x128xi32, #tpu.memory_space<vmem>>, vector<1x16xi32>,
    %get3A_1649 = vector.shape_cast %get3A_1648 : vector<1x16xi32> to vector<16xi32>
    %add3A_1650 = vector.broadcast %mul3A_32 : i32 to vector<16xi32>
    %add3A_1651 = arith.addi %get3A_1649, %add3A_1650 : vector<16xi32>
    %swap3A_1652 = arith.constant 11 : i32
    %swap3A_1653 = arith.index_cast %swap3A_1652 : i32 to index
    %swap3A_1654 = arith.constant 16 : index
    %swap3A_1655 = tpu.vector_load %arg7[%swap3A_1653, %swap3A_1654] {strides = array<i32>} : memref<16x128xi32, #tpu.memory_space<vmem>>, vector<1x16xi32>,
    %swap3A_1656 = vector.shape_cast %swap3A_1655 : vector<1x16xi32> to vector<16xi32>
    %swap3A_1657 = vector.shape_cast %add3A_1651 : vector<16xi32> to vector<1x16xi32>
    tpu.vector_store %arg7[%swap3A_1653, %swap3A_1654], %swap3A_1657 {strides = array<i32>} : memref<16x128xi32, #tpu.memory_space<vmem>>, vector<1x16xi32>,
    %get3A_1658 = arith.constant 11 : i32
    %get3A_1659 = arith.index_cast %get3A_1658 : i32 to index
    %get3A_1660 = arith.constant 32 : index
    %get3A_1661 = tpu.vector_load %arg7[%get3A_1659, %get3A_1660] {strides = array<i32>} : memref<16x128xi32, #tpu.memory_space<vmem>>, vector<1x16xi32>,
    %get3A_1662 = vector.shape_cast %get3A_1661 : vector<1x16xi32> to vector<16xi32>
    %add3A_1663 = vector.broadcast %mul3A_32 : i32 to vector<16xi32>
    %add3A_1664 = arith.addi %get3A_1662, %add3A_1663 : vector<16xi32>
    %swap3A_1665 = arith.constant 11 : i32
    %swap3A_1666 = arith.index_cast %swap3A_1665 : i32 to index
    %swap3A_1667 = arith.constant 32 : index
    %swap3A_1668 = tpu.vector_load %arg7[%swap3A_1666, %swap3A_1667] {strides = array<i32>} : memref<16x128xi32, #tpu.memory_space<vmem>>, vector<1x16xi32>,
    %swap3A_1669 = vector.shape_cast %swap3A_1668 : vector<1x16xi32> to vector<16xi32>
    %swap3A_1670 = vector.shape_cast %add3A_1664 : vector<16xi32> to vector<1x16xi32>
    tpu.vector_store %arg7[%swap3A_1666, %swap3A_1667], %swap3A_1670 {strides = array<i32>} : memref<16x128xi32, #tpu.memory_space<vmem>>, vector<1x16xi32>,
    %get3A_1671 = arith.constant 11 : i32
    %get3A_1672 = arith.index_cast %get3A_1671 : i32 to index
    %get3A_1673 = arith.constant 48 : index
    %get3A_1674 = tpu.vector_load %arg7[%get3A_1672, %get3A_1673] {strides = array<i32>} : memref<16x128xi32, #tpu.memory_space<vmem>>, vector<1x16xi32>,
    %get3A_1675 = vector.shape_cast %get3A_1674 : vector<1x16xi32> to vector<16xi32>
    %add3A_1676 = vector.broadcast %mul3A_32 : i32 to vector<16xi32>
    %add3A_1677 = arith.addi %get3A_1675, %add3A_1676 : vector<16xi32>
    %swap3A_1678 = arith.constant 11 : i32
    %swap3A_1679 = arith.index_cast %swap3A_1678 : i32 to index
    %swap3A_1680 = arith.constant 48 : index
    %swap3A_1681 = tpu.vector_load %arg7[%swap3A_1679, %swap3A_1680] {strides = array<i32>} : memref<16x128xi32, #tpu.memory_space<vmem>>, vector<1x16xi32>,
    %swap3A_1682 = vector.shape_cast %swap3A_1681 : vector<1x16xi32> to vector<16xi32>
    %swap3A_1683 = vector.shape_cast %add3A_1677 : vector<16xi32> to vector<1x16xi32>
    tpu.vector_store %arg7[%swap3A_1679, %swap3A_1680], %swap3A_1683 {strides = array<i32>} : memref<16x128xi32, #tpu.memory_space<vmem>>, vector<1x16xi32>,
    %get3A_1684 = arith.constant 11 : i32
    %get3A_1685 = arith.index_cast %get3A_1684 : i32 to index
    %get3A_1686 = arith.constant 64 : index
    %get3A_1687 = tpu.vector_load %arg7[%get3A_1685, %get3A_1686] {strides = array<i32>} : memref<16x128xi32, #tpu.memory_space<vmem>>, vector<1x16xi32>,
    %get3A_1688 = vector.shape_cast %get3A_1687 : vector<1x16xi32> to vector<16xi32>
    %add3A_1689 = vector.broadcast %mul3A_32 : i32 to vector<16xi32>
    %add3A_1690 = arith.addi %get3A_1688, %add3A_1689 : vector<16xi32>
    %swap3A_1691 = arith.constant 11 : i32
    %swap3A_1692 = arith.index_cast %swap3A_1691 : i32 to index
    %swap3A_1693 = arith.constant 64 : index
    %swap3A_1694 = tpu.vector_load %arg7[%swap3A_1692, %swap3A_1693] {strides = array<i32>} : memref<16x128xi32, #tpu.memory_space<vmem>>, vector<1x16xi32>,
    %swap3A_1695 = vector.shape_cast %swap3A_1694 : vector<1x16xi32> to vector<16xi32>
    %swap3A_1696 = vector.shape_cast %add3A_1690 : vector<16xi32> to vector<1x16xi32>
    tpu.vector_store %arg7[%swap3A_1692, %swap3A_1693], %swap3A_1696 {strides = array<i32>} : memref<16x128xi32, #tpu.memory_space<vmem>>, vector<1x16xi32>,
    %get3A_1697 = arith.constant 11 : i32
    %get3A_1698 = arith.index_cast %get3A_1697 : i32 to index
    %get3A_1699 = arith.constant 80 : index
    %get3A_1700 = tpu.vector_load %arg7[%get3A_1698, %get3A_1699] {strides = array<i32>} : memref<16x128xi32, #tpu.memory_space<vmem>>, vector<1x16xi32>,
    %get3A_1701 = vector.shape_cast %get3A_1700 : vector<1x16xi32> to vector<16xi32>
    %add3A_1702 = vector.broadcast %mul3A_32 : i32 to vector<16xi32>
    %add3A_1703 = arith.addi %get3A_1701, %add3A_1702 : vector<16xi32>
    %swap3A_1704 = arith.constant 11 : i32
    %swap3A_1705 = arith.index_cast %swap3A_1704 : i32 to index
    %swap3A_1706 = arith.constant 80 : index
    %swap3A_1707 = tpu.vector_load %arg7[%swap3A_1705, %swap3A_1706] {strides = array<i32>} : memref<16x128xi32, #tpu.memory_space<vmem>>, vector<1x16xi32>,
    %swap3A_1708 = vector.shape_cast %swap3A_1707 : vector<1x16xi32> to vector<16xi32>
    %swap3A_1709 = vector.shape_cast %add3A_1703 : vector<16xi32> to vector<1x16xi32>
    tpu.vector_store %arg7[%swap3A_1705, %swap3A_1706], %swap3A_1709 {strides = array<i32>} : memref<16x128xi32, #tpu.memory_space<vmem>>, vector<1x16xi32>,
    %get3A_1710 = arith.constant 11 : i32
    %get3A_1711 = arith.index_cast %get3A_1710 : i32 to index
    %get3A_1712 = arith.constant 96 : index
    %get3A_1713 = tpu.vector_load %arg7[%get3A_1711, %get3A_1712] {strides = array<i32>} : memref<16x128xi32, #tpu.memory_space<vmem>>, vector<1x16xi32>,
    %get3A_1714 = vector.shape_cast %get3A_1713 : vector<1x16xi32> to vector<16xi32>
    %add3A_1715 = vector.broadcast %mul3A_32 : i32 to vector<16xi32>
    %add3A_1716 = arith.addi %get3A_1714, %add3A_1715 : vector<16xi32>
    %swap3A_1717 = arith.constant 11 : i32
    %swap3A_1718 = arith.index_cast %swap3A_1717 : i32 to index
    %swap3A_1719 = arith.constant 96 : index
    %swap3A_1720 = tpu.vector_load %arg7[%swap3A_1718, %swap3A_1719] {strides = array<i32>} : memref<16x128xi32, #tpu.memory_space<vmem>>, vector<1x16xi32>,
    %swap3A_1721 = vector.shape_cast %swap3A_1720 : vector<1x16xi32> to vector<16xi32>
    %swap3A_1722 = vector.shape_cast %add3A_1716 : vector<16xi32> to vector<1x16xi32>
    tpu.vector_store %arg7[%swap3A_1718, %swap3A_1719], %swap3A_1722 {strides = array<i32>} : memref<16x128xi32, #tpu.memory_space<vmem>>, vector<1x16xi32>,
    %get3A_1723 = arith.constant 11 : i32
    %get3A_1724 = arith.index_cast %get3A_1723 : i32 to index
    %get3A_1725 = arith.constant 112 : index
    %get3A_1726 = tpu.vector_load %arg7[%get3A_1724, %get3A_1725] {strides = array<i32>} : memref<16x128xi32, #tpu.memory_space<vmem>>, vector<1x16xi32>,
    %get3A_1727 = vector.shape_cast %get3A_1726 : vector<1x16xi32> to vector<16xi32>
    %add3A_1728 = vector.broadcast %mul3A_32 : i32 to vector<16xi32>
    %add3A_1729 = arith.addi %get3A_1727, %add3A_1728 : vector<16xi32>
    %swap3A_1730 = arith.constant 11 : i32
    %swap3A_1731 = arith.index_cast %swap3A_1730 : i32 to index
    %swap3A_1732 = arith.constant 112 : index
    %swap3A_1733 = tpu.vector_load %arg7[%swap3A_1731, %swap3A_1732] {strides = array<i32>} : memref<16x128xi32, #tpu.memory_space<vmem>>, vector<1x16xi32>,
    %swap3A_1734 = vector.shape_cast %swap3A_1733 : vector<1x16xi32> to vector<16xi32>
    %swap3A_1735 = vector.shape_cast %add3A_1729 : vector<16xi32> to vector<1x16xi32>
    tpu.vector_store %arg7[%swap3A_1731, %swap3A_1732], %swap3A_1735 {strides = array<i32>} : memref<16x128xi32, #tpu.memory_space<vmem>>, vector<1x16xi32>,
    %dma_start3A_1736 = arith.constant 11 : i32
    %dma_start3A_1737 = arith.constant 11 : i32
    %dma_start3A_1738 = arith.constant 0 : i32
    %dma_start3A_1739 = tpu.memref_slice %arg6[%dma_start3A_1736, %dma_start3A_1738] : memref<16x128xf32, #tpu.memory_space<vmem>> -> memref<1x128xf32, #tpu.memory_space<vmem>>
    %dma_start3A_1740 = tpu.memref_squeeze %dma_start3A_1739 : memref<1x128xf32, #tpu.memory_space<vmem>> -> memref<128xf32, #tpu.memory_space<vmem>>
    %dma_start3A_1741 = arith.constant 0 : i32
    %dma_start3A_1742 = tpu.memref_slice %arg7[%dma_start3A_1737, %dma_start3A_1741] : memref<16x128xi32, #tpu.memory_space<vmem>> -> memref<1x128xi32, #tpu.memory_space<vmem>>
    %dma_start3A_1743 = tpu.memref_squeeze %dma_start3A_1742 : memref<1x128xi32, #tpu.memory_space<vmem>> -> memref<128xi32, #tpu.memory_space<vmem>>
    %dma_start3A_1744 = arith.constant 0 : i32
    %dma_start3A_1745 = tpu.memref_slice %arg9[%dma_start3A_1744] : memref<16384xf32, #tpu.memory_space<vmem_shared>> -> memref<16384xf32, #tpu.memory_space<vmem_shared>>
    tpu.enqueue_indirect_dma source(%dma_start3A_1740 : memref<128xf32, #tpu.memory_space<vmem>>) target(%dma_start3A_1745 : memref<16384xf32, #tpu.memory_space<vmem_shared>>) offsets(%dma_start3A_1743 : memref<128xi32, #tpu.memory_space<vmem>>) semaphore(%arg12 : memref<!tpu.dma_semaphore, #tpu.memory_space<semaphore_mem>>) {add = true}
    %eq3A_1746 = arith.constant 0 : i32
    %eq3A_1747 = arith.cmpi eq, %select_n3A_30, %eq3A_1746 : i32
    %convert_element_type3A_1748 = arith.extui %eq3A_1747 : i1 to i32
    %cond3A_1749 = arith.constant 0 : i32
    %cond3A_1750 = arith.cmpi ne, %convert_element_type3A_1748, %cond3A_1749 : i32
    scf.if %cond3A_1750 {
      %get3A_2385 = arith.constant 12 : i32
      %get3A_2386 = arith.index_cast %get3A_2385 : i32 to index
      %get3A_2387 = arith.constant 0 : index
      %get3A_2388 = tpu.vector_load %arg6[%get3A_2386, %get3A_2387] {strides = array<i32>} : memref<16x128xf32, #tpu.memory_space<vmem>>, vector<1x16xf32>,
      %get3A_2389 = vector.shape_cast %get3A_2388 : vector<1x16xf32> to vector<16xf32>
      %max3A = arith.constant 0.000000e+00 : f32
      %max3A_2390 = vector.broadcast %max3A : f32 to vector<16xf32>
      %max3A_2391 = arith.maximumf %get3A_2389, %max3A_2390 : vector<16xf32>
      %swap3A_2392 = arith.constant 12 : i32
      %swap3A_2393 = arith.index_cast %swap3A_2392 : i32 to index
      %swap3A_2394 = arith.constant 0 : index
      %swap3A_2395 = tpu.vector_load %arg6[%swap3A_2393, %swap3A_2394] {strides = array<i32>} : memref<16x128xf32, #tpu.memory_space<vmem>>, vector<1x16xf32>,
      %swap3A_2396 = vector.shape_cast %swap3A_2395 : vector<1x16xf32> to vector<16xf32>
      %swap3A_2397 = vector.shape_cast %max3A_2391 : vector<16xf32> to vector<1x16xf32>
      tpu.vector_store %arg6[%swap3A_2393, %swap3A_2394], %swap3A_2397 {strides = array<i32>} : memref<16x128xf32, #tpu.memory_space<vmem>>, vector<1x16xf32>,
      %get3A_2398 = arith.constant 12 : i32
      %get3A_2399 = arith.index_cast %get3A_2398 : i32 to index
      %get3A_2400 = arith.constant 16 : index
      %get3A_2401 = tpu.vector_load %arg6[%get3A_2399, %get3A_2400] {strides = array<i32>} : memref<16x128xf32, #tpu.memory_space<vmem>>, vector<1x16xf32>,
      %get3A_2402 = vector.shape_cast %get3A_2401 : vector<1x16xf32> to vector<16xf32>
      %max3A_2403 = arith.constant 0.000000e+00 : f32
      %max3A_2404 = vector.broadcast %max3A_2403 : f32 to vector<16xf32>
      %max3A_2405 = arith.maximumf %get3A_2402, %max3A_2404 : vector<16xf32>
      %swap3A_2406 = arith.constant 12 : i32
      %swap3A_2407 = arith.index_cast %swap3A_2406 : i32 to index
      %swap3A_2408 = arith.constant 16 : index
      %swap3A_2409 = tpu.vector_load %arg6[%swap3A_2407, %swap3A_2408] {strides = array<i32>} : memref<16x128xf32, #tpu.memory_space<vmem>>, vector<1x16xf32>,
      %swap3A_2410 = vector.shape_cast %swap3A_2409 : vector<1x16xf32> to vector<16xf32>
      %swap3A_2411 = vector.shape_cast %max3A_2405 : vector<16xf32> to vector<1x16xf32>
      tpu.vector_store %arg6[%swap3A_2407, %swap3A_2408], %swap3A_2411 {strides = array<i32>} : memref<16x128xf32, #tpu.memory_space<vmem>>, vector<1x16xf32>,
      %get3A_2412 = arith.constant 12 : i32
      %get3A_2413 = arith.index_cast %get3A_2412 : i32 to index
      %get3A_2414 = arith.constant 32 : index
      %get3A_2415 = tpu.vector_load %arg6[%get3A_2413, %get3A_2414] {strides = array<i32>} : memref<16x128xf32, #tpu.memory_space<vmem>>, vector<1x16xf32>,
      %get3A_2416 = vector.shape_cast %get3A_2415 : vector<1x16xf32> to vector<16xf32>
      %max3A_2417 = arith.constant 0.000000e+00 : f32
      %max3A_2418 = vector.broadcast %max3A_2417 : f32 to vector<16xf32>
      %max3A_2419 = arith.maximumf %get3A_2416, %max3A_2418 : vector<16xf32>
      %swap3A_2420 = arith.constant 12 : i32
      %swap3A_2421 = arith.index_cast %swap3A_2420 : i32 to index
      %swap3A_2422 = arith.constant 32 : index
      %swap3A_2423 = tpu.vector_load %arg6[%swap3A_2421, %swap3A_2422] {strides = array<i32>} : memref<16x128xf32, #tpu.memory_space<vmem>>, vector<1x16xf32>,
      %swap3A_2424 = vector.shape_cast %swap3A_2423 : vector<1x16xf32> to vector<16xf32>
      %swap3A_2425 = vector.shape_cast %max3A_2419 : vector<16xf32> to vector<1x16xf32>
      tpu.vector_store %arg6[%swap3A_2421, %swap3A_2422], %swap3A_2425 {strides = array<i32>} : memref<16x128xf32, #tpu.memory_space<vmem>>, vector<1x16xf32>,
      %get3A_2426 = arith.constant 12 : i32
      %get3A_2427 = arith.index_cast %get3A_2426 : i32 to index
      %get3A_2428 = arith.constant 48 : index
      %get3A_2429 = tpu.vector_load %arg6[%get3A_2427, %get3A_2428] {strides = array<i32>} : memref<16x128xf32, #tpu.memory_space<vmem>>, vector<1x16xf32>,
      %get3A_2430 = vector.shape_cast %get3A_2429 : vector<1x16xf32> to vector<16xf32>
      %max3A_2431 = arith.constant 0.000000e+00 : f32
      %max3A_2432 = vector.broadcast %max3A_2431 : f32 to vector<16xf32>
      %max3A_2433 = arith.maximumf %get3A_2430, %max3A_2432 : vector<16xf32>
      %swap3A_2434 = arith.constant 12 : i32
      %swap3A_2435 = arith.index_cast %swap3A_2434 : i32 to index
      %swap3A_2436 = arith.constant 48 : index
      %swap3A_2437 = tpu.vector_load %arg6[%swap3A_2435, %swap3A_2436] {strides = array<i32>} : memref<16x128xf32, #tpu.memory_space<vmem>>, vector<1x16xf32>,
      %swap3A_2438 = vector.shape_cast %swap3A_2437 : vector<1x16xf32> to vector<16xf32>
      %swap3A_2439 = vector.shape_cast %max3A_2433 : vector<16xf32> to vector<1x16xf32>
      tpu.vector_store %arg6[%swap3A_2435, %swap3A_2436], %swap3A_2439 {strides = array<i32>} : memref<16x128xf32, #tpu.memory_space<vmem>>, vector<1x16xf32>,
      %get3A_2440 = arith.constant 12 : i32
      %get3A_2441 = arith.index_cast %get3A_2440 : i32 to index
      %get3A_2442 = arith.constant 64 : index
      %get3A_2443 = tpu.vector_load %arg6[%get3A_2441, %get3A_2442] {strides = array<i32>} : memref<16x128xf32, #tpu.memory_space<vmem>>, vector<1x16xf32>,
      %get3A_2444 = vector.shape_cast %get3A_2443 : vector<1x16xf32> to vector<16xf32>
      %max3A_2445 = arith.constant 0.000000e+00 : f32
      %max3A_2446 = vector.broadcast %max3A_2445 : f32 to vector<16xf32>
      %max3A_2447 = arith.maximumf %get3A_2444, %max3A_2446 : vector<16xf32>
      %swap3A_2448 = arith.constant 12 : i32
      %swap3A_2449 = arith.index_cast %swap3A_2448 : i32 to index
      %swap3A_2450 = arith.constant 64 : index
      %swap3A_2451 = tpu.vector_load %arg6[%swap3A_2449, %swap3A_2450] {strides = array<i32>} : memref<16x128xf32, #tpu.memory_space<vmem>>, vector<1x16xf32>,
      %swap3A_2452 = vector.shape_cast %swap3A_2451 : vector<1x16xf32> to vector<16xf32>
      %swap3A_2453 = vector.shape_cast %max3A_2447 : vector<16xf32> to vector<1x16xf32>
      tpu.vector_store %arg6[%swap3A_2449, %swap3A_2450], %swap3A_2453 {strides = array<i32>} : memref<16x128xf32, #tpu.memory_space<vmem>>, vector<1x16xf32>,
      %get3A_2454 = arith.constant 12 : i32
      %get3A_2455 = arith.index_cast %get3A_2454 : i32 to index
      %get3A_2456 = arith.constant 80 : index
      %get3A_2457 = tpu.vector_load %arg6[%get3A_2455, %get3A_2456] {strides = array<i32>} : memref<16x128xf32, #tpu.memory_space<vmem>>, vector<1x16xf32>,
      %get3A_2458 = vector.shape_cast %get3A_2457 : vector<1x16xf32> to vector<16xf32>
      %max3A_2459 = arith.constant 0.000000e+00 : f32
      %max3A_2460 = vector.broadcast %max3A_2459 : f32 to vector<16xf32>
      %max3A_2461 = arith.maximumf %get3A_2458, %max3A_2460 : vector<16xf32>
      %swap3A_2462 = arith.constant 12 : i32
      %swap3A_2463 = arith.index_cast %swap3A_2462 : i32 to index
      %swap3A_2464 = arith.constant 80 : index
      %swap3A_2465 = tpu.vector_load %arg6[%swap3A_2463, %swap3A_2464] {strides = array<i32>} : memref<16x128xf32, #tpu.memory_space<vmem>>, vector<1x16xf32>,
      %swap3A_2466 = vector.shape_cast %swap3A_2465 : vector<1x16xf32> to vector<16xf32>
      %swap3A_2467 = vector.shape_cast %max3A_2461 : vector<16xf32> to vector<1x16xf32>
      tpu.vector_store %arg6[%swap3A_2463, %swap3A_2464], %swap3A_2467 {strides = array<i32>} : memref<16x128xf32, #tpu.memory_space<vmem>>, vector<1x16xf32>,
      %get3A_2468 = arith.constant 12 : i32
      %get3A_2469 = arith.index_cast %get3A_2468 : i32 to index
      %get3A_2470 = arith.constant 96 : index
      %get3A_2471 = tpu.vector_load %arg6[%get3A_2469, %get3A_2470] {strides = array<i32>} : memref<16x128xf32, #tpu.memory_space<vmem>>, vector<1x16xf32>,
      %get3A_2472 = vector.shape_cast %get3A_2471 : vector<1x16xf32> to vector<16xf32>
      %max3A_2473 = arith.constant 0.000000e+00 : f32
      %max3A_2474 = vector.broadcast %max3A_2473 : f32 to vector<16xf32>
      %max3A_2475 = arith.maximumf %get3A_2472, %max3A_2474 : vector<16xf32>
      %swap3A_2476 = arith.constant 12 : i32
      %swap3A_2477 = arith.index_cast %swap3A_2476 : i32 to index
      %swap3A_2478 = arith.constant 96 : index
      %swap3A_2479 = tpu.vector_load %arg6[%swap3A_2477, %swap3A_2478] {strides = array<i32>} : memref<16x128xf32, #tpu.memory_space<vmem>>, vector<1x16xf32>,
      %swap3A_2480 = vector.shape_cast %swap3A_2479 : vector<1x16xf32> to vector<16xf32>
      %swap3A_2481 = vector.shape_cast %max3A_2475 : vector<16xf32> to vector<1x16xf32>
      tpu.vector_store %arg6[%swap3A_2477, %swap3A_2478], %swap3A_2481 {strides = array<i32>} : memref<16x128xf32, #tpu.memory_space<vmem>>, vector<1x16xf32>,
      %get3A_2482 = arith.constant 12 : i32
      %get3A_2483 = arith.index_cast %get3A_2482 : i32 to index
      %get3A_2484 = arith.constant 112 : index
      %get3A_2485 = tpu.vector_load %arg6[%get3A_2483, %get3A_2484] {strides = array<i32>} : memref<16x128xf32, #tpu.memory_space<vmem>>, vector<1x16xf32>,
      %get3A_2486 = vector.shape_cast %get3A_2485 : vector<1x16xf32> to vector<16xf32>
      %max3A_2487 = arith.constant 0.000000e+00 : f32
      %max3A_2488 = vector.broadcast %max3A_2487 : f32 to vector<16xf32>
      %max3A_2489 = arith.maximumf %get3A_2486, %max3A_2488 : vector<16xf32>
      %swap3A_2490 = arith.constant 12 : i32
      %swap3A_2491 = arith.index_cast %swap3A_2490 : i32 to index
      %swap3A_2492 = arith.constant 112 : index
      %swap3A_2493 = tpu.vector_load %arg6[%swap3A_2491, %swap3A_2492] {strides = array<i32>} : memref<16x128xf32, #tpu.memory_space<vmem>>, vector<1x16xf32>,
      %swap3A_2494 = vector.shape_cast %swap3A_2493 : vector<1x16xf32> to vector<16xf32>
      %swap3A_2495 = vector.shape_cast %max3A_2489 : vector<16xf32> to vector<1x16xf32>
      tpu.vector_store %arg6[%swap3A_2491, %swap3A_2492], %swap3A_2495 {strides = array<i32>} : memref<16x128xf32, #tpu.memory_space<vmem>>, vector<1x16xf32>,
    } else {
    }
    %get3A_1751 = arith.constant 12 : i32
    %get3A_1752 = arith.index_cast %get3A_1751 : i32 to index
    %get3A_1753 = arith.constant 0 : index
    %get3A_1754 = tpu.vector_load %arg7[%get3A_1752, %get3A_1753] {strides = array<i32>} : memref<16x128xi32, #tpu.memory_space<vmem>>, vector<1x16xi32>,
    %get3A_1755 = vector.shape_cast %get3A_1754 : vector<1x16xi32> to vector<16xi32>
    %add3A_1756 = vector.broadcast %mul3A_32 : i32 to vector<16xi32>
    %add3A_1757 = arith.addi %get3A_1755, %add3A_1756 : vector<16xi32>
    %swap3A_1758 = arith.constant 12 : i32
    %swap3A_1759 = arith.index_cast %swap3A_1758 : i32 to index
    %swap3A_1760 = arith.constant 0 : index
    %swap3A_1761 = tpu.vector_load %arg7[%swap3A_1759, %swap3A_1760] {strides = array<i32>} : memref<16x128xi32, #tpu.memory_space<vmem>>, vector<1x16xi32>,
    %swap3A_1762 = vector.shape_cast %swap3A_1761 : vector<1x16xi32> to vector<16xi32>
    %swap3A_1763 = vector.shape_cast %add3A_1757 : vector<16xi32> to vector<1x16xi32>
    tpu.vector_store %arg7[%swap3A_1759, %swap3A_1760], %swap3A_1763 {strides = array<i32>} : memref<16x128xi32, #tpu.memory_space<vmem>>, vector<1x16xi32>,
    %get3A_1764 = arith.constant 12 : i32
    %get3A_1765 = arith.index_cast %get3A_1764 : i32 to index
    %get3A_1766 = arith.constant 16 : index
    %get3A_1767 = tpu.vector_load %arg7[%get3A_1765, %get3A_1766] {strides = array<i32>} : memref<16x128xi32, #tpu.memory_space<vmem>>, vector<1x16xi32>,
    %get3A_1768 = vector.shape_cast %get3A_1767 : vector<1x16xi32> to vector<16xi32>
    %add3A_1769 = vector.broadcast %mul3A_32 : i32 to vector<16xi32>
    %add3A_1770 = arith.addi %get3A_1768, %add3A_1769 : vector<16xi32>
    %swap3A_1771 = arith.constant 12 : i32
    %swap3A_1772 = arith.index_cast %swap3A_1771 : i32 to index
    %swap3A_1773 = arith.constant 16 : index
    %swap3A_1774 = tpu.vector_load %arg7[%swap3A_1772, %swap3A_1773] {strides = array<i32>} : memref<16x128xi32, #tpu.memory_space<vmem>>, vector<1x16xi32>,
    %swap3A_1775 = vector.shape_cast %swap3A_1774 : vector<1x16xi32> to vector<16xi32>
    %swap3A_1776 = vector.shape_cast %add3A_1770 : vector<16xi32> to vector<1x16xi32>
    tpu.vector_store %arg7[%swap3A_1772, %swap3A_1773], %swap3A_1776 {strides = array<i32>} : memref<16x128xi32, #tpu.memory_space<vmem>>, vector<1x16xi32>,
    %get3A_1777 = arith.constant 12 : i32
    %get3A_1778 = arith.index_cast %get3A_1777 : i32 to index
    %get3A_1779 = arith.constant 32 : index
    %get3A_1780 = tpu.vector_load %arg7[%get3A_1778, %get3A_1779] {strides = array<i32>} : memref<16x128xi32, #tpu.memory_space<vmem>>, vector<1x16xi32>,
    %get3A_1781 = vector.shape_cast %get3A_1780 : vector<1x16xi32> to vector<16xi32>
    %add3A_1782 = vector.broadcast %mul3A_32 : i32 to vector<16xi32>
    %add3A_1783 = arith.addi %get3A_1781, %add3A_1782 : vector<16xi32>
    %swap3A_1784 = arith.constant 12 : i32
    %swap3A_1785 = arith.index_cast %swap3A_1784 : i32 to index
    %swap3A_1786 = arith.constant 32 : index
    %swap3A_1787 = tpu.vector_load %arg7[%swap3A_1785, %swap3A_1786] {strides = array<i32>} : memref<16x128xi32, #tpu.memory_space<vmem>>, vector<1x16xi32>,
    %swap3A_1788 = vector.shape_cast %swap3A_1787 : vector<1x16xi32> to vector<16xi32>
    %swap3A_1789 = vector.shape_cast %add3A_1783 : vector<16xi32> to vector<1x16xi32>
    tpu.vector_store %arg7[%swap3A_1785, %swap3A_1786], %swap3A_1789 {strides = array<i32>} : memref<16x128xi32, #tpu.memory_space<vmem>>, vector<1x16xi32>,
    %get3A_1790 = arith.constant 12 : i32
    %get3A_1791 = arith.index_cast %get3A_1790 : i32 to index
    %get3A_1792 = arith.constant 48 : index
    %get3A_1793 = tpu.vector_load %arg7[%get3A_1791, %get3A_1792] {strides = array<i32>} : memref<16x128xi32, #tpu.memory_space<vmem>>, vector<1x16xi32>,
    %get3A_1794 = vector.shape_cast %get3A_1793 : vector<1x16xi32> to vector<16xi32>
    %add3A_1795 = vector.broadcast %mul3A_32 : i32 to vector<16xi32>
    %add3A_1796 = arith.addi %get3A_1794, %add3A_1795 : vector<16xi32>
    %swap3A_1797 = arith.constant 12 : i32
    %swap3A_1798 = arith.index_cast %swap3A_1797 : i32 to index
    %swap3A_1799 = arith.constant 48 : index
    %swap3A_1800 = tpu.vector_load %arg7[%swap3A_1798, %swap3A_1799] {strides = array<i32>} : memref<16x128xi32, #tpu.memory_space<vmem>>, vector<1x16xi32>,
    %swap3A_1801 = vector.shape_cast %swap3A_1800 : vector<1x16xi32> to vector<16xi32>
    %swap3A_1802 = vector.shape_cast %add3A_1796 : vector<16xi32> to vector<1x16xi32>
    tpu.vector_store %arg7[%swap3A_1798, %swap3A_1799], %swap3A_1802 {strides = array<i32>} : memref<16x128xi32, #tpu.memory_space<vmem>>, vector<1x16xi32>,
    %get3A_1803 = arith.constant 12 : i32
    %get3A_1804 = arith.index_cast %get3A_1803 : i32 to index
    %get3A_1805 = arith.constant 64 : index
    %get3A_1806 = tpu.vector_load %arg7[%get3A_1804, %get3A_1805] {strides = array<i32>} : memref<16x128xi32, #tpu.memory_space<vmem>>, vector<1x16xi32>,
    %get3A_1807 = vector.shape_cast %get3A_1806 : vector<1x16xi32> to vector<16xi32>
    %add3A_1808 = vector.broadcast %mul3A_32 : i32 to vector<16xi32>
    %add3A_1809 = arith.addi %get3A_1807, %add3A_1808 : vector<16xi32>
    %swap3A_1810 = arith.constant 12 : i32
    %swap3A_1811 = arith.index_cast %swap3A_1810 : i32 to index
    %swap3A_1812 = arith.constant 64 : index
    %swap3A_1813 = tpu.vector_load %arg7[%swap3A_1811, %swap3A_1812] {strides = array<i32>} : memref<16x128xi32, #tpu.memory_space<vmem>>, vector<1x16xi32>,
    %swap3A_1814 = vector.shape_cast %swap3A_1813 : vector<1x16xi32> to vector<16xi32>
    %swap3A_1815 = vector.shape_cast %add3A_1809 : vector<16xi32> to vector<1x16xi32>
    tpu.vector_store %arg7[%swap3A_1811, %swap3A_1812], %swap3A_1815 {strides = array<i32>} : memref<16x128xi32, #tpu.memory_space<vmem>>, vector<1x16xi32>,
    %get3A_1816 = arith.constant 12 : i32
    %get3A_1817 = arith.index_cast %get3A_1816 : i32 to index
    %get3A_1818 = arith.constant 80 : index
    %get3A_1819 = tpu.vector_load %arg7[%get3A_1817, %get3A_1818] {strides = array<i32>} : memref<16x128xi32, #tpu.memory_space<vmem>>, vector<1x16xi32>,
    %get3A_1820 = vector.shape_cast %get3A_1819 : vector<1x16xi32> to vector<16xi32>
    %add3A_1821 = vector.broadcast %mul3A_32 : i32 to vector<16xi32>
    %add3A_1822 = arith.addi %get3A_1820, %add3A_1821 : vector<16xi32>
    %swap3A_1823 = arith.constant 12 : i32
    %swap3A_1824 = arith.index_cast %swap3A_1823 : i32 to index
    %swap3A_1825 = arith.constant 80 : index
    %swap3A_1826 = tpu.vector_load %arg7[%swap3A_1824, %swap3A_1825] {strides = array<i32>} : memref<16x128xi32, #tpu.memory_space<vmem>>, vector<1x16xi32>,
    %swap3A_1827 = vector.shape_cast %swap3A_1826 : vector<1x16xi32> to vector<16xi32>
    %swap3A_1828 = vector.shape_cast %add3A_1822 : vector<16xi32> to vector<1x16xi32>
    tpu.vector_store %arg7[%swap3A_1824, %swap3A_1825], %swap3A_1828 {strides = array<i32>} : memref<16x128xi32, #tpu.memory_space<vmem>>, vector<1x16xi32>,
    %get3A_1829 = arith.constant 12 : i32
    %get3A_1830 = arith.index_cast %get3A_1829 : i32 to index
    %get3A_1831 = arith.constant 96 : index
    %get3A_1832 = tpu.vector_load %arg7[%get3A_1830, %get3A_1831] {strides = array<i32>} : memref<16x128xi32, #tpu.memory_space<vmem>>, vector<1x16xi32>,
    %get3A_1833 = vector.shape_cast %get3A_1832 : vector<1x16xi32> to vector<16xi32>
    %add3A_1834 = vector.broadcast %mul3A_32 : i32 to vector<16xi32>
    %add3A_1835 = arith.addi %get3A_1833, %add3A_1834 : vector<16xi32>
    %swap3A_1836 = arith.constant 12 : i32
    %swap3A_1837 = arith.index_cast %swap3A_1836 : i32 to index
    %swap3A_1838 = arith.constant 96 : index
    %swap3A_1839 = tpu.vector_load %arg7[%swap3A_1837, %swap3A_1838] {strides = array<i32>} : memref<16x128xi32, #tpu.memory_space<vmem>>, vector<1x16xi32>,
    %swap3A_1840 = vector.shape_cast %swap3A_1839 : vector<1x16xi32> to vector<16xi32>
    %swap3A_1841 = vector.shape_cast %add3A_1835 : vector<16xi32> to vector<1x16xi32>
    tpu.vector_store %arg7[%swap3A_1837, %swap3A_1838], %swap3A_1841 {strides = array<i32>} : memref<16x128xi32, #tpu.memory_space<vmem>>, vector<1x16xi32>,
    %get3A_1842 = arith.constant 12 : i32
    %get3A_1843 = arith.index_cast %get3A_1842 : i32 to index
    %get3A_1844 = arith.constant 112 : index
    %get3A_1845 = tpu.vector_load %arg7[%get3A_1843, %get3A_1844] {strides = array<i32>} : memref<16x128xi32, #tpu.memory_space<vmem>>, vector<1x16xi32>,
    %get3A_1846 = vector.shape_cast %get3A_1845 : vector<1x16xi32> to vector<16xi32>
    %add3A_1847 = vector.broadcast %mul3A_32 : i32 to vector<16xi32>
    %add3A_1848 = arith.addi %get3A_1846, %add3A_1847 : vector<16xi32>
    %swap3A_1849 = arith.constant 12 : i32
    %swap3A_1850 = arith.index_cast %swap3A_1849 : i32 to index
    %swap3A_1851 = arith.constant 112 : index
    %swap3A_1852 = tpu.vector_load %arg7[%swap3A_1850, %swap3A_1851] {strides = array<i32>} : memref<16x128xi32, #tpu.memory_space<vmem>>, vector<1x16xi32>,
    %swap3A_1853 = vector.shape_cast %swap3A_1852 : vector<1x16xi32> to vector<16xi32>
    %swap3A_1854 = vector.shape_cast %add3A_1848 : vector<16xi32> to vector<1x16xi32>
    tpu.vector_store %arg7[%swap3A_1850, %swap3A_1851], %swap3A_1854 {strides = array<i32>} : memref<16x128xi32, #tpu.memory_space<vmem>>, vector<1x16xi32>,
    %dma_start3A_1855 = arith.constant 12 : i32
    %dma_start3A_1856 = arith.constant 12 : i32
    %dma_start3A_1857 = arith.constant 0 : i32
    %dma_start3A_1858 = tpu.memref_slice %arg6[%dma_start3A_1855, %dma_start3A_1857] : memref<16x128xf32, #tpu.memory_space<vmem>> -> memref<1x128xf32, #tpu.memory_space<vmem>>
    %dma_start3A_1859 = tpu.memref_squeeze %dma_start3A_1858 : memref<1x128xf32, #tpu.memory_space<vmem>> -> memref<128xf32, #tpu.memory_space<vmem>>
    %dma_start3A_1860 = arith.constant 0 : i32
    %dma_start3A_1861 = tpu.memref_slice %arg7[%dma_start3A_1856, %dma_start3A_1860] : memref<16x128xi32, #tpu.memory_space<vmem>> -> memref<1x128xi32, #tpu.memory_space<vmem>>
    %dma_start3A_1862 = tpu.memref_squeeze %dma_start3A_1861 : memref<1x128xi32, #tpu.memory_space<vmem>> -> memref<128xi32, #tpu.memory_space<vmem>>
    %dma_start3A_1863 = arith.constant 0 : i32
    %dma_start3A_1864 = tpu.memref_slice %arg9[%dma_start3A_1863] : memref<16384xf32, #tpu.memory_space<vmem_shared>> -> memref<16384xf32, #tpu.memory_space<vmem_shared>>
    tpu.enqueue_indirect_dma source(%dma_start3A_1859 : memref<128xf32, #tpu.memory_space<vmem>>) target(%dma_start3A_1864 : memref<16384xf32, #tpu.memory_space<vmem_shared>>) offsets(%dma_start3A_1862 : memref<128xi32, #tpu.memory_space<vmem>>) semaphore(%arg12 : memref<!tpu.dma_semaphore, #tpu.memory_space<semaphore_mem>>) {add = true}
    %eq3A_1865 = arith.constant 0 : i32
    %eq3A_1866 = arith.cmpi eq, %select_n3A_30, %eq3A_1865 : i32
    %convert_element_type3A_1867 = arith.extui %eq3A_1866 : i1 to i32
    %cond3A_1868 = arith.constant 0 : i32
    %cond3A_1869 = arith.cmpi ne, %convert_element_type3A_1867, %cond3A_1868 : i32
    scf.if %cond3A_1869 {
      %get3A_2385 = arith.constant 13 : i32
      %get3A_2386 = arith.index_cast %get3A_2385 : i32 to index
      %get3A_2387 = arith.constant 0 : index
      %get3A_2388 = tpu.vector_load %arg6[%get3A_2386, %get3A_2387] {strides = array<i32>} : memref<16x128xf32, #tpu.memory_space<vmem>>, vector<1x16xf32>,
      %get3A_2389 = vector.shape_cast %get3A_2388 : vector<1x16xf32> to vector<16xf32>
      %max3A = arith.constant 0.000000e+00 : f32
      %max3A_2390 = vector.broadcast %max3A : f32 to vector<16xf32>
      %max3A_2391 = arith.maximumf %get3A_2389, %max3A_2390 : vector<16xf32>
      %swap3A_2392 = arith.constant 13 : i32
      %swap3A_2393 = arith.index_cast %swap3A_2392 : i32 to index
      %swap3A_2394 = arith.constant 0 : index
      %swap3A_2395 = tpu.vector_load %arg6[%swap3A_2393, %swap3A_2394] {strides = array<i32>} : memref<16x128xf32, #tpu.memory_space<vmem>>, vector<1x16xf32>,
      %swap3A_2396 = vector.shape_cast %swap3A_2395 : vector<1x16xf32> to vector<16xf32>
      %swap3A_2397 = vector.shape_cast %max3A_2391 : vector<16xf32> to vector<1x16xf32>
      tpu.vector_store %arg6[%swap3A_2393, %swap3A_2394], %swap3A_2397 {strides = array<i32>} : memref<16x128xf32, #tpu.memory_space<vmem>>, vector<1x16xf32>,
      %get3A_2398 = arith.constant 13 : i32
      %get3A_2399 = arith.index_cast %get3A_2398 : i32 to index
      %get3A_2400 = arith.constant 16 : index
      %get3A_2401 = tpu.vector_load %arg6[%get3A_2399, %get3A_2400] {strides = array<i32>} : memref<16x128xf32, #tpu.memory_space<vmem>>, vector<1x16xf32>,
      %get3A_2402 = vector.shape_cast %get3A_2401 : vector<1x16xf32> to vector<16xf32>
      %max3A_2403 = arith.constant 0.000000e+00 : f32
      %max3A_2404 = vector.broadcast %max3A_2403 : f32 to vector<16xf32>
      %max3A_2405 = arith.maximumf %get3A_2402, %max3A_2404 : vector<16xf32>
      %swap3A_2406 = arith.constant 13 : i32
      %swap3A_2407 = arith.index_cast %swap3A_2406 : i32 to index
      %swap3A_2408 = arith.constant 16 : index
      %swap3A_2409 = tpu.vector_load %arg6[%swap3A_2407, %swap3A_2408] {strides = array<i32>} : memref<16x128xf32, #tpu.memory_space<vmem>>, vector<1x16xf32>,
      %swap3A_2410 = vector.shape_cast %swap3A_2409 : vector<1x16xf32> to vector<16xf32>
      %swap3A_2411 = vector.shape_cast %max3A_2405 : vector<16xf32> to vector<1x16xf32>
      tpu.vector_store %arg6[%swap3A_2407, %swap3A_2408], %swap3A_2411 {strides = array<i32>} : memref<16x128xf32, #tpu.memory_space<vmem>>, vector<1x16xf32>,
      %get3A_2412 = arith.constant 13 : i32
      %get3A_2413 = arith.index_cast %get3A_2412 : i32 to index
      %get3A_2414 = arith.constant 32 : index
      %get3A_2415 = tpu.vector_load %arg6[%get3A_2413, %get3A_2414] {strides = array<i32>} : memref<16x128xf32, #tpu.memory_space<vmem>>, vector<1x16xf32>,
      %get3A_2416 = vector.shape_cast %get3A_2415 : vector<1x16xf32> to vector<16xf32>
      %max3A_2417 = arith.constant 0.000000e+00 : f32
      %max3A_2418 = vector.broadcast %max3A_2417 : f32 to vector<16xf32>
      %max3A_2419 = arith.maximumf %get3A_2416, %max3A_2418 : vector<16xf32>
      %swap3A_2420 = arith.constant 13 : i32
      %swap3A_2421 = arith.index_cast %swap3A_2420 : i32 to index
      %swap3A_2422 = arith.constant 32 : index
      %swap3A_2423 = tpu.vector_load %arg6[%swap3A_2421, %swap3A_2422] {strides = array<i32>} : memref<16x128xf32, #tpu.memory_space<vmem>>, vector<1x16xf32>,
      %swap3A_2424 = vector.shape_cast %swap3A_2423 : vector<1x16xf32> to vector<16xf32>
      %swap3A_2425 = vector.shape_cast %max3A_2419 : vector<16xf32> to vector<1x16xf32>
      tpu.vector_store %arg6[%swap3A_2421, %swap3A_2422], %swap3A_2425 {strides = array<i32>} : memref<16x128xf32, #tpu.memory_space<vmem>>, vector<1x16xf32>,
      %get3A_2426 = arith.constant 13 : i32
      %get3A_2427 = arith.index_cast %get3A_2426 : i32 to index
      %get3A_2428 = arith.constant 48 : index
      %get3A_2429 = tpu.vector_load %arg6[%get3A_2427, %get3A_2428] {strides = array<i32>} : memref<16x128xf32, #tpu.memory_space<vmem>>, vector<1x16xf32>,
      %get3A_2430 = vector.shape_cast %get3A_2429 : vector<1x16xf32> to vector<16xf32>
      %max3A_2431 = arith.constant 0.000000e+00 : f32
      %max3A_2432 = vector.broadcast %max3A_2431 : f32 to vector<16xf32>
      %max3A_2433 = arith.maximumf %get3A_2430, %max3A_2432 : vector<16xf32>
      %swap3A_2434 = arith.constant 13 : i32
      %swap3A_2435 = arith.index_cast %swap3A_2434 : i32 to index
      %swap3A_2436 = arith.constant 48 : index
      %swap3A_2437 = tpu.vector_load %arg6[%swap3A_2435, %swap3A_2436] {strides = array<i32>} : memref<16x128xf32, #tpu.memory_space<vmem>>, vector<1x16xf32>,
      %swap3A_2438 = vector.shape_cast %swap3A_2437 : vector<1x16xf32> to vector<16xf32>
      %swap3A_2439 = vector.shape_cast %max3A_2433 : vector<16xf32> to vector<1x16xf32>
      tpu.vector_store %arg6[%swap3A_2435, %swap3A_2436], %swap3A_2439 {strides = array<i32>} : memref<16x128xf32, #tpu.memory_space<vmem>>, vector<1x16xf32>,
      %get3A_2440 = arith.constant 13 : i32
      %get3A_2441 = arith.index_cast %get3A_2440 : i32 to index
      %get3A_2442 = arith.constant 64 : index
      %get3A_2443 = tpu.vector_load %arg6[%get3A_2441, %get3A_2442] {strides = array<i32>} : memref<16x128xf32, #tpu.memory_space<vmem>>, vector<1x16xf32>,
      %get3A_2444 = vector.shape_cast %get3A_2443 : vector<1x16xf32> to vector<16xf32>
      %max3A_2445 = arith.constant 0.000000e+00 : f32
      %max3A_2446 = vector.broadcast %max3A_2445 : f32 to vector<16xf32>
      %max3A_2447 = arith.maximumf %get3A_2444, %max3A_2446 : vector<16xf32>
      %swap3A_2448 = arith.constant 13 : i32
      %swap3A_2449 = arith.index_cast %swap3A_2448 : i32 to index
      %swap3A_2450 = arith.constant 64 : index
      %swap3A_2451 = tpu.vector_load %arg6[%swap3A_2449, %swap3A_2450] {strides = array<i32>} : memref<16x128xf32, #tpu.memory_space<vmem>>, vector<1x16xf32>,
      %swap3A_2452 = vector.shape_cast %swap3A_2451 : vector<1x16xf32> to vector<16xf32>
      %swap3A_2453 = vector.shape_cast %max3A_2447 : vector<16xf32> to vector<1x16xf32>
      tpu.vector_store %arg6[%swap3A_2449, %swap3A_2450], %swap3A_2453 {strides = array<i32>} : memref<16x128xf32, #tpu.memory_space<vmem>>, vector<1x16xf32>,
      %get3A_2454 = arith.constant 13 : i32
      %get3A_2455 = arith.index_cast %get3A_2454 : i32 to index
      %get3A_2456 = arith.constant 80 : index
      %get3A_2457 = tpu.vector_load %arg6[%get3A_2455, %get3A_2456] {strides = array<i32>} : memref<16x128xf32, #tpu.memory_space<vmem>>, vector<1x16xf32>,
      %get3A_2458 = vector.shape_cast %get3A_2457 : vector<1x16xf32> to vector<16xf32>
      %max3A_2459 = arith.constant 0.000000e+00 : f32
      %max3A_2460 = vector.broadcast %max3A_2459 : f32 to vector<16xf32>
      %max3A_2461 = arith.maximumf %get3A_2458, %max3A_2460 : vector<16xf32>
      %swap3A_2462 = arith.constant 13 : i32
      %swap3A_2463 = arith.index_cast %swap3A_2462 : i32 to index
      %swap3A_2464 = arith.constant 80 : index
      %swap3A_2465 = tpu.vector_load %arg6[%swap3A_2463, %swap3A_2464] {strides = array<i32>} : memref<16x128xf32, #tpu.memory_space<vmem>>, vector<1x16xf32>,
      %swap3A_2466 = vector.shape_cast %swap3A_2465 : vector<1x16xf32> to vector<16xf32>
      %swap3A_2467 = vector.shape_cast %max3A_2461 : vector<16xf32> to vector<1x16xf32>
      tpu.vector_store %arg6[%swap3A_2463, %swap3A_2464], %swap3A_2467 {strides = array<i32>} : memref<16x128xf32, #tpu.memory_space<vmem>>, vector<1x16xf32>,
      %get3A_2468 = arith.constant 13 : i32
      %get3A_2469 = arith.index_cast %get3A_2468 : i32 to index
      %get3A_2470 = arith.constant 96 : index
      %get3A_2471 = tpu.vector_load %arg6[%get3A_2469, %get3A_2470] {strides = array<i32>} : memref<16x128xf32, #tpu.memory_space<vmem>>, vector<1x16xf32>,
      %get3A_2472 = vector.shape_cast %get3A_2471 : vector<1x16xf32> to vector<16xf32>
      %max3A_2473 = arith.constant 0.000000e+00 : f32
      %max3A_2474 = vector.broadcast %max3A_2473 : f32 to vector<16xf32>
      %max3A_2475 = arith.maximumf %get3A_2472, %max3A_2474 : vector<16xf32>
      %swap3A_2476 = arith.constant 13 : i32
      %swap3A_2477 = arith.index_cast %swap3A_2476 : i32 to index
      %swap3A_2478 = arith.constant 96 : index
      %swap3A_2479 = tpu.vector_load %arg6[%swap3A_2477, %swap3A_2478] {strides = array<i32>} : memref<16x128xf32, #tpu.memory_space<vmem>>, vector<1x16xf32>,
      %swap3A_2480 = vector.shape_cast %swap3A_2479 : vector<1x16xf32> to vector<16xf32>
      %swap3A_2481 = vector.shape_cast %max3A_2475 : vector<16xf32> to vector<1x16xf32>
      tpu.vector_store %arg6[%swap3A_2477, %swap3A_2478], %swap3A_2481 {strides = array<i32>} : memref<16x128xf32, #tpu.memory_space<vmem>>, vector<1x16xf32>,
      %get3A_2482 = arith.constant 13 : i32
      %get3A_2483 = arith.index_cast %get3A_2482 : i32 to index
      %get3A_2484 = arith.constant 112 : index
      %get3A_2485 = tpu.vector_load %arg6[%get3A_2483, %get3A_2484] {strides = array<i32>} : memref<16x128xf32, #tpu.memory_space<vmem>>, vector<1x16xf32>,
      %get3A_2486 = vector.shape_cast %get3A_2485 : vector<1x16xf32> to vector<16xf32>
      %max3A_2487 = arith.constant 0.000000e+00 : f32
      %max3A_2488 = vector.broadcast %max3A_2487 : f32 to vector<16xf32>
      %max3A_2489 = arith.maximumf %get3A_2486, %max3A_2488 : vector<16xf32>
      %swap3A_2490 = arith.constant 13 : i32
      %swap3A_2491 = arith.index_cast %swap3A_2490 : i32 to index
      %swap3A_2492 = arith.constant 112 : index
      %swap3A_2493 = tpu.vector_load %arg6[%swap3A_2491, %swap3A_2492] {strides = array<i32>} : memref<16x128xf32, #tpu.memory_space<vmem>>, vector<1x16xf32>,
      %swap3A_2494 = vector.shape_cast %swap3A_2493 : vector<1x16xf32> to vector<16xf32>
      %swap3A_2495 = vector.shape_cast %max3A_2489 : vector<16xf32> to vector<1x16xf32>
      tpu.vector_store %arg6[%swap3A_2491, %swap3A_2492], %swap3A_2495 {strides = array<i32>} : memref<16x128xf32, #tpu.memory_space<vmem>>, vector<1x16xf32>,
    } else {
    }
    %get3A_1870 = arith.constant 13 : i32
    %get3A_1871 = arith.index_cast %get3A_1870 : i32 to index
    %get3A_1872 = arith.constant 0 : index
    %get3A_1873 = tpu.vector_load %arg7[%get3A_1871, %get3A_1872] {strides = array<i32>} : memref<16x128xi32, #tpu.memory_space<vmem>>, vector<1x16xi32>,
    %get3A_1874 = vector.shape_cast %get3A_1873 : vector<1x16xi32> to vector<16xi32>
    %add3A_1875 = vector.broadcast %mul3A_32 : i32 to vector<16xi32>
    %add3A_1876 = arith.addi %get3A_1874, %add3A_1875 : vector<16xi32>
    %swap3A_1877 = arith.constant 13 : i32
    %swap3A_1878 = arith.index_cast %swap3A_1877 : i32 to index
    %swap3A_1879 = arith.constant 0 : index
    %swap3A_1880 = tpu.vector_load %arg7[%swap3A_1878, %swap3A_1879] {strides = array<i32>} : memref<16x128xi32, #tpu.memory_space<vmem>>, vector<1x16xi32>,
    %swap3A_1881 = vector.shape_cast %swap3A_1880 : vector<1x16xi32> to vector<16xi32>
    %swap3A_1882 = vector.shape_cast %add3A_1876 : vector<16xi32> to vector<1x16xi32>
    tpu.vector_store %arg7[%swap3A_1878, %swap3A_1879], %swap3A_1882 {strides = array<i32>} : memref<16x128xi32, #tpu.memory_space<vmem>>, vector<1x16xi32>,
    %get3A_1883 = arith.constant 13 : i32
    %get3A_1884 = arith.index_cast %get3A_1883 : i32 to index
    %get3A_1885 = arith.constant 16 : index
    %get3A_1886 = tpu.vector_load %arg7[%get3A_1884, %get3A_1885] {strides = array<i32>} : memref<16x128xi32, #tpu.memory_space<vmem>>, vector<1x16xi32>,
    %get3A_1887 = vector.shape_cast %get3A_1886 : vector<1x16xi32> to vector<16xi32>
    %add3A_1888 = vector.broadcast %mul3A_32 : i32 to vector<16xi32>
    %add3A_1889 = arith.addi %get3A_1887, %add3A_1888 : vector<16xi32>
    %swap3A_1890 = arith.constant 13 : i32
    %swap3A_1891 = arith.index_cast %swap3A_1890 : i32 to index
    %swap3A_1892 = arith.constant 16 : index
    %swap3A_1893 = tpu.vector_load %arg7[%swap3A_1891, %swap3A_1892] {strides = array<i32>} : memref<16x128xi32, #tpu.memory_space<vmem>>, vector<1x16xi32>,
    %swap3A_1894 = vector.shape_cast %swap3A_1893 : vector<1x16xi32> to vector<16xi32>
    %swap3A_1895 = vector.shape_cast %add3A_1889 : vector<16xi32> to vector<1x16xi32>
    tpu.vector_store %arg7[%swap3A_1891, %swap3A_1892], %swap3A_1895 {strides = array<i32>} : memref<16x128xi32, #tpu.memory_space<vmem>>, vector<1x16xi32>,
    %get3A_1896 = arith.constant 13 : i32
    %get3A_1897 = arith.index_cast %get3A_1896 : i32 to index
    %get3A_1898 = arith.constant 32 : index
    %get3A_1899 = tpu.vector_load %arg7[%get3A_1897, %get3A_1898] {strides = array<i32>} : memref<16x128xi32, #tpu.memory_space<vmem>>, vector<1x16xi32>,
    %get3A_1900 = vector.shape_cast %get3A_1899 : vector<1x16xi32> to vector<16xi32>
    %add3A_1901 = vector.broadcast %mul3A_32 : i32 to vector<16xi32>
    %add3A_1902 = arith.addi %get3A_1900, %add3A_1901 : vector<16xi32>
    %swap3A_1903 = arith.constant 13 : i32
    %swap3A_1904 = arith.index_cast %swap3A_1903 : i32 to index
    %swap3A_1905 = arith.constant 32 : index
    %swap3A_1906 = tpu.vector_load %arg7[%swap3A_1904, %swap3A_1905] {strides = array<i32>} : memref<16x128xi32, #tpu.memory_space<vmem>>, vector<1x16xi32>,
    %swap3A_1907 = vector.shape_cast %swap3A_1906 : vector<1x16xi32> to vector<16xi32>
    %swap3A_1908 = vector.shape_cast %add3A_1902 : vector<16xi32> to vector<1x16xi32>
    tpu.vector_store %arg7[%swap3A_1904, %swap3A_1905], %swap3A_1908 {strides = array<i32>} : memref<16x128xi32, #tpu.memory_space<vmem>>, vector<1x16xi32>,
    %get3A_1909 = arith.constant 13 : i32
    %get3A_1910 = arith.index_cast %get3A_1909 : i32 to index
    %get3A_1911 = arith.constant 48 : index
    %get3A_1912 = tpu.vector_load %arg7[%get3A_1910, %get3A_1911] {strides = array<i32>} : memref<16x128xi32, #tpu.memory_space<vmem>>, vector<1x16xi32>,
    %get3A_1913 = vector.shape_cast %get3A_1912 : vector<1x16xi32> to vector<16xi32>
    %add3A_1914 = vector.broadcast %mul3A_32 : i32 to vector<16xi32>
    %add3A_1915 = arith.addi %get3A_1913, %add3A_1914 : vector<16xi32>
    %swap3A_1916 = arith.constant 13 : i32
    %swap3A_1917 = arith.index_cast %swap3A_1916 : i32 to index
    %swap3A_1918 = arith.constant 48 : index
    %swap3A_1919 = tpu.vector_load %arg7[%swap3A_1917, %swap3A_1918] {strides = array<i32>} : memref<16x128xi32, #tpu.memory_space<vmem>>, vector<1x16xi32>,
    %swap3A_1920 = vector.shape_cast %swap3A_1919 : vector<1x16xi32> to vector<16xi32>
    %swap3A_1921 = vector.shape_cast %add3A_1915 : vector<16xi32> to vector<1x16xi32>
    tpu.vector_store %arg7[%swap3A_1917, %swap3A_1918], %swap3A_1921 {strides = array<i32>} : memref<16x128xi32, #tpu.memory_space<vmem>>, vector<1x16xi32>,
    %get3A_1922 = arith.constant 13 : i32
    %get3A_1923 = arith.index_cast %get3A_1922 : i32 to index
    %get3A_1924 = arith.constant 64 : index
    %get3A_1925 = tpu.vector_load %arg7[%get3A_1923, %get3A_1924] {strides = array<i32>} : memref<16x128xi32, #tpu.memory_space<vmem>>, vector<1x16xi32>,
    %get3A_1926 = vector.shape_cast %get3A_1925 : vector<1x16xi32> to vector<16xi32>
    %add3A_1927 = vector.broadcast %mul3A_32 : i32 to vector<16xi32>
    %add3A_1928 = arith.addi %get3A_1926, %add3A_1927 : vector<16xi32>
    %swap3A_1929 = arith.constant 13 : i32
    %swap3A_1930 = arith.index_cast %swap3A_1929 : i32 to index
    %swap3A_1931 = arith.constant 64 : index
    %swap3A_1932 = tpu.vector_load %arg7[%swap3A_1930, %swap3A_1931] {strides = array<i32>} : memref<16x128xi32, #tpu.memory_space<vmem>>, vector<1x16xi32>,
    %swap3A_1933 = vector.shape_cast %swap3A_1932 : vector<1x16xi32> to vector<16xi32>
    %swap3A_1934 = vector.shape_cast %add3A_1928 : vector<16xi32> to vector<1x16xi32>
    tpu.vector_store %arg7[%swap3A_1930, %swap3A_1931], %swap3A_1934 {strides = array<i32>} : memref<16x128xi32, #tpu.memory_space<vmem>>, vector<1x16xi32>,
    %get3A_1935 = arith.constant 13 : i32
    %get3A_1936 = arith.index_cast %get3A_1935 : i32 to index
    %get3A_1937 = arith.constant 80 : index
    %get3A_1938 = tpu.vector_load %arg7[%get3A_1936, %get3A_1937] {strides = array<i32>} : memref<16x128xi32, #tpu.memory_space<vmem>>, vector<1x16xi32>,
    %get3A_1939 = vector.shape_cast %get3A_1938 : vector<1x16xi32> to vector<16xi32>
    %add3A_1940 = vector.broadcast %mul3A_32 : i32 to vector<16xi32>
    %add3A_1941 = arith.addi %get3A_1939, %add3A_1940 : vector<16xi32>
    %swap3A_1942 = arith.constant 13 : i32
    %swap3A_1943 = arith.index_cast %swap3A_1942 : i32 to index
    %swap3A_1944 = arith.constant 80 : index
    %swap3A_1945 = tpu.vector_load %arg7[%swap3A_1943, %swap3A_1944] {strides = array<i32>} : memref<16x128xi32, #tpu.memory_space<vmem>>, vector<1x16xi32>,
    %swap3A_1946 = vector.shape_cast %swap3A_1945 : vector<1x16xi32> to vector<16xi32>
    %swap3A_1947 = vector.shape_cast %add3A_1941 : vector<16xi32> to vector<1x16xi32>
    tpu.vector_store %arg7[%swap3A_1943, %swap3A_1944], %swap3A_1947 {strides = array<i32>} : memref<16x128xi32, #tpu.memory_space<vmem>>, vector<1x16xi32>,
    %get3A_1948 = arith.constant 13 : i32
    %get3A_1949 = arith.index_cast %get3A_1948 : i32 to index
    %get3A_1950 = arith.constant 96 : index
    %get3A_1951 = tpu.vector_load %arg7[%get3A_1949, %get3A_1950] {strides = array<i32>} : memref<16x128xi32, #tpu.memory_space<vmem>>, vector<1x16xi32>,
    %get3A_1952 = vector.shape_cast %get3A_1951 : vector<1x16xi32> to vector<16xi32>
    %add3A_1953 = vector.broadcast %mul3A_32 : i32 to vector<16xi32>
    %add3A_1954 = arith.addi %get3A_1952, %add3A_1953 : vector<16xi32>
    %swap3A_1955 = arith.constant 13 : i32
    %swap3A_1956 = arith.index_cast %swap3A_1955 : i32 to index
    %swap3A_1957 = arith.constant 96 : index
    %swap3A_1958 = tpu.vector_load %arg7[%swap3A_1956, %swap3A_1957] {strides = array<i32>} : memref<16x128xi32, #tpu.memory_space<vmem>>, vector<1x16xi32>,
    %swap3A_1959 = vector.shape_cast %swap3A_1958 : vector<1x16xi32> to vector<16xi32>
    %swap3A_1960 = vector.shape_cast %add3A_1954 : vector<16xi32> to vector<1x16xi32>
    tpu.vector_store %arg7[%swap3A_1956, %swap3A_1957], %swap3A_1960 {strides = array<i32>} : memref<16x128xi32, #tpu.memory_space<vmem>>, vector<1x16xi32>,
    %get3A_1961 = arith.constant 13 : i32
    %get3A_1962 = arith.index_cast %get3A_1961 : i32 to index
    %get3A_1963 = arith.constant 112 : index
    %get3A_1964 = tpu.vector_load %arg7[%get3A_1962, %get3A_1963] {strides = array<i32>} : memref<16x128xi32, #tpu.memory_space<vmem>>, vector<1x16xi32>,
    %get3A_1965 = vector.shape_cast %get3A_1964 : vector<1x16xi32> to vector<16xi32>
    %add3A_1966 = vector.broadcast %mul3A_32 : i32 to vector<16xi32>
    %add3A_1967 = arith.addi %get3A_1965, %add3A_1966 : vector<16xi32>
    %swap3A_1968 = arith.constant 13 : i32
    %swap3A_1969 = arith.index_cast %swap3A_1968 : i32 to index
    %swap3A_1970 = arith.constant 112 : index
    %swap3A_1971 = tpu.vector_load %arg7[%swap3A_1969, %swap3A_1970] {strides = array<i32>} : memref<16x128xi32, #tpu.memory_space<vmem>>, vector<1x16xi32>,
    %swap3A_1972 = vector.shape_cast %swap3A_1971 : vector<1x16xi32> to vector<16xi32>
    %swap3A_1973 = vector.shape_cast %add3A_1967 : vector<16xi32> to vector<1x16xi32>
    tpu.vector_store %arg7[%swap3A_1969, %swap3A_1970], %swap3A_1973 {strides = array<i32>} : memref<16x128xi32, #tpu.memory_space<vmem>>, vector<1x16xi32>,
    %dma_start3A_1974 = arith.constant 13 : i32
    %dma_start3A_1975 = arith.constant 13 : i32
    %dma_start3A_1976 = arith.constant 0 : i32
    %dma_start3A_1977 = tpu.memref_slice %arg6[%dma_start3A_1974, %dma_start3A_1976] : memref<16x128xf32, #tpu.memory_space<vmem>> -> memref<1x128xf32, #tpu.memory_space<vmem>>
    %dma_start3A_1978 = tpu.memref_squeeze %dma_start3A_1977 : memref<1x128xf32, #tpu.memory_space<vmem>> -> memref<128xf32, #tpu.memory_space<vmem>>
    %dma_start3A_1979 = arith.constant 0 : i32
    %dma_start3A_1980 = tpu.memref_slice %arg7[%dma_start3A_1975, %dma_start3A_1979] : memref<16x128xi32, #tpu.memory_space<vmem>> -> memref<1x128xi32, #tpu.memory_space<vmem>>
    %dma_start3A_1981 = tpu.memref_squeeze %dma_start3A_1980 : memref<1x128xi32, #tpu.memory_space<vmem>> -> memref<128xi32, #tpu.memory_space<vmem>>
    %dma_start3A_1982 = arith.constant 0 : i32
    %dma_start3A_1983 = tpu.memref_slice %arg9[%dma_start3A_1982] : memref<16384xf32, #tpu.memory_space<vmem_shared>> -> memref<16384xf32, #tpu.memory_space<vmem_shared>>
    tpu.enqueue_indirect_dma source(%dma_start3A_1978 : memref<128xf32, #tpu.memory_space<vmem>>) target(%dma_start3A_1983 : memref<16384xf32, #tpu.memory_space<vmem_shared>>) offsets(%dma_start3A_1981 : memref<128xi32, #tpu.memory_space<vmem>>) semaphore(%arg12 : memref<!tpu.dma_semaphore, #tpu.memory_space<semaphore_mem>>) {add = true}
    %eq3A_1984 = arith.constant 0 : i32
    %eq3A_1985 = arith.cmpi eq, %select_n3A_30, %eq3A_1984 : i32
    %convert_element_type3A_1986 = arith.extui %eq3A_1985 : i1 to i32
    %cond3A_1987 = arith.constant 0 : i32
    %cond3A_1988 = arith.cmpi ne, %convert_element_type3A_1986, %cond3A_1987 : i32
    scf.if %cond3A_1988 {
      %get3A_2385 = arith.constant 14 : i32
      %get3A_2386 = arith.index_cast %get3A_2385 : i32 to index
      %get3A_2387 = arith.constant 0 : index
      %get3A_2388 = tpu.vector_load %arg6[%get3A_2386, %get3A_2387] {strides = array<i32>} : memref<16x128xf32, #tpu.memory_space<vmem>>, vector<1x16xf32>,
      %get3A_2389 = vector.shape_cast %get3A_2388 : vector<1x16xf32> to vector<16xf32>
      %max3A = arith.constant 0.000000e+00 : f32
      %max3A_2390 = vector.broadcast %max3A : f32 to vector<16xf32>
      %max3A_2391 = arith.maximumf %get3A_2389, %max3A_2390 : vector<16xf32>
      %swap3A_2392 = arith.constant 14 : i32
      %swap3A_2393 = arith.index_cast %swap3A_2392 : i32 to index
      %swap3A_2394 = arith.constant 0 : index
      %swap3A_2395 = tpu.vector_load %arg6[%swap3A_2393, %swap3A_2394] {strides = array<i32>} : memref<16x128xf32, #tpu.memory_space<vmem>>, vector<1x16xf32>,
      %swap3A_2396 = vector.shape_cast %swap3A_2395 : vector<1x16xf32> to vector<16xf32>
      %swap3A_2397 = vector.shape_cast %max3A_2391 : vector<16xf32> to vector<1x16xf32>
      tpu.vector_store %arg6[%swap3A_2393, %swap3A_2394], %swap3A_2397 {strides = array<i32>} : memref<16x128xf32, #tpu.memory_space<vmem>>, vector<1x16xf32>,
      %get3A_2398 = arith.constant 14 : i32
      %get3A_2399 = arith.index_cast %get3A_2398 : i32 to index
      %get3A_2400 = arith.constant 16 : index
      %get3A_2401 = tpu.vector_load %arg6[%get3A_2399, %get3A_2400] {strides = array<i32>} : memref<16x128xf32, #tpu.memory_space<vmem>>, vector<1x16xf32>,
      %get3A_2402 = vector.shape_cast %get3A_2401 : vector<1x16xf32> to vector<16xf32>
      %max3A_2403 = arith.constant 0.000000e+00 : f32
      %max3A_2404 = vector.broadcast %max3A_2403 : f32 to vector<16xf32>
      %max3A_2405 = arith.maximumf %get3A_2402, %max3A_2404 : vector<16xf32>
      %swap3A_2406 = arith.constant 14 : i32
      %swap3A_2407 = arith.index_cast %swap3A_2406 : i32 to index
      %swap3A_2408 = arith.constant 16 : index
      %swap3A_2409 = tpu.vector_load %arg6[%swap3A_2407, %swap3A_2408] {strides = array<i32>} : memref<16x128xf32, #tpu.memory_space<vmem>>, vector<1x16xf32>,
      %swap3A_2410 = vector.shape_cast %swap3A_2409 : vector<1x16xf32> to vector<16xf32>
      %swap3A_2411 = vector.shape_cast %max3A_2405 : vector<16xf32> to vector<1x16xf32>
      tpu.vector_store %arg6[%swap3A_2407, %swap3A_2408], %swap3A_2411 {strides = array<i32>} : memref<16x128xf32, #tpu.memory_space<vmem>>, vector<1x16xf32>,
      %get3A_2412 = arith.constant 14 : i32
      %get3A_2413 = arith.index_cast %get3A_2412 : i32 to index
      %get3A_2414 = arith.constant 32 : index
      %get3A_2415 = tpu.vector_load %arg6[%get3A_2413, %get3A_2414] {strides = array<i32>} : memref<16x128xf32, #tpu.memory_space<vmem>>, vector<1x16xf32>,
      %get3A_2416 = vector.shape_cast %get3A_2415 : vector<1x16xf32> to vector<16xf32>
      %max3A_2417 = arith.constant 0.000000e+00 : f32
      %max3A_2418 = vector.broadcast %max3A_2417 : f32 to vector<16xf32>
      %max3A_2419 = arith.maximumf %get3A_2416, %max3A_2418 : vector<16xf32>
      %swap3A_2420 = arith.constant 14 : i32
      %swap3A_2421 = arith.index_cast %swap3A_2420 : i32 to index
      %swap3A_2422 = arith.constant 32 : index
      %swap3A_2423 = tpu.vector_load %arg6[%swap3A_2421, %swap3A_2422] {strides = array<i32>} : memref<16x128xf32, #tpu.memory_space<vmem>>, vector<1x16xf32>,
      %swap3A_2424 = vector.shape_cast %swap3A_2423 : vector<1x16xf32> to vector<16xf32>
      %swap3A_2425 = vector.shape_cast %max3A_2419 : vector<16xf32> to vector<1x16xf32>
      tpu.vector_store %arg6[%swap3A_2421, %swap3A_2422], %swap3A_2425 {strides = array<i32>} : memref<16x128xf32, #tpu.memory_space<vmem>>, vector<1x16xf32>,
      %get3A_2426 = arith.constant 14 : i32
      %get3A_2427 = arith.index_cast %get3A_2426 : i32 to index
      %get3A_2428 = arith.constant 48 : index
      %get3A_2429 = tpu.vector_load %arg6[%get3A_2427, %get3A_2428] {strides = array<i32>} : memref<16x128xf32, #tpu.memory_space<vmem>>, vector<1x16xf32>,
      %get3A_2430 = vector.shape_cast %get3A_2429 : vector<1x16xf32> to vector<16xf32>
      %max3A_2431 = arith.constant 0.000000e+00 : f32
      %max3A_2432 = vector.broadcast %max3A_2431 : f32 to vector<16xf32>
      %max3A_2433 = arith.maximumf %get3A_2430, %max3A_2432 : vector<16xf32>
      %swap3A_2434 = arith.constant 14 : i32
      %swap3A_2435 = arith.index_cast %swap3A_2434 : i32 to index
      %swap3A_2436 = arith.constant 48 : index
      %swap3A_2437 = tpu.vector_load %arg6[%swap3A_2435, %swap3A_2436] {strides = array<i32>} : memref<16x128xf32, #tpu.memory_space<vmem>>, vector<1x16xf32>,
      %swap3A_2438 = vector.shape_cast %swap3A_2437 : vector<1x16xf32> to vector<16xf32>
      %swap3A_2439 = vector.shape_cast %max3A_2433 : vector<16xf32> to vector<1x16xf32>
      tpu.vector_store %arg6[%swap3A_2435, %swap3A_2436], %swap3A_2439 {strides = array<i32>} : memref<16x128xf32, #tpu.memory_space<vmem>>, vector<1x16xf32>,
      %get3A_2440 = arith.constant 14 : i32
      %get3A_2441 = arith.index_cast %get3A_2440 : i32 to index
      %get3A_2442 = arith.constant 64 : index
      %get3A_2443 = tpu.vector_load %arg6[%get3A_2441, %get3A_2442] {strides = array<i32>} : memref<16x128xf32, #tpu.memory_space<vmem>>, vector<1x16xf32>,
      %get3A_2444 = vector.shape_cast %get3A_2443 : vector<1x16xf32> to vector<16xf32>
      %max3A_2445 = arith.constant 0.000000e+00 : f32
      %max3A_2446 = vector.broadcast %max3A_2445 : f32 to vector<16xf32>
      %max3A_2447 = arith.maximumf %get3A_2444, %max3A_2446 : vector<16xf32>
      %swap3A_2448 = arith.constant 14 : i32
      %swap3A_2449 = arith.index_cast %swap3A_2448 : i32 to index
      %swap3A_2450 = arith.constant 64 : index
      %swap3A_2451 = tpu.vector_load %arg6[%swap3A_2449, %swap3A_2450] {strides = array<i32>} : memref<16x128xf32, #tpu.memory_space<vmem>>, vector<1x16xf32>,
      %swap3A_2452 = vector.shape_cast %swap3A_2451 : vector<1x16xf32> to vector<16xf32>
      %swap3A_2453 = vector.shape_cast %max3A_2447 : vector<16xf32> to vector<1x16xf32>
      tpu.vector_store %arg6[%swap3A_2449, %swap3A_2450], %swap3A_2453 {strides = array<i32>} : memref<16x128xf32, #tpu.memory_space<vmem>>, vector<1x16xf32>,
      %get3A_2454 = arith.constant 14 : i32
      %get3A_2455 = arith.index_cast %get3A_2454 : i32 to index
      %get3A_2456 = arith.constant 80 : index
      %get3A_2457 = tpu.vector_load %arg6[%get3A_2455, %get3A_2456] {strides = array<i32>} : memref<16x128xf32, #tpu.memory_space<vmem>>, vector<1x16xf32>,
      %get3A_2458 = vector.shape_cast %get3A_2457 : vector<1x16xf32> to vector<16xf32>
      %max3A_2459 = arith.constant 0.000000e+00 : f32
      %max3A_2460 = vector.broadcast %max3A_2459 : f32 to vector<16xf32>
      %max3A_2461 = arith.maximumf %get3A_2458, %max3A_2460 : vector<16xf32>
      %swap3A_2462 = arith.constant 14 : i32
      %swap3A_2463 = arith.index_cast %swap3A_2462 : i32 to index
      %swap3A_2464 = arith.constant 80 : index
      %swap3A_2465 = tpu.vector_load %arg6[%swap3A_2463, %swap3A_2464] {strides = array<i32>} : memref<16x128xf32, #tpu.memory_space<vmem>>, vector<1x16xf32>,
      %swap3A_2466 = vector.shape_cast %swap3A_2465 : vector<1x16xf32> to vector<16xf32>
      %swap3A_2467 = vector.shape_cast %max3A_2461 : vector<16xf32> to vector<1x16xf32>
      tpu.vector_store %arg6[%swap3A_2463, %swap3A_2464], %swap3A_2467 {strides = array<i32>} : memref<16x128xf32, #tpu.memory_space<vmem>>, vector<1x16xf32>,
      %get3A_2468 = arith.constant 14 : i32
      %get3A_2469 = arith.index_cast %get3A_2468 : i32 to index
      %get3A_2470 = arith.constant 96 : index
      %get3A_2471 = tpu.vector_load %arg6[%get3A_2469, %get3A_2470] {strides = array<i32>} : memref<16x128xf32, #tpu.memory_space<vmem>>, vector<1x16xf32>,
      %get3A_2472 = vector.shape_cast %get3A_2471 : vector<1x16xf32> to vector<16xf32>
      %max3A_2473 = arith.constant 0.000000e+00 : f32
      %max3A_2474 = vector.broadcast %max3A_2473 : f32 to vector<16xf32>
      %max3A_2475 = arith.maximumf %get3A_2472, %max3A_2474 : vector<16xf32>
      %swap3A_2476 = arith.constant 14 : i32
      %swap3A_2477 = arith.index_cast %swap3A_2476 : i32 to index
      %swap3A_2478 = arith.constant 96 : index
      %swap3A_2479 = tpu.vector_load %arg6[%swap3A_2477, %swap3A_2478] {strides = array<i32>} : memref<16x128xf32, #tpu.memory_space<vmem>>, vector<1x16xf32>,
      %swap3A_2480 = vector.shape_cast %swap3A_2479 : vector<1x16xf32> to vector<16xf32>
      %swap3A_2481 = vector.shape_cast %max3A_2475 : vector<16xf32> to vector<1x16xf32>
      tpu.vector_store %arg6[%swap3A_2477, %swap3A_2478], %swap3A_2481 {strides = array<i32>} : memref<16x128xf32, #tpu.memory_space<vmem>>, vector<1x16xf32>,
      %get3A_2482 = arith.constant 14 : i32
      %get3A_2483 = arith.index_cast %get3A_2482 : i32 to index
      %get3A_2484 = arith.constant 112 : index
      %get3A_2485 = tpu.vector_load %arg6[%get3A_2483, %get3A_2484] {strides = array<i32>} : memref<16x128xf32, #tpu.memory_space<vmem>>, vector<1x16xf32>,
      %get3A_2486 = vector.shape_cast %get3A_2485 : vector<1x16xf32> to vector<16xf32>
      %max3A_2487 = arith.constant 0.000000e+00 : f32
      %max3A_2488 = vector.broadcast %max3A_2487 : f32 to vector<16xf32>
      %max3A_2489 = arith.maximumf %get3A_2486, %max3A_2488 : vector<16xf32>
      %swap3A_2490 = arith.constant 14 : i32
      %swap3A_2491 = arith.index_cast %swap3A_2490 : i32 to index
      %swap3A_2492 = arith.constant 112 : index
      %swap3A_2493 = tpu.vector_load %arg6[%swap3A_2491, %swap3A_2492] {strides = array<i32>} : memref<16x128xf32, #tpu.memory_space<vmem>>, vector<1x16xf32>,
      %swap3A_2494 = vector.shape_cast %swap3A_2493 : vector<1x16xf32> to vector<16xf32>
      %swap3A_2495 = vector.shape_cast %max3A_2489 : vector<16xf32> to vector<1x16xf32>
      tpu.vector_store %arg6[%swap3A_2491, %swap3A_2492], %swap3A_2495 {strides = array<i32>} : memref<16x128xf32, #tpu.memory_space<vmem>>, vector<1x16xf32>,
    } else {
    }
    %get3A_1989 = arith.constant 14 : i32
    %get3A_1990 = arith.index_cast %get3A_1989 : i32 to index
    %get3A_1991 = arith.constant 0 : index
    %get3A_1992 = tpu.vector_load %arg7[%get3A_1990, %get3A_1991] {strides = array<i32>} : memref<16x128xi32, #tpu.memory_space<vmem>>, vector<1x16xi32>,
    %get3A_1993 = vector.shape_cast %get3A_1992 : vector<1x16xi32> to vector<16xi32>
    %add3A_1994 = vector.broadcast %mul3A_32 : i32 to vector<16xi32>
    %add3A_1995 = arith.addi %get3A_1993, %add3A_1994 : vector<16xi32>
    %swap3A_1996 = arith.constant 14 : i32
    %swap3A_1997 = arith.index_cast %swap3A_1996 : i32 to index
    %swap3A_1998 = arith.constant 0 : index
    %swap3A_1999 = tpu.vector_load %arg7[%swap3A_1997, %swap3A_1998] {strides = array<i32>} : memref<16x128xi32, #tpu.memory_space<vmem>>, vector<1x16xi32>,
    %swap3A_2000 = vector.shape_cast %swap3A_1999 : vector<1x16xi32> to vector<16xi32>
    %swap3A_2001 = vector.shape_cast %add3A_1995 : vector<16xi32> to vector<1x16xi32>
    tpu.vector_store %arg7[%swap3A_1997, %swap3A_1998], %swap3A_2001 {strides = array<i32>} : memref<16x128xi32, #tpu.memory_space<vmem>>, vector<1x16xi32>,
    %get3A_2002 = arith.constant 14 : i32
    %get3A_2003 = arith.index_cast %get3A_2002 : i32 to index
    %get3A_2004 = arith.constant 16 : index
    %get3A_2005 = tpu.vector_load %arg7[%get3A_2003, %get3A_2004] {strides = array<i32>} : memref<16x128xi32, #tpu.memory_space<vmem>>, vector<1x16xi32>,
    %get3A_2006 = vector.shape_cast %get3A_2005 : vector<1x16xi32> to vector<16xi32>
    %add3A_2007 = vector.broadcast %mul3A_32 : i32 to vector<16xi32>
    %add3A_2008 = arith.addi %get3A_2006, %add3A_2007 : vector<16xi32>
    %swap3A_2009 = arith.constant 14 : i32
    %swap3A_2010 = arith.index_cast %swap3A_2009 : i32 to index
    %swap3A_2011 = arith.constant 16 : index
    %swap3A_2012 = tpu.vector_load %arg7[%swap3A_2010, %swap3A_2011] {strides = array<i32>} : memref<16x128xi32, #tpu.memory_space<vmem>>, vector<1x16xi32>,
    %swap3A_2013 = vector.shape_cast %swap3A_2012 : vector<1x16xi32> to vector<16xi32>
    %swap3A_2014 = vector.shape_cast %add3A_2008 : vector<16xi32> to vector<1x16xi32>
    tpu.vector_store %arg7[%swap3A_2010, %swap3A_2011], %swap3A_2014 {strides = array<i32>} : memref<16x128xi32, #tpu.memory_space<vmem>>, vector<1x16xi32>,
    %get3A_2015 = arith.constant 14 : i32
    %get3A_2016 = arith.index_cast %get3A_2015 : i32 to index
    %get3A_2017 = arith.constant 32 : index
    %get3A_2018 = tpu.vector_load %arg7[%get3A_2016, %get3A_2017] {strides = array<i32>} : memref<16x128xi32, #tpu.memory_space<vmem>>, vector<1x16xi32>,
    %get3A_2019 = vector.shape_cast %get3A_2018 : vector<1x16xi32> to vector<16xi32>
    %add3A_2020 = vector.broadcast %mul3A_32 : i32 to vector<16xi32>
    %add3A_2021 = arith.addi %get3A_2019, %add3A_2020 : vector<16xi32>
    %swap3A_2022 = arith.constant 14 : i32
    %swap3A_2023 = arith.index_cast %swap3A_2022 : i32 to index
    %swap3A_2024 = arith.constant 32 : index
    %swap3A_2025 = tpu.vector_load %arg7[%swap3A_2023, %swap3A_2024] {strides = array<i32>} : memref<16x128xi32, #tpu.memory_space<vmem>>, vector<1x16xi32>,
    %swap3A_2026 = vector.shape_cast %swap3A_2025 : vector<1x16xi32> to vector<16xi32>
    %swap3A_2027 = vector.shape_cast %add3A_2021 : vector<16xi32> to vector<1x16xi32>
    tpu.vector_store %arg7[%swap3A_2023, %swap3A_2024], %swap3A_2027 {strides = array<i32>} : memref<16x128xi32, #tpu.memory_space<vmem>>, vector<1x16xi32>,
    %get3A_2028 = arith.constant 14 : i32
    %get3A_2029 = arith.index_cast %get3A_2028 : i32 to index
    %get3A_2030 = arith.constant 48 : index
    %get3A_2031 = tpu.vector_load %arg7[%get3A_2029, %get3A_2030] {strides = array<i32>} : memref<16x128xi32, #tpu.memory_space<vmem>>, vector<1x16xi32>,
    %get3A_2032 = vector.shape_cast %get3A_2031 : vector<1x16xi32> to vector<16xi32>
    %add3A_2033 = vector.broadcast %mul3A_32 : i32 to vector<16xi32>
    %add3A_2034 = arith.addi %get3A_2032, %add3A_2033 : vector<16xi32>
    %swap3A_2035 = arith.constant 14 : i32
    %swap3A_2036 = arith.index_cast %swap3A_2035 : i32 to index
    %swap3A_2037 = arith.constant 48 : index
    %swap3A_2038 = tpu.vector_load %arg7[%swap3A_2036, %swap3A_2037] {strides = array<i32>} : memref<16x128xi32, #tpu.memory_space<vmem>>, vector<1x16xi32>,
    %swap3A_2039 = vector.shape_cast %swap3A_2038 : vector<1x16xi32> to vector<16xi32>
    %swap3A_2040 = vector.shape_cast %add3A_2034 : vector<16xi32> to vector<1x16xi32>
    tpu.vector_store %arg7[%swap3A_2036, %swap3A_2037], %swap3A_2040 {strides = array<i32>} : memref<16x128xi32, #tpu.memory_space<vmem>>, vector<1x16xi32>,
    %get3A_2041 = arith.constant 14 : i32
    %get3A_2042 = arith.index_cast %get3A_2041 : i32 to index
    %get3A_2043 = arith.constant 64 : index
    %get3A_2044 = tpu.vector_load %arg7[%get3A_2042, %get3A_2043] {strides = array<i32>} : memref<16x128xi32, #tpu.memory_space<vmem>>, vector<1x16xi32>,
    %get3A_2045 = vector.shape_cast %get3A_2044 : vector<1x16xi32> to vector<16xi32>
    %add3A_2046 = vector.broadcast %mul3A_32 : i32 to vector<16xi32>
    %add3A_2047 = arith.addi %get3A_2045, %add3A_2046 : vector<16xi32>
    %swap3A_2048 = arith.constant 14 : i32
    %swap3A_2049 = arith.index_cast %swap3A_2048 : i32 to index
    %swap3A_2050 = arith.constant 64 : index
    %swap3A_2051 = tpu.vector_load %arg7[%swap3A_2049, %swap3A_2050] {strides = array<i32>} : memref<16x128xi32, #tpu.memory_space<vmem>>, vector<1x16xi32>,
    %swap3A_2052 = vector.shape_cast %swap3A_2051 : vector<1x16xi32> to vector<16xi32>
    %swap3A_2053 = vector.shape_cast %add3A_2047 : vector<16xi32> to vector<1x16xi32>
    tpu.vector_store %arg7[%swap3A_2049, %swap3A_2050], %swap3A_2053 {strides = array<i32>} : memref<16x128xi32, #tpu.memory_space<vmem>>, vector<1x16xi32>,
    %get3A_2054 = arith.constant 14 : i32
    %get3A_2055 = arith.index_cast %get3A_2054 : i32 to index
    %get3A_2056 = arith.constant 80 : index
    %get3A_2057 = tpu.vector_load %arg7[%get3A_2055, %get3A_2056] {strides = array<i32>} : memref<16x128xi32, #tpu.memory_space<vmem>>, vector<1x16xi32>,
    %get3A_2058 = vector.shape_cast %get3A_2057 : vector<1x16xi32> to vector<16xi32>
    %add3A_2059 = vector.broadcast %mul3A_32 : i32 to vector<16xi32>
    %add3A_2060 = arith.addi %get3A_2058, %add3A_2059 : vector<16xi32>
    %swap3A_2061 = arith.constant 14 : i32
    %swap3A_2062 = arith.index_cast %swap3A_2061 : i32 to index
    %swap3A_2063 = arith.constant 80 : index
    %swap3A_2064 = tpu.vector_load %arg7[%swap3A_2062, %swap3A_2063] {strides = array<i32>} : memref<16x128xi32, #tpu.memory_space<vmem>>, vector<1x16xi32>,
    %swap3A_2065 = vector.shape_cast %swap3A_2064 : vector<1x16xi32> to vector<16xi32>
    %swap3A_2066 = vector.shape_cast %add3A_2060 : vector<16xi32> to vector<1x16xi32>
    tpu.vector_store %arg7[%swap3A_2062, %swap3A_2063], %swap3A_2066 {strides = array<i32>} : memref<16x128xi32, #tpu.memory_space<vmem>>, vector<1x16xi32>,
    %get3A_2067 = arith.constant 14 : i32
    %get3A_2068 = arith.index_cast %get3A_2067 : i32 to index
    %get3A_2069 = arith.constant 96 : index
    %get3A_2070 = tpu.vector_load %arg7[%get3A_2068, %get3A_2069] {strides = array<i32>} : memref<16x128xi32, #tpu.memory_space<vmem>>, vector<1x16xi32>,
    %get3A_2071 = vector.shape_cast %get3A_2070 : vector<1x16xi32> to vector<16xi32>
    %add3A_2072 = vector.broadcast %mul3A_32 : i32 to vector<16xi32>
    %add3A_2073 = arith.addi %get3A_2071, %add3A_2072 : vector<16xi32>
    %swap3A_2074 = arith.constant 14 : i32
    %swap3A_2075 = arith.index_cast %swap3A_2074 : i32 to index
    %swap3A_2076 = arith.constant 96 : index
    %swap3A_2077 = tpu.vector_load %arg7[%swap3A_2075, %swap3A_2076] {strides = array<i32>} : memref<16x128xi32, #tpu.memory_space<vmem>>, vector<1x16xi32>,
    %swap3A_2078 = vector.shape_cast %swap3A_2077 : vector<1x16xi32> to vector<16xi32>
    %swap3A_2079 = vector.shape_cast %add3A_2073 : vector<16xi32> to vector<1x16xi32>
    tpu.vector_store %arg7[%swap3A_2075, %swap3A_2076], %swap3A_2079 {strides = array<i32>} : memref<16x128xi32, #tpu.memory_space<vmem>>, vector<1x16xi32>,
    %get3A_2080 = arith.constant 14 : i32
    %get3A_2081 = arith.index_cast %get3A_2080 : i32 to index
    %get3A_2082 = arith.constant 112 : index
    %get3A_2083 = tpu.vector_load %arg7[%get3A_2081, %get3A_2082] {strides = array<i32>} : memref<16x128xi32, #tpu.memory_space<vmem>>, vector<1x16xi32>,
    %get3A_2084 = vector.shape_cast %get3A_2083 : vector<1x16xi32> to vector<16xi32>
    %add3A_2085 = vector.broadcast %mul3A_32 : i32 to vector<16xi32>
    %add3A_2086 = arith.addi %get3A_2084, %add3A_2085 : vector<16xi32>
    %swap3A_2087 = arith.constant 14 : i32
    %swap3A_2088 = arith.index_cast %swap3A_2087 : i32 to index
    %swap3A_2089 = arith.constant 112 : index
    %swap3A_2090 = tpu.vector_load %arg7[%swap3A_2088, %swap3A_2089] {strides = array<i32>} : memref<16x128xi32, #tpu.memory_space<vmem>>, vector<1x16xi32>,
    %swap3A_2091 = vector.shape_cast %swap3A_2090 : vector<1x16xi32> to vector<16xi32>
    %swap3A_2092 = vector.shape_cast %add3A_2086 : vector<16xi32> to vector<1x16xi32>
    tpu.vector_store %arg7[%swap3A_2088, %swap3A_2089], %swap3A_2092 {strides = array<i32>} : memref<16x128xi32, #tpu.memory_space<vmem>>, vector<1x16xi32>,
    %dma_start3A_2093 = arith.constant 14 : i32
    %dma_start3A_2094 = arith.constant 14 : i32
    %dma_start3A_2095 = arith.constant 0 : i32
    %dma_start3A_2096 = tpu.memref_slice %arg6[%dma_start3A_2093, %dma_start3A_2095] : memref<16x128xf32, #tpu.memory_space<vmem>> -> memref<1x128xf32, #tpu.memory_space<vmem>>
    %dma_start3A_2097 = tpu.memref_squeeze %dma_start3A_2096 : memref<1x128xf32, #tpu.memory_space<vmem>> -> memref<128xf32, #tpu.memory_space<vmem>>
    %dma_start3A_2098 = arith.constant 0 : i32
    %dma_start3A_2099 = tpu.memref_slice %arg7[%dma_start3A_2094, %dma_start3A_2098] : memref<16x128xi32, #tpu.memory_space<vmem>> -> memref<1x128xi32, #tpu.memory_space<vmem>>
    %dma_start3A_2100 = tpu.memref_squeeze %dma_start3A_2099 : memref<1x128xi32, #tpu.memory_space<vmem>> -> memref<128xi32, #tpu.memory_space<vmem>>
    %dma_start3A_2101 = arith.constant 0 : i32
    %dma_start3A_2102 = tpu.memref_slice %arg9[%dma_start3A_2101] : memref<16384xf32, #tpu.memory_space<vmem_shared>> -> memref<16384xf32, #tpu.memory_space<vmem_shared>>
    tpu.enqueue_indirect_dma source(%dma_start3A_2097 : memref<128xf32, #tpu.memory_space<vmem>>) target(%dma_start3A_2102 : memref<16384xf32, #tpu.memory_space<vmem_shared>>) offsets(%dma_start3A_2100 : memref<128xi32, #tpu.memory_space<vmem>>) semaphore(%arg12 : memref<!tpu.dma_semaphore, #tpu.memory_space<semaphore_mem>>) {add = true}
    %eq3A_2103 = arith.constant 0 : i32
    %eq3A_2104 = arith.cmpi eq, %select_n3A_30, %eq3A_2103 : i32
    %convert_element_type3A_2105 = arith.extui %eq3A_2104 : i1 to i32
    %cond3A_2106 = arith.constant 0 : i32
    %cond3A_2107 = arith.cmpi ne, %convert_element_type3A_2105, %cond3A_2106 : i32
    scf.if %cond3A_2107 {
      %get3A_2385 = arith.constant 15 : i32
      %get3A_2386 = arith.index_cast %get3A_2385 : i32 to index
      %get3A_2387 = arith.constant 0 : index
      %get3A_2388 = tpu.vector_load %arg6[%get3A_2386, %get3A_2387] {strides = array<i32>} : memref<16x128xf32, #tpu.memory_space<vmem>>, vector<1x16xf32>,
      %get3A_2389 = vector.shape_cast %get3A_2388 : vector<1x16xf32> to vector<16xf32>
      %max3A = arith.constant 0.000000e+00 : f32
      %max3A_2390 = vector.broadcast %max3A : f32 to vector<16xf32>
      %max3A_2391 = arith.maximumf %get3A_2389, %max3A_2390 : vector<16xf32>
      %swap3A_2392 = arith.constant 15 : i32
      %swap3A_2393 = arith.index_cast %swap3A_2392 : i32 to index
      %swap3A_2394 = arith.constant 0 : index
      %swap3A_2395 = tpu.vector_load %arg6[%swap3A_2393, %swap3A_2394] {strides = array<i32>} : memref<16x128xf32, #tpu.memory_space<vmem>>, vector<1x16xf32>,
      %swap3A_2396 = vector.shape_cast %swap3A_2395 : vector<1x16xf32> to vector<16xf32>
      %swap3A_2397 = vector.shape_cast %max3A_2391 : vector<16xf32> to vector<1x16xf32>
      tpu.vector_store %arg6[%swap3A_2393, %swap3A_2394], %swap3A_2397 {strides = array<i32>} : memref<16x128xf32, #tpu.memory_space<vmem>>, vector<1x16xf32>,
      %get3A_2398 = arith.constant 15 : i32
      %get3A_2399 = arith.index_cast %get3A_2398 : i32 to index
      %get3A_2400 = arith.constant 16 : index
      %get3A_2401 = tpu.vector_load %arg6[%get3A_2399, %get3A_2400] {strides = array<i32>} : memref<16x128xf32, #tpu.memory_space<vmem>>, vector<1x16xf32>,
      %get3A_2402 = vector.shape_cast %get3A_2401 : vector<1x16xf32> to vector<16xf32>
      %max3A_2403 = arith.constant 0.000000e+00 : f32
      %max3A_2404 = vector.broadcast %max3A_2403 : f32 to vector<16xf32>
      %max3A_2405 = arith.maximumf %get3A_2402, %max3A_2404 : vector<16xf32>
      %swap3A_2406 = arith.constant 15 : i32
      %swap3A_2407 = arith.index_cast %swap3A_2406 : i32 to index
      %swap3A_2408 = arith.constant 16 : index
      %swap3A_2409 = tpu.vector_load %arg6[%swap3A_2407, %swap3A_2408] {strides = array<i32>} : memref<16x128xf32, #tpu.memory_space<vmem>>, vector<1x16xf32>,
      %swap3A_2410 = vector.shape_cast %swap3A_2409 : vector<1x16xf32> to vector<16xf32>
      %swap3A_2411 = vector.shape_cast %max3A_2405 : vector<16xf32> to vector<1x16xf32>
      tpu.vector_store %arg6[%swap3A_2407, %swap3A_2408], %swap3A_2411 {strides = array<i32>} : memref<16x128xf32, #tpu.memory_space<vmem>>, vector<1x16xf32>,
      %get3A_2412 = arith.constant 15 : i32
      %get3A_2413 = arith.index_cast %get3A_2412 : i32 to index
      %get3A_2414 = arith.constant 32 : index
      %get3A_2415 = tpu.vector_load %arg6[%get3A_2413, %get3A_2414] {strides = array<i32>} : memref<16x128xf32, #tpu.memory_space<vmem>>, vector<1x16xf32>,
      %get3A_2416 = vector.shape_cast %get3A_2415 : vector<1x16xf32> to vector<16xf32>
      %max3A_2417 = arith.constant 0.000000e+00 : f32
      %max3A_2418 = vector.broadcast %max3A_2417 : f32 to vector<16xf32>
      %max3A_2419 = arith.maximumf %get3A_2416, %max3A_2418 : vector<16xf32>
      %swap3A_2420 = arith.constant 15 : i32
      %swap3A_2421 = arith.index_cast %swap3A_2420 : i32 to index
      %swap3A_2422 = arith.constant 32 : index
      %swap3A_2423 = tpu.vector_load %arg6[%swap3A_2421, %swap3A_2422] {strides = array<i32>} : memref<16x128xf32, #tpu.memory_space<vmem>>, vector<1x16xf32>,
      %swap3A_2424 = vector.shape_cast %swap3A_2423 : vector<1x16xf32> to vector<16xf32>
      %swap3A_2425 = vector.shape_cast %max3A_2419 : vector<16xf32> to vector<1x16xf32>
      tpu.vector_store %arg6[%swap3A_2421, %swap3A_2422], %swap3A_2425 {strides = array<i32>} : memref<16x128xf32, #tpu.memory_space<vmem>>, vector<1x16xf32>,
      %get3A_2426 = arith.constant 15 : i32
      %get3A_2427 = arith.index_cast %get3A_2426 : i32 to index
      %get3A_2428 = arith.constant 48 : index
      %get3A_2429 = tpu.vector_load %arg6[%get3A_2427, %get3A_2428] {strides = array<i32>} : memref<16x128xf32, #tpu.memory_space<vmem>>, vector<1x16xf32>,
      %get3A_2430 = vector.shape_cast %get3A_2429 : vector<1x16xf32> to vector<16xf32>
      %max3A_2431 = arith.constant 0.000000e+00 : f32
      %max3A_2432 = vector.broadcast %max3A_2431 : f32 to vector<16xf32>
      %max3A_2433 = arith.maximumf %get3A_2430, %max3A_2432 : vector<16xf32>
      %swap3A_2434 = arith.constant 15 : i32
      %swap3A_2435 = arith.index_cast %swap3A_2434 : i32 to index
      %swap3A_2436 = arith.constant 48 : index
      %swap3A_2437 = tpu.vector_load %arg6[%swap3A_2435, %swap3A_2436] {strides = array<i32>} : memref<16x128xf32, #tpu.memory_space<vmem>>, vector<1x16xf32>,
      %swap3A_2438 = vector.shape_cast %swap3A_2437 : vector<1x16xf32> to vector<16xf32>
      %swap3A_2439 = vector.shape_cast %max3A_2433 : vector<16xf32> to vector<1x16xf32>
      tpu.vector_store %arg6[%swap3A_2435, %swap3A_2436], %swap3A_2439 {strides = array<i32>} : memref<16x128xf32, #tpu.memory_space<vmem>>, vector<1x16xf32>,
      %get3A_2440 = arith.constant 15 : i32
      %get3A_2441 = arith.index_cast %get3A_2440 : i32 to index
      %get3A_2442 = arith.constant 64 : index
      %get3A_2443 = tpu.vector_load %arg6[%get3A_2441, %get3A_2442] {strides = array<i32>} : memref<16x128xf32, #tpu.memory_space<vmem>>, vector<1x16xf32>,
      %get3A_2444 = vector.shape_cast %get3A_2443 : vector<1x16xf32> to vector<16xf32>
      %max3A_2445 = arith.constant 0.000000e+00 : f32
      %max3A_2446 = vector.broadcast %max3A_2445 : f32 to vector<16xf32>
      %max3A_2447 = arith.maximumf %get3A_2444, %max3A_2446 : vector<16xf32>
      %swap3A_2448 = arith.constant 15 : i32
      %swap3A_2449 = arith.index_cast %swap3A_2448 : i32 to index
      %swap3A_2450 = arith.constant 64 : index
      %swap3A_2451 = tpu.vector_load %arg6[%swap3A_2449, %swap3A_2450] {strides = array<i32>} : memref<16x128xf32, #tpu.memory_space<vmem>>, vector<1x16xf32>,
      %swap3A_2452 = vector.shape_cast %swap3A_2451 : vector<1x16xf32> to vector<16xf32>
      %swap3A_2453 = vector.shape_cast %max3A_2447 : vector<16xf32> to vector<1x16xf32>
      tpu.vector_store %arg6[%swap3A_2449, %swap3A_2450], %swap3A_2453 {strides = array<i32>} : memref<16x128xf32, #tpu.memory_space<vmem>>, vector<1x16xf32>,
      %get3A_2454 = arith.constant 15 : i32
      %get3A_2455 = arith.index_cast %get3A_2454 : i32 to index
      %get3A_2456 = arith.constant 80 : index
      %get3A_2457 = tpu.vector_load %arg6[%get3A_2455, %get3A_2456] {strides = array<i32>} : memref<16x128xf32, #tpu.memory_space<vmem>>, vector<1x16xf32>,
      %get3A_2458 = vector.shape_cast %get3A_2457 : vector<1x16xf32> to vector<16xf32>
      %max3A_2459 = arith.constant 0.000000e+00 : f32
      %max3A_2460 = vector.broadcast %max3A_2459 : f32 to vector<16xf32>
      %max3A_2461 = arith.maximumf %get3A_2458, %max3A_2460 : vector<16xf32>
      %swap3A_2462 = arith.constant 15 : i32
      %swap3A_2463 = arith.index_cast %swap3A_2462 : i32 to index
      %swap3A_2464 = arith.constant 80 : index
      %swap3A_2465 = tpu.vector_load %arg6[%swap3A_2463, %swap3A_2464] {strides = array<i32>} : memref<16x128xf32, #tpu.memory_space<vmem>>, vector<1x16xf32>,
      %swap3A_2466 = vector.shape_cast %swap3A_2465 : vector<1x16xf32> to vector<16xf32>
      %swap3A_2467 = vector.shape_cast %max3A_2461 : vector<16xf32> to vector<1x16xf32>
      tpu.vector_store %arg6[%swap3A_2463, %swap3A_2464], %swap3A_2467 {strides = array<i32>} : memref<16x128xf32, #tpu.memory_space<vmem>>, vector<1x16xf32>,
      %get3A_2468 = arith.constant 15 : i32
      %get3A_2469 = arith.index_cast %get3A_2468 : i32 to index
      %get3A_2470 = arith.constant 96 : index
      %get3A_2471 = tpu.vector_load %arg6[%get3A_2469, %get3A_2470] {strides = array<i32>} : memref<16x128xf32, #tpu.memory_space<vmem>>, vector<1x16xf32>,
      %get3A_2472 = vector.shape_cast %get3A_2471 : vector<1x16xf32> to vector<16xf32>
      %max3A_2473 = arith.constant 0.000000e+00 : f32
      %max3A_2474 = vector.broadcast %max3A_2473 : f32 to vector<16xf32>
      %max3A_2475 = arith.maximumf %get3A_2472, %max3A_2474 : vector<16xf32>
      %swap3A_2476 = arith.constant 15 : i32
      %swap3A_2477 = arith.index_cast %swap3A_2476 : i32 to index
      %swap3A_2478 = arith.constant 96 : index
      %swap3A_2479 = tpu.vector_load %arg6[%swap3A_2477, %swap3A_2478] {strides = array<i32>} : memref<16x128xf32, #tpu.memory_space<vmem>>, vector<1x16xf32>,
      %swap3A_2480 = vector.shape_cast %swap3A_2479 : vector<1x16xf32> to vector<16xf32>
      %swap3A_2481 = vector.shape_cast %max3A_2475 : vector<16xf32> to vector<1x16xf32>
      tpu.vector_store %arg6[%swap3A_2477, %swap3A_2478], %swap3A_2481 {strides = array<i32>} : memref<16x128xf32, #tpu.memory_space<vmem>>, vector<1x16xf32>,
      %get3A_2482 = arith.constant 15 : i32
      %get3A_2483 = arith.index_cast %get3A_2482 : i32 to index
      %get3A_2484 = arith.constant 112 : index
      %get3A_2485 = tpu.vector_load %arg6[%get3A_2483, %get3A_2484] {strides = array<i32>} : memref<16x128xf32, #tpu.memory_space<vmem>>, vector<1x16xf32>,
      %get3A_2486 = vector.shape_cast %get3A_2485 : vector<1x16xf32> to vector<16xf32>
      %max3A_2487 = arith.constant 0.000000e+00 : f32
      %max3A_2488 = vector.broadcast %max3A_2487 : f32 to vector<16xf32>
      %max3A_2489 = arith.maximumf %get3A_2486, %max3A_2488 : vector<16xf32>
      %swap3A_2490 = arith.constant 15 : i32
      %swap3A_2491 = arith.index_cast %swap3A_2490 : i32 to index
      %swap3A_2492 = arith.constant 112 : index
      %swap3A_2493 = tpu.vector_load %arg6[%swap3A_2491, %swap3A_2492] {strides = array<i32>} : memref<16x128xf32, #tpu.memory_space<vmem>>, vector<1x16xf32>,
      %swap3A_2494 = vector.shape_cast %swap3A_2493 : vector<1x16xf32> to vector<16xf32>
      %swap3A_2495 = vector.shape_cast %max3A_2489 : vector<16xf32> to vector<1x16xf32>
      tpu.vector_store %arg6[%swap3A_2491, %swap3A_2492], %swap3A_2495 {strides = array<i32>} : memref<16x128xf32, #tpu.memory_space<vmem>>, vector<1x16xf32>,
    } else {
    }
    %get3A_2108 = arith.constant 15 : i32
    %get3A_2109 = arith.index_cast %get3A_2108 : i32 to index
    %get3A_2110 = arith.constant 0 : index
    %get3A_2111 = tpu.vector_load %arg7[%get3A_2109, %get3A_2110] {strides = array<i32>} : memref<16x128xi32, #tpu.memory_space<vmem>>, vector<1x16xi32>,
    %get3A_2112 = vector.shape_cast %get3A_2111 : vector<1x16xi32> to vector<16xi32>
    %add3A_2113 = vector.broadcast %mul3A_32 : i32 to vector<16xi32>
    %add3A_2114 = arith.addi %get3A_2112, %add3A_2113 : vector<16xi32>
    %swap3A_2115 = arith.constant 15 : i32
    %swap3A_2116 = arith.index_cast %swap3A_2115 : i32 to index
    %swap3A_2117 = arith.constant 0 : index
    %swap3A_2118 = tpu.vector_load %arg7[%swap3A_2116, %swap3A_2117] {strides = array<i32>} : memref<16x128xi32, #tpu.memory_space<vmem>>, vector<1x16xi32>,
    %swap3A_2119 = vector.shape_cast %swap3A_2118 : vector<1x16xi32> to vector<16xi32>
    %swap3A_2120 = vector.shape_cast %add3A_2114 : vector<16xi32> to vector<1x16xi32>
    tpu.vector_store %arg7[%swap3A_2116, %swap3A_2117], %swap3A_2120 {strides = array<i32>} : memref<16x128xi32, #tpu.memory_space<vmem>>, vector<1x16xi32>,
    %get3A_2121 = arith.constant 15 : i32
    %get3A_2122 = arith.index_cast %get3A_2121 : i32 to index
    %get3A_2123 = arith.constant 16 : index
    %get3A_2124 = tpu.vector_load %arg7[%get3A_2122, %get3A_2123] {strides = array<i32>} : memref<16x128xi32, #tpu.memory_space<vmem>>, vector<1x16xi32>,
    %get3A_2125 = vector.shape_cast %get3A_2124 : vector<1x16xi32> to vector<16xi32>
    %add3A_2126 = vector.broadcast %mul3A_32 : i32 to vector<16xi32>
    %add3A_2127 = arith.addi %get3A_2125, %add3A_2126 : vector<16xi32>
    %swap3A_2128 = arith.constant 15 : i32
    %swap3A_2129 = arith.index_cast %swap3A_2128 : i32 to index
    %swap3A_2130 = arith.constant 16 : index
    %swap3A_2131 = tpu.vector_load %arg7[%swap3A_2129, %swap3A_2130] {strides = array<i32>} : memref<16x128xi32, #tpu.memory_space<vmem>>, vector<1x16xi32>,
    %swap3A_2132 = vector.shape_cast %swap3A_2131 : vector<1x16xi32> to vector<16xi32>
    %swap3A_2133 = vector.shape_cast %add3A_2127 : vector<16xi32> to vector<1x16xi32>
    tpu.vector_store %arg7[%swap3A_2129, %swap3A_2130], %swap3A_2133 {strides = array<i32>} : memref<16x128xi32, #tpu.memory_space<vmem>>, vector<1x16xi32>,
    %get3A_2134 = arith.constant 15 : i32
    %get3A_2135 = arith.index_cast %get3A_2134 : i32 to index
    %get3A_2136 = arith.constant 32 : index
    %get3A_2137 = tpu.vector_load %arg7[%get3A_2135, %get3A_2136] {strides = array<i32>} : memref<16x128xi32, #tpu.memory_space<vmem>>, vector<1x16xi32>,
    %get3A_2138 = vector.shape_cast %get3A_2137 : vector<1x16xi32> to vector<16xi32>
    %add3A_2139 = vector.broadcast %mul3A_32 : i32 to vector<16xi32>
    %add3A_2140 = arith.addi %get3A_2138, %add3A_2139 : vector<16xi32>
    %swap3A_2141 = arith.constant 15 : i32
    %swap3A_2142 = arith.index_cast %swap3A_2141 : i32 to index
    %swap3A_2143 = arith.constant 32 : index
    %swap3A_2144 = tpu.vector_load %arg7[%swap3A_2142, %swap3A_2143] {strides = array<i32>} : memref<16x128xi32, #tpu.memory_space<vmem>>, vector<1x16xi32>,
    %swap3A_2145 = vector.shape_cast %swap3A_2144 : vector<1x16xi32> to vector<16xi32>
    %swap3A_2146 = vector.shape_cast %add3A_2140 : vector<16xi32> to vector<1x16xi32>
    tpu.vector_store %arg7[%swap3A_2142, %swap3A_2143], %swap3A_2146 {strides = array<i32>} : memref<16x128xi32, #tpu.memory_space<vmem>>, vector<1x16xi32>,
    %get3A_2147 = arith.constant 15 : i32
    %get3A_2148 = arith.index_cast %get3A_2147 : i32 to index
    %get3A_2149 = arith.constant 48 : index
    %get3A_2150 = tpu.vector_load %arg7[%get3A_2148, %get3A_2149] {strides = array<i32>} : memref<16x128xi32, #tpu.memory_space<vmem>>, vector<1x16xi32>,
    %get3A_2151 = vector.shape_cast %get3A_2150 : vector<1x16xi32> to vector<16xi32>
    %add3A_2152 = vector.broadcast %mul3A_32 : i32 to vector<16xi32>
    %add3A_2153 = arith.addi %get3A_2151, %add3A_2152 : vector<16xi32>
    %swap3A_2154 = arith.constant 15 : i32
    %swap3A_2155 = arith.index_cast %swap3A_2154 : i32 to index
    %swap3A_2156 = arith.constant 48 : index
    %swap3A_2157 = tpu.vector_load %arg7[%swap3A_2155, %swap3A_2156] {strides = array<i32>} : memref<16x128xi32, #tpu.memory_space<vmem>>, vector<1x16xi32>,
    %swap3A_2158 = vector.shape_cast %swap3A_2157 : vector<1x16xi32> to vector<16xi32>
    %swap3A_2159 = vector.shape_cast %add3A_2153 : vector<16xi32> to vector<1x16xi32>
    tpu.vector_store %arg7[%swap3A_2155, %swap3A_2156], %swap3A_2159 {strides = array<i32>} : memref<16x128xi32, #tpu.memory_space<vmem>>, vector<1x16xi32>,
    %get3A_2160 = arith.constant 15 : i32
    %get3A_2161 = arith.index_cast %get3A_2160 : i32 to index
    %get3A_2162 = arith.constant 64 : index
    %get3A_2163 = tpu.vector_load %arg7[%get3A_2161, %get3A_2162] {strides = array<i32>} : memref<16x128xi32, #tpu.memory_space<vmem>>, vector<1x16xi32>,
    %get3A_2164 = vector.shape_cast %get3A_2163 : vector<1x16xi32> to vector<16xi32>
    %add3A_2165 = vector.broadcast %mul3A_32 : i32 to vector<16xi32>
    %add3A_2166 = arith.addi %get3A_2164, %add3A_2165 : vector<16xi32>
    %swap3A_2167 = arith.constant 15 : i32
    %swap3A_2168 = arith.index_cast %swap3A_2167 : i32 to index
    %swap3A_2169 = arith.constant 64 : index
    %swap3A_2170 = tpu.vector_load %arg7[%swap3A_2168, %swap3A_2169] {strides = array<i32>} : memref<16x128xi32, #tpu.memory_space<vmem>>, vector<1x16xi32>,
    %swap3A_2171 = vector.shape_cast %swap3A_2170 : vector<1x16xi32> to vector<16xi32>
    %swap3A_2172 = vector.shape_cast %add3A_2166 : vector<16xi32> to vector<1x16xi32>
    tpu.vector_store %arg7[%swap3A_2168, %swap3A_2169], %swap3A_2172 {strides = array<i32>} : memref<16x128xi32, #tpu.memory_space<vmem>>, vector<1x16xi32>,
    %get3A_2173 = arith.constant 15 : i32
    %get3A_2174 = arith.index_cast %get3A_2173 : i32 to index
    %get3A_2175 = arith.constant 80 : index
    %get3A_2176 = tpu.vector_load %arg7[%get3A_2174, %get3A_2175] {strides = array<i32>} : memref<16x128xi32, #tpu.memory_space<vmem>>, vector<1x16xi32>,
    %get3A_2177 = vector.shape_cast %get3A_2176 : vector<1x16xi32> to vector<16xi32>
    %add3A_2178 = vector.broadcast %mul3A_32 : i32 to vector<16xi32>
    %add3A_2179 = arith.addi %get3A_2177, %add3A_2178 : vector<16xi32>
    %swap3A_2180 = arith.constant 15 : i32
    %swap3A_2181 = arith.index_cast %swap3A_2180 : i32 to index
    %swap3A_2182 = arith.constant 80 : index
    %swap3A_2183 = tpu.vector_load %arg7[%swap3A_2181, %swap3A_2182] {strides = array<i32>} : memref<16x128xi32, #tpu.memory_space<vmem>>, vector<1x16xi32>,
    %swap3A_2184 = vector.shape_cast %swap3A_2183 : vector<1x16xi32> to vector<16xi32>
    %swap3A_2185 = vector.shape_cast %add3A_2179 : vector<16xi32> to vector<1x16xi32>
    tpu.vector_store %arg7[%swap3A_2181, %swap3A_2182], %swap3A_2185 {strides = array<i32>} : memref<16x128xi32, #tpu.memory_space<vmem>>, vector<1x16xi32>,
    %get3A_2186 = arith.constant 15 : i32
    %get3A_2187 = arith.index_cast %get3A_2186 : i32 to index
    %get3A_2188 = arith.constant 96 : index
    %get3A_2189 = tpu.vector_load %arg7[%get3A_2187, %get3A_2188] {strides = array<i32>} : memref<16x128xi32, #tpu.memory_space<vmem>>, vector<1x16xi32>,
    %get3A_2190 = vector.shape_cast %get3A_2189 : vector<1x16xi32> to vector<16xi32>
    %add3A_2191 = vector.broadcast %mul3A_32 : i32 to vector<16xi32>
    %add3A_2192 = arith.addi %get3A_2190, %add3A_2191 : vector<16xi32>
    %swap3A_2193 = arith.constant 15 : i32
    %swap3A_2194 = arith.index_cast %swap3A_2193 : i32 to index
    %swap3A_2195 = arith.constant 96 : index
    %swap3A_2196 = tpu.vector_load %arg7[%swap3A_2194, %swap3A_2195] {strides = array<i32>} : memref<16x128xi32, #tpu.memory_space<vmem>>, vector<1x16xi32>,
    %swap3A_2197 = vector.shape_cast %swap3A_2196 : vector<1x16xi32> to vector<16xi32>
    %swap3A_2198 = vector.shape_cast %add3A_2192 : vector<16xi32> to vector<1x16xi32>
    tpu.vector_store %arg7[%swap3A_2194, %swap3A_2195], %swap3A_2198 {strides = array<i32>} : memref<16x128xi32, #tpu.memory_space<vmem>>, vector<1x16xi32>,
    %get3A_2199 = arith.constant 15 : i32
    %get3A_2200 = arith.index_cast %get3A_2199 : i32 to index
    %get3A_2201 = arith.constant 112 : index
    %get3A_2202 = tpu.vector_load %arg7[%get3A_2200, %get3A_2201] {strides = array<i32>} : memref<16x128xi32, #tpu.memory_space<vmem>>, vector<1x16xi32>,
    %get3A_2203 = vector.shape_cast %get3A_2202 : vector<1x16xi32> to vector<16xi32>
    %add3A_2204 = vector.broadcast %mul3A_32 : i32 to vector<16xi32>
    %add3A_2205 = arith.addi %get3A_2203, %add3A_2204 : vector<16xi32>
    %swap3A_2206 = arith.constant 15 : i32
    %swap3A_2207 = arith.index_cast %swap3A_2206 : i32 to index
    %swap3A_2208 = arith.constant 112 : index
    %swap3A_2209 = tpu.vector_load %arg7[%swap3A_2207, %swap3A_2208] {strides = array<i32>} : memref<16x128xi32, #tpu.memory_space<vmem>>, vector<1x16xi32>,
    %swap3A_2210 = vector.shape_cast %swap3A_2209 : vector<1x16xi32> to vector<16xi32>
    %swap3A_2211 = vector.shape_cast %add3A_2205 : vector<16xi32> to vector<1x16xi32>
    tpu.vector_store %arg7[%swap3A_2207, %swap3A_2208], %swap3A_2211 {strides = array<i32>} : memref<16x128xi32, #tpu.memory_space<vmem>>, vector<1x16xi32>,
    %dma_start3A_2212 = arith.constant 15 : i32
    %dma_start3A_2213 = arith.constant 15 : i32
    %dma_start3A_2214 = arith.constant 0 : i32
    %dma_start3A_2215 = tpu.memref_slice %arg6[%dma_start3A_2212, %dma_start3A_2214] : memref<16x128xf32, #tpu.memory_space<vmem>> -> memref<1x128xf32, #tpu.memory_space<vmem>>
    %dma_start3A_2216 = tpu.memref_squeeze %dma_start3A_2215 : memref<1x128xf32, #tpu.memory_space<vmem>> -> memref<128xf32, #tpu.memory_space<vmem>>
    %dma_start3A_2217 = arith.constant 0 : i32
    %dma_start3A_2218 = tpu.memref_slice %arg7[%dma_start3A_2213, %dma_start3A_2217] : memref<16x128xi32, #tpu.memory_space<vmem>> -> memref<1x128xi32, #tpu.memory_space<vmem>>
    %dma_start3A_2219 = tpu.memref_squeeze %dma_start3A_2218 : memref<1x128xi32, #tpu.memory_space<vmem>> -> memref<128xi32, #tpu.memory_space<vmem>>
    %dma_start3A_2220 = arith.constant 0 : i32
    %dma_start3A_2221 = tpu.memref_slice %arg9[%dma_start3A_2220] : memref<16384xf32, #tpu.memory_space<vmem_shared>> -> memref<16384xf32, #tpu.memory_space<vmem_shared>>
    tpu.enqueue_indirect_dma source(%dma_start3A_2216 : memref<128xf32, #tpu.memory_space<vmem>>) target(%dma_start3A_2221 : memref<16384xf32, #tpu.memory_space<vmem_shared>>) offsets(%dma_start3A_2219 : memref<128xi32, #tpu.memory_space<vmem>>) semaphore(%arg12 : memref<!tpu.dma_semaphore, #tpu.memory_space<semaphore_mem>>) {add = true}
    %dma_wait3A_2222 = arith.constant 0 : i32
    %dma_wait3A_2223 = arith.constant 0 : i32
    %dma_wait3A_2224 = arith.constant 0 : i32
    %dma_wait3A_2225 = tpu.memref_slice %arg6[%dma_wait3A_2222, %dma_wait3A_2224] : memref<16x128xf32, #tpu.memory_space<vmem>> -> memref<1x128xf32, #tpu.memory_space<vmem>>
    %dma_wait3A_2226 = tpu.memref_squeeze %dma_wait3A_2225 : memref<1x128xf32, #tpu.memory_space<vmem>> -> memref<128xf32, #tpu.memory_space<vmem>>
    %dma_wait3A_2227 = arith.constant 0 : i32
    %dma_wait3A_2228 = tpu.memref_slice %arg7[%dma_wait3A_2223, %dma_wait3A_2227] : memref<16x128xi32, #tpu.memory_space<vmem>> -> memref<1x128xi32, #tpu.memory_space<vmem>>
    %dma_wait3A_2229 = tpu.memref_squeeze %dma_wait3A_2228 : memref<1x128xi32, #tpu.memory_space<vmem>> -> memref<128xi32, #tpu.memory_space<vmem>>
    %dma_wait3A_2230 = arith.constant 0 : i32
    %dma_wait3A_2231 = tpu.memref_slice %arg9[%dma_wait3A_2230] : memref<16384xf32, #tpu.memory_space<vmem_shared>> -> memref<16384xf32, #tpu.memory_space<vmem_shared>>
    tpu.wait_indirect_dma semaphore(%arg12 : memref<!tpu.dma_semaphore, #tpu.memory_space<semaphore_mem>>) src(%dma_wait3A_2226 : memref<128xf32, #tpu.memory_space<vmem>>) dst(%dma_wait3A_2231 : memref<16384xf32, #tpu.memory_space<vmem_shared>>)
    %dma_wait3A_2232 = arith.constant 1 : i32
    %dma_wait3A_2233 = arith.constant 1 : i32
    %dma_wait3A_2234 = arith.constant 0 : i32
    %dma_wait3A_2235 = tpu.memref_slice %arg6[%dma_wait3A_2232, %dma_wait3A_2234] : memref<16x128xf32, #tpu.memory_space<vmem>> -> memref<1x128xf32, #tpu.memory_space<vmem>>
    %dma_wait3A_2236 = tpu.memref_squeeze %dma_wait3A_2235 : memref<1x128xf32, #tpu.memory_space<vmem>> -> memref<128xf32, #tpu.memory_space<vmem>>
    %dma_wait3A_2237 = arith.constant 0 : i32
    %dma_wait3A_2238 = tpu.memref_slice %arg7[%dma_wait3A_2233, %dma_wait3A_2237] : memref<16x128xi32, #tpu.memory_space<vmem>> -> memref<1x128xi32, #tpu.memory_space<vmem>>
    %dma_wait3A_2239 = tpu.memref_squeeze %dma_wait3A_2238 : memref<1x128xi32, #tpu.memory_space<vmem>> -> memref<128xi32, #tpu.memory_space<vmem>>
    %dma_wait3A_2240 = arith.constant 0 : i32
    %dma_wait3A_2241 = tpu.memref_slice %arg9[%dma_wait3A_2240] : memref<16384xf32, #tpu.memory_space<vmem_shared>> -> memref<16384xf32, #tpu.memory_space<vmem_shared>>
    tpu.wait_indirect_dma semaphore(%arg12 : memref<!tpu.dma_semaphore, #tpu.memory_space<semaphore_mem>>) src(%dma_wait3A_2236 : memref<128xf32, #tpu.memory_space<vmem>>) dst(%dma_wait3A_2241 : memref<16384xf32, #tpu.memory_space<vmem_shared>>)
    %dma_wait3A_2242 = arith.constant 2 : i32
    %dma_wait3A_2243 = arith.constant 2 : i32
    %dma_wait3A_2244 = arith.constant 0 : i32
    %dma_wait3A_2245 = tpu.memref_slice %arg6[%dma_wait3A_2242, %dma_wait3A_2244] : memref<16x128xf32, #tpu.memory_space<vmem>> -> memref<1x128xf32, #tpu.memory_space<vmem>>
    %dma_wait3A_2246 = tpu.memref_squeeze %dma_wait3A_2245 : memref<1x128xf32, #tpu.memory_space<vmem>> -> memref<128xf32, #tpu.memory_space<vmem>>
    %dma_wait3A_2247 = arith.constant 0 : i32
    %dma_wait3A_2248 = tpu.memref_slice %arg7[%dma_wait3A_2243, %dma_wait3A_2247] : memref<16x128xi32, #tpu.memory_space<vmem>> -> memref<1x128xi32, #tpu.memory_space<vmem>>
    %dma_wait3A_2249 = tpu.memref_squeeze %dma_wait3A_2248 : memref<1x128xi32, #tpu.memory_space<vmem>> -> memref<128xi32, #tpu.memory_space<vmem>>
    %dma_wait3A_2250 = arith.constant 0 : i32
    %dma_wait3A_2251 = tpu.memref_slice %arg9[%dma_wait3A_2250] : memref<16384xf32, #tpu.memory_space<vmem_shared>> -> memref<16384xf32, #tpu.memory_space<vmem_shared>>
    tpu.wait_indirect_dma semaphore(%arg12 : memref<!tpu.dma_semaphore, #tpu.memory_space<semaphore_mem>>) src(%dma_wait3A_2246 : memref<128xf32, #tpu.memory_space<vmem>>) dst(%dma_wait3A_2251 : memref<16384xf32, #tpu.memory_space<vmem_shared>>)
    %dma_wait3A_2252 = arith.constant 3 : i32
    %dma_wait3A_2253 = arith.constant 3 : i32
    %dma_wait3A_2254 = arith.constant 0 : i32
    %dma_wait3A_2255 = tpu.memref_slice %arg6[%dma_wait3A_2252, %dma_wait3A_2254] : memref<16x128xf32, #tpu.memory_space<vmem>> -> memref<1x128xf32, #tpu.memory_space<vmem>>
    %dma_wait3A_2256 = tpu.memref_squeeze %dma_wait3A_2255 : memref<1x128xf32, #tpu.memory_space<vmem>> -> memref<128xf32, #tpu.memory_space<vmem>>
    %dma_wait3A_2257 = arith.constant 0 : i32
    %dma_wait3A_2258 = tpu.memref_slice %arg7[%dma_wait3A_2253, %dma_wait3A_2257] : memref<16x128xi32, #tpu.memory_space<vmem>> -> memref<1x128xi32, #tpu.memory_space<vmem>>
    %dma_wait3A_2259 = tpu.memref_squeeze %dma_wait3A_2258 : memref<1x128xi32, #tpu.memory_space<vmem>> -> memref<128xi32, #tpu.memory_space<vmem>>
    %dma_wait3A_2260 = arith.constant 0 : i32
    %dma_wait3A_2261 = tpu.memref_slice %arg9[%dma_wait3A_2260] : memref<16384xf32, #tpu.memory_space<vmem_shared>> -> memref<16384xf32, #tpu.memory_space<vmem_shared>>
    tpu.wait_indirect_dma semaphore(%arg12 : memref<!tpu.dma_semaphore, #tpu.memory_space<semaphore_mem>>) src(%dma_wait3A_2256 : memref<128xf32, #tpu.memory_space<vmem>>) dst(%dma_wait3A_2261 : memref<16384xf32, #tpu.memory_space<vmem_shared>>)
    %dma_wait3A_2262 = arith.constant 4 : i32
    %dma_wait3A_2263 = arith.constant 4 : i32
    %dma_wait3A_2264 = arith.constant 0 : i32
    %dma_wait3A_2265 = tpu.memref_slice %arg6[%dma_wait3A_2262, %dma_wait3A_2264] : memref<16x128xf32, #tpu.memory_space<vmem>> -> memref<1x128xf32, #tpu.memory_space<vmem>>
    %dma_wait3A_2266 = tpu.memref_squeeze %dma_wait3A_2265 : memref<1x128xf32, #tpu.memory_space<vmem>> -> memref<128xf32, #tpu.memory_space<vmem>>
    %dma_wait3A_2267 = arith.constant 0 : i32
    %dma_wait3A_2268 = tpu.memref_slice %arg7[%dma_wait3A_2263, %dma_wait3A_2267] : memref<16x128xi32, #tpu.memory_space<vmem>> -> memref<1x128xi32, #tpu.memory_space<vmem>>
    %dma_wait3A_2269 = tpu.memref_squeeze %dma_wait3A_2268 : memref<1x128xi32, #tpu.memory_space<vmem>> -> memref<128xi32, #tpu.memory_space<vmem>>
    %dma_wait3A_2270 = arith.constant 0 : i32
    %dma_wait3A_2271 = tpu.memref_slice %arg9[%dma_wait3A_2270] : memref<16384xf32, #tpu.memory_space<vmem_shared>> -> memref<16384xf32, #tpu.memory_space<vmem_shared>>
    tpu.wait_indirect_dma semaphore(%arg12 : memref<!tpu.dma_semaphore, #tpu.memory_space<semaphore_mem>>) src(%dma_wait3A_2266 : memref<128xf32, #tpu.memory_space<vmem>>) dst(%dma_wait3A_2271 : memref<16384xf32, #tpu.memory_space<vmem_shared>>)
    %dma_wait3A_2272 = arith.constant 5 : i32
    %dma_wait3A_2273 = arith.constant 5 : i32
    %dma_wait3A_2274 = arith.constant 0 : i32
    %dma_wait3A_2275 = tpu.memref_slice %arg6[%dma_wait3A_2272, %dma_wait3A_2274] : memref<16x128xf32, #tpu.memory_space<vmem>> -> memref<1x128xf32, #tpu.memory_space<vmem>>
    %dma_wait3A_2276 = tpu.memref_squeeze %dma_wait3A_2275 : memref<1x128xf32, #tpu.memory_space<vmem>> -> memref<128xf32, #tpu.memory_space<vmem>>
    %dma_wait3A_2277 = arith.constant 0 : i32
    %dma_wait3A_2278 = tpu.memref_slice %arg7[%dma_wait3A_2273, %dma_wait3A_2277] : memref<16x128xi32, #tpu.memory_space<vmem>> -> memref<1x128xi32, #tpu.memory_space<vmem>>
    %dma_wait3A_2279 = tpu.memref_squeeze %dma_wait3A_2278 : memref<1x128xi32, #tpu.memory_space<vmem>> -> memref<128xi32, #tpu.memory_space<vmem>>
    %dma_wait3A_2280 = arith.constant 0 : i32
    %dma_wait3A_2281 = tpu.memref_slice %arg9[%dma_wait3A_2280] : memref<16384xf32, #tpu.memory_space<vmem_shared>> -> memref<16384xf32, #tpu.memory_space<vmem_shared>>
    tpu.wait_indirect_dma semaphore(%arg12 : memref<!tpu.dma_semaphore, #tpu.memory_space<semaphore_mem>>) src(%dma_wait3A_2276 : memref<128xf32, #tpu.memory_space<vmem>>) dst(%dma_wait3A_2281 : memref<16384xf32, #tpu.memory_space<vmem_shared>>)
    %dma_wait3A_2282 = arith.constant 6 : i32
    %dma_wait3A_2283 = arith.constant 6 : i32
    %dma_wait3A_2284 = arith.constant 0 : i32
    %dma_wait3A_2285 = tpu.memref_slice %arg6[%dma_wait3A_2282, %dma_wait3A_2284] : memref<16x128xf32, #tpu.memory_space<vmem>> -> memref<1x128xf32, #tpu.memory_space<vmem>>
    %dma_wait3A_2286 = tpu.memref_squeeze %dma_wait3A_2285 : memref<1x128xf32, #tpu.memory_space<vmem>> -> memref<128xf32, #tpu.memory_space<vmem>>
    %dma_wait3A_2287 = arith.constant 0 : i32
    %dma_wait3A_2288 = tpu.memref_slice %arg7[%dma_wait3A_2283, %dma_wait3A_2287] : memref<16x128xi32, #tpu.memory_space<vmem>> -> memref<1x128xi32, #tpu.memory_space<vmem>>
    %dma_wait3A_2289 = tpu.memref_squeeze %dma_wait3A_2288 : memref<1x128xi32, #tpu.memory_space<vmem>> -> memref<128xi32, #tpu.memory_space<vmem>>
    %dma_wait3A_2290 = arith.constant 0 : i32
    %dma_wait3A_2291 = tpu.memref_slice %arg9[%dma_wait3A_2290] : memref<16384xf32, #tpu.memory_space<vmem_shared>> -> memref<16384xf32, #tpu.memory_space<vmem_shared>>
    tpu.wait_indirect_dma semaphore(%arg12 : memref<!tpu.dma_semaphore, #tpu.memory_space<semaphore_mem>>) src(%dma_wait3A_2286 : memref<128xf32, #tpu.memory_space<vmem>>) dst(%dma_wait3A_2291 : memref<16384xf32, #tpu.memory_space<vmem_shared>>)
    %dma_wait3A_2292 = arith.constant 7 : i32
    %dma_wait3A_2293 = arith.constant 7 : i32
    %dma_wait3A_2294 = arith.constant 0 : i32
    %dma_wait3A_2295 = tpu.memref_slice %arg6[%dma_wait3A_2292, %dma_wait3A_2294] : memref<16x128xf32, #tpu.memory_space<vmem>> -> memref<1x128xf32, #tpu.memory_space<vmem>>
    %dma_wait3A_2296 = tpu.memref_squeeze %dma_wait3A_2295 : memref<1x128xf32, #tpu.memory_space<vmem>> -> memref<128xf32, #tpu.memory_space<vmem>>
    %dma_wait3A_2297 = arith.constant 0 : i32
    %dma_wait3A_2298 = tpu.memref_slice %arg7[%dma_wait3A_2293, %dma_wait3A_2297] : memref<16x128xi32, #tpu.memory_space<vmem>> -> memref<1x128xi32, #tpu.memory_space<vmem>>
    %dma_wait3A_2299 = tpu.memref_squeeze %dma_wait3A_2298 : memref<1x128xi32, #tpu.memory_space<vmem>> -> memref<128xi32, #tpu.memory_space<vmem>>
    %dma_wait3A_2300 = arith.constant 0 : i32
    %dma_wait3A_2301 = tpu.memref_slice %arg9[%dma_wait3A_2300] : memref<16384xf32, #tpu.memory_space<vmem_shared>> -> memref<16384xf32, #tpu.memory_space<vmem_shared>>
    tpu.wait_indirect_dma semaphore(%arg12 : memref<!tpu.dma_semaphore, #tpu.memory_space<semaphore_mem>>) src(%dma_wait3A_2296 : memref<128xf32, #tpu.memory_space<vmem>>) dst(%dma_wait3A_2301 : memref<16384xf32, #tpu.memory_space<vmem_shared>>)
    %dma_wait3A_2302 = arith.constant 8 : i32
    %dma_wait3A_2303 = arith.constant 8 : i32
    %dma_wait3A_2304 = arith.constant 0 : i32
    %dma_wait3A_2305 = tpu.memref_slice %arg6[%dma_wait3A_2302, %dma_wait3A_2304] : memref<16x128xf32, #tpu.memory_space<vmem>> -> memref<1x128xf32, #tpu.memory_space<vmem>>
    %dma_wait3A_2306 = tpu.memref_squeeze %dma_wait3A_2305 : memref<1x128xf32, #tpu.memory_space<vmem>> -> memref<128xf32, #tpu.memory_space<vmem>>
    %dma_wait3A_2307 = arith.constant 0 : i32
    %dma_wait3A_2308 = tpu.memref_slice %arg7[%dma_wait3A_2303, %dma_wait3A_2307] : memref<16x128xi32, #tpu.memory_space<vmem>> -> memref<1x128xi32, #tpu.memory_space<vmem>>
    %dma_wait3A_2309 = tpu.memref_squeeze %dma_wait3A_2308 : memref<1x128xi32, #tpu.memory_space<vmem>> -> memref<128xi32, #tpu.memory_space<vmem>>
    %dma_wait3A_2310 = arith.constant 0 : i32
    %dma_wait3A_2311 = tpu.memref_slice %arg9[%dma_wait3A_2310] : memref<16384xf32, #tpu.memory_space<vmem_shared>> -> memref<16384xf32, #tpu.memory_space<vmem_shared>>
    tpu.wait_indirect_dma semaphore(%arg12 : memref<!tpu.dma_semaphore, #tpu.memory_space<semaphore_mem>>) src(%dma_wait3A_2306 : memref<128xf32, #tpu.memory_space<vmem>>) dst(%dma_wait3A_2311 : memref<16384xf32, #tpu.memory_space<vmem_shared>>)
    %dma_wait3A_2312 = arith.constant 9 : i32
    %dma_wait3A_2313 = arith.constant 9 : i32
    %dma_wait3A_2314 = arith.constant 0 : i32
    %dma_wait3A_2315 = tpu.memref_slice %arg6[%dma_wait3A_2312, %dma_wait3A_2314] : memref<16x128xf32, #tpu.memory_space<vmem>> -> memref<1x128xf32, #tpu.memory_space<vmem>>
    %dma_wait3A_2316 = tpu.memref_squeeze %dma_wait3A_2315 : memref<1x128xf32, #tpu.memory_space<vmem>> -> memref<128xf32, #tpu.memory_space<vmem>>
    %dma_wait3A_2317 = arith.constant 0 : i32
    %dma_wait3A_2318 = tpu.memref_slice %arg7[%dma_wait3A_2313, %dma_wait3A_2317] : memref<16x128xi32, #tpu.memory_space<vmem>> -> memref<1x128xi32, #tpu.memory_space<vmem>>
    %dma_wait3A_2319 = tpu.memref_squeeze %dma_wait3A_2318 : memref<1x128xi32, #tpu.memory_space<vmem>> -> memref<128xi32, #tpu.memory_space<vmem>>
    %dma_wait3A_2320 = arith.constant 0 : i32
    %dma_wait3A_2321 = tpu.memref_slice %arg9[%dma_wait3A_2320] : memref<16384xf32, #tpu.memory_space<vmem_shared>> -> memref<16384xf32, #tpu.memory_space<vmem_shared>>
    tpu.wait_indirect_dma semaphore(%arg12 : memref<!tpu.dma_semaphore, #tpu.memory_space<semaphore_mem>>) src(%dma_wait3A_2316 : memref<128xf32, #tpu.memory_space<vmem>>) dst(%dma_wait3A_2321 : memref<16384xf32, #tpu.memory_space<vmem_shared>>)
    %dma_wait3A_2322 = arith.constant 10 : i32
    %dma_wait3A_2323 = arith.constant 10 : i32
    %dma_wait3A_2324 = arith.constant 0 : i32
    %dma_wait3A_2325 = tpu.memref_slice %arg6[%dma_wait3A_2322, %dma_wait3A_2324] : memref<16x128xf32, #tpu.memory_space<vmem>> -> memref<1x128xf32, #tpu.memory_space<vmem>>
    %dma_wait3A_2326 = tpu.memref_squeeze %dma_wait3A_2325 : memref<1x128xf32, #tpu.memory_space<vmem>> -> memref<128xf32, #tpu.memory_space<vmem>>
    %dma_wait3A_2327 = arith.constant 0 : i32
    %dma_wait3A_2328 = tpu.memref_slice %arg7[%dma_wait3A_2323, %dma_wait3A_2327] : memref<16x128xi32, #tpu.memory_space<vmem>> -> memref<1x128xi32, #tpu.memory_space<vmem>>
    %dma_wait3A_2329 = tpu.memref_squeeze %dma_wait3A_2328 : memref<1x128xi32, #tpu.memory_space<vmem>> -> memref<128xi32, #tpu.memory_space<vmem>>
    %dma_wait3A_2330 = arith.constant 0 : i32
    %dma_wait3A_2331 = tpu.memref_slice %arg9[%dma_wait3A_2330] : memref<16384xf32, #tpu.memory_space<vmem_shared>> -> memref<16384xf32, #tpu.memory_space<vmem_shared>>
    tpu.wait_indirect_dma semaphore(%arg12 : memref<!tpu.dma_semaphore, #tpu.memory_space<semaphore_mem>>) src(%dma_wait3A_2326 : memref<128xf32, #tpu.memory_space<vmem>>) dst(%dma_wait3A_2331 : memref<16384xf32, #tpu.memory_space<vmem_shared>>)
    %dma_wait3A_2332 = arith.constant 11 : i32
    %dma_wait3A_2333 = arith.constant 11 : i32
    %dma_wait3A_2334 = arith.constant 0 : i32
    %dma_wait3A_2335 = tpu.memref_slice %arg6[%dma_wait3A_2332, %dma_wait3A_2334] : memref<16x128xf32, #tpu.memory_space<vmem>> -> memref<1x128xf32, #tpu.memory_space<vmem>>
    %dma_wait3A_2336 = tpu.memref_squeeze %dma_wait3A_2335 : memref<1x128xf32, #tpu.memory_space<vmem>> -> memref<128xf32, #tpu.memory_space<vmem>>
    %dma_wait3A_2337 = arith.constant 0 : i32
    %dma_wait3A_2338 = tpu.memref_slice %arg7[%dma_wait3A_2333, %dma_wait3A_2337] : memref<16x128xi32, #tpu.memory_space<vmem>> -> memref<1x128xi32, #tpu.memory_space<vmem>>
    %dma_wait3A_2339 = tpu.memref_squeeze %dma_wait3A_2338 : memref<1x128xi32, #tpu.memory_space<vmem>> -> memref<128xi32, #tpu.memory_space<vmem>>
    %dma_wait3A_2340 = arith.constant 0 : i32
    %dma_wait3A_2341 = tpu.memref_slice %arg9[%dma_wait3A_2340] : memref<16384xf32, #tpu.memory_space<vmem_shared>> -> memref<16384xf32, #tpu.memory_space<vmem_shared>>
    tpu.wait_indirect_dma semaphore(%arg12 : memref<!tpu.dma_semaphore, #tpu.memory_space<semaphore_mem>>) src(%dma_wait3A_2336 : memref<128xf32, #tpu.memory_space<vmem>>) dst(%dma_wait3A_2341 : memref<16384xf32, #tpu.memory_space<vmem_shared>>)
    %dma_wait3A_2342 = arith.constant 12 : i32
    %dma_wait3A_2343 = arith.constant 12 : i32
    %dma_wait3A_2344 = arith.constant 0 : i32
    %dma_wait3A_2345 = tpu.memref_slice %arg6[%dma_wait3A_2342, %dma_wait3A_2344] : memref<16x128xf32, #tpu.memory_space<vmem>> -> memref<1x128xf32, #tpu.memory_space<vmem>>
    %dma_wait3A_2346 = tpu.memref_squeeze %dma_wait3A_2345 : memref<1x128xf32, #tpu.memory_space<vmem>> -> memref<128xf32, #tpu.memory_space<vmem>>
    %dma_wait3A_2347 = arith.constant 0 : i32
    %dma_wait3A_2348 = tpu.memref_slice %arg7[%dma_wait3A_2343, %dma_wait3A_2347] : memref<16x128xi32, #tpu.memory_space<vmem>> -> memref<1x128xi32, #tpu.memory_space<vmem>>
    %dma_wait3A_2349 = tpu.memref_squeeze %dma_wait3A_2348 : memref<1x128xi32, #tpu.memory_space<vmem>> -> memref<128xi32, #tpu.memory_space<vmem>>
    %dma_wait3A_2350 = arith.constant 0 : i32
    %dma_wait3A_2351 = tpu.memref_slice %arg9[%dma_wait3A_2350] : memref<16384xf32, #tpu.memory_space<vmem_shared>> -> memref<16384xf32, #tpu.memory_space<vmem_shared>>
    tpu.wait_indirect_dma semaphore(%arg12 : memref<!tpu.dma_semaphore, #tpu.memory_space<semaphore_mem>>) src(%dma_wait3A_2346 : memref<128xf32, #tpu.memory_space<vmem>>) dst(%dma_wait3A_2351 : memref<16384xf32, #tpu.memory_space<vmem_shared>>)
    %dma_wait3A_2352 = arith.constant 13 : i32
    %dma_wait3A_2353 = arith.constant 13 : i32
    %dma_wait3A_2354 = arith.constant 0 : i32
    %dma_wait3A_2355 = tpu.memref_slice %arg6[%dma_wait3A_2352, %dma_wait3A_2354] : memref<16x128xf32, #tpu.memory_space<vmem>> -> memref<1x128xf32, #tpu.memory_space<vmem>>
    %dma_wait3A_2356 = tpu.memref_squeeze %dma_wait3A_2355 : memref<1x128xf32, #tpu.memory_space<vmem>> -> memref<128xf32, #tpu.memory_space<vmem>>
    %dma_wait3A_2357 = arith.constant 0 : i32
    %dma_wait3A_2358 = tpu.memref_slice %arg7[%dma_wait3A_2353, %dma_wait3A_2357] : memref<16x128xi32, #tpu.memory_space<vmem>> -> memref<1x128xi32, #tpu.memory_space<vmem>>
    %dma_wait3A_2359 = tpu.memref_squeeze %dma_wait3A_2358 : memref<1x128xi32, #tpu.memory_space<vmem>> -> memref<128xi32, #tpu.memory_space<vmem>>
    %dma_wait3A_2360 = arith.constant 0 : i32
    %dma_wait3A_2361 = tpu.memref_slice %arg9[%dma_wait3A_2360] : memref<16384xf32, #tpu.memory_space<vmem_shared>> -> memref<16384xf32, #tpu.memory_space<vmem_shared>>
    tpu.wait_indirect_dma semaphore(%arg12 : memref<!tpu.dma_semaphore, #tpu.memory_space<semaphore_mem>>) src(%dma_wait3A_2356 : memref<128xf32, #tpu.memory_space<vmem>>) dst(%dma_wait3A_2361 : memref<16384xf32, #tpu.memory_space<vmem_shared>>)
    %dma_wait3A_2362 = arith.constant 14 : i32
    %dma_wait3A_2363 = arith.constant 14 : i32
    %dma_wait3A_2364 = arith.constant 0 : i32
    %dma_wait3A_2365 = tpu.memref_slice %arg6[%dma_wait3A_2362, %dma_wait3A_2364] : memref<16x128xf32, #tpu.memory_space<vmem>> -> memref<1x128xf32, #tpu.memory_space<vmem>>
    %dma_wait3A_2366 = tpu.memref_squeeze %dma_wait3A_2365 : memref<1x128xf32, #tpu.memory_space<vmem>> -> memref<128xf32, #tpu.memory_space<vmem>>
    %dma_wait3A_2367 = arith.constant 0 : i32
    %dma_wait3A_2368 = tpu.memref_slice %arg7[%dma_wait3A_2363, %dma_wait3A_2367] : memref<16x128xi32, #tpu.memory_space<vmem>> -> memref<1x128xi32, #tpu.memory_space<vmem>>
    %dma_wait3A_2369 = tpu.memref_squeeze %dma_wait3A_2368 : memref<1x128xi32, #tpu.memory_space<vmem>> -> memref<128xi32, #tpu.memory_space<vmem>>
    %dma_wait3A_2370 = arith.constant 0 : i32
    %dma_wait3A_2371 = tpu.memref_slice %arg9[%dma_wait3A_2370] : memref<16384xf32, #tpu.memory_space<vmem_shared>> -> memref<16384xf32, #tpu.memory_space<vmem_shared>>
    tpu.wait_indirect_dma semaphore(%arg12 : memref<!tpu.dma_semaphore, #tpu.memory_space<semaphore_mem>>) src(%dma_wait3A_2366 : memref<128xf32, #tpu.memory_space<vmem>>) dst(%dma_wait3A_2371 : memref<16384xf32, #tpu.memory_space<vmem_shared>>)
    %dma_wait3A_2372 = arith.constant 15 : i32
    %dma_wait3A_2373 = arith.constant 15 : i32
    %dma_wait3A_2374 = arith.constant 0 : i32
    %dma_wait3A_2375 = tpu.memref_slice %arg6[%dma_wait3A_2372, %dma_wait3A_2374] : memref<16x128xf32, #tpu.memory_space<vmem>> -> memref<1x128xf32, #tpu.memory_space<vmem>>
    %dma_wait3A_2376 = tpu.memref_squeeze %dma_wait3A_2375 : memref<1x128xf32, #tpu.memory_space<vmem>> -> memref<128xf32, #tpu.memory_space<vmem>>
    %dma_wait3A_2377 = arith.constant 0 : i32
    %dma_wait3A_2378 = tpu.memref_slice %arg7[%dma_wait3A_2373, %dma_wait3A_2377] : memref<16x128xi32, #tpu.memory_space<vmem>> -> memref<1x128xi32, #tpu.memory_space<vmem>>
    %dma_wait3A_2379 = tpu.memref_squeeze %dma_wait3A_2378 : memref<1x128xi32, #tpu.memory_space<vmem>> -> memref<128xi32, #tpu.memory_space<vmem>>
    %dma_wait3A_2380 = arith.constant 0 : i32
    %dma_wait3A_2381 = tpu.memref_slice %arg9[%dma_wait3A_2380] : memref<16384xf32, #tpu.memory_space<vmem_shared>> -> memref<16384xf32, #tpu.memory_space<vmem_shared>>
    tpu.wait_indirect_dma semaphore(%arg12 : memref<!tpu.dma_semaphore, #tpu.memory_space<semaphore_mem>>) src(%dma_wait3A_2376 : memref<128xf32, #tpu.memory_space<vmem>>) dst(%dma_wait3A_2381 : memref<16384xf32, #tpu.memory_space<vmem_shared>>)
    %mul3A_2382 = arith.constant 16 : i32
    %mul3A_2383 = arith.muli %select_n3A_30, %mul3A_2382 : i32
    %add3A_2384 = arith.addi %mul3A_2383, %add3A : i32
    "tpu.region"() ({
      %run_scoped3A = tpu.sem_alloc : memref<!tpu.dma_semaphore, #tpu.memory_space<semaphore_mem>>
      %dma_start3A_2385 = arith.constant 0 : i32
      %dma_start3A_2386 = tpu.memref_slice %arg5[%add3A_2384, %dma_start3A_2385] : memref<32x1024xf32, #tpu.memory_space<hbm>> -> memref<1x1024xf32, #tpu.memory_space<hbm>>
      %dma_start3A_2387 = tpu.memref_squeeze %dma_start3A_2386 : memref<1x1024xf32, #tpu.memory_space<hbm>> -> memref<1024xf32, #tpu.memory_space<hbm>>
      %dma_start3A_2388 = tpu.memref_slice %arg9[%mul3A_32] : memref<16384xf32, #tpu.memory_space<vmem_shared>> -> memref<1024xf32, #tpu.memory_space<vmem_shared>>
      tpu.enqueue_dma source(%dma_start3A_2388 : memref<1024xf32, #tpu.memory_space<vmem_shared>>) target(%dma_start3A_2387 : memref<1024xf32, #tpu.memory_space<hbm>>) target_semaphore(%run_scoped3A : memref<!tpu.dma_semaphore, #tpu.memory_space<semaphore_mem>>)
      %dma_wait3A_2389 = arith.constant 0 : i32
      %dma_wait3A_2390 = tpu.memref_slice %arg5[%add3A_2384, %dma_wait3A_2389] : memref<32x1024xf32, #tpu.memory_space<hbm>> -> memref<1x1024xf32, #tpu.memory_space<hbm>>
      %dma_wait3A_2391 = tpu.memref_squeeze %dma_wait3A_2390 : memref<1x1024xf32, #tpu.memory_space<hbm>> -> memref<1024xf32, #tpu.memory_space<hbm>>
      %dma_wait3A_2392 = tpu.memref_slice %arg9[%mul3A_32] : memref<16384xf32, #tpu.memory_space<vmem_shared>> -> memref<1024xf32, #tpu.memory_space<vmem_shared>>
      tpu.wait_dma2 semaphore(%run_scoped3A : memref<!tpu.dma_semaphore, #tpu.memory_space<semaphore_mem>>) src(%dma_wait3A_2392 : memref<1024xf32, #tpu.memory_space<vmem_shared>>) dst(%dma_wait3A_2391 : memref<1024xf32, #tpu.memory_space<hbm>>)
      tpu.yield
    }) : () -> ()
    return
  }
}

module attributes {stable_mosaic.version = 14 : i64} {
  func.func @_tc_partial_body(%arg0: memref<16x2048xf32, #tpu.memory_space<vmem>>, %arg1: memref<16x2048xf32, #tpu.memory_space<vmem>>, %arg2: memref<16x2048xi32, #tpu.memory_space<vmem>>, %arg3: memref<16x2048xi32, #tpu.memory_space<vmem>>, %arg4: memref<1x2xf32, #tpu.memory_space<smem>>) attributes {dimension_semantics = [], scalar_prefetch = 0 : i64, scratch_operands = 0 : i64, tpu.core_type = #tpu.core_type<tc>} {
    %get3A = arith.constant 0 : index
    %get3A_0 = arith.constant 0 : index
    %get3A_1 = vector.load %arg0[%get3A, %get3A_0] : memref<16x2048xf32, #tpu.memory_space<vmem>>, vector<16x2048xf32>
    %get3A_2 = arith.constant 0 : index
    %get3A_3 = arith.constant 0 : index
    %get3A_4 = vector.load %arg1[%get3A_2, %get3A_3] : memref<16x2048xf32, #tpu.memory_space<vmem>>, vector<16x2048xf32>
    %get3A_5 = arith.constant 0 : index
    %get3A_6 = arith.constant 0 : index
    %get3A_7 = vector.load %arg2[%get3A_5, %get3A_6] : memref<16x2048xi32, #tpu.memory_space<vmem>>, vector<16x2048xi32>
    %broadcast_in_dim3A = arith.constant 0.000000e+00 : f32
    %broadcast_in_dim3A_8 = vector.broadcast %broadcast_in_dim3A : f32 to vector<16x2048xf32>
    %broadcast_in_dim3A_9 = arith.constant false
    %broadcast_in_dim3A_10 = vector.broadcast %broadcast_in_dim3A_9 : i1 to vector<16x2048xi1>
    %eq3A = arith.constant 94 : i32
    %eq3A_11 = vector.broadcast %eq3A : i32 to vector<16x2048xi32>
    %eq3A_12 = arith.cmpi eq, %get3A_7, %eq3A_11 : vector<16x2048xi32>
    %jit3A = arith.constant 2.000000e+00 : f32
    %broadcast_in_dim3A_13 = vector.broadcast %jit3A : f32 to vector<16x2048xf32>
    %select_n3A = arith.select %eq3A_12, %broadcast_in_dim3A_13, %broadcast_in_dim3A_8 : vector<16x2048xi1>, vector<16x2048xf32>
    %or3A = arith.ori %broadcast_in_dim3A_10, %eq3A_12 : vector<16x2048xi1>
    %eq3A_14 = arith.constant 122 : i32
    %eq3A_15 = vector.broadcast %eq3A_14 : i32 to vector<16x2048xi32>
    %eq3A_16 = arith.cmpi eq, %get3A_7, %eq3A_15 : vector<16x2048xi32>
    %jit3A_17 = arith.constant 3.000000e+00 : f32
    %broadcast_in_dim3A_18 = vector.broadcast %jit3A_17 : f32 to vector<16x2048xf32>
    %select_n3A_19 = arith.select %eq3A_16, %broadcast_in_dim3A_18, %select_n3A : vector<16x2048xi1>, vector<16x2048xf32>
    %or3A_20 = arith.ori %or3A, %eq3A_16 : vector<16x2048xi1>
    %eq3A_21 = arith.constant 100 : i32
    %eq3A_22 = vector.broadcast %eq3A_21 : i32 to vector<16x2048xi32>
    %eq3A_23 = arith.cmpi eq, %get3A_7, %eq3A_22 : vector<16x2048xi32>
    %jit3A_24 = arith.constant 2.000000e+00 : f32
    %broadcast_in_dim3A_25 = vector.broadcast %jit3A_24 : f32 to vector<16x2048xf32>
    %select_n3A_26 = arith.select %eq3A_23, %broadcast_in_dim3A_25, %select_n3A_19 : vector<16x2048xi1>, vector<16x2048xf32>
    %or3A_27 = arith.ori %or3A_20, %eq3A_23 : vector<16x2048xi1>
    %eq3A_28 = arith.constant 92 : i32
    %eq3A_29 = vector.broadcast %eq3A_28 : i32 to vector<16x2048xi32>
    %eq3A_30 = arith.cmpi eq, %get3A_7, %eq3A_29 : vector<16x2048xi32>
    %jit3A_31 = arith.constant 2.000000e+00 : f32
    %broadcast_in_dim3A_32 = vector.broadcast %jit3A_31 : f32 to vector<16x2048xf32>
    %select_n3A_33 = arith.select %eq3A_30, %broadcast_in_dim3A_32, %select_n3A_26 : vector<16x2048xi1>, vector<16x2048xf32>
    %or3A_34 = arith.ori %or3A_27, %eq3A_30 : vector<16x2048xi1>
    %eq3A_35 = arith.constant 43 : i32
    %eq3A_36 = vector.broadcast %eq3A_35 : i32 to vector<16x2048xi32>
    %eq3A_37 = arith.cmpi eq, %get3A_7, %eq3A_36 : vector<16x2048xi32>
    %jit3A_38 = arith.constant 5.000000e+00 : f32
    %broadcast_in_dim3A_39 = vector.broadcast %jit3A_38 : f32 to vector<16x2048xf32>
    %select_n3A_40 = arith.select %eq3A_37, %broadcast_in_dim3A_39, %select_n3A_33 : vector<16x2048xi1>, vector<16x2048xf32>
    %or3A_41 = arith.ori %or3A_34, %eq3A_37 : vector<16x2048xi1>
    %eq3A_42 = arith.constant 27 : i32
    %eq3A_43 = vector.broadcast %eq3A_42 : i32 to vector<16x2048xi32>
    %eq3A_44 = arith.cmpi eq, %get3A_7, %eq3A_43 : vector<16x2048xi32>
    %jit3A_45 = arith.constant 5.000000e+00 : f32
    %broadcast_in_dim3A_46 = vector.broadcast %jit3A_45 : f32 to vector<16x2048xf32>
    %select_n3A_47 = arith.select %eq3A_44, %broadcast_in_dim3A_46, %select_n3A_40 : vector<16x2048xi1>, vector<16x2048xf32>
    %or3A_48 = arith.ori %or3A_41, %eq3A_44 : vector<16x2048xi1>
    %sub3A = arith.subf %get3A_1, %select_n3A_47 : vector<16x2048xf32>
    %gt3A = arith.constant 0.000000e+00 : f32
    %gt3A_49 = vector.broadcast %gt3A : f32 to vector<16x2048xf32>
    %gt3A_50 = arith.cmpf ogt, %sub3A, %gt3A_49 : vector<16x2048xf32>
    %and3A = arith.andi %or3A_48, %gt3A_50 : vector<16x2048xi1>
    %sub3A_51 = arith.subf %get3A_1, %select_n3A_47 : vector<16x2048xf32>
    %jit3A_52 = arith.constant 0.000000e+00 : f32
    %broadcast_in_dim3A_53 = vector.broadcast %jit3A_52 : f32 to vector<16x2048xf32>
    %select_n3A_54 = arith.select %and3A, %sub3A_51, %broadcast_in_dim3A_53 : vector<16x2048xi1>, vector<16x2048xf32>
    %broadcast_in_dim3A_55 = arith.constant false
    %broadcast_in_dim3A_56 = vector.broadcast %broadcast_in_dim3A_55 : i1 to vector<16x2048xi1>
    %eq3A_57 = arith.constant 44 : i32
    %eq3A_58 = vector.broadcast %eq3A_57 : i32 to vector<16x2048xi32>
    %eq3A_59 = arith.cmpi eq, %get3A_7, %eq3A_58 : vector<16x2048xi32>
    %or3A_60 = arith.ori %broadcast_in_dim3A_56, %eq3A_59 : vector<16x2048xi1>
    %eq3A_61 = arith.constant 28 : i32
    %eq3A_62 = vector.broadcast %eq3A_61 : i32 to vector<16x2048xi32>
    %eq3A_63 = arith.cmpi eq, %get3A_7, %eq3A_62 : vector<16x2048xi32>
    %or3A_64 = arith.ori %or3A_60, %eq3A_63 : vector<16x2048xi1>
    %eq3A_65 = arith.constant 29 : i32
    %eq3A_66 = vector.broadcast %eq3A_65 : i32 to vector<16x2048xi32>
    %eq3A_67 = arith.cmpi eq, %get3A_7, %eq3A_66 : vector<16x2048xi32>
    %or3A_68 = arith.ori %or3A_64, %eq3A_67 : vector<16x2048xi1>
    %eq3A_69 = arith.constant 27 : i32
    %eq3A_70 = vector.broadcast %eq3A_69 : i32 to vector<16x2048xi32>
    %eq3A_71 = arith.cmpi eq, %get3A_7, %eq3A_70 : vector<16x2048xi32>
    %or3A_72 = arith.ori %or3A_68, %eq3A_71 : vector<16x2048xi1>
    %eq3A_73 = arith.constant 121 : i32
    %eq3A_74 = vector.broadcast %eq3A_73 : i32 to vector<16x2048xi32>
    %eq3A_75 = arith.cmpi eq, %get3A_7, %eq3A_74 : vector<16x2048xi32>
    %or3A_76 = arith.ori %or3A_72, %eq3A_75 : vector<16x2048xi1>
    %eq3A_77 = arith.constant 43 : i32
    %eq3A_78 = vector.broadcast %eq3A_77 : i32 to vector<16x2048xi32>
    %eq3A_79 = arith.cmpi eq, %get3A_7, %eq3A_78 : vector<16x2048xi32>
    %or3A_80 = arith.ori %or3A_76, %eq3A_79 : vector<16x2048xi1>
    %broadcast_in_dim3A_81 = arith.constant 0.000000e+00 : f32
    %broadcast_in_dim3A_82 = vector.broadcast %broadcast_in_dim3A_81 : f32 to vector<16x1xf32>
    %slice3A = vector.extract_strided_slice %get3A_1 {offsets = [0, 1], sizes = [16, 2047], strides = [1, 1]} : vector<16x2048xf32> to vector<16x2047xf32>
    %concatenate3A = tpu.concatenate %slice3A, %broadcast_in_dim3A_82 in 1 : vector<16x2047xf32>, vector<16x1xf32> -> vector<16x2048xf32>
    %iota3A = tpu.iota {dimensions = array<i32: 1>} : vector<16x2048xi32>
    %lt3A = arith.constant 2047 : i32
    %lt3A_83 = vector.broadcast %lt3A : i32 to vector<16x2048xi32>
    %lt3A_84 = arith.cmpi slt, %iota3A, %lt3A_83 : vector<16x2048xi32>
    %and3A_85 = arith.andi %or3A_80, %lt3A_84 : vector<16x2048xi1>
    %mul3A = arith.constant 3.000000e+00 : f32
    %mul3A_86 = vector.broadcast %mul3A : f32 to vector<16x2048xf32>
    %mul3A_87 = arith.mulf %mul3A_86, %get3A_1 : vector<16x2048xf32>
    %gt3A_88 = arith.cmpf ogt, %mul3A_87, %concatenate3A : vector<16x2048xf32>
    %and3A_89 = arith.andi %and3A_85, %gt3A_88 : vector<16x2048xi1>
    %div3A = arith.constant 3.000000e+00 : f32
    %div3A_90 = vector.broadcast %div3A : f32 to vector<16x2048xf32>
    %div3A_91 = arith.divf %concatenate3A, %div3A_90 : vector<16x2048xf32>
    %sub3A_92 = arith.subf %get3A_1, %div3A_91 : vector<16x2048xf32>
    %jit3A_93 = arith.constant 0.000000e+00 : f32
    %broadcast_in_dim3A_94 = vector.broadcast %jit3A_93 : f32 to vector<16x2048xf32>
    %select_n3A_95 = arith.select %and3A_89, %sub3A_92, %broadcast_in_dim3A_94 : vector<16x2048xi1>, vector<16x2048xf32>
    %sub3A_96 = arith.subf %get3A_1, %select_n3A_95 : vector<16x2048xf32>
    %sub3A_97 = arith.subf %get3A_1, %select_n3A_54 : vector<16x2048xf32>
    %select_n3A_98 = arith.select %and3A, %sub3A_97, %get3A_1 : vector<16x2048xi1>, vector<16x2048xf32>
    %select_n3A_99 = arith.select %and3A_89, %sub3A_96, %select_n3A_98 : vector<16x2048xi1>, vector<16x2048xf32>
    %add3A = arith.addf %select_n3A_54, %select_n3A_95 : vector<16x2048xf32>
    %slice3A_100 = vector.extract_strided_slice %add3A {offsets = [0, 1], sizes = [16, 2047], strides = [1, 1]} : vector<16x2048xf32> to vector<16x2047xf32>
    %concatenate3A_101 = tpu.concatenate %slice3A_100, %broadcast_in_dim3A_82 in 1 : vector<16x2047xf32>, vector<16x1xf32> -> vector<16x2048xf32>
    %add3A_102 = arith.addf %select_n3A_99, %concatenate3A_101 : vector<16x2048xf32>
    %add3A_103 = arith.constant 1.000000e+00 : f32
    %add3A_104 = vector.broadcast %add3A_103 : f32 to vector<16x2048xf32>
    %add3A_105 = arith.addf %get3A_1, %add3A_104 : vector<16x2048xf32>
    %log3A = math.log %add3A_105 : vector<16x2048xf32>
    %add3A_106 = arith.constant 1.000000e+00 : f32
    %add3A_107 = vector.broadcast %add3A_106 : f32 to vector<16x2048xf32>
    %add3A_108 = arith.addf %add3A_102, %add3A_107 : vector<16x2048xf32>
    %log3A_109 = math.log %add3A_108 : vector<16x2048xf32>
    %sub3A_110 = arith.subf %log3A, %log3A_109 : vector<16x2048xf32>
    %integer_pow3A = arith.mulf %sub3A_110, %sub3A_110 : vector<16x2048xf32>
    %reduce_sum3A = vector.shape_cast %integer_pow3A : vector<16x2048xf32> to vector<1x16x2048xf32>
    %reduce_sum3A_111 = arith.constant dense<0.000000e+00> : vector<1xf32>
    %reduce_sum3A_112 = vector.multi_reduction <add>, %reduce_sum3A, %reduce_sum3A_111 [1, 2] : vector<1x16x2048xf32> to vector<1xf32>
    %reduce_sum3A_113 = vector.shape_cast %reduce_sum3A_112 : vector<1xf32> to vector<1x1x1xf32>
    %reduce_sum3A_114 = vector.extract %reduce_sum3A_113[0, 0, 0] : f32 from vector<1x1x1xf32>
    %div3A_115 = arith.constant 3.276800e+04 : f32
    %div3A_116 = arith.divf %reduce_sum3A_114, %div3A_115 : f32
    %mul3A_117 = arith.constant 3.000000e-01 : f32
    %mul3A_118 = arith.mulf %mul3A_117, %div3A_116 : f32
    %add3A_119 = arith.constant 1.000000e+00 : f32
    %add3A_120 = vector.broadcast %add3A_119 : f32 to vector<16x2048xf32>
    %add3A_121 = arith.addf %get3A_1, %add3A_120 : vector<16x2048xf32>
    %log3A_122 = math.log %add3A_121 : vector<16x2048xf32>
    %add3A_123 = arith.constant 1.000000e+00 : f32
    %add3A_124 = vector.broadcast %add3A_123 : f32 to vector<16x2048xf32>
    %add3A_125 = arith.addf %get3A_4, %add3A_124 : vector<16x2048xf32>
    %log3A_126 = math.log %add3A_125 : vector<16x2048xf32>
    %sub3A_127 = arith.subf %log3A_122, %log3A_126 : vector<16x2048xf32>
    %integer_pow3A_128 = arith.mulf %sub3A_127, %sub3A_127 : vector<16x2048xf32>
    %reduce_sum3A_129 = vector.shape_cast %integer_pow3A_128 : vector<16x2048xf32> to vector<1x16x2048xf32>
    %reduce_sum3A_130 = arith.constant dense<0.000000e+00> : vector<1xf32>
    %reduce_sum3A_131 = vector.multi_reduction <add>, %reduce_sum3A_129, %reduce_sum3A_130 [1, 2] : vector<1x16x2048xf32> to vector<1xf32>
    %reduce_sum3A_132 = vector.shape_cast %reduce_sum3A_131 : vector<1xf32> to vector<1x1x1xf32>
    %reduce_sum3A_133 = vector.extract %reduce_sum3A_132[0, 0, 0] : f32 from vector<1x1x1xf32>
    %div3A_134 = arith.constant 3.276800e+04 : f32
    %div3A_135 = arith.divf %reduce_sum3A_133, %div3A_134 : f32
    %mul3A_136 = arith.constant 6.000000e-01 : f32
    %mul3A_137 = arith.mulf %mul3A_136, %div3A_135 : f32
    %max3A = arith.constant 0.000000e+00 : f32
    %max3A_138 = vector.broadcast %max3A : f32 to vector<16x2048xf32>
    %max3A_139 = arith.maximumf %get3A_1, %max3A_138 : vector<16x2048xf32>
    %reduce_sum3A_140 = arith.constant dense<0.000000e+00> : vector<16xf32>
    %reduce_sum3A_141 = vector.multi_reduction <add>, %max3A_139, %reduce_sum3A_140 [1] : vector<16x2048xf32> to vector<16xf32>
    %broadcast_in_dim3A_142 = vector.shape_cast %reduce_sum3A_141 : vector<16xf32> to vector<16x1xf32>
    %reduce_sum3A_143 = arith.constant dense<0.000000e+00> : vector<16xf32>
    %reduce_sum3A_144 = vector.multi_reduction <add>, %get3A_4, %reduce_sum3A_143 [1] : vector<16x2048xf32> to vector<16xf32>
    %broadcast_in_dim3A_145 = vector.shape_cast %reduce_sum3A_144 : vector<16xf32> to vector<16x1xf32>
    %add3A_146 = arith.constant 1.000000e+00 : f32
    %add3A_147 = vector.broadcast %add3A_146 : f32 to vector<16x1xf32>
    %add3A_148 = arith.addf %broadcast_in_dim3A_142, %add3A_147 : vector<16x1xf32>
    %log3A_149 = math.log %add3A_148 : vector<16x1xf32>
    %add3A_150 = arith.constant 1.000000e+00 : f32
    %add3A_151 = vector.broadcast %add3A_150 : f32 to vector<16x1xf32>
    %add3A_152 = arith.addf %broadcast_in_dim3A_145, %add3A_151 : vector<16x1xf32>
    %log3A_153 = math.log %add3A_152 : vector<16x1xf32>
    %sub3A_154 = arith.subf %log3A_149, %log3A_153 : vector<16x1xf32>
    %integer_pow3A_155 = arith.mulf %sub3A_154, %sub3A_154 : vector<16x1xf32>
    %reduce_sum3A_156 = vector.shape_cast %integer_pow3A_155 : vector<16x1xf32> to vector<1x16x1xf32>
    %reduce_sum3A_157 = arith.constant dense<0.000000e+00> : vector<1xf32>
    %reduce_sum3A_158 = vector.multi_reduction <add>, %reduce_sum3A_156, %reduce_sum3A_157 [1, 2] : vector<1x16x1xf32> to vector<1xf32>
    %reduce_sum3A_159 = vector.shape_cast %reduce_sum3A_158 : vector<1xf32> to vector<1x1x1xf32>
    %reduce_sum3A_160 = vector.extract %reduce_sum3A_159[0, 0, 0] : f32 from vector<1x1x1xf32>
    %div3A_161 = arith.constant 1.600000e+01 : f32
    %div3A_162 = arith.divf %reduce_sum3A_160, %div3A_161 : f32
    %mul3A_163 = arith.constant 1.000000e-01 : f32
    %mul3A_164 = arith.mulf %mul3A_163, %div3A_162 : f32
    %add3A_165 = arith.addf %mul3A_137, %mul3A_164 : f32
    %add3A_166 = arith.addf %add3A_165, %mul3A_118 : f32
    %swap3A = arith.constant 0 : index
    %swap3A_167 = arith.constant 0 : index
    %swap3A_168 = memref.load %arg4[%swap3A, %swap3A_167] : memref<1x2xf32, #tpu.memory_space<smem>>
    memref.store %add3A_166, %arg4[%swap3A, %swap3A_167] : memref<1x2xf32, #tpu.memory_space<smem>>
    %get3A_169 = arith.constant 0 : index
    %get3A_170 = arith.constant 0 : index
    %get3A_171 = vector.load %arg3[%get3A_169, %get3A_170] : memref<16x2048xi32, #tpu.memory_space<vmem>>, vector<16x2048xi32>
    %reduce_max3A = vector.shape_cast %get3A_171 : vector<16x2048xi32> to vector<1x16x2048xi32>
    %reduce_max3A_172 = arith.constant dense<-2147483648> : vector<1xi32>
    %reduce_max3A_173 = vector.multi_reduction <maxsi>, %reduce_max3A, %reduce_max3A_172 [1, 2] : vector<1x16x2048xi32> to vector<1xi32>
    %reduce_max3A_174 = vector.shape_cast %reduce_max3A_173 : vector<1xi32> to vector<1x1x1xi32>
    %reduce_max3A_175 = vector.extract %reduce_max3A_174[0, 0, 0] : i32 from vector<1x1x1xi32>
    %convert_element_type3A = arith.sitofp %reduce_max3A_175 : i32 to f32
    %swap3A_176 = arith.constant 0 : index
    %swap3A_177 = arith.constant 1 : index
    %swap3A_178 = memref.load %arg4[%swap3A_176, %swap3A_177] : memref<1x2xf32, #tpu.memory_space<smem>>
    memref.store %convert_element_type3A, %arg4[%swap3A_176, %swap3A_177] : memref<1x2xf32, #tpu.memory_space<smem>>
    return
  }
}

module attributes {stable_mosaic.version = 14 : i64} {
  func.func @_tc_word_body(%arg0: memref<1x2xf32, #tpu.memory_space<smem>>, %arg1: memref<32x1024xf32, #tpu.memory_space<vmem>>, %arg2: memref<1x1xf32, #tpu.memory_space<smem>>) attributes {dimension_semantics = [], scalar_prefetch = 0 : i64, scratch_operands = 0 : i64, tpu.core_type = #tpu.core_type<tc>} {
    %get3A = arith.constant 0 : index
    %get3A_0 = arith.constant 0 : index
    %get3A_1 = vector.load %arg1[%get3A, %get3A_0] : memref<32x1024xf32, #tpu.memory_space<vmem>>, vector<32x1024xf32>
    %slice3A = vector.extract_strided_slice %get3A_1 {offsets = [0, 0], sizes = [16, 1024], strides = [1, 1]} : vector<32x1024xf32> to vector<16x1024xf32>
    %slice3A_2 = vector.extract_strided_slice %get3A_1 {offsets = [16, 0], sizes = [16, 1024], strides = [1, 1]} : vector<32x1024xf32> to vector<16x1024xf32>
    %iota3A = tpu.iota {dimensions = array<i32: 1>} : vector<16x1024xi32>
    %ge3A = arith.constant 1 : i32
    %ge3A_3 = vector.broadcast %ge3A : i32 to vector<16x1024xi32>
    %ge3A_4 = arith.cmpi sge, %iota3A, %ge3A_3 : vector<16x1024xi32>
    %add3A = arith.constant 1.000000e+00 : f32
    %add3A_5 = vector.broadcast %add3A : f32 to vector<16x1024xf32>
    %add3A_6 = arith.addf %slice3A, %add3A_5 : vector<16x1024xf32>
    %log3A = math.log %add3A_6 : vector<16x1024xf32>
    %add3A_7 = arith.constant 1.000000e+00 : f32
    %add3A_8 = vector.broadcast %add3A_7 : f32 to vector<16x1024xf32>
    %add3A_9 = arith.addf %slice3A_2, %add3A_8 : vector<16x1024xf32>
    %log3A_10 = math.log %add3A_9 : vector<16x1024xf32>
    %sub3A = arith.subf %log3A, %log3A_10 : vector<16x1024xf32>
    %integer_pow3A = arith.mulf %sub3A, %sub3A : vector<16x1024xf32>
    %jit3A = arith.constant 0.000000e+00 : f32
    %broadcast_in_dim3A = vector.broadcast %jit3A : f32 to vector<16x1024xf32>
    %select_n3A = arith.select %ge3A_4, %integer_pow3A, %broadcast_in_dim3A : vector<16x1024xi1>, vector<16x1024xf32>
    %get3A_11 = arith.constant 0 : index
    %get3A_12 = arith.constant 1 : index
    %get3A_13 = memref.load %arg0[%get3A_11, %get3A_12] : memref<1x2xf32, #tpu.memory_space<smem>>
    %mul3A = arith.constant 1.600000e+01 : f32
    %mul3A_14 = arith.mulf %mul3A, %get3A_13 : f32
    %get3A_15 = arith.constant 0 : index
    %get3A_16 = arith.constant 0 : index
    %get3A_17 = memref.load %arg0[%get3A_15, %get3A_16] : memref<1x2xf32, #tpu.memory_space<smem>>
    %reduce_sum3A = vector.shape_cast %select_n3A : vector<16x1024xf32> to vector<1x16x1024xf32>
    %reduce_sum3A_18 = arith.constant dense<0.000000e+00> : vector<1xf32>
    %reduce_sum3A_19 = vector.multi_reduction <add>, %reduce_sum3A, %reduce_sum3A_18 [1, 2] : vector<1x16x1024xf32> to vector<1xf32>
    %reduce_sum3A_20 = vector.shape_cast %reduce_sum3A_19 : vector<1xf32> to vector<1x1x1xf32>
    %reduce_sum3A_21 = vector.extract %reduce_sum3A_20[0, 0, 0] : f32 from vector<1x1x1xf32>
    %div3A = arith.divf %reduce_sum3A_21, %mul3A_14 : f32
    %mul3A_22 = arith.constant 3.000000e-01 : f32
    %mul3A_23 = arith.mulf %mul3A_22, %div3A : f32
    %add3A_24 = arith.addf %get3A_17, %mul3A_23 : f32
    %swap3A = arith.constant 0 : index
    %swap3A_25 = arith.constant 0 : index
    %swap3A_26 = memref.load %arg2[%swap3A, %swap3A_25] : memref<1x1xf32, #tpu.memory_space<smem>>
    memref.store %add3A_24, %arg2[%swap3A, %swap3A_25] : memref<1x1xf32, #tpu.memory_space<smem>>
    return
  }
}

</mosaic_0001>

<sc_bundles>
// kernel: kernel.5.cloned.1.call-start
scs
__scs_entry_jumppad:
0x0: {  	(pc) =	sbr.rel $0x88, $3  }
0x1: {  	(tag) =	ssettag $0x0;
	lr =	simm.s32 $0x1  }
0x2: {  	[smem:$0x3F9D] =	sst lr;
	_ =	strace $0xD0000000  }
0x3: {  	_ = 	snop  }
0x4: {  	_ = 	snop  }
0x5: {  	_ = 	snop  }
0x6: {  	_ = 	snop  }
0x7: {  	_ = 	snop  }
__scs_overlays_trampoline_lowered:
0x8: {  	[smem:$0x3FAC] =	sst s0  }
0x9: {  	[smem:$0x3FAD] =	sst s1  }
0xa: {  	[smem:$0x3FAE] =	sst s2  }
0xb: {  	[smem:$0x3FAF] =	sst s3  }
0xc: {  	[smem:$0x3FB0] =	sst s4  }
0xd: {  	[smem:$0x3FB1] =	sst s5  }
0xe: {  	[smem:$0x3FB2] =	sst s6  }
0xf: {  	[smem:$0x3FB3] =	sst s7  }
0x10: {  	[smem:$0x3FB4] =	sst s8  }
0x11: {  	[smem:$0x3FB5] =	sst s9;
	s0 =	simm.s32 @!p0 $0x0  }
0x12: {  	s1 =	sld [smem:$0x3F9B];
	s0 =	simm.s32 @p0 $0x1  }
0x13: {  	[smem:$0x3FB6] =	sst s0;
	s0 =	simm.s32 @!p1 $0x0  }
0x14: {  	s2 =	sld [smem:$0x3F9A];
	s0 =	simm.s32 @p1 $0x1  }
0x15: {  	[smem:$0x3FB7] =	sst s0;
	s0 =	simm.s32 @!p2 $0x0  }
0x16: {  	s3 =	sld [smem:$0x3FDB];
	s0 =	simm.s32 @p2 $0x1  }
0x17: {  	s4 =	simm.s32 $0x1BF5;
	[smem:$0x3FB9] =	sst s0  }
0x18: {  	s0 =	sld [smem:$0x3F9C];
	_ =	swait.ge [sflag:s4], $0x0  }
0x19: {  	s7 =	sld [smem:$0x3F9D]  }
0x1a: {  	s8 =	sadd.s32 $0xFFFFE003, lr  }
0x1b: {  	s9 =	sadd.s32 $0xFFFFFEF7, lr;
	s5 =	simm.s32 $0xFFFFFFFF;
	p2 =	slt.u32 s8, $0xFFFFF086  }
0x1c: {  	p1 =	slt.u32 s9, $0xF7A;
	s5 =	simm.s32 @!p2 $0x0  }
0x1d: {  	s5 =	simm.s32 @p1 $0x1;
	p0 =	seq.s32 s7, s2  }
0x1e: {  	s7 =	smul.u32 @!p0 $0xF7A, s2;
	p2 =	seq.s32 @!p0 s5, $0x0  }
0x1f: {  	s9 =	smul.u32 $0xF7A, s1;
	s8 =	simm.s32 @!p0 $0x1BF5;
	p2 =	por !p2, p0  }
0x20: {  	[sflag:s8] =	ssyncset.s32 @!p0 $0xFFFFF086;
	s6 =	sadd.s32 @!p0 s3, s7;
	s7 =	simm.s32 @!p0 $0x108  }
0x21: {  	s3 =	sadd.s32 s3, s9;
	s6 =	sadd.s32 @!p0 $0x88, s6;
	s7 =	simm.s32 @p2 $0x1082  }
0x22: {  	[simem:s7], [sflag:s8] =	dma.local @!p0 [hbm:s6], $0xF7A  }
0x23: {  	s9 =	sor.u32 $0xD0000000, s2;
	s6 =	simm.s32 $0x108;
	_ =	swait.ge @!p0 [sflag:s8], $0x0  }
0x24: {  	s3 =	sadd.s32 $0x88, s3;
	s6 =	simm.s32 @!p1 $0x1082;
	[sflag:s4] =	ssyncset.s32 $0xFFFFF086  }
0x25: {  	[simem:s6], [sflag:s4] =	dma.local [hbm:s3], $0xF7A  }
0x26: {  	[smem:$0x3F9D] =	sst s1;
	(tag) =	ssettag s2;
	_ =	strace s9  }
0x27: {  	s1 =	sld [smem:$0x3FAD]  }
0x28: {  	s2 =	sld [smem:$0x3FAE]  }
0x29: {  	s4 =	sld [smem:$0x3FB0]  }
0x2a: {  	p0 =	seq.s32 s5, $0x0;
	s5 =	sld [smem:$0x3FB1]  }
0x2b: {  	s6 =	sld [smem:$0x3FB2]  }
0x2c: {  	s7 =	sld [smem:$0x3FB3]  }
0x2d: {  	s3 =	simm.s32 $0x108;
	s8 =	sld [smem:$0x3FB4]  }
0x2e: {  	s3 =	simm.s32 @!p0 $0x1082;
	s9 =	sld [smem:$0x3FB5]  }
0x2f: {  	lr =	sadd.s32 s0, s3;
	s0 =	sld [smem:$0x3FAC]  }
0x30: {  	s3 =	sld [smem:$0x3FAF]  }
0x31: {  	[smem:$0x3FB8] =	sst s10  }
0x32: {  	s10 =	sld [smem:$0x3FB6];
	_ =	sdelay $0x3  }
0x33: {  	p0 =	seq.s32 s10, $0x1;
	s10 =	sld [smem:$0x3FB8];
	_ =	sdelay $0x3  }
0x34: {  	[smem:$0x3FB8] =	sst s10  }
0x35: {  	s10 =	sld [smem:$0x3FB7];
	_ =	sdelay $0x3  }
0x36: {  	p1 =	seq.s32 s10, $0x1;
	s10 =	sld [smem:$0x3FB8];
	_ =	sdelay $0x3  }
0x37: {  	[smem:$0x3FB8] =	sst s10  }
0x38: {  	s10 =	sld [smem:$0x3FB9]  }
0x39: {  	_ = 	snop;
	(pc) =	sbr.ind lr, $3  }
0x3a: {  	_ = 	snop  }
0x3b: {  	_ = 	snop  }
0x3c: {  	p2 =	seq.s32 s10, $0x1;
	s10 =	sld [smem:$0x3FB8]  }
0x3d: {  	_ =	shalt  }
0x3e: {  	_ =	shalt  }
0x3f: {  	_ =	shalt  }
0x40: {  	_ =	shalt  }
0x41: {  	_ =	shalt  }
0x42: {  	_ =	shalt  }
0x43: {  	_ =	shalt  }
0x44: {  	_ =	shalt  }
0x45: {  	_ =	shalt  }
0x46: {  	_ =	shalt  }
0x47: {  	_ =	shalt  }
0x48: {  	_ =	shalt  }
0x49: {  	_ =	shalt  }
0x4a: {  	_ =	shalt  }
0x4b: {  	_ =	shalt  }
0x4c: {  	_ =	shalt  }
0x4d: {  	_ =	shalt  }
0x4e: {  	_ =	shalt  }
0x4f: {  	_ =	shalt  }
0x50: {  	_ =	shalt  }
0x51: {  	_ =	shalt  }
0x52: {  	_ =	shalt  }
0x53: {  	_ =	shalt  }
0x54: {  	_ =	shalt  }
0x55: {  	_ =	shalt  }
0x56: {  	_ =	shalt  }
0x57: {  	_ =	shalt  }
0x58: {  	_ =	shalt  }
0x59: {  	_ =	shalt  }
0x5a: {  	_ =	shalt  }
0x5b: {  	_ =	shalt  }
0x5c: {  	_ =	shalt  }
0x5d: {  	_ =	shalt  }
0x5e: {  	_ =	shalt  }
0x5f: {  	_ =	shalt  }
0x60: {  	_ =	shalt  }
0x61: {  	_ =	shalt  }
0x62: {  	_ =	shalt  }
0x63: {  	_ =	shalt  }
0x64: {  	_ =	shalt  }
0x65: {  	_ =	shalt  }
0x66: {  	_ =	shalt  }
0x67: {  	_ =	shalt  }
0x68: {  	_ =	shalt  }
0x69: {  	_ =	shalt  }
0x6a: {  	_ =	shalt  }
0x6b: {  	_ =	shalt  }
0x6c: {  	_ =	shalt  }
0x6d: {  	_ =	shalt  }
0x6e: {  	_ =	shalt  }
0x6f: {  	_ =	shalt  }
0x70: {  	_ =	shalt  }
0x71: {  	_ =	shalt  }
0x72: {  	_ =	shalt  }
0x73: {  	_ =	shalt  }
0x74: {  	_ =	shalt  }
0x75: {  	_ =	shalt  }
0x76: {  	_ =	shalt  }
0x77: {  	_ =	shalt  }
0x78: {  	_ =	shalt  }
0x79: {  	_ =	shalt  }
0x7a: {  	_ =	shalt  }
0x7b: {  	_ =	shalt  }
0x7c: {  	_ =	shalt  }
0x7d: {  	_ =	shalt  }
0x7e: {  	_ =	shalt  }
0x7f: {  	_ =	shalt  }
0x80: {  	_ =	shalt  }
0x81: {  	_ =	shalt  }
0x82: {  	_ =	shalt  }
0x83: {  	_ =	shalt  }
0x84: {  	_ =	shalt  }
0x85: {  	_ =	shalt  }
0x86: {  	_ =	shalt  }
0x87: {  	_ =	shalt  }
.Lfunc_end0:
.L_simem_size_0:
called_computation_lowered:
.L_overlay_start_0:
0x88: {  	s2 =	sld [smem:$0x3FD9]  }
0x89: {  	s3 =	sld [smem:$0x3FFE];
	_ =	sdelay $0x1  }
0x8a: {  	s1 =	srdreg.scid  }
0x8b: {  	s0 =	sand.u32 $0x1, s1  }
0x8c: {  	s16 =	sshll.u32 s0, $0xA;
	s2 =	sadd.s32 s3, s2  }
0x8d: {  	s2 =	sadd.s32 s2, s16  }
0x8e: {  	[smem:$0x3FC4] =	sst s2  }
0x8f: {  	_ = 	snop  }
0x90: {  	(tm) =	ssettm $0x1  }
0x91: {  	s17 =	sld [smem:$0x3FFB];
	_ =	sdelay $0x3  }
0x92: {  	_ =	strace s17  }
0x93: {  	s2 =	sld [smem:$0x3FFC];
	_ =	sdelay $0x3  }
0x94: {  	_ =	strace s2  }
0x95: {  	s2 =	sld [smem:$0x3FFD];
	_ =	sdelay $0x3  }
0x96: {  	_ =	strace s2  }
0x97: {  	_ =	strace $0x8FFFFFFF  }
0x98: {  	s18 =	sld [smem:$0x3FDB];
	_ =	sdelay $0x1  }
0x99: {  	s19 =	simm.s32 $_scs_section_size  }
0x9a: {  	s4 =	simm.s32 $_size__tile_overlayer_lowered;
	s5 =	simm.s32 $_tile_overlayer_lowered  }
0x9b: {  	s22 =	simm.s32 $0x1BFF;
	s21 =	sshll.u32 s5, $0x1;
	s2 =	sadd.s32 s19, s18  }
0x9c: {  	s6 =	simm.s32 $0x0;
	s20 =	sshll.u32 s4, $0x1;
	s4 =	sadd.s32 s21, s2  }
0x9d: {  	[timem:s6], [sflag:s22] =	dma.local [hbm:s4], s20  }
0x9e: {  	_ =	swait.ge [sflag:s22], s20  }
0x9f: {  	s3 =	ssub.s32 $0x0, s20;
	[sflag:s22] =	ssyncset.done $0x0  }
0xa0: {  	[sflag:s22] =	ssyncadd.s32 s3;
	_ =	sdelay $0x1  }
0xa1: {  	s23 =	simm.s32 $0x1B8B  }
0xa2: {  	_ =	swait.ge [sflag:s23], $0x1  }
0xa3: {  	[sflag:s23] =	ssyncset.done $0x0  }
0xa4: {  	s25 =	simm.s32 $0x1B8E;
	s24 =	sld [smem:$0x3FFE];
	[sflag:s23] =	ssyncadd.s32 $0xFFFFFFFF  }
0xa5: {  	s26 =	simm.s32 $execute0_lowered;
	[smem:$0x3FD2] =	sst s25  }
0xa6: {  	s4 =	sshll.u32 s26, $0x1;
	_ =	strace $0x80000046;
	[dreg:$0x1] =	wrdreg $0xFFFFFFFF  }
0xa7: {  	s28 =	simm.s32 $_size_execute0_lowered;
	s2 =	sadd.s32 s2, s4;
	[dreg:$0x0] =	wrdreg $0x0  }
0xa8: {  	s4 =	sshll.u32 s28, $0x1;
	[dreg:$0x2] =	wrdreg s2  }
0xa9: {  	[dreg:$0x3] =	wrdreg s4  }
0xaa: {  	[dreg:$0x4] =	wrdreg $0xC0  }
0xab: {  	_ =	task [dreg:s6], $0x5FFFF  }
0xac: {  	[dreg:$0x1] =	wrdreg $0xFFFFFFFF  }
0xad: {  	[dreg:$0x0] =	wrdreg $0x60  }
0xae: {  	[dreg:$0x2] =	wrdreg s24  }
0xaf: {  	[dreg:$0x3] =	wrdreg $0x14000  }
0xb0: {  	[dreg:$0x4] =	wrdreg $0x9  }
0xb1: {  	_ =	task.clear_ibuf [dreg:s6], $0x5FFFF;
	_ =	strace $0x90000046  }
0xb2: {  	s29 =	simm.s32 $0x9;
	_ =	strace $0x80000048  }
0xb3: {  	_ =	swait.ge [sflag:s29], $0x1  }
0xb4: {  	[sflag:s29] =	ssyncadd.s32 $0xFFFFFFFF  }
0xb5: {  	_ =	strace $0x90000048  }
0xb6: {  	_ =	sfence  }
0xb7: {  	s30 =	sld [smem:$0x0];
	_ =	sdelay $0x2  }
0xb8: {  	s31 =	sshll.u32 s1, $0xD;
	s1 =	sshrl.u32 s1, $0x2  }
0xb9: {  	s3 =	sand.u32 $0x4000, s31;
	s1 =	sadd.s32 s1, s30  }
0xba: {  	s0 =	sor.u32 s3, s0;
	s1 =	sshll.u32 s1, $0x11  }
0xbb: {  	s0 =	sor.u32 s1, s0  }
0xbc: {  	s0 =	sadd.s32 $0x8F2B, s0  }
0xbd: {  	[sflag:s0] =	ssyncadd.remote.s32 $0x1  }
0xbe: {  	_ =	sfence.sel $0xFFFF  }
0xbf: {  	[dreg:$0x0] =	wrdreg $0xFFFFFFFF;
	(pc) =	sbr.abs _section_cstart, $3  }
0xc0: {  	[dreg:$0x1] =	wrdreg $0xFFFFFFFF  }
0xc1: {  	_ =	task.clear_ibuf [dreg:s6], $0x2FFFF;
	_ =	strace $0x9FFFFFFF  }
0xc2: {  	(tm) =	ssettm $0x7FFFFFFF  }
0xc3: {  	_ =	shalt  }
tec
execute0_lowered:
.L_overlay_start_1:
0x0: {  	(tag) =	ssettag $0x1  }
0x1: {  	s4 =	rddreg [dreg:$0x0]  }
0x2: {  	s2 =	rddreg [dreg:$0x1]  }
0x3: {  	s0 =	rddreg [dreg:$0x2];
	s3 =	simm.s32 $0x0;
	s5 =	srdreg.scid  }
0x4: {  	s1 =	stileid.u32;
	s15 =	simm.s32 $0x1000;
	[smem:$0x7FF] =	sst s3  }
0x5: {  	s16 =	simm.s32 $0x880;
	_ =	strace $0x80000047;
	[dreg:$0x6] =	wrdreg s15  }
0x6: {  	s17 =	simm.s32 $0x900;
	s18 =	simm.s32 $0x100;
	[dreg:$0x7] =	wrdreg s16  }
0x7: {  	s20 =	simm.s32 $0x980;
	s21 =	simm.s32 $0x180;
	[dreg:$0x8] =	wrdreg s17  }
0x8: {  	s22 =	simm.s32 $0xA00;
	s23 =	simm.s32 $0x200;
	[dreg:$0x9] =	wrdreg s18  }
0x9: {  	s24 =	simm.s32 $0xA80;
	s26 =	simm.s32 $0x280;
	[dreg:$0xa] =	wrdreg s20  }
0xa: {  	s29 =	simm.s32 $0xB00;
	s30 =	simm.s32 $0x300;
	[dreg:$0xb] =	wrdreg s21  }
0xb: {  	s31 =	simm.s32 $0xB80;
	s11 =	simm.s32 $0x380;
	[dreg:$0xc] =	wrdreg s22  }
0xc: {  	s28 =	simm.s32 $0x10;
	s5 =	sand.u32 $0x1, s5;
	[dreg:$0xd] =	wrdreg s23  }
0xd: {  	s6 =	sshrl.u32 s1, $0x1;
	s9 =	sand.u32 $0x1, s1;
	[dreg:$0xe] =	wrdreg s24  }
0xe: {  	s25 =	sshll.u32 s1, $0xA;
	s7 =	sshll.u32 s5, $0xB;
	[dreg:$0xf] =	wrdreg s26  }
0xf: {  	s8 =	sshll.u32 s6, $0x8;
	s12 =	sshll.u32 s5, $0xA;
	[dreg:$0x10] =	wrdreg s29  }
0x10: {  	s13 =	sshll.u32 s9, $0xB;
	s6 =	sshll.u32 s6, $0x4;
	[dreg:$0x11] =	wrdreg s30  }
0x11: {  	p0 =	seq.s32 s9, $0x0;
	s5 =	ssub.s32 $0x2, s5;
	[dreg:$0x12] =	wrdreg s31  }
0x12: {  	[dreg:$0x13] =	wrdreg s11;
	s11 =	simm.s32 $0x80;
	s15 =	simm.s32 $0xD00  }
0x13: {  	s16 =	simm.s32 $0x500;
	s17 =	simm.s32 $0xD80;
	s18 =	simm.s32 $0x580  }
0x14: {  	s20 =	simm.s32 $0xE80;
	s21 =	simm.s32 $0x680;
	s22 =	simm.s32 $0xF00  }
0x15: {  	s23 =	simm.s32 $0x700;
	s24 =	simm.s32 $0xF80;
	s26 =	simm.s32 $0x3  }
0x16: {  	s7 =	sor.u32 s8, s7;
	s19 =	sshrl.u32 s5, $0x1;
	s8 =	simm.s32 $0x4  }
0x17: {  	s7 =	sadd.s32 s7, s4;
	s4 =	sadd.s32 s12, s4;
	s5 =	ssub.s32 s5, s19  }
0x18: {  	s12 =	simm.s32 $0xC00;
	s19 =	simm.s32 $0x600;
	s10 =	sadd.s32 $0x2E00, s7  }
0x19: {  	s4 =	sadd.s32 s13, s4;
	s5 =	smax.u32 s5, $0x1;
	[dreg:$0x14] =	wrdreg s12  }
0x1a: {  	s12 =	simm.s32 $0x400;
	s13 =	simm.s32 $0xC80;
	s4 =	sadd.s32 s6, s4  }
0x1b: {  	s6 =	simm.s32 $0xE00;
	[dreg:$0x3] =	wrdreg s10;
	s10 =	simm.s32 $0x2  }
0x1c: {  	s4 =	sadd.s32 $0x3E00, s4;
	s6 =	simm.s32 @!p0 $0x1E00;
	p0 =	sne.s32 s9, $0x0  }
0x1d: {  	s9 =	simm.s32 $0x1;
	[dreg:$0x4] =	wrdreg s4;
	s14 =	sadd.s32 s6, s7  }
0x1e: {  	s4 =	sadd.s32 s25, s2;
	s6 =	simm.s32 $0xE00;
	s7 =	simm.s32 $0x800  }
0x1f: {  	v1 =	vimm.f32 $0.0e+00;
	v0 =	vmov s25;
	s25 =	simm.s32 $0x780;
	[dreg:$0x5] =	wrdreg s14;
	s14 =	simm.s32 $0x480  }
.LBB2_1:
0x20: {  	s29 =	rddreg [dreg:$0x3]  }
0x21: {  	[tilespmem:s7], [sflag:$0x1] =	stream.linear.gather [hbm4b:s29+s3], $0x800, $0x38;
	[tilespmem:$0x1800] =	vst v63  }
0x22: {  	s30 =	rddreg [dreg:$0x5]  }
0x23: {  	[tilespmem:s3], [sflag:$0x2] =	stream.linear.gather [hbm4b:s30+s3], $0x800, $0x38;
	[tilespmem:$0x1800] =	vst v63  }
0x24: {  	[tilespmem:$0x1000] =	vst v1  }
0x25: {  	[tilespmem:$0x1010] =	vst v1  }
0x26: {  	[tilespmem:$0x1020] =	vst v1  }
0x27: {  	[tilespmem:$0x1030] =	vst v1  }
0x28: {  	[tilespmem:$0x1040] =	vst v1  }
0x29: {  	[tilespmem:$0x1050] =	vst v1  }
0x2a: {  	[tilespmem:$0x1060] =	vst v1  }
0x2b: {  	[tilespmem:$0x1070] =	vst v1  }
0x2c: {  	[tilespmem:$0x1080] =	vst v1  }
0x2d: {  	[tilespmem:$0x1090] =	vst v1  }
0x2e: {  	[tilespmem:$0x10A0] =	vst v1  }
0x2f: {  	[tilespmem:$0x10B0] =	vst v1  }
0x30: {  	[tilespmem:$0x10C0] =	vst v1  }
0x31: {  	[tilespmem:$0x10D0] =	vst v1  }
0x32: {  	[tilespmem:$0x10E0] =	vst v1  }
0x33: {  	[tilespmem:$0x10F0] =	vst v1  }
0x34: {  	[tilespmem:$0x1100] =	vst v1  }
0x35: {  	[tilespmem:$0x1110] =	vst v1  }
0x36: {  	[tilespmem:$0x1120] =	vst v1  }
0x37: {  	[tilespmem:$0x1130] =	vst v1  }
0x38: {  	[tilespmem:$0x1140] =	vst v1  }
0x39: {  	[tilespmem:$0x1150] =	vst v1  }
0x3a: {  	[tilespmem:$0x1160] =	vst v1  }
0x3b: {  	[tilespmem:$0x1170] =	vst v1  }
0x3c: {  	[tilespmem:$0x1180] =	vst v1  }
0x3d: {  	[tilespmem:$0x1190] =	vst v1  }
0x3e: {  	[tilespmem:$0x11A0] =	vst v1  }
0x3f: {  	[tilespmem:$0x11B0] =	vst v1  }
0x40: {  	[tilespmem:$0x11C0] =	vst v1  }
0x41: {  	[tilespmem:$0x11D0] =	vst v1  }
0x42: {  	[tilespmem:$0x11E0] =	vst v1  }
0x43: {  	[tilespmem:$0x11F0] =	vst v1  }
0x44: {  	[tilespmem:$0x1200] =	vst v1  }
0x45: {  	[tilespmem:$0x1210] =	vst v1  }
0x46: {  	[tilespmem:$0x1220] =	vst v1  }
0x47: {  	[tilespmem:$0x1230] =	vst v1  }
0x48: {  	[tilespmem:$0x1240] =	vst v1  }
0x49: {  	[tilespmem:$0x1250] =	vst v1  }
0x4a: {  	[tilespmem:$0x1260] =	vst v1  }
0x4b: {  	[tilespmem:$0x1270] =	vst v1  }
0x4c: {  	[tilespmem:$0x1280] =	vst v1  }
0x4d: {  	[tilespmem:$0x1290] =	vst v1  }
0x4e: {  	[tilespmem:$0x12A0] =	vst v1  }
0x4f: {  	[tilespmem:$0x12B0] =	vst v1  }
0x50: {  	[tilespmem:$0x12C0] =	vst v1  }
0x51: {  	[tilespmem:$0x12D0] =	vst v1  }
0x52: {  	[tilespmem:$0x12E0] =	vst v1  }
0x53: {  	[tilespmem:$0x12F0] =	vst v1  }
0x54: {  	[tilespmem:$0x1300] =	vst v1  }
0x55: {  	[tilespmem:$0x1310] =	vst v1  }
0x56: {  	[tilespmem:$0x1320] =	vst v1  }
0x57: {  	[tilespmem:$0x1330] =	vst v1  }
0x58: {  	[tilespmem:$0x1340] =	vst v1  }
0x59: {  	[tilespmem:$0x1350] =	vst v1  }
0x5a: {  	[tilespmem:$0x1360] =	vst v1  }
0x5b: {  	[tilespmem:$0x1370] =	vst v1  }
0x5c: {  	[tilespmem:$0x1380] =	vst v1  }
0x5d: {  	[tilespmem:$0x1390] =	vst v1  }
0x5e: {  	[tilespmem:$0x13A0] =	vst v1  }
0x5f: {  	[tilespmem:$0x13B0] =	vst v1  }
0x60: {  	[tilespmem:$0x13C0] =	vst v1  }
0x61: {  	[tilespmem:$0x13D0] =	vst v1  }
0x62: {  	[tilespmem:$0x13E0] =	vst v1  }
0x63: {  	s31 =	rddreg [dreg:$0x6];
	[tilespmem:$0x13F0] =	vst v1  }
0x64: {  	[spmem:s4] =	stream.linear.scatter [tilespmem:s31], [sflag:$0x4], $0x400, $0x38;
	[tilespmem:$0x1800] =	vst v63  }
0x65: {  	_ =	swait.ge [sflag:s8], $0x400  }
0x66: {  	[sflag:s8] =	ssyncset.done $0x0  }
0x67: {  	[sflag:s8] =	ssyncadd.s32 $0xFFFFFC00  }
0x68: {  	_ =	swait.ge [sflag:s9], $0x800  }
0x69: {  	[sflag:s9] =	ssyncset.done $0x0  }
0x6a: {  	[sflag:s9] =	ssyncadd.s32 $0xFFFFF800  }
0x6b: {  	_ =	swait.ge [sflag:s10], $0x800  }
0x6c: {  	[sflag:s10] =	ssyncset.done $0x0  }
0x6d: {  	[sflag:s10] =	ssyncadd.s32 $0xFFFFF800  }
0x6e: {  	v2 =	vld @!p0 [tilespmem:$0x0]  }
0x6f: {  	v3 =	vld @!p0 [tilespmem:$0x10]  }
0x70: {  	v4 =	vld @!p0 [tilespmem:$0x20]  }
0x71: {  	v5 =	vld @!p0 [tilespmem:$0x30]  }
0x72: {  	v6 =	vld @!p0 [tilespmem:$0x40]  }
0x73: {  	v7 =	vld @!p0 [tilespmem:$0x50];
	v2 =	vmax.f32 @!p0 v2, $0.0e+00  }
0x74: {  	[tilespmem:$0x0] =	vst @!p0 v2;
	v2 =	vmax.f32 @!p0 v3, $0.0e+00;
	v3 =	vld @!p0 [tilespmem:$0x60]  }
0x75: {  	[tilespmem:$0x10] =	vst @!p0 v2;
	v2 =	vmax.f32 @!p0 v4, $0.0e+00;
	v4 =	vld @!p0 [tilespmem:$0x70]  }
0x76: {  	v62 =	vld [tilespmem:$0x800];
	[tilespmem:$0x20] =	vst @!p0 v2;
	v2 =	vmax.f32 @!p0 v5, $0.0e+00  }
0x77: {  	v63 =	vld [tilespmem:$0x810];
	[tilespmem:$0x30] =	vst @!p0 v2;
	v2 =	vmax.f32 @!p0 v6, $0.0e+00  }
0x78: {  	v9 =	vld [tilespmem:$0x820];
	[tilespmem:$0x40] =	vst @!p0 v2;
	v2 =	vmax.f32 @!p0 v7, $0.0e+00  }
0x79: {  	[tilespmem:$0x50] =	vst @!p0 v2;
	v2 =	vmax.f32 @!p0 v3, $0.0e+00;
	v3 =	vld [tilespmem:$0x830]  }
0x7a: {  	v10 =	vld [tilespmem:$0x840];
	[tilespmem:$0x60] =	vst @!p0 v2;
	v2 =	vmax.f32 @!p0 v4, $0.0e+00  }
0x7b: {  	v11 =	vld [tilespmem:$0x850];
	[tilespmem:$0x70] =	vst @!p0 v2;
	v2 =	vadd.s32 v0, v62  }
0x7c: {  	v12 =	vld [tilespmem:$0x860];
	[tilespmem:$0x800] =	vst v2;
	v2 =	vadd.s32 v0, v63  }
0x7d: {  	v13 =	vld [tilespmem:$0x870];
	[tilespmem:$0x810] =	vst v2;
	v2 =	vadd.s32 v0, v9  }
0x7e: {  	[tilespmem:$0x820] =	vst v2;
	v2 =	vadd.s32 v0, v3  }
0x7f: {  	[tilespmem:$0x830] =	vst v2;
	v2 =	vadd.s32 v0, v10  }
0x80: {  	[tilespmem:$0x840] =	vst v2;
	v2 =	vadd.s32 v0, v11  }
0x81: {  	[tilespmem:$0x850] =	vst v2;
	v2 =	vadd.s32 v0, v12  }
0x82: {  	[tilespmem:$0x860] =	vst v2;
	v2 =	vadd.s32 v0, v13  }
0x83: {  	[tilespmem:$0x870] =	vst v2  }
0x84: {  	[spmem:s2] =	stream.indirect.scatter.add.f32 [tilespmem:s3], [sflag:$0x3], $0x1, s7, s11, $0xb8;
	[tilespmem:$0x1800] =	vst v63  }
0x85: {  	v2 =	vld @!p0 [tilespmem:$0x80]  }
0x86: {  	v3 =	vld @!p0 [tilespmem:$0x90]  }
0x87: {  	v4 =	vld @!p0 [tilespmem:$0xA0]  }
0x88: {  	v5 =	vld @!p0 [tilespmem:$0xB0]  }
0x89: {  	v6 =	vld @!p0 [tilespmem:$0xC0]  }
0x8a: {  	v7 =	vld @!p0 [tilespmem:$0xD0];
	v2 =	vmax.f32 @!p0 v2, $0.0e+00  }
0x8b: {  	[tilespmem:$0x80] =	vst @!p0 v2;
	v2 =	vmax.f32 @!p0 v3, $0.0e+00;
	v3 =	vld @!p0 [tilespmem:$0xE0]  }
0x8c: {  	[tilespmem:$0x90] =	vst @!p0 v2;
	v2 =	vmax.f32 @!p0 v4, $0.0e+00;
	v4 =	vld @!p0 [tilespmem:$0xF0]  }
0x8d: {  	v14 =	vld [tilespmem:$0x880];
	[tilespmem:$0xA0] =	vst @!p0 v2;
	v2 =	vmax.f32 @!p0 v5, $0.0e+00  }
0x8e: {  	v15 =	vld [tilespmem:$0x890];
	[tilespmem:$0xB0] =	vst @!p0 v2;
	v2 =	vmax.f32 @!p0 v6, $0.0e+00  }
0x8f: {  	v16 =	vld [tilespmem:$0x8A0];
	[tilespmem:$0xC0] =	vst @!p0 v2;
	v2 =	vmax.f32 @!p0 v7, $0.0e+00  }
0x90: {  	[tilespmem:$0xD0] =	vst @!p0 v2;
	v2 =	vmax.f32 @!p0 v3, $0.0e+00;
	v3 =	vld [tilespmem:$0x8B0]  }
0x91: {  	v17 =	vld [tilespmem:$0x8C0];
	[tilespmem:$0xE0] =	vst @!p0 v2;
	v2 =	vmax.f32 @!p0 v4, $0.0e+00  }
0x92: {  	v18 =	vld [tilespmem:$0x8D0];
	[tilespmem:$0xF0] =	vst @!p0 v2;
	v2 =	vadd.s32 v0, v14  }
0x93: {  	v19 =	vld [tilespmem:$0x8E0];
	[tilespmem:$0x880] =	vst v2;
	v2 =	vadd.s32 v0, v15  }
0x94: {  	v20 =	vld [tilespmem:$0x8F0];
	[tilespmem:$0x890] =	vst v2;
	v2 =	vadd.s32 v0, v16  }
0x95: {  	[tilespmem:$0x8A0] =	vst v2;
	v2 =	vadd.s32 v0, v3  }
0x96: {  	[tilespmem:$0x8B0] =	vst v2;
	v2 =	vadd.s32 v0, v17  }
0x97: {  	[tilespmem:$0x8C0] =	vst v2;
	v2 =	vadd.s32 v0, v18  }
0x98: {  	[tilespmem:$0x8D0] =	vst v2;
	v2 =	vadd.s32 v0, v19  }
0x99: {  	[tilespmem:$0x8E0] =	vst v2;
	v2 =	vadd.s32 v0, v20  }
0x9a: {  	s30 =	rddreg [dreg:$0x7];
	[tilespmem:$0x8F0] =	vst v2  }
0x9b: {  	[spmem:s2] =	stream.indirect.scatter.add.f32 [tilespmem:s11], [sflag:$0x3], $0x1, s30, s11, $0xb8;
	[tilespmem:$0x1800] =	vst v63  }
0x9c: {  	v2 =	vld @!p0 [tilespmem:$0x100]  }
0x9d: {  	v3 =	vld @!p0 [tilespmem:$0x110]  }
0x9e: {  	v4 =	vld @!p0 [tilespmem:$0x120]  }
0x9f: {  	v5 =	vld @!p0 [tilespmem:$0x130]  }
0xa0: {  	v6 =	vld @!p0 [tilespmem:$0x140]  }
0xa1: {  	v2 =	vmax.f32 @!p0 v2, $0.0e+00  }
0xa2: {  	[tilespmem:$0x100] =	vst @!p0 v2;
	v2 =	vmax.f32 @!p0 v3, $0.0e+00  }
0xa3: {  	[tilespmem:$0x110] =	vst @!p0 v2;
	v2 =	vmax.f32 @!p0 v4, $0.0e+00  }
0xa4: {  	[tilespmem:$0x120] =	vst @!p0 v2;
	v2 =	vmax.f32 @!p0 v5, $0.0e+00  }
0xa5: {  	[tilespmem:$0x130] =	vst @!p0 v2;
	v2 =	vmax.f32 @!p0 v6, $0.0e+00  }
0xa6: {  	[tilespmem:$0x140] =	vst @!p0 v2  }
0xa7: {  	v2 =	vld @!p0 [tilespmem:$0x150]  }
0xa8: {  	v3 =	vld @!p0 [tilespmem:$0x160]  }
0xa9: {  	v4 =	vld @!p0 [tilespmem:$0x170]  }
0xaa: {  	v21 =	vld [tilespmem:$0x900]  }
0xab: {  	v22 =	vld [tilespmem:$0x910]  }
0xac: {  	v23 =	vld [tilespmem:$0x920];
	v2 =	vmax.f32 @!p0 v2, $0.0e+00  }
0xad: {  	[tilespmem:$0x150] =	vst @!p0 v2;
	v2 =	vmax.f32 @!p0 v3, $0.0e+00;
	v3 =	vld [tilespmem:$0x930]  }
0xae: {  	v24 =	vld [tilespmem:$0x940];
	[tilespmem:$0x160] =	vst @!p0 v2;
	v2 =	vmax.f32 @!p0 v4, $0.0e+00  }
0xaf: {  	v25 =	vld [tilespmem:$0x950];
	[tilespmem:$0x170] =	vst @!p0 v2;
	v2 =	vadd.s32 v0, v21  }
0xb0: {  	v26 =	vld [tilespmem:$0x960];
	[tilespmem:$0x900] =	vst v2;
	v2 =	vadd.s32 v0, v22  }
0xb1: {  	v27 =	vld [tilespmem:$0x970];
	[tilespmem:$0x910] =	vst v2;
	v2 =	vadd.s32 v0, v23  }
0xb2: {  	[tilespmem:$0x920] =	vst v2;
	v2 =	vadd.s32 v0, v3  }
0xb3: {  	[tilespmem:$0x930] =	vst v2;
	v2 =	vadd.s32 v0, v24  }
0xb4: {  	[tilespmem:$0x940] =	vst v2;
	v2 =	vadd.s32 v0, v25  }
0xb5: {  	[tilespmem:$0x950] =	vst v2;
	v2 =	vadd.s32 v0, v26  }
0xb6: {  	s29 =	rddreg [dreg:$0x8];
	[tilespmem:$0x960] =	vst v2;
	v2 =	vadd.s32 v0, v27  }
0xb7: {  	s31 =	rddreg [dreg:$0x9];
	[tilespmem:$0x970] =	vst v2  }
0xb8: {  	[spmem:s2] =	stream.indirect.scatter.add.f32 [tilespmem:s31], [sflag:$0x3], $0x1, s29, s11, $0xb8;
	[tilespmem:$0x1800] =	vst v63  }
0xb9: {  	v2 =	vld @!p0 [tilespmem:$0x180]  }
0xba: {  	v3 =	vld @!p0 [tilespmem:$0x190]  }
0xbb: {  	v4 =	vld @!p0 [tilespmem:$0x1A0]  }
0xbc: {  	v5 =	vld @!p0 [tilespmem:$0x1B0]  }
0xbd: {  	v6 =	vld @!p0 [tilespmem:$0x1C0]  }
0xbe: {  	v7 =	vld @!p0 [tilespmem:$0x1D0];
	v2 =	vmax.f32 @!p0 v2, $0.0e+00  }
0xbf: {  	[tilespmem:$0x180] =	vst @!p0 v2;
	v2 =	vmax.f32 @!p0 v3, $0.0e+00;
	v3 =	vld @!p0 [tilespmem:$0x1E0]  }
0xc0: {  	[tilespmem:$0x190] =	vst @!p0 v2;
	v2 =	vmax.f32 @!p0 v4, $0.0e+00;
	v4 =	vld @!p0 [tilespmem:$0x1F0]  }
0xc1: {  	v28 =	vld [tilespmem:$0x980];
	[tilespmem:$0x1A0] =	vst @!p0 v2;
	v2 =	vmax.f32 @!p0 v5, $0.0e+00  }
0xc2: {  	v29 =	vld [tilespmem:$0x990];
	[tilespmem:$0x1B0] =	vst @!p0 v2;
	v2 =	vmax.f32 @!p0 v6, $0.0e+00  }
0xc3: {  	v30 =	vld [tilespmem:$0x9A0];
	[tilespmem:$0x1C0] =	vst @!p0 v2;
	v2 =	vmax.f32 @!p0 v7, $0.0e+00  }
0xc4: {  	[tilespmem:$0x1D0] =	vst @!p0 v2;
	v2 =	vmax.f32 @!p0 v3, $0.0e+00;
	v3 =	vld [tilespmem:$0x9B0]  }
0xc5: {  	v31 =	vld [tilespmem:$0x9C0];
	[tilespmem:$0x1E0] =	vst @!p0 v2;
	v2 =	vmax.f32 @!p0 v4, $0.0e+00  }
0xc6: {  	v32 =	vld [tilespmem:$0x9D0];
	[tilespmem:$0x1F0] =	vst @!p0 v2;
	v2 =	vadd.s32 v0, v28  }
0xc7: {  	v33 =	vld [tilespmem:$0x9E0];
	[tilespmem:$0x980] =	vst v2;
	v2 =	vadd.s32 v0, v29  }
0xc8: {  	v34 =	vld [tilespmem:$0x9F0];
	[tilespmem:$0x990] =	vst v2;
	v2 =	vadd.s32 v0, v30  }
0xc9: {  	[tilespmem:$0x9A0] =	vst v2;
	v2 =	vadd.s32 v0, v3  }
0xca: {  	[tilespmem:$0x9B0] =	vst v2;
	v2 =	vadd.s32 v0, v31  }
0xcb: {  	[tilespmem:$0x9C0] =	vst v2;
	v2 =	vadd.s32 v0, v32  }
0xcc: {  	[tilespmem:$0x9D0] =	vst v2;
	v2 =	vadd.s32 v0, v33  }
0xcd: {  	s29 =	rddreg [dreg:$0xa];
	[tilespmem:$0x9E0] =	vst v2;
	v2 =	vadd.s32 v0, v34  }
0xce: {  	s31 =	rddreg [dreg:$0xb];
	[tilespmem:$0x9F0] =	vst v2  }
0xcf: {  	[spmem:s2] =	stream.indirect.scatter.add.f32 [tilespmem:s31], [sflag:$0x3], $0x1, s29, s11, $0xb8;
	[tilespmem:$0x1800] =	vst v63  }
0xd0: {  	v2 =	vld @!p0 [tilespmem:$0x200]  }
0xd1: {  	v3 =	vld @!p0 [tilespmem:$0x210]  }
0xd2: {  	v4 =	vld @!p0 [tilespmem:$0x220]  }
0xd3: {  	v5 =	vld @!p0 [tilespmem:$0x230]  }
0xd4: {  	v6 =	vld @!p0 [tilespmem:$0x240]  }
0xd5: {  	v7 =	vld @!p0 [tilespmem:$0x250];
	v2 =	vmax.f32 @!p0 v2, $0.0e+00  }
0xd6: {  	[tilespmem:$0x200] =	vst @!p0 v2;
	v2 =	vmax.f32 @!p0 v3, $0.0e+00;
	v3 =	vld @!p0 [tilespmem:$0x260]  }
0xd7: {  	[tilespmem:$0x210] =	vst @!p0 v2;
	v2 =	vmax.f32 @!p0 v4, $0.0e+00;
	v4 =	vld @!p0 [tilespmem:$0x270]  }
0xd8: {  	v35 =	vld [tilespmem:$0xA00];
	[tilespmem:$0x220] =	vst @!p0 v2;
	v2 =	vmax.f32 @!p0 v5, $0.0e+00  }
0xd9: {  	v36 =	vld [tilespmem:$0xA10];
	[tilespmem:$0x230] =	vst @!p0 v2;
	v2 =	vmax.f32 @!p0 v6, $0.0e+00  }
0xda: {  	v37 =	vld [tilespmem:$0xA20];
	[tilespmem:$0x240] =	vst @!p0 v2;
	v2 =	vmax.f32 @!p0 v7, $0.0e+00  }
0xdb: {  	[tilespmem:$0x250] =	vst @!p0 v2;
	v2 =	vmax.f32 @!p0 v3, $0.0e+00;
	v3 =	vld [tilespmem:$0xA30]  }
0xdc: {  	v38 =	vld [tilespmem:$0xA40];
	[tilespmem:$0x260] =	vst @!p0 v2;
	v2 =	vmax.f32 @!p0 v4, $0.0e+00  }
0xdd: {  	v39 =	vld [tilespmem:$0xA50];
	[tilespmem:$0x270] =	vst @!p0 v2;
	v2 =	vadd.s32 v0, v35  }
0xde: {  	v40 =	vld [tilespmem:$0xA60];
	[tilespmem:$0xA00] =	vst v2;
	v2 =	vadd.s32 v0, v36  }
0xdf: {  	v41 =	vld [tilespmem:$0xA70];
	[tilespmem:$0xA10] =	vst v2;
	v2 =	vadd.s32 v0, v37  }
0xe0: {  	[tilespmem:$0xA20] =	vst v2;
	v2 =	vadd.s32 v0, v3  }
0xe1: {  	[tilespmem:$0xA30] =	vst v2;
	v2 =	vadd.s32 v0, v38  }
0xe2: {  	[tilespmem:$0xA40] =	vst v2;
	v2 =	vadd.s32 v0, v39  }
0xe3: {  	[tilespmem:$0xA50] =	vst v2;
	v2 =	vadd.s32 v0, v40  }
0xe4: {  	s29 =	rddreg [dreg:$0xc];
	[tilespmem:$0xA60] =	vst v2;
	v2 =	vadd.s32 v0, v41  }
0xe5: {  	s31 =	rddreg [dreg:$0xd];
	[tilespmem:$0xA70] =	vst v2  }
0xe6: {  	[spmem:s2] =	stream.indirect.scatter.add.f32 [tilespmem:s31], [sflag:$0x3], $0x1, s29, s11, $0xb8;
	[tilespmem:$0x1800] =	vst v63  }
0xe7: {  	v2 =	vld @!p0 [tilespmem:$0x280]  }
0xe8: {  	v3 =	vld @!p0 [tilespmem:$0x290]  }
0xe9: {  	v4 =	vld @!p0 [tilespmem:$0x2A0]  }
0xea: {  	v5 =	vld @!p0 [tilespmem:$0x2B0]  }
0xeb: {  	v6 =	vld @!p0 [tilespmem:$0x2C0]  }
0xec: {  	v7 =	vld @!p0 [tilespmem:$0x2D0];
	v2 =	vmax.f32 @!p0 v2, $0.0e+00  }
0xed: {  	[tilespmem:$0x280] =	vst @!p0 v2;
	v2 =	vmax.f32 @!p0 v3, $0.0e+00;
	v3 =	vld @!p0 [tilespmem:$0x2E0]  }
0xee: {  	[tilespmem:$0x290] =	vst @!p0 v2;
	v2 =	vmax.f32 @!p0 v4, $0.0e+00;
	v4 =	vld @!p0 [tilespmem:$0x2F0]  }
0xef: {  	v42 =	vld [tilespmem:$0xA80];
	[tilespmem:$0x2A0] =	vst @!p0 v2;
	v2 =	vmax.f32 @!p0 v5, $0.0e+00  }
0xf0: {  	v43 =	vld [tilespmem:$0xA90];
	[tilespmem:$0x2B0] =	vst @!p0 v2;
	v2 =	vmax.f32 @!p0 v6, $0.0e+00  }
0xf1: {  	v44 =	vld [tilespmem:$0xAA0];
	[tilespmem:$0x2C0] =	vst @!p0 v2;
	v2 =	vmax.f32 @!p0 v7, $0.0e+00  }
0xf2: {  	[tilespmem:$0x2D0] =	vst @!p0 v2;
	v2 =	vmax.f32 @!p0 v3, $0.0e+00;
	v3 =	vld [tilespmem:$0xAB0]  }
0xf3: {  	v45 =	vld [tilespmem:$0xAC0];
	[tilespmem:$0x2E0] =	vst @!p0 v2;
	v2 =	vmax.f32 @!p0 v4, $0.0e+00  }
0xf4: {  	v46 =	vld [tilespmem:$0xAD0];
	[tilespmem:$0x2F0] =	vst @!p0 v2;
	v2 =	vadd.s32 v0, v42  }
0xf5: {  	v47 =	vld [tilespmem:$0xAE0];
	[tilespmem:$0xA80] =	vst v2;
	v2 =	vadd.s32 v0, v43  }
0xf6: {  	v48 =	vld [tilespmem:$0xAF0];
	[tilespmem:$0xA90] =	vst v2;
	v2 =	vadd.s32 v0, v44  }
0xf7: {  	[tilespmem:$0xAA0] =	vst v2;
	v2 =	vadd.s32 v0, v3  }
0xf8: {  	[tilespmem:$0xAB0] =	vst v2;
	v2 =	vadd.s32 v0, v45  }
0xf9: {  	[tilespmem:$0xAC0] =	vst v2;
	v2 =	vadd.s32 v0, v46  }
0xfa: {  	[tilespmem:$0xAD0] =	vst v2;
	v2 =	vadd.s32 v0, v47  }
0xfb: {  	s29 =	rddreg [dreg:$0xe];
	[tilespmem:$0xAE0] =	vst v2;
	v2 =	vadd.s32 v0, v48  }
0xfc: {  	s31 =	rddreg [dreg:$0xf];
	[tilespmem:$0xAF0] =	vst v2  }
0xfd: {  	[spmem:s2] =	stream.indirect.scatter.add.f32 [tilespmem:s31], [sflag:$0x3], $0x1, s29, s11, $0xb8;
	[tilespmem:$0x1800] =	vst v63  }
0xfe: {  	v2 =	vld @!p0 [tilespmem:$0x300]  }
0xff: {  	v3 =	vld @!p0 [tilespmem:$0x310]  }
0x100: {  	v4 =	vld @!p0 [tilespmem:$0x320]  }
0x101: {  	v5 =	vld @!p0 [tilespmem:$0x330]  }
0x102: {  	v6 =	vld @!p0 [tilespmem:$0x340]  }
0x103: {  	v7 =	vld @!p0 [tilespmem:$0x350];
	v2 =	vmax.f32 @!p0 v2, $0.0e+00  }
0x104: {  	[tilespmem:$0x300] =	vst @!p0 v2;
	v2 =	vmax.f32 @!p0 v3, $0.0e+00;
	v3 =	vld @!p0 [tilespmem:$0x360]  }
0x105: {  	[tilespmem:$0x310] =	vst @!p0 v2;
	v2 =	vmax.f32 @!p0 v4, $0.0e+00;
	v4 =	vld @!p0 [tilespmem:$0x370]  }
0x106: {  	v49 =	vld [tilespmem:$0xB00];
	[tilespmem:$0x320] =	vst @!p0 v2;
	v2 =	vmax.f32 @!p0 v5, $0.0e+00  }
0x107: {  	v50 =	vld [tilespmem:$0xB10];
	[tilespmem:$0x330] =	vst @!p0 v2;
	v2 =	vmax.f32 @!p0 v6, $0.0e+00  }
0x108: {  	v51 =	vld [tilespmem:$0xB20];
	[tilespmem:$0x340] =	vst @!p0 v2;
	v2 =	vmax.f32 @!p0 v7, $0.0e+00  }
0x109: {  	[tilespmem:$0x350] =	vst @!p0 v2;
	v2 =	vmax.f32 @!p0 v3, $0.0e+00;
	v3 =	vld [tilespmem:$0xB30]  }
0x10a: {  	v52 =	vld [tilespmem:$0xB40];
	[tilespmem:$0x360] =	vst @!p0 v2;
	v2 =	vmax.f32 @!p0 v4, $0.0e+00  }
0x10b: {  	v53 =	vld [tilespmem:$0xB50];
	[tilespmem:$0x370] =	vst @!p0 v2;
	v2 =	vadd.s32 v0, v49  }
0x10c: {  	v54 =	vld [tilespmem:$0xB60];
	[tilespmem:$0xB00] =	vst v2;
	v2 =	vadd.s32 v0, v50  }
0x10d: {  	v55 =	vld [tilespmem:$0xB70];
	[tilespmem:$0xB10] =	vst v2;
	v2 =	vadd.s32 v0, v51  }
0x10e: {  	[tilespmem:$0xB20] =	vst v2;
	v2 =	vadd.s32 v0, v3  }
0x10f: {  	[tilespmem:$0xB30] =	vst v2;
	v2 =	vadd.s32 v0, v52  }
0x110: {  	[tilespmem:$0xB40] =	vst v2;
	v2 =	vadd.s32 v0, v53  }
0x111: {  	[tilespmem:$0xB50] =	vst v2;
	v2 =	vadd.s32 v0, v54  }
0x112: {  	s29 =	rddreg [dreg:$0x10];
	[tilespmem:$0xB60] =	vst v2;
	v2 =	vadd.s32 v0, v55  }
0x113: {  	s31 =	rddreg [dreg:$0x11];
	[tilespmem:$0xB70] =	vst v2  }
0x114: {  	[spmem:s2] =	stream.indirect.scatter.add.f32 [tilespmem:s31], [sflag:$0x3], $0x1, s29, s11, $0xb8;
	[tilespmem:$0x1800] =	vst v63  }
0x115: {  	v2 =	vld @!p0 [tilespmem:$0x380]  }
0x116: {  	v3 =	vld @!p0 [tilespmem:$0x390]  }
0x117: {  	v4 =	vld @!p0 [tilespmem:$0x3A0]  }
0x118: {  	v5 =	vld @!p0 [tilespmem:$0x3B0]  }
0x119: {  	v6 =	vld @!p0 [tilespmem:$0x3C0]  }
0x11a: {  	v7 =	vld @!p0 [tilespmem:$0x3D0];
	v2 =	vmax.f32 @!p0 v2, $0.0e+00  }
0x11b: {  	[tilespmem:$0x380] =	vst @!p0 v2;
	v2 =	vmax.f32 @!p0 v3, $0.0e+00;
	v3 =	vld @!p0 [tilespmem:$0x3E0]  }
0x11c: {  	[tilespmem:$0x390] =	vst @!p0 v2;
	v2 =	vmax.f32 @!p0 v4, $0.0e+00;
	v4 =	vld @!p0 [tilespmem:$0x3F0]  }
0x11d: {  	v56 =	vld [tilespmem:$0xB80];
	[tilespmem:$0x3A0] =	vst @!p0 v2;
	v2 =	vmax.f32 @!p0 v5, $0.0e+00  }
0x11e: {  	v57 =	vld [tilespmem:$0xB90];
	[tilespmem:$0x3B0] =	vst @!p0 v2;
	v2 =	vmax.f32 @!p0 v6, $0.0e+00  }
0x11f: {  	v58 =	vld [tilespmem:$0xBA0];
	[tilespmem:$0x3C0] =	vst @!p0 v2;
	v2 =	vmax.f32 @!p0 v7, $0.0e+00  }
0x120: {  	[tilespmem:$0x3D0] =	vst @!p0 v2;
	v2 =	vmax.f32 @!p0 v3, $0.0e+00;
	v3 =	vld [tilespmem:$0xBB0]  }
0x121: {  	v59 =	vld [tilespmem:$0xBC0];
	[tilespmem:$0x3E0] =	vst @!p0 v2;
	v2 =	vmax.f32 @!p0 v4, $0.0e+00  }
0x122: {  	v60 =	vld [tilespmem:$0xBD0];
	[tilespmem:$0x3F0] =	vst @!p0 v2;
	v2 =	vadd.s32 v0, v56  }
0x123: {  	v61 =	vld [tilespmem:$0xBE0];
	[tilespmem:$0xB80] =	vst v2;
	v2 =	vadd.s32 v0, v57  }
0x124: {  	v62 =	vld [tilespmem:$0xBF0];
	[tilespmem:$0xB90] =	vst v2;
	v2 =	vadd.s32 v0, v58  }
0x125: {  	[tilespmem:$0xBA0] =	vst v2;
	v2 =	vadd.s32 v0, v3  }
0x126: {  	[tilespmem:$0xBB0] =	vst v2;
	v2 =	vadd.s32 v0, v59  }
0x127: {  	[tilespmem:$0xBC0] =	vst v2;
	v2 =	vadd.s32 v0, v60  }
0x128: {  	[tilespmem:$0xBD0] =	vst v2;
	v2 =	vadd.s32 v0, v61  }
0x129: {  	s29 =	rddreg [dreg:$0x12];
	[tilespmem:$0xBE0] =	vst v2;
	v2 =	vadd.s32 v0, v62  }
0x12a: {  	s31 =	rddreg [dreg:$0x13];
	[tilespmem:$0xBF0] =	vst v2  }
0x12b: {  	[spmem:s2] =	stream.indirect.scatter.add.f32 [tilespmem:s31], [sflag:$0x3], $0x1, s29, s11, $0xb8;
	[tilespmem:$0x1800] =	vst v63  }
0x12c: {  	v2 =	vld @!p0 [tilespmem:$0x400]  }
0x12d: {  	v3 =	vld @!p0 [tilespmem:$0x410]  }
0x12e: {  	v4 =	vld @!p0 [tilespmem:$0x420]  }
0x12f: {  	v5 =	vld @!p0 [tilespmem:$0x430]  }
0x130: {  	v6 =	vld @!p0 [tilespmem:$0x440]  }
0x131: {  	v7 =	vld @!p0 [tilespmem:$0x450];
	v2 =	vmax.f32 @!p0 v2, $0.0e+00  }
0x132: {  	[tilespmem:$0x400] =	vst @!p0 v2;
	v2 =	vmax.f32 @!p0 v3, $0.0e+00;
	v3 =	vld @!p0 [tilespmem:$0x460]  }
0x133: {  	[tilespmem:$0x410] =	vst @!p0 v2;
	v2 =	vmax.f32 @!p0 v4, $0.0e+00;
	v4 =	vld @!p0 [tilespmem:$0x470]  }
0x134: {  	v63 =	vld [tilespmem:$0xC00];
	[tilespmem:$0x420] =	vst @!p0 v2;
	v2 =	vmax.f32 @!p0 v5, $0.0e+00  }
0x135: {  	v9 =	vld [tilespmem:$0xC10];
	[tilespmem:$0x430] =	vst @!p0 v2;
	v2 =	vmax.f32 @!p0 v6, $0.0e+00  }
0x136: {  	v10 =	vld [tilespmem:$0xC20];
	[tilespmem:$0x440] =	vst @!p0 v2;
	v2 =	vmax.f32 @!p0 v7, $0.0e+00  }
0x137: {  	[tilespmem:$0x450] =	vst @!p0 v2;
	v2 =	vmax.f32 @!p0 v3, $0.0e+00;
	v3 =	vld [tilespmem:$0xC30]  }
0x138: {  	v11 =	vld [tilespmem:$0xC40];
	[tilespmem:$0x460] =	vst @!p0 v2;
	v2 =	vmax.f32 @!p0 v4, $0.0e+00  }
0x139: {  	v12 =	vld [tilespmem:$0xC50];
	[tilespmem:$0x470] =	vst @!p0 v2;
	v2 =	vadd.s32 v0, v63  }
0x13a: {  	v13 =	vld [tilespmem:$0xC60];
	[tilespmem:$0xC00] =	vst v2;
	v2 =	vadd.s32 v0, v9  }
0x13b: {  	v14 =	vld [tilespmem:$0xC70];
	[tilespmem:$0xC10] =	vst v2;
	v2 =	vadd.s32 v0, v10  }
0x13c: {  	[tilespmem:$0xC20] =	vst v2;
	v2 =	vadd.s32 v0, v3  }
0x13d: {  	[tilespmem:$0xC30] =	vst v2;
	v2 =	vadd.s32 v0, v11  }
0x13e: {  	[tilespmem:$0xC40] =	vst v2;
	v2 =	vadd.s32 v0, v12  }
0x13f: {  	[tilespmem:$0xC50] =	vst v2;
	v2 =	vadd.s32 v0, v13  }
0x140: {  	[tilespmem:$0xC60] =	vst v2;
	v2 =	vadd.s32 v0, v14  }
0x141: {  	s30 =	rddreg [dreg:$0x14];
	[tilespmem:$0xC70] =	vst v2  }
0x142: {  	[spmem:s2] =	stream.indirect.scatter.add.f32 [tilespmem:s12], [sflag:$0x3], $0x1, s30, s11, $0xb8;
	[tilespmem:$0x1800] =	vst v63  }
0x143: {  	v2 =	vld @!p0 [tilespmem:$0x480]  }
0x144: {  	v3 =	vld @!p0 [tilespmem:$0x490]  }
0x145: {  	v4 =	vld @!p0 [tilespmem:$0x4A0]  }
0x146: {  	v5 =	vld @!p0 [tilespmem:$0x4B0]  }
0x147: {  	v6 =	vld @!p0 [tilespmem:$0x4C0]  }
0x148: {  	v7 =	vld @!p0 [tilespmem:$0x4D0];
	v2 =	vmax.f32 @!p0 v2, $0.0e+00  }
0x149: {  	[tilespmem:$0x480] =	vst @!p0 v2;
	v2 =	vmax.f32 @!p0 v3, $0.0e+00;
	v3 =	vld @!p0 [tilespmem:$0x4E0]  }
0x14a: {  	[tilespmem:$0x490] =	vst @!p0 v2;
	v2 =	vmax.f32 @!p0 v4, $0.0e+00;
	v4 =	vld @!p0 [tilespmem:$0x4F0]  }
0x14b: {  	v15 =	vld [tilespmem:$0xC80];
	[tilespmem:$0x4A0] =	vst @!p0 v2;
	v2 =	vmax.f32 @!p0 v5, $0.0e+00  }
0x14c: {  	v16 =	vld [tilespmem:$0xC90];
	[tilespmem:$0x4B0] =	vst @!p0 v2;
	v2 =	vmax.f32 @!p0 v6, $0.0e+00  }
0x14d: {  	v17 =	vld [tilespmem:$0xCA0];
	[tilespmem:$0x4C0] =	vst @!p0 v2;
	v2 =	vmax.f32 @!p0 v7, $0.0e+00  }
0x14e: {  	[tilespmem:$0x4D0] =	vst @!p0 v2;
	v2 =	vmax.f32 @!p0 v3, $0.0e+00;
	v3 =	vld [tilespmem:$0xCB0]  }
0x14f: {  	v18 =	vld [tilespmem:$0xCC0];
	[tilespmem:$0x4E0] =	vst @!p0 v2;
	v2 =	vmax.f32 @!p0 v4, $0.0e+00  }
0x150: {  	v19 =	vld [tilespmem:$0xCD0];
	[tilespmem:$0x4F0] =	vst @!p0 v2;
	v2 =	vadd.s32 v0, v15  }
0x151: {  	v20 =	vld [tilespmem:$0xCE0];
	[tilespmem:$0xC80] =	vst v2;
	v2 =	vadd.s32 v0, v16  }
0x152: {  	v21 =	vld [tilespmem:$0xCF0];
	[tilespmem:$0xC90] =	vst v2;
	v2 =	vadd.s32 v0, v17  }
0x153: {  	[tilespmem:$0xCA0] =	vst v2;
	v2 =	vadd.s32 v0, v3  }
0x154: {  	[tilespmem:$0xCB0] =	vst v2;
	v2 =	vadd.s32 v0, v18  }
0x155: {  	[tilespmem:$0xCC0] =	vst v2;
	v2 =	vadd.s32 v0, v19  }
0x156: {  	[tilespmem:$0xCD0] =	vst v2;
	v2 =	vadd.s32 v0, v20  }
0x157: {  	[tilespmem:$0xCE0] =	vst v2;
	v2 =	vadd.s32 v0, v21  }
0x158: {  	[tilespmem:$0xCF0] =	vst v2  }
0x159: {  	[spmem:s2] =	stream.indirect.scatter.add.f32 [tilespmem:s14], [sflag:$0x3], $0x1, s13, s11, $0xb8;
	[tilespmem:$0x1800] =	vst v63  }
0x15a: {  	v2 =	vld @!p0 [tilespmem:$0x500]  }
0x15b: {  	v3 =	vld @!p0 [tilespmem:$0x510]  }
0x15c: {  	v4 =	vld @!p0 [tilespmem:$0x520]  }
0x15d: {  	v5 =	vld @!p0 [tilespmem:$0x530]  }
0x15e: {  	v6 =	vld @!p0 [tilespmem:$0x540]  }
0x15f: {  	v7 =	vld @!p0 [tilespmem:$0x550];
	v2 =	vmax.f32 @!p0 v2, $0.0e+00  }
0x160: {  	[tilespmem:$0x500] =	vst @!p0 v2;
	v2 =	vmax.f32 @!p0 v3, $0.0e+00;
	v3 =	vld @!p0 [tilespmem:$0x560]  }
0x161: {  	[tilespmem:$0x510] =	vst @!p0 v2;
	v2 =	vmax.f32 @!p0 v4, $0.0e+00;
	v4 =	vld @!p0 [tilespmem:$0x570]  }
0x162: {  	v22 =	vld [tilespmem:$0xD00];
	[tilespmem:$0x520] =	vst @!p0 v2;
	v2 =	vmax.f32 @!p0 v5, $0.0e+00  }
0x163: {  	v23 =	vld [tilespmem:$0xD10];
	[tilespmem:$0x530] =	vst @!p0 v2;
	v2 =	vmax.f32 @!p0 v6, $0.0e+00  }
0x164: {  	v24 =	vld [tilespmem:$0xD20];
	[tilespmem:$0x540] =	vst @!p0 v2;
	v2 =	vmax.f32 @!p0 v7, $0.0e+00  }
0x165: {  	[tilespmem:$0x550] =	vst @!p0 v2;
	v2 =	vmax.f32 @!p0 v3, $0.0e+00;
	v3 =	vld [tilespmem:$0xD30]  }
0x166: {  	v25 =	vld [tilespmem:$0xD40];
	[tilespmem:$0x560] =	vst @!p0 v2;
	v2 =	vmax.f32 @!p0 v4, $0.0e+00  }
0x167: {  	v26 =	vld [tilespmem:$0xD50];
	[tilespmem:$0x570] =	vst @!p0 v2;
	v2 =	vadd.s32 v0, v22  }
0x168: {  	v27 =	vld [tilespmem:$0xD60];
	[tilespmem:$0xD00] =	vst v2;
	v2 =	vadd.s32 v0, v23  }
0x169: {  	v28 =	vld [tilespmem:$0xD70];
	[tilespmem:$0xD10] =	vst v2;
	v2 =	vadd.s32 v0, v24  }
0x16a: {  	[tilespmem:$0xD20] =	vst v2;
	v2 =	vadd.s32 v0, v3  }
0x16b: {  	[tilespmem:$0xD30] =	vst v2;
	v2 =	vadd.s32 v0, v25  }
0x16c: {  	[tilespmem:$0xD40] =	vst v2;
	v2 =	vadd.s32 v0, v26  }
0x16d: {  	[tilespmem:$0xD50] =	vst v2;
	v2 =	vadd.s32 v0, v27  }
0x16e: {  	[tilespmem:$0xD60] =	vst v2;
	v2 =	vadd.s32 v0, v28  }
0x16f: {  	[tilespmem:$0xD70] =	vst v2  }
0x170: {  	[spmem:s2] =	stream.indirect.scatter.add.f32 [tilespmem:s16], [sflag:$0x3], $0x1, s15, s11, $0xb8;
	[tilespmem:$0x1800] =	vst v63  }
0x171: {  	v2 =	vld @!p0 [tilespmem:$0x580]  }
0x172: {  	v3 =	vld @!p0 [tilespmem:$0x590]  }
0x173: {  	v4 =	vld @!p0 [tilespmem:$0x5A0]  }
0x174: {  	v5 =	vld @!p0 [tilespmem:$0x5B0]  }
0x175: {  	v6 =	vld @!p0 [tilespmem:$0x5C0]  }
0x176: {  	v7 =	vld @!p0 [tilespmem:$0x5D0];
	v2 =	vmax.f32 @!p0 v2, $0.0e+00  }
0x177: {  	[tilespmem:$0x580] =	vst @!p0 v2;
	v2 =	vmax.f32 @!p0 v3, $0.0e+00;
	v3 =	vld @!p0 [tilespmem:$0x5E0]  }
0x178: {  	[tilespmem:$0x590] =	vst @!p0 v2;
	v2 =	vmax.f32 @!p0 v4, $0.0e+00;
	v4 =	vld @!p0 [tilespmem:$0x5F0]  }
0x179: {  	v29 =	vld [tilespmem:$0xD80];
	[tilespmem:$0x5A0] =	vst @!p0 v2;
	v2 =	vmax.f32 @!p0 v5, $0.0e+00  }
0x17a: {  	v30 =	vld [tilespmem:$0xD90];
	[tilespmem:$0x5B0] =	vst @!p0 v2;
	v2 =	vmax.f32 @!p0 v6, $0.0e+00  }
0x17b: {  	v31 =	vld [tilespmem:$0xDA0];
	[tilespmem:$0x5C0] =	vst @!p0 v2;
	v2 =	vmax.f32 @!p0 v7, $0.0e+00  }
0x17c: {  	[tilespmem:$0x5D0] =	vst @!p0 v2;
	v2 =	vmax.f32 @!p0 v3, $0.0e+00;
	v3 =	vld [tilespmem:$0xDB0]  }
0x17d: {  	v32 =	vld [tilespmem:$0xDC0];
	[tilespmem:$0x5E0] =	vst @!p0 v2;
	v2 =	vmax.f32 @!p0 v4, $0.0e+00  }
0x17e: {  	v33 =	vld [tilespmem:$0xDD0];
	[tilespmem:$0x5F0] =	vst @!p0 v2;
	v2 =	vadd.s32 v0, v29  }
0x17f: {  	v34 =	vld [tilespmem:$0xDE0];
	[tilespmem:$0xD80] =	vst v2;
	v2 =	vadd.s32 v0, v30  }
0x180: {  	v35 =	vld [tilespmem:$0xDF0];
	[tilespmem:$0xD90] =	vst v2;
	v2 =	vadd.s32 v0, v31  }
0x181: {  	[tilespmem:$0xDA0] =	vst v2;
	v2 =	vadd.s32 v0, v3  }
0x182: {  	[tilespmem:$0xDB0] =	vst v2;
	v2 =	vadd.s32 v0, v32  }
0x183: {  	[tilespmem:$0xDC0] =	vst v2;
	v2 =	vadd.s32 v0, v33  }
0x184: {  	[tilespmem:$0xDD0] =	vst v2;
	v2 =	vadd.s32 v0, v34  }
0x185: {  	[tilespmem:$0xDE0] =	vst v2;
	v2 =	vadd.s32 v0, v35  }
0x186: {  	[tilespmem:$0xDF0] =	vst v2  }
0x187: {  	[spmem:s2] =	stream.indirect.scatter.add.f32 [tilespmem:s18], [sflag:$0x3], $0x1, s17, s11, $0xb8;
	[tilespmem:$0x1800] =	vst v63  }
0x188: {  	v2 =	vld @!p0 [tilespmem:$0x600]  }
0x189: {  	v3 =	vld @!p0 [tilespmem:$0x610]  }
0x18a: {  	v4 =	vld @!p0 [tilespmem:$0x620]  }
0x18b: {  	v5 =	vld @!p0 [tilespmem:$0x630]  }
0x18c: {  	v6 =	vld @!p0 [tilespmem:$0x640]  }
0x18d: {  	v7 =	vld @!p0 [tilespmem:$0x650];
	v2 =	vmax.f32 @!p0 v2, $0.0e+00  }
0x18e: {  	[tilespmem:$0x600] =	vst @!p0 v2;
	v2 =	vmax.f32 @!p0 v3, $0.0e+00;
	v3 =	vld @!p0 [tilespmem:$0x660]  }
0x18f: {  	[tilespmem:$0x610] =	vst @!p0 v2;
	v2 =	vmax.f32 @!p0 v4, $0.0e+00;
	v4 =	vld @!p0 [tilespmem:$0x670]  }
0x190: {  	v36 =	vld [tilespmem:$0xE00];
	[tilespmem:$0x620] =	vst @!p0 v2;
	v2 =	vmax.f32 @!p0 v5, $0.0e+00  }
0x191: {  	v37 =	vld [tilespmem:$0xE10];
	[tilespmem:$0x630] =	vst @!p0 v2;
	v2 =	vmax.f32 @!p0 v6, $0.0e+00  }
0x192: {  	v38 =	vld [tilespmem:$0xE20];
	[tilespmem:$0x640] =	vst @!p0 v2;
	v2 =	vmax.f32 @!p0 v7, $0.0e+00  }
0x193: {  	[tilespmem:$0x650] =	vst @!p0 v2;
	v2 =	vmax.f32 @!p0 v3, $0.0e+00;
	v3 =	vld [tilespmem:$0xE30]  }
0x194: {  	v39 =	vld [tilespmem:$0xE40];
	[tilespmem:$0x660] =	vst @!p0 v2;
	v2 =	vmax.f32 @!p0 v4, $0.0e+00  }
0x195: {  	v40 =	vld [tilespmem:$0xE50];
	[tilespmem:$0x670] =	vst @!p0 v2;
	v2 =	vadd.s32 v0, v36  }
0x196: {  	v41 =	vld [tilespmem:$0xE60];
	[tilespmem:$0xE00] =	vst v2;
	v2 =	vadd.s32 v0, v37  }
0x197: {  	v42 =	vld [tilespmem:$0xE70];
	[tilespmem:$0xE10] =	vst v2;
	v2 =	vadd.s32 v0, v38  }
0x198: {  	[tilespmem:$0xE20] =	vst v2;
	v2 =	vadd.s32 v0, v3  }
0x199: {  	[tilespmem:$0xE30] =	vst v2;
	v2 =	vadd.s32 v0, v39  }
0x19a: {  	[tilespmem:$0xE40] =	vst v2;
	v2 =	vadd.s32 v0, v40  }
0x19b: {  	[tilespmem:$0xE50] =	vst v2;
	v2 =	vadd.s32 v0, v41  }
0x19c: {  	[tilespmem:$0xE60] =	vst v2;
	v2 =	vadd.s32 v0, v42  }
0x19d: {  	[tilespmem:$0xE70] =	vst v2  }
0x19e: {  	[spmem:s2] =	stream.indirect.scatter.add.f32 [tilespmem:s19], [sflag:$0x3], $0x1, s6, s11, $0xb8;
	[tilespmem:$0x1800] =	vst v63  }
0x19f: {  	v2 =	vld @!p0 [tilespmem:$0x680]  }
0x1a0: {  	v3 =	vld @!p0 [tilespmem:$0x690]  }
0x1a1: {  	v4 =	vld @!p0 [tilespmem:$0x6A0]  }
0x1a2: {  	v5 =	vld @!p0 [tilespmem:$0x6B0]  }
0x1a3: {  	v6 =	vld @!p0 [tilespmem:$0x6C0]  }
0x1a4: {  	v7 =	vld @!p0 [tilespmem:$0x6D0];
	v2 =	vmax.f32 @!p0 v2, $0.0e+00  }
0x1a5: {  	[tilespmem:$0x680] =	vst @!p0 v2;
	v2 =	vmax.f32 @!p0 v3, $0.0e+00;
	v3 =	vld @!p0 [tilespmem:$0x6E0]  }
0x1a6: {  	[tilespmem:$0x690] =	vst @!p0 v2;
	v2 =	vmax.f32 @!p0 v4, $0.0e+00;
	v4 =	vld @!p0 [tilespmem:$0x6F0]  }
0x1a7: {  	v43 =	vld [tilespmem:$0xE80];
	[tilespmem:$0x6A0] =	vst @!p0 v2;
	v2 =	vmax.f32 @!p0 v5, $0.0e+00  }
0x1a8: {  	v44 =	vld [tilespmem:$0xE90];
	[tilespmem:$0x6B0] =	vst @!p0 v2;
	v2 =	vmax.f32 @!p0 v6, $0.0e+00  }
0x1a9: {  	v45 =	vld [tilespmem:$0xEA0];
	[tilespmem:$0x6C0] =	vst @!p0 v2;
	v2 =	vmax.f32 @!p0 v7, $0.0e+00  }
0x1aa: {  	[tilespmem:$0x6D0] =	vst @!p0 v2;
	v2 =	vmax.f32 @!p0 v3, $0.0e+00;
	v3 =	vld [tilespmem:$0xEB0]  }
0x1ab: {  	v46 =	vld [tilespmem:$0xEC0];
	[tilespmem:$0x6E0] =	vst @!p0 v2;
	v2 =	vmax.f32 @!p0 v4, $0.0e+00  }
0x1ac: {  	v47 =	vld [tilespmem:$0xED0];
	[tilespmem:$0x6F0] =	vst @!p0 v2;
	v2 =	vadd.s32 v0, v43  }
0x1ad: {  	v48 =	vld [tilespmem:$0xEE0];
	[tilespmem:$0xE80] =	vst v2;
	v2 =	vadd.s32 v0, v44  }
0x1ae: {  	v49 =	vld [tilespmem:$0xEF0];
	[tilespmem:$0xE90] =	vst v2;
	v2 =	vadd.s32 v0, v45  }
0x1af: {  	[tilespmem:$0xEA0] =	vst v2;
	v2 =	vadd.s32 v0, v3  }
0x1b0: {  	[tilespmem:$0xEB0] =	vst v2;
	v2 =	vadd.s32 v0, v46  }
0x1b1: {  	[tilespmem:$0xEC0] =	vst v2;
	v2 =	vadd.s32 v0, v47  }
0x1b2: {  	[tilespmem:$0xED0] =	vst v2;
	v2 =	vadd.s32 v0, v48  }
0x1b3: {  	[tilespmem:$0xEE0] =	vst v2;
	v2 =	vadd.s32 v0, v49  }
0x1b4: {  	[tilespmem:$0xEF0] =	vst v2  }
0x1b5: {  	[spmem:s2] =	stream.indirect.scatter.add.f32 [tilespmem:s21], [sflag:$0x3], $0x1, s20, s11, $0xb8;
	[tilespmem:$0x1800] =	vst v63  }
0x1b6: {  	v2 =	vld @!p0 [tilespmem:$0x700]  }
0x1b7: {  	v3 =	vld @!p0 [tilespmem:$0x710]  }
0x1b8: {  	v4 =	vld @!p0 [tilespmem:$0x720]  }
0x1b9: {  	v5 =	vld @!p0 [tilespmem:$0x730]  }
0x1ba: {  	v6 =	vld @!p0 [tilespmem:$0x740]  }
0x1bb: {  	v7 =	vld @!p0 [tilespmem:$0x750];
	v2 =	vmax.f32 @!p0 v2, $0.0e+00  }
0x1bc: {  	[tilespmem:$0x700] =	vst @!p0 v2;
	v2 =	vmax.f32 @!p0 v3, $0.0e+00;
	v3 =	vld @!p0 [tilespmem:$0x760]  }
0x1bd: {  	[tilespmem:$0x710] =	vst @!p0 v2;
	v2 =	vmax.f32 @!p0 v4, $0.0e+00;
	v4 =	vld @!p0 [tilespmem:$0x770]  }
0x1be: {  	v50 =	vld [tilespmem:$0xF00];
	[tilespmem:$0x720] =	vst @!p0 v2;
	v2 =	vmax.f32 @!p0 v5, $0.0e+00  }
0x1bf: {  	v51 =	vld [tilespmem:$0xF10];
	[tilespmem:$0x730] =	vst @!p0 v2;
	v2 =	vmax.f32 @!p0 v6, $0.0e+00  }
0x1c0: {  	v52 =	vld [tilespmem:$0xF20];
	[tilespmem:$0x740] =	vst @!p0 v2;
	v2 =	vmax.f32 @!p0 v7, $0.0e+00  }
0x1c1: {  	[tilespmem:$0x750] =	vst @!p0 v2;
	v2 =	vmax.f32 @!p0 v3, $0.0e+00;
	v3 =	vld [tilespmem:$0xF30]  }
0x1c2: {  	v53 =	vld [tilespmem:$0xF40];
	[tilespmem:$0x760] =	vst @!p0 v2;
	v2 =	vmax.f32 @!p0 v4, $0.0e+00  }
0x1c3: {  	v54 =	vld [tilespmem:$0xF50];
	[tilespmem:$0x770] =	vst @!p0 v2;
	v2 =	vadd.s32 v0, v50  }
0x1c4: {  	v55 =	vld [tilespmem:$0xF60];
	[tilespmem:$0xF00] =	vst v2;
	v2 =	vadd.s32 v0, v51  }
0x1c5: {  	v56 =	vld [tilespmem:$0xF70];
	[tilespmem:$0xF10] =	vst v2;
	v2 =	vadd.s32 v0, v52  }
0x1c6: {  	[tilespmem:$0xF20] =	vst v2;
	v2 =	vadd.s32 v0, v3  }
0x1c7: {  	[tilespmem:$0xF30] =	vst v2;
	v2 =	vadd.s32 v0, v53  }
0x1c8: {  	[tilespmem:$0xF40] =	vst v2;
	v2 =	vadd.s32 v0, v54  }
0x1c9: {  	[tilespmem:$0xF50] =	vst v2;
	v2 =	vadd.s32 v0, v55  }
0x1ca: {  	[tilespmem:$0xF60] =	vst v2;
	v2 =	vadd.s32 v0, v56  }
0x1cb: {  	[tilespmem:$0xF70] =	vst v2  }
0x1cc: {  	[spmem:s2] =	stream.indirect.scatter.add.f32 [tilespmem:s23], [sflag:$0x3], $0x1, s22, s11, $0xb8;
	[tilespmem:$0x1800] =	vst v63  }
0x1cd: {  	v2 =	vld @!p0 [tilespmem:$0x780]  }
0x1ce: {  	v3 =	vld @!p0 [tilespmem:$0x790]  }
0x1cf: {  	v4 =	vld @!p0 [tilespmem:$0x7A0]  }
0x1d0: {  	v5 =	vld @!p0 [tilespmem:$0x7B0]  }
0x1d1: {  	v6 =	vld @!p0 [tilespmem:$0x7C0]  }
0x1d2: {  	v7 =	vld @!p0 [tilespmem:$0x7D0];
	v2 =	vmax.f32 @!p0 v2, $0.0e+00  }
0x1d3: {  	[tilespmem:$0x780] =	vst @!p0 v2;
	v2 =	vmax.f32 @!p0 v3, $0.0e+00;
	v3 =	vld @!p0 [tilespmem:$0x7E0]  }
0x1d4: {  	[tilespmem:$0x790] =	vst @!p0 v2;
	v2 =	vmax.f32 @!p0 v4, $0.0e+00;
	v4 =	vld @!p0 [tilespmem:$0x7F0]  }
0x1d5: {  	v57 =	vld [tilespmem:$0xF80];
	[tilespmem:$0x7A0] =	vst @!p0 v2;
	v2 =	vmax.f32 @!p0 v5, $0.0e+00  }
0x1d6: {  	v58 =	vld [tilespmem:$0xF90];
	[tilespmem:$0x7B0] =	vst @!p0 v2;
	v2 =	vmax.f32 @!p0 v6, $0.0e+00  }
0x1d7: {  	v59 =	vld [tilespmem:$0xFA0];
	[tilespmem:$0x7C0] =	vst @!p0 v2;
	v2 =	vmax.f32 @!p0 v7, $0.0e+00  }
0x1d8: {  	[tilespmem:$0x7D0] =	vst @!p0 v2;
	v2 =	vmax.f32 @!p0 v3, $0.0e+00;
	v3 =	vld [tilespmem:$0xFB0]  }
0x1d9: {  	v60 =	vld [tilespmem:$0xFC0];
	[tilespmem:$0x7E0] =	vst @!p0 v2;
	v2 =	vmax.f32 @!p0 v4, $0.0e+00  }
0x1da: {  	v61 =	vld [tilespmem:$0xFD0];
	[tilespmem:$0x7F0] =	vst @!p0 v2;
	v2 =	vadd.s32 v0, v57  }
0x1db: {  	v62 =	vld [tilespmem:$0xFE0];
	[tilespmem:$0xF80] =	vst v2;
	v2 =	vadd.s32 v0, v58  }
0x1dc: {  	v63 =	vld [tilespmem:$0xFF0];
	[tilespmem:$0xF90] =	vst v2;
	v2 =	vadd.s32 v0, v59  }
0x1dd: {  	[tilespmem:$0xFA0] =	vst v2;
	v2 =	vadd.s32 v0, v3  }
0x1de: {  	[tilespmem:$0xFB0] =	vst v2;
	v2 =	vadd.s32 v0, v60  }
0x1df: {  	[tilespmem:$0xFC0] =	vst v2;
	v2 =	vadd.s32 v0, v61  }
0x1e0: {  	[tilespmem:$0xFD0] =	vst v2;
	v2 =	vadd.s32 v0, v62  }
0x1e1: {  	[tilespmem:$0xFE0] =	vst v2;
	v2 =	vadd.s32 v0, v63  }
0x1e2: {  	[tilespmem:$0xFF0] =	vst v2  }
0x1e3: {  	[spmem:s2] =	stream.indirect.scatter.add.f32 [tilespmem:s25], [sflag:$0x3], $0x1, s24, s11, $0xb8;
	[tilespmem:$0x1800] =	vst v63  }
0x1e4: {  	_ =	swait.ge [sflag:s26], $0x80  }
0x1e5: {  	[sflag:s26] =	ssyncset.done $0x0  }
0x1e6: {  	[sflag:s26] =	ssyncadd.s32 $0xFFFFFF80  }
0x1e7: {  	_ =	swait.ge [sflag:s26], $0x80  }
0x1e8: {  	[sflag:s26] =	ssyncset.done $0x0  }
0x1e9: {  	[sflag:s26] =	ssyncadd.s32 $0xFFFFFF80  }
0x1ea: {  	_ =	swait.ge [sflag:s26], $0x80  }
0x1eb: {  	[sflag:s26] =	ssyncset.done $0x0  }
0x1ec: {  	[sflag:s26] =	ssyncadd.s32 $0xFFFFFF80  }
0x1ed: {  	_ =	swait.ge [sflag:s26], $0x80  }
0x1ee: {  	[sflag:s26] =	ssyncset.done $0x0  }
0x1ef: {  	[sflag:s26] =	ssyncadd.s32 $0xFFFFFF80  }
0x1f0: {  	_ =	swait.ge [sflag:s26], $0x80  }
0x1f1: {  	[sflag:s26] =	ssyncset.done $0x0  }
0x1f2: {  	[sflag:s26] =	ssyncadd.s32 $0xFFFFFF80  }
0x1f3: {  	_ =	swait.ge [sflag:s26], $0x80  }
0x1f4: {  	[sflag:s26] =	ssyncset.done $0x0  }
0x1f5: {  	[sflag:s26] =	ssyncadd.s32 $0xFFFFFF80  }
0x1f6: {  	_ =	swait.ge [sflag:s26], $0x80  }
0x1f7: {  	[sflag:s26] =	ssyncset.done $0x0  }
0x1f8: {  	[sflag:s26] =	ssyncadd.s32 $0xFFFFFF80  }
0x1f9: {  	_ =	swait.ge [sflag:s26], $0x80  }
0x1fa: {  	[sflag:s26] =	ssyncset.done $0x0  }
0x1fb: {  	[sflag:s26] =	ssyncadd.s32 $0xFFFFFF80  }
0x1fc: {  	_ =	swait.ge [sflag:s26], $0x80  }
0x1fd: {  	[sflag:s26] =	ssyncset.done $0x0  }
0x1fe: {  	[sflag:s26] =	ssyncadd.s32 $0xFFFFFF80  }
0x1ff: {  	_ =	swait.ge [sflag:s26], $0x80  }
0x200: {  	[sflag:s26] =	ssyncset.done $0x0  }
0x201: {  	[sflag:s26] =	ssyncadd.s32 $0xFFFFFF80  }
0x202: {  	_ =	swait.ge [sflag:s26], $0x80  }
0x203: {  	[sflag:s26] =	ssyncset.done $0x0  }
0x204: {  	[sflag:s26] =	ssyncadd.s32 $0xFFFFFF80  }
0x205: {  	_ =	swait.ge [sflag:s26], $0x80  }
0x206: {  	[sflag:s26] =	ssyncset.done $0x0  }
0x207: {  	[sflag:s26] =	ssyncadd.s32 $0xFFFFFF80  }
0x208: {  	_ =	swait.ge [sflag:s26], $0x80  }
0x209: {  	[sflag:s26] =	ssyncset.done $0x0  }
0x20a: {  	[sflag:s26] =	ssyncadd.s32 $0xFFFFFF80  }
0x20b: {  	_ =	swait.ge [sflag:s26], $0x80  }
0x20c: {  	[sflag:s26] =	ssyncset.done $0x0  }
0x20d: {  	[sflag:s26] =	ssyncadd.s32 $0xFFFFFF80  }
0x20e: {  	_ =	swait.ge [sflag:s26], $0x80  }
0x20f: {  	[sflag:s26] =	ssyncset.done $0x0  }
0x210: {  	s5 =	sadd.s32 $0xFFFFFFFF, s5;
	[sflag:s26] =	ssyncadd.s32 $0xFFFFFF80  }
0x211: {  	p1 =	sne.s32 s5, $0x0;
	s31 =	sshll.u32 s1, $0x6;
	_ =	swait.ge [sflag:s26], $0x80  }
0x212: {  	s30 =	sor.u32 $0x1C04, s31;
	s31 =	sshrl.u32 s4, $0x3;
	[sflag:s26] =	ssyncset.done $0x0  }
.Ltmp0:
0x213: {  	s29 =	rddreg [dreg:$0x4];
	[sflag:s26] =	ssyncadd.s32 $0xFFFFFF80;
	(pc) =	sbr.rel @p1 .LBB2_1-.Ltmp0, $4  }
0x214: {  	[hbm:s29@s11], [sflag:s30] =	dma.strided [spmem:s31@s28], $0x80, s9, $0x10   }
0x215: {  	_ =	swait.ge [sflag:s8], $0x80  }
0x216: {  	[sflag:s8] =	ssyncset.done $0x0  }
0x217: {  	[sflag:s8] =	ssyncadd.s32 $0xFFFFFF80  }
0x218: {  	_ =	sfence.sel $0x180000  }
0x219: {  	[bflag:$0x0] =	sbarrier.arrive $0xFFFF  }
0x21a: {  	p0 =	sne.s32 s1, $0x0;
	_ =	strace $0x90000047  }
0x21b: {  	s0 =	sadd.s32 @!p0 $0x100000, s0;
	[bflag:$0x2] =	sbarrier.arrive $0xFFFF  }
0x21c: {  	[sflag:s0] =	ssyncadd.tile.s32 @!p0 $0x1;
	_ =	shalt  }
.Lfunc_end2:
_tile_overlayer_lowered:
.L_overlay_start_2:
0x21d: {  	(tag) =	ssettag $0x2  }
0x21e: {  	s0 =	rddreg [dreg:$0x0];
	s2 =	stileid.u32  }
0x21f: {  	s1 =	rddreg [dreg:$0x1];
	p0 =	sne.s32 s2, $0x0  }
0x220: {  	s3 =	rddreg [dreg:$0x2];
	[bflag:$0x3] =	sbarrier.arrive $0xFFFF;
	s2 =	simm.s32 @!p0 $0x1C04  }
0x221: {  	[timem:s3], [sflag:s2] =	dma.local @!p0 [hbm:s0], s1  }
0x222: {  	s0 =	simm.s32 @!p0 $0x4  }
0x223: {  	_ =	swait.ge @!p0 [sflag:s0], s1  }
0x224: {  	s1 =	ssub.s32 @!p0 $0x0, s1;
	[sflag:s0] =	ssyncset.done @!p0 $0x0  }
0x225: {  	[sflag:s0] =	ssyncadd.s32 @!p0 s1  }
0x226: {  	[bflag:$0x3] =	sbarrier.arrive $0xFFFF  }
0x227: {  	_ =	shalt  }

</sc_bundles>
